<compile_context>
chip_gen: v7x
topology: tpu7x:2x2x1
jax: 0.10.2.dev20260603
libtpu: 0.0.44.dev20260713+nightly
codegen_flags: <defaults>
</compile_context>

<pallas_src>
import functools
import math

import jax
import jax.numpy as jnp
from jax import lax
from jax.experimental import pallas as pl
from jax.experimental.pallas import tpu as pltpu
from jax.experimental.pallas import tpu_sc as plsc

_B = 512
_T = 6
_NPTS = 2000
_NPAD = 2048
_CH2 = _NPAD // 32
_NW = 32
_BPW = _B // _NW


def _sc_body(lxy_hbm, sg_hbm, out_hbm, buf0, buf1, buf2, buf3,
             sg0, sg1, sg2, sg3, vtab, otab, outb, sem0, sem1, sem2, sem3):
    wid = lax.axis_index("s") * 2 + lax.axis_index("c")
    iot = lax.iota(jnp.int32, 16)
    base_b = wid * _BPW
    bufs = (buf0, buf1, buf2, buf3)
    sgs = (sg0, sg1, sg2, sg3)
    sems = (sem0, sem1, sem2, sem3)

    def vinit(c, _):
        fidx = c * 16 + iot
        v = jnp.minimum(lax.div(fidx, jnp.int32(20)), jnp.int32(99))
        vtab[pl.ds(c * 16, 16)] = v
        otab[pl.ds(c * 16, 16)] = jnp.minimum(fidx * 2, jnp.int32(2 * _NPTS - 2))
        return 0

    lax.fori_loop(0, _NPAD // 16, vinit, 0)

    def issue(b, buf, sg, sem):
        pltpu.async_copy(lxy_hbm.at[b], buf, sem)
        pltpu.async_copy(sg_hbm.at[b], sg, sem)

    def wait(b, buf, sg, sem):
        pltpu.make_async_copy(lxy_hbm.at[b], buf, sem).wait()
        pltpu.make_async_copy(sg_hbm.at[b], sg, sem).wait()

    def process(slot, buf, sg):
        ev = sg[pl.ds(112, 16)]
        m2p = []
        m2q = []
        ax_ = ev[0] * 0.0
        ay_ = ax_
        for t in range(_T):
            ax_ = ax_ + ev[2 * t]
            ay_ = ay_ + ev[2 * t + 1]
            m2p.append(-2.0 * ax_)
            m2q.append(-2.0 * ay_)

        big = jnp.full((16,), 3e38, jnp.float32)
        zi = jnp.zeros((16,), jnp.int32)
        init = (tuple(big for _ in range(_T)), tuple(zi for _ in range(_T)))

        def cbody(c, carry):
            mins, idxs = carry
            for k in range(2):
                base = c * 32 + k * 16
                off = otab[pl.ds(base, 16)]
                xr = plsc.load_gather(buf, [off])
                yr = plsc.load_gather(buf, [off + 1])
                vix = vtab[pl.ds(base, 16)]
                scv = plsc.load_gather(sg, [vix])
                m = scv < 0.5
                xc = xr * 30.0 - 15.0
                yc = yr * 60.0 - 30.0
                r2 = xc * xc + yc * yc
                r2 = jnp.where(m, 1e30, r2)
                fidx = base + iot
                nm = []
                ni = []
                for t in range(_T):
                    e = xc * m2p[t] + r2
                    e = yc * m2q[t] + e
                    lt = e < mins[t]
                    nm.append(jnp.where(lt, e, mins[t]))
                    ni.append(jnp.where(lt, fidx, idxs[t]))
                mins = tuple(nm)
                idxs = tuple(ni)
            return mins, idxs

        mins, idxs = lax.fori_loop(0, _CH2, cbody, init)

        idxv = jnp.zeros((16,), jnp.int32)
        for t in range(_T):
            gmin = jnp.min(mins[t])
            ii = jnp.where(mins[t] == gmin, idxs[t], jnp.int32(2147483647))
            gidx = jnp.min(ii)
            pstar = lax.rem(gidx, jnp.int32(20))
            gnext = jnp.where(pstar == jnp.int32(19), gidx - 1, gidx + 1)
            idxv = jnp.where(iot == t, gidx, idxv)
            idxv = jnp.where(iot == t + 8, gnext, idxv)

        gxr = plsc.load_gather(buf, [idxv * 2])
        gyr = plsc.load_gather(buf, [idxv * 2 + 1])
        vig = plsc.load_gather(vtab, [idxv])
        scg = plsc.load_gather(sg, [vig])
        mg = scg < 0.5
        gx = jnp.where(mg, 1e6, gxr * 30.0 - 15.0)
        gy = jnp.where(mg, 1e6, gyr * 60.0 - 30.0)
        outb[pl.ds(slot * 32, 16)] = gx
        outb[pl.ds(slot * 32 + 16, 16)] = gy

    for k in range(3):
        issue(base_b + k, bufs[k], sgs[k], sems[k])

    def bbody(j, _):
        for i in range(4):
            slot = 4 * j + i
            b = base_b + slot

            @pl.when(slot + 3 < _BPW)
            def _():
                issue(base_b + slot + 3, bufs[(i + 3) % 4],
                      sgs[(i + 3) % 4], sems[(i + 3) % 4])

            wait(b, bufs[i], sgs[i], sems[i])
            process(slot, bufs[i], sgs[i])
        return 0

    lax.fori_loop(0, _BPW // 4, bbody, 0)
    pltpu.sync_copy(outb, out_hbm.at[pl.ds(wid * (_BPW * 32), _BPW * 32)])


_sc_kernel = functools.partial(
    pl.kernel,
    out_type=jax.ShapeDtypeStruct((_B * 32,), jnp.float32),
    mesh=plsc.VectorSubcoreMesh(
        core_axis_name="c", subcore_axis_name="s", num_cores=2, num_subcores=16
    ),
    scratch_types=(
        [pltpu.VMEM((2 * _NPTS,), jnp.float32)] * 4
        + [pltpu.VMEM((128,), jnp.float32)] * 4
        + [
            pltpu.VMEM((_NPAD,), jnp.int32),
            pltpu.VMEM((_NPAD,), jnp.int32),
            pltpu.VMEM((_BPW * 32,), jnp.float32),
        ]
        + [pltpu.SemaphoreType.DMA] * 4
    ),
    compiler_params=pltpu.CompilerParams(needs_layout_passes=False),
)(_sc_body)


def _tc_body(ex_ref, ey_ref, sc_ref, o_ref):
    exv = ex_ref[...]
    eyv = ey_ref[...]
    s = sc_ref[...]

    pxs = [exv[:, 0:1]]
    pys = [eyv[:, 0:1]]
    for t in range(1, _T):
        pxs.append(pxs[-1] + exv[:, t:t + 1])
        pys.append(pys[-1] + eyv[:, t:t + 1])
    pxc = jnp.concatenate(pxs, axis=1)
    pyc = jnp.concatenate(pys, axis=1)

    mx = s[:, 0:6]
    nx = s[:, 8:14]
    my = s[:, 16:22]
    ny = s[:, 24:30]
    bx = nx - mx
    by = ny - my

    ax = jnp.concatenate([exv[:, 1:6], exv[:, 5:6]], axis=1)
    ay = jnp.concatenate([eyv[:, 1:6], eyv[:, 5:6]], axis=1)

    cross = ax * by - ay * bx
    dot = ax * bx + ay * by
    ac = jnp.abs(cross)
    ad = jnp.abs(dot)
    mn = jnp.minimum(ac, ad)
    mxv = jnp.maximum(ac, ad)
    q = mn / (mxv + 1e-30)
    s2 = q * q
    at = ((((-0.013887473 * s2 + 0.058559403) * s2 - 0.122270391) * s2
           + 0.196054836) * s2 - 0.333060156) * s2 + 0.999998017
    at = at * q
    yaw = jnp.where(ac <= ad, at, (math.pi / 2) - at)

    ddx = mx - pxc
    ddy = my - pyc
    dmask = (ddx * ddx + ddy * ddy) > 4.0
    sdx = pxc[:, 5:6] - pxc[:, 0:1]
    sdy = pyc[:, 5:6] - pyc[:, 0:1]
    smask = (sdx * sdx + sdy * sdy) < 1.0
    yaw = jnp.where(dmask | smask, 0.0, yaw)
    o_ref[...] = jnp.sum(yaw).reshape(1, 1) * (1.0 / (_B * _T))


_tc_call = pl.pallas_call(
    _tc_body,
    out_shape=jax.ShapeDtypeStruct((1, 1), jnp.float32),
)


def kernel(ego_fut_preds, lane_preds, lane_score_preds):
    lxy = lane_preds.reshape(_B, 2 * _NPTS)
    eg = ego_fut_preds.reshape(_B, 12)
    z12 = jnp.zeros((_B, 12), jnp.float32)
    z4 = jnp.zeros((_B, 4), jnp.float32)
    sg = jnp.concatenate([lane_score_preds[:, :, 0], z12, eg, z4], axis=1)
    scout = _sc_kernel(lxy, sg)
    ex = jnp.pad(ego_fut_preds[:, :, 0], ((0, 0), (0, 2)))
    ey = jnp.pad(ego_fut_preds[:, :, 1], ((0, 0), (0, 2)))
    out = _tc_call(ex, ey, scout.reshape(_B, 32))
    return out[0, 0]

# --- scband reference (transcript-rebuilt; emitter-appended) ---
"""Pipeline reference for scband-plan-map-direction-loss-14465449853370 (READ-ONLY COPY).

The authoritative reference and input builder live on the scoring server;
editing this copy changes nothing except your own understanding.
"""

import jax, jax.numpy as jnp
import numpy as np
import math

PC_RANGE = [-15.0, -30.0, -2.0, 15.0, 30.0, 2.0]
MAP_THRESH = 0.5
DIS_THRESH = 2.0
LANE_DIV_CLS_IDX = 0
LOSS_WEIGHT = 1.0


def setup_inputs(seed: int = 0):
    key = jax.random.key(seed)
    k1, k2, k3 = jax.random.split(key, 3)
    ego_fut_preds = jax.random.normal(k1, (512, 6, 2), dtype=jnp.float32)
    lane_preds = jax.random.uniform(k2, (512, 100, 20, 2), dtype=jnp.float32)
    lane_score_preds = jax.random.uniform(k3, (512, 100, 3), dtype=jnp.float32)
    return {"ego_fut_preds": ego_fut_preds, "lane_preds": lane_preds, "lane_score_preds": lane_score_preds}


def _plan_map_dir_loss(pred, target, dis_thresh):
    # pred: [B, T, 2] (ego future offsets), target: [B, V, P, 2] (lane divider points)
    num_map_pts = target.shape[2]
    B, T = pred.shape[0], pred.shape[1]
    pred = jnp.cumsum(pred, axis=-2)
    traj_dis = jnp.linalg.norm(pred[:, -1, :] - pred[:, 0, :], axis=-1)
    static_mask = traj_dis < 1.0  # [B]
    # distance from each trajectory point to every map point: [B, T, V, P]
    dist = jnp.linalg.norm(pred[:, :, None, None, :] - target[:, None, :, :, :], axis=-1)
    dist = jnp.min(dist, axis=-1)  # [B, T, V]
    min_inst_idxs = jnp.argmin(dist, axis=-1)  # [B, T]
    target_map_inst = target[jnp.arange(B)[:, None], min_inst_idxs]  # [B, T, P, 2]
    dist = jnp.linalg.norm(pred[:, :, None, :] - target_map_inst, axis=-1)  # [B, T, P]
    min_pts_idxs = jnp.argmin(dist, axis=-1)  # [B, T]
    is_end_point = min_pts_idxs == num_map_pts - 1
    min_pts_next_idxs = jnp.where(is_end_point, num_map_pts - 2, min_pts_idxs + 1)
    traj_yaw = jnp.arctan2(jnp.diff(pred[..., 1], axis=-1), jnp.diff(pred[..., 0], axis=-1))  # [B, T-1]
    traj_yaw = jnp.concatenate([traj_yaw, traj_yaw[:, -1:]], axis=-1)  # [B, T]
    min_pts = jnp.take_along_axis(target_map_inst, min_pts_idxs[:, :, None, None], axis=2)[:, :, 0, :]  # [B, T, 2]
    dist = jnp.linalg.norm(min_pts - pred, axis=-1)  # [B, T]
    dist_mask = dist > dis_thresh
    min_pts_next = jnp.take_along_axis(target_map_inst, min_pts_next_idxs[:, :, None, None], axis=2)[:, :, 0, :]
    lane_yaw = jnp.arctan2(min_pts_next[..., 1] - min_pts[..., 1], min_pts_next[..., 0] - min_pts[..., 0])  # [B, T]
    yaw_diff = traj_yaw - lane_yaw
    # sequential in-place mask updates from torch, order preserved
    yaw_diff = jnp.where(yaw_diff > math.pi, yaw_diff - math.pi, yaw_diff)
    yaw_diff = jnp.where(yaw_diff > math.pi / 2, yaw_diff - math.pi, yaw_diff)
    yaw_diff = jnp.where(yaw_diff < -math.pi, yaw_diff + math.pi, yaw_diff)
    yaw_diff = jnp.where(yaw_diff < -math.pi / 2, yaw_diff + math.pi, yaw_diff)
    yaw_diff = jnp.where(dist_mask, 0.0, yaw_diff)
    yaw_diff = jnp.where(static_mask[:, None], 0.0, yaw_diff)
    return jnp.abs(yaw_diff)  # [B, T]


def reference(ego_fut_preds, lane_preds, lane_score_preds):
    not_lane_div_mask = lane_score_preds[..., LANE_DIV_CLS_IDX] < MAP_THRESH  # [B, V]
    x = lane_preds[..., 0:1] * (PC_RANGE[3] - PC_RANGE[0]) + PC_RANGE[0]
    y = lane_preds[..., 1:2] * (PC_RANGE[4] - PC_RANGE[1]) + PC_RANGE[1]
    lane_div_preds = jnp.concatenate([x, y], axis=-1)
    lane_div_preds = jnp.where(not_lane_div_mask[..., None, None], 1000000.0, lane_div_preds)
    loss = _plan_map_dir_loss(ego_fut_preds, lane_div_preds, DIS_THRESH)
    # weight=None, avg_factor=None, reduction='mean'
    return LOSS_WEIGHT * jnp.mean(loss)

if __name__ == "__main__":
    import jax
    _d = setup_inputs()
    print(jax.jit(kernel)(*tuple(_d.values())))

</pallas_src>

<mosaic_0001>
#map = affine_map<(d0, d1) -> (0, 0)>
#map1 = affine_map<(d0, d1) -> (0)>
module attributes {stable_mosaic.version = 14 : i64} {
  func.func @_sc_body(%arg0: i32, %arg1: i32, %arg2: memref<512x4000xf32, #tpu.memory_space<hbm>>, %arg3: memref<512x128xf32, #tpu.memory_space<hbm>>, %arg4: memref<16384xf32, #tpu.memory_space<hbm>>, %arg5: memref<4000xf32, #tpu.memory_space<vmem>>, %arg6: memref<4000xf32, #tpu.memory_space<vmem>>, %arg7: memref<4000xf32, #tpu.memory_space<vmem>>, %arg8: memref<4000xf32, #tpu.memory_space<vmem>>, %arg9: memref<128xf32, #tpu.memory_space<vmem>>, %arg10: memref<128xf32, #tpu.memory_space<vmem>>, %arg11: memref<128xf32, #tpu.memory_space<vmem>>, %arg12: memref<128xf32, #tpu.memory_space<vmem>>, %arg13: memref<2048xi32, #tpu.memory_space<vmem>>, %arg14: memref<2048xi32, #tpu.memory_space<vmem>>, %arg15: memref<512xf32, #tpu.memory_space<vmem>>, %arg16: memref<!tpu.dma_semaphore, #tpu.memory_space<semaphore_mem>>, %arg17: memref<!tpu.dma_semaphore, #tpu.memory_space<semaphore_mem>>, %arg18: memref<!tpu.dma_semaphore, #tpu.memory_space<semaphore_mem>>, %arg19: memref<!tpu.dma_semaphore, #tpu.memory_space<semaphore_mem>>) attributes {dimension_semantics = [#tpu.dimension_semantics<core_parallel>, #tpu.dimension_semantics<subcore_parallel>], iteration_bounds = array<i64: 2, 16>, scalar_prefetch = 0 : i64, scratch_operands = 15 : i64, tpu.core_type = #tpu.core_type<sc_vector_subcore>, window_params = [{transform_indices = #map}, {transform_indices = #map}, {transform_indices = #map1}]} {
    %mul3A = arith.constant 2 : i32
    %mul3A_0 = arith.muli %arg1, %mul3A : i32
    %add3A = arith.addi %mul3A_0, %arg0 : i32
    %iota3A = tpu.iota {dimensions = array<i32: 0>} : vector<16xi32>
    %mul3A_1 = arith.constant 16 : i32
    %mul3A_2 = arith.muli %add3A, %mul3A_1 : i32
    %scan3A = arith.constant 0 : i32
    %scan3A_3 = arith.constant 0 : i32
    %scan3A_4 = arith.constant 128 : i32
    %scan3A_5 = arith.addi %scan3A_3, %scan3A_4 : i32
    %scan3A_6 = arith.constant 1 : i32
    %scan3A_7 = scf.for %scan3A_59 = %scan3A_3 to %scan3A_5 step %scan3A_6 iter_args(%scan3A_60 = %scan3A) -> (i32)  : i32 {
      %mul3A_61 = arith.constant 16 : i32
      %mul3A_62 = arith.muli %scan3A_59, %mul3A_61 : i32
      %add3A_63 = vector.broadcast %mul3A_62 : i32 to vector<16xi32>
      %add3A_64 = arith.addi %add3A_63, %iota3A : vector<16xi32>
      %div3A = arith.constant 20 : i32
      %div3A_65 = vector.broadcast %div3A : i32 to vector<16xi32>
      %div3A_66 = arith.divsi %add3A_64, %div3A_65 : vector<16xi32>
      %min3A = arith.constant 99 : i32
      %min3A_67 = vector.broadcast %min3A : i32 to vector<16xi32>
      %min3A_68 = arith.minsi %div3A_66, %min3A_67 : vector<16xi32>
      %mul3A_69 = arith.constant 16 : i32
      %mul3A_70 = arith.muli %scan3A_59, %mul3A_69 : i32
      %swap3A = arith.index_cast %mul3A_70 : i32 to index
      %swap3A_71 = tpu.vector_load %arg13[%swap3A] {strides = array<i32>} : memref<2048xi32, #tpu.memory_space<vmem>>, vector<16xi32>,
      tpu.vector_store %arg13[%swap3A], %min3A_68 {strides = array<i32>} : memref<2048xi32, #tpu.memory_space<vmem>>, vector<16xi32>,
      %mul3A_72 = arith.constant 2 : i32
      %mul3A_73 = vector.broadcast %mul3A_72 : i32 to vector<16xi32>
      %mul3A_74 = arith.muli %add3A_64, %mul3A_73 : vector<16xi32>
      %min3A_75 = arith.constant 3998 : i32
      %min3A_76 = vector.broadcast %min3A_75 : i32 to vector<16xi32>
      %min3A_77 = arith.minsi %mul3A_74, %min3A_76 : vector<16xi32>
      %mul3A_78 = arith.constant 16 : i32
      %mul3A_79 = arith.muli %scan3A_59, %mul3A_78 : i32
      %swap3A_80 = arith.index_cast %mul3A_79 : i32 to index
      %swap3A_81 = tpu.vector_load %arg14[%swap3A_80] {strides = array<i32>} : memref<2048xi32, #tpu.memory_space<vmem>>, vector<16xi32>,
      tpu.vector_store %arg14[%swap3A_80], %min3A_77 {strides = array<i32>} : memref<2048xi32, #tpu.memory_space<vmem>>, vector<16xi32>,
      %scan3A_82 = arith.constant 0 : i32
      scf.yield %scan3A_82 : i32
    }
    %scan3A_8 = arith.constant 128 : i32
    %add3A_9 = arith.constant 0 : i32
    %add3A_10 = arith.addi %mul3A_2, %add3A_9 : i32
    %dma_start3A = arith.constant 0 : i32
    %dma_start3A_11 = tpu.memref_slice %arg2[%add3A_10, %dma_start3A] : memref<512x4000xf32, #tpu.memory_space<hbm>> -> memref<1x4000xf32, #tpu.memory_space<hbm>>
    %dma_start3A_12 = tpu.memref_squeeze %dma_start3A_11 : memref<1x4000xf32, #tpu.memory_space<hbm>> -> memref<4000xf32, #tpu.memory_space<hbm>>
    %dma_start3A_13 = arith.constant 0 : i32
    %dma_start3A_14 = tpu.memref_slice %arg2[%add3A_10, %dma_start3A_13] : memref<512x4000xf32, #tpu.memory_space<hbm>> -> memref<1x4000xf32, #tpu.memory_space<hbm>>
    %dma_start3A_15 = tpu.memref_squeeze %dma_start3A_14 : memref<1x4000xf32, #tpu.memory_space<hbm>> -> memref<4000xf32, #tpu.memory_space<hbm>>
    tpu.enqueue_dma source(%dma_start3A_15 : memref<4000xf32, #tpu.memory_space<hbm>>) target(%arg5 : memref<4000xf32, #tpu.memory_space<vmem>>) target_semaphore(%arg16 : memref<!tpu.dma_semaphore, #tpu.memory_space<semaphore_mem>>)
    %dma_start3A_16 = arith.constant 0 : i32
    %dma_start3A_17 = tpu.memref_slice %arg3[%add3A_10, %dma_start3A_16] : memref<512x128xf32, #tpu.memory_space<hbm>> -> memref<1x128xf32, #tpu.memory_space<hbm>>
    %dma_start3A_18 = tpu.memref_squeeze %dma_start3A_17 : memref<1x128xf32, #tpu.memory_space<hbm>> -> memref<128xf32, #tpu.memory_space<hbm>>
    %dma_start3A_19 = arith.constant 0 : i32
    %dma_start3A_20 = tpu.memref_slice %arg3[%add3A_10, %dma_start3A_19] : memref<512x128xf32, #tpu.memory_space<hbm>> -> memref<1x128xf32, #tpu.memory_space<hbm>>
    %dma_start3A_21 = tpu.memref_squeeze %dma_start3A_20 : memref<1x128xf32, #tpu.memory_space<hbm>> -> memref<128xf32, #tpu.memory_space<hbm>>
    tpu.enqueue_dma source(%dma_start3A_21 : memref<128xf32, #tpu.memory_space<hbm>>) target(%arg9 : memref<128xf32, #tpu.memory_space<vmem>>) target_semaphore(%arg16 : memref<!tpu.dma_semaphore, #tpu.memory_space<semaphore_mem>>)
    %add3A_22 = arith.constant 1 : i32
    %add3A_23 = arith.addi %mul3A_2, %add3A_22 : i32
    %dma_start3A_24 = arith.constant 0 : i32
    %dma_start3A_25 = tpu.memref_slice %arg2[%add3A_23, %dma_start3A_24] : memref<512x4000xf32, #tpu.memory_space<hbm>> -> memref<1x4000xf32, #tpu.memory_space<hbm>>
    %dma_start3A_26 = tpu.memref_squeeze %dma_start3A_25 : memref<1x4000xf32, #tpu.memory_space<hbm>> -> memref<4000xf32, #tpu.memory_space<hbm>>
    %dma_start3A_27 = arith.constant 0 : i32
    %dma_start3A_28 = tpu.memref_slice %arg2[%add3A_23, %dma_start3A_27] : memref<512x4000xf32, #tpu.memory_space<hbm>> -> memref<1x4000xf32, #tpu.memory_space<hbm>>
    %dma_start3A_29 = tpu.memref_squeeze %dma_start3A_28 : memref<1x4000xf32, #tpu.memory_space<hbm>> -> memref<4000xf32, #tpu.memory_space<hbm>>
    tpu.enqueue_dma source(%dma_start3A_29 : memref<4000xf32, #tpu.memory_space<hbm>>) target(%arg6 : memref<4000xf32, #tpu.memory_space<vmem>>) target_semaphore(%arg17 : memref<!tpu.dma_semaphore, #tpu.memory_space<semaphore_mem>>)
    %dma_start3A_30 = arith.constant 0 : i32
    %dma_start3A_31 = tpu.memref_slice %arg3[%add3A_23, %dma_start3A_30] : memref<512x128xf32, #tpu.memory_space<hbm>> -> memref<1x128xf32, #tpu.memory_space<hbm>>
    %dma_start3A_32 = tpu.memref_squeeze %dma_start3A_31 : memref<1x128xf32, #tpu.memory_space<hbm>> -> memref<128xf32, #tpu.memory_space<hbm>>
    %dma_start3A_33 = arith.constant 0 : i32
    %dma_start3A_34 = tpu.memref_slice %arg3[%add3A_23, %dma_start3A_33] : memref<512x128xf32, #tpu.memory_space<hbm>> -> memref<1x128xf32, #tpu.memory_space<hbm>>
    %dma_start3A_35 = tpu.memref_squeeze %dma_start3A_34 : memref<1x128xf32, #tpu.memory_space<hbm>> -> memref<128xf32, #tpu.memory_space<hbm>>
    tpu.enqueue_dma source(%dma_start3A_35 : memref<128xf32, #tpu.memory_space<hbm>>) target(%arg10 : memref<128xf32, #tpu.memory_space<vmem>>) target_semaphore(%arg17 : memref<!tpu.dma_semaphore, #tpu.memory_space<semaphore_mem>>)
    %add3A_36 = arith.constant 2 : i32
    %add3A_37 = arith.addi %mul3A_2, %add3A_36 : i32
    %dma_start3A_38 = arith.constant 0 : i32
    %dma_start3A_39 = tpu.memref_slice %arg2[%add3A_37, %dma_start3A_38] : memref<512x4000xf32, #tpu.memory_space<hbm>> -> memref<1x4000xf32, #tpu.memory_space<hbm>>
    %dma_start3A_40 = tpu.memref_squeeze %dma_start3A_39 : memref<1x4000xf32, #tpu.memory_space<hbm>> -> memref<4000xf32, #tpu.memory_space<hbm>>
    %dma_start3A_41 = arith.constant 0 : i32
    %dma_start3A_42 = tpu.memref_slice %arg2[%add3A_37, %dma_start3A_41] : memref<512x4000xf32, #tpu.memory_space<hbm>> -> memref<1x4000xf32, #tpu.memory_space<hbm>>
    %dma_start3A_43 = tpu.memref_squeeze %dma_start3A_42 : memref<1x4000xf32, #tpu.memory_space<hbm>> -> memref<4000xf32, #tpu.memory_space<hbm>>
    tpu.enqueue_dma source(%dma_start3A_43 : memref<4000xf32, #tpu.memory_space<hbm>>) target(%arg7 : memref<4000xf32, #tpu.memory_space<vmem>>) target_semaphore(%arg18 : memref<!tpu.dma_semaphore, #tpu.memory_space<semaphore_mem>>)
    %dma_start3A_44 = arith.constant 0 : i32
    %dma_start3A_45 = tpu.memref_slice %arg3[%add3A_37, %dma_start3A_44] : memref<512x128xf32, #tpu.memory_space<hbm>> -> memref<1x128xf32, #tpu.memory_space<hbm>>
    %dma_start3A_46 = tpu.memref_squeeze %dma_start3A_45 : memref<1x128xf32, #tpu.memory_space<hbm>> -> memref<128xf32, #tpu.memory_space<hbm>>
    %dma_start3A_47 = arith.constant 0 : i32
    %dma_start3A_48 = tpu.memref_slice %arg3[%add3A_37, %dma_start3A_47] : memref<512x128xf32, #tpu.memory_space<hbm>> -> memref<1x128xf32, #tpu.memory_space<hbm>>
    %dma_start3A_49 = tpu.memref_squeeze %dma_start3A_48 : memref<1x128xf32, #tpu.memory_space<hbm>> -> memref<128xf32, #tpu.memory_space<hbm>>
    tpu.enqueue_dma source(%dma_start3A_49 : memref<128xf32, #tpu.memory_space<hbm>>) target(%arg11 : memref<128xf32, #tpu.memory_space<vmem>>) target_semaphore(%arg18 : memref<!tpu.dma_semaphore, #tpu.memory_space<semaphore_mem>>)
    %scan3A_50 = arith.constant 0 : i32
    %scan3A_51 = arith.constant 0 : i32
    %scan3A_52 = arith.constant 4 : i32
    %scan3A_53 = arith.addi %scan3A_51, %scan3A_52 : i32
    %scan3A_54 = arith.constant 1 : i32
    %scan3A_55 = scf.for %scan3A_59 = %scan3A_51 to %scan3A_53 step %scan3A_54 iter_args(%scan3A_60 = %scan3A_50) -> (i32)  : i32 {
      %mul3A_61 = arith.constant 4 : i32
      %mul3A_62 = arith.muli %mul3A_61, %scan3A_59 : i32
      %add3A_63 = arith.constant 0 : i32
      %add3A_64 = arith.addi %mul3A_62, %add3A_63 : i32
      %add3A_65 = arith.addi %mul3A_2, %add3A_64 : i32
      %add3A_66 = arith.constant 3 : i32
      %add3A_67 = arith.addi %add3A_64, %add3A_66 : i32
      %lt3A = arith.constant 16 : i32
      %lt3A_68 = arith.cmpi slt, %add3A_67, %lt3A : i32
      %convert_element_type3A = arith.extui %lt3A_68 : i1 to i32
      %cond3A = arith.constant 0 : i32
      %cond3A_69 = arith.cmpi ne, %convert_element_type3A, %cond3A : i32
      scf.if %cond3A_69 {
        %add3A_1494 = arith.addi %mul3A_2, %add3A_64 : i32
        %add3A_1495 = arith.constant 3 : i32
        %add3A_1496 = arith.addi %add3A_1494, %add3A_1495 : i32
        %dma_start3A_1497 = arith.constant 0 : i32
        %dma_start3A_1498 = tpu.memref_slice %arg2[%add3A_1496, %dma_start3A_1497] : memref<512x4000xf32, #tpu.memory_space<hbm>> -> memref<1x4000xf32, #tpu.memory_space<hbm>>
        %dma_start3A_1499 = tpu.memref_squeeze %dma_start3A_1498 : memref<1x4000xf32, #tpu.memory_space<hbm>> -> memref<4000xf32, #tpu.memory_space<hbm>>
        %dma_start3A_1500 = arith.constant 0 : i32
        %dma_start3A_1501 = tpu.memref_slice %arg2[%add3A_1496, %dma_start3A_1500] : memref<512x4000xf32, #tpu.memory_space<hbm>> -> memref<1x4000xf32, #tpu.memory_space<hbm>>
        %dma_start3A_1502 = tpu.memref_squeeze %dma_start3A_1501 : memref<1x4000xf32, #tpu.memory_space<hbm>> -> memref<4000xf32, #tpu.memory_space<hbm>>
        tpu.enqueue_dma source(%dma_start3A_1502 : memref<4000xf32, #tpu.memory_space<hbm>>) target(%arg8 : memref<4000xf32, #tpu.memory_space<vmem>>) target_semaphore(%arg19 : memref<!tpu.dma_semaphore, #tpu.memory_space<semaphore_mem>>)
        %dma_start3A_1503 = arith.constant 0 : i32
        %dma_start3A_1504 = tpu.memref_slice %arg3[%add3A_1496, %dma_start3A_1503] : memref<512x128xf32, #tpu.memory_space<hbm>> -> memref<1x128xf32, #tpu.memory_space<hbm>>
        %dma_start3A_1505 = tpu.memref_squeeze %dma_start3A_1504 : memref<1x128xf32, #tpu.memory_space<hbm>> -> memref<128xf32, #tpu.memory_space<hbm>>
        %dma_start3A_1506 = arith.constant 0 : i32
        %dma_start3A_1507 = tpu.memref_slice %arg3[%add3A_1496, %dma_start3A_1506] : memref<512x128xf32, #tpu.memory_space<hbm>> -> memref<1x128xf32, #tpu.memory_space<hbm>>
        %dma_start3A_1508 = tpu.memref_squeeze %dma_start3A_1507 : memref<1x128xf32, #tpu.memory_space<hbm>> -> memref<128xf32, #tpu.memory_space<hbm>>
        tpu.enqueue_dma source(%dma_start3A_1508 : memref<128xf32, #tpu.memory_space<hbm>>) target(%arg12 : memref<128xf32, #tpu.memory_space<vmem>>) target_semaphore(%arg19 : memref<!tpu.dma_semaphore, #tpu.memory_space<semaphore_mem>>)
      } else {
      }
      %dma_wait3A = arith.constant 0 : i32
      %dma_wait3A_70 = tpu.memref_slice %arg2[%add3A_65, %dma_wait3A] : memref<512x4000xf32, #tpu.memory_space<hbm>> -> memref<1x4000xf32, #tpu.memory_space<hbm>>
      %dma_wait3A_71 = tpu.memref_squeeze %dma_wait3A_70 : memref<1x4000xf32, #tpu.memory_space<hbm>> -> memref<4000xf32, #tpu.memory_space<hbm>>
      %dma_wait3A_72 = arith.constant 0 : i32
      %dma_wait3A_73 = tpu.memref_slice %arg2[%add3A_65, %dma_wait3A_72] : memref<512x4000xf32, #tpu.memory_space<hbm>> -> memref<1x4000xf32, #tpu.memory_space<hbm>>
      %dma_wait3A_74 = tpu.memref_squeeze %dma_wait3A_73 : memref<1x4000xf32, #tpu.memory_space<hbm>> -> memref<4000xf32, #tpu.memory_space<hbm>>
      tpu.wait_dma2 semaphore(%arg16 : memref<!tpu.dma_semaphore, #tpu.memory_space<semaphore_mem>>) src(%dma_wait3A_74 : memref<4000xf32, #tpu.memory_space<hbm>>) dst(%arg5 : memref<4000xf32, #tpu.memory_space<vmem>>)
      %dma_wait3A_75 = arith.constant 0 : i32
      %dma_wait3A_76 = tpu.memref_slice %arg3[%add3A_65, %dma_wait3A_75] : memref<512x128xf32, #tpu.memory_space<hbm>> -> memref<1x128xf32, #tpu.memory_space<hbm>>
      %dma_wait3A_77 = tpu.memref_squeeze %dma_wait3A_76 : memref<1x128xf32, #tpu.memory_space<hbm>> -> memref<128xf32, #tpu.memory_space<hbm>>
      %dma_wait3A_78 = arith.constant 0 : i32
      %dma_wait3A_79 = tpu.memref_slice %arg3[%add3A_65, %dma_wait3A_78] : memref<512x128xf32, #tpu.memory_space<hbm>> -> memref<1x128xf32, #tpu.memory_space<hbm>>
      %dma_wait3A_80 = tpu.memref_squeeze %dma_wait3A_79 : memref<1x128xf32, #tpu.memory_space<hbm>> -> memref<128xf32, #tpu.memory_space<hbm>>
      tpu.wait_dma2 semaphore(%arg16 : memref<!tpu.dma_semaphore, #tpu.memory_space<semaphore_mem>>) src(%dma_wait3A_80 : memref<128xf32, #tpu.memory_space<hbm>>) dst(%arg9 : memref<128xf32, #tpu.memory_space<vmem>>)
      %get3A = arith.constant 112 : index
      %get3A_81 = tpu.vector_load %arg9[%get3A] {strides = array<i32>} : memref<128xf32, #tpu.memory_space<vmem>>, vector<16xf32>,
      %slice3A = vector.extract_strided_slice %get3A_81 {offsets = [0], sizes = [1], strides = [1]} : vector<16xf32> to vector<1xf32>
      %squeeze3A = vector.extract %slice3A[0] : f32 from vector<1xf32>
      %mul3A_82 = arith.constant 0.000000e+00 : f32
      %mul3A_83 = arith.mulf %squeeze3A, %mul3A_82 : f32
      %slice3A_84 = vector.extract_strided_slice %get3A_81 {offsets = [0], sizes = [1], strides = [1]} : vector<16xf32> to vector<1xf32>
      %squeeze3A_85 = vector.extract %slice3A_84[0] : f32 from vector<1xf32>
      %add3A_86 = arith.addf %mul3A_83, %squeeze3A_85 : f32
      %slice3A_87 = vector.extract_strided_slice %get3A_81 {offsets = [1], sizes = [1], strides = [1]} : vector<16xf32> to vector<1xf32>
      %squeeze3A_88 = vector.extract %slice3A_87[0] : f32 from vector<1xf32>
      %add3A_89 = arith.addf %mul3A_83, %squeeze3A_88 : f32
      %mul3A_90 = arith.constant -2.000000e+00 : f32
      %mul3A_91 = arith.mulf %mul3A_90, %add3A_86 : f32
      %mul3A_92 = arith.constant -2.000000e+00 : f32
      %mul3A_93 = arith.mulf %mul3A_92, %add3A_89 : f32
      %slice3A_94 = vector.extract_strided_slice %get3A_81 {offsets = [2], sizes = [1], strides = [1]} : vector<16xf32> to vector<1xf32>
      %squeeze3A_95 = vector.extract %slice3A_94[0] : f32 from vector<1xf32>
      %add3A_96 = arith.addf %add3A_86, %squeeze3A_95 : f32
      %slice3A_97 = vector.extract_strided_slice %get3A_81 {offsets = [3], sizes = [1], strides = [1]} : vector<16xf32> to vector<1xf32>
      %squeeze3A_98 = vector.extract %slice3A_97[0] : f32 from vector<1xf32>
      %add3A_99 = arith.addf %add3A_89, %squeeze3A_98 : f32
      %mul3A_100 = arith.constant -2.000000e+00 : f32
      %mul3A_101 = arith.mulf %mul3A_100, %add3A_96 : f32
      %mul3A_102 = arith.constant -2.000000e+00 : f32
      %mul3A_103 = arith.mulf %mul3A_102, %add3A_99 : f32
      %slice3A_104 = vector.extract_strided_slice %get3A_81 {offsets = [4], sizes = [1], strides = [1]} : vector<16xf32> to vector<1xf32>
      %squeeze3A_105 = vector.extract %slice3A_104[0] : f32 from vector<1xf32>
      %add3A_106 = arith.addf %add3A_96, %squeeze3A_105 : f32
      %slice3A_107 = vector.extract_strided_slice %get3A_81 {offsets = [5], sizes = [1], strides = [1]} : vector<16xf32> to vector<1xf32>
      %squeeze3A_108 = vector.extract %slice3A_107[0] : f32 from vector<1xf32>
      %add3A_109 = arith.addf %add3A_99, %squeeze3A_108 : f32
      %mul3A_110 = arith.constant -2.000000e+00 : f32
      %mul3A_111 = arith.mulf %mul3A_110, %add3A_106 : f32
      %mul3A_112 = arith.constant -2.000000e+00 : f32
      %mul3A_113 = arith.mulf %mul3A_112, %add3A_109 : f32
      %slice3A_114 = vector.extract_strided_slice %get3A_81 {offsets = [6], sizes = [1], strides = [1]} : vector<16xf32> to vector<1xf32>
      %squeeze3A_115 = vector.extract %slice3A_114[0] : f32 from vector<1xf32>
      %add3A_116 = arith.addf %add3A_106, %squeeze3A_115 : f32
      %slice3A_117 = vector.extract_strided_slice %get3A_81 {offsets = [7], sizes = [1], strides = [1]} : vector<16xf32> to vector<1xf32>
      %squeeze3A_118 = vector.extract %slice3A_117[0] : f32 from vector<1xf32>
      %add3A_119 = arith.addf %add3A_109, %squeeze3A_118 : f32
      %mul3A_120 = arith.constant -2.000000e+00 : f32
      %mul3A_121 = arith.mulf %mul3A_120, %add3A_116 : f32
      %mul3A_122 = arith.constant -2.000000e+00 : f32
      %mul3A_123 = arith.mulf %mul3A_122, %add3A_119 : f32
      %slice3A_124 = vector.extract_strided_slice %get3A_81 {offsets = [8], sizes = [1], strides = [1]} : vector<16xf32> to vector<1xf32>
      %squeeze3A_125 = vector.extract %slice3A_124[0] : f32 from vector<1xf32>
      %add3A_126 = arith.addf %add3A_116, %squeeze3A_125 : f32
      %slice3A_127 = vector.extract_strided_slice %get3A_81 {offsets = [9], sizes = [1], strides = [1]} : vector<16xf32> to vector<1xf32>
      %squeeze3A_128 = vector.extract %slice3A_127[0] : f32 from vector<1xf32>
      %add3A_129 = arith.addf %add3A_119, %squeeze3A_128 : f32
      %mul3A_130 = arith.constant -2.000000e+00 : f32
      %mul3A_131 = arith.mulf %mul3A_130, %add3A_126 : f32
      %mul3A_132 = arith.constant -2.000000e+00 : f32
      %mul3A_133 = arith.mulf %mul3A_132, %add3A_129 : f32
      %slice3A_134 = vector.extract_strided_slice %get3A_81 {offsets = [10], sizes = [1], strides = [1]} : vector<16xf32> to vector<1xf32>
      %squeeze3A_135 = vector.extract %slice3A_134[0] : f32 from vector<1xf32>
      %add3A_136 = arith.addf %add3A_126, %squeeze3A_135 : f32
      %slice3A_137 = vector.extract_strided_slice %get3A_81 {offsets = [11], sizes = [1], strides = [1]} : vector<16xf32> to vector<1xf32>
      %squeeze3A_138 = vector.extract %slice3A_137[0] : f32 from vector<1xf32>
      %add3A_139 = arith.addf %add3A_129, %squeeze3A_138 : f32
      %mul3A_140 = arith.constant -2.000000e+00 : f32
      %mul3A_141 = arith.mulf %mul3A_140, %add3A_136 : f32
      %mul3A_142 = arith.constant -2.000000e+00 : f32
      %mul3A_143 = arith.mulf %mul3A_142, %add3A_139 : f32
      %broadcast_in_dim3A = arith.constant 3.000000e+38 : f32
      %broadcast_in_dim3A_144 = vector.broadcast %broadcast_in_dim3A : f32 to vector<16xf32>
      %broadcast_in_dim3A_145 = arith.constant 0 : i32
      %broadcast_in_dim3A_146 = vector.broadcast %broadcast_in_dim3A_145 : i32 to vector<16xi32>
      %scan3A_147 = arith.constant 0 : i32
      %scan3A_148 = arith.constant 64 : i32
      %scan3A_149 = arith.addi %scan3A_147, %scan3A_148 : i32
      %scan3A_150 = arith.constant 1 : i32
      %scan3A_151:12 = scf.for %scan3A_1494 = %scan3A_147 to %scan3A_149 step %scan3A_150 iter_args(%scan3A_1495 = %broadcast_in_dim3A_144, %scan3A_1496 = %broadcast_in_dim3A_144, %scan3A_1497 = %broadcast_in_dim3A_144, %scan3A_1498 = %broadcast_in_dim3A_144, %scan3A_1499 = %broadcast_in_dim3A_144, %scan3A_1500 = %broadcast_in_dim3A_144, %scan3A_1501 = %broadcast_in_dim3A_146, %scan3A_1502 = %broadcast_in_dim3A_146, %scan3A_1503 = %broadcast_in_dim3A_146, %scan3A_1504 = %broadcast_in_dim3A_146, %scan3A_1505 = %broadcast_in_dim3A_146, %scan3A_1506 = %broadcast_in_dim3A_146) -> (vector<16xf32>, vector<16xf32>, vector<16xf32>, vector<16xf32>, vector<16xf32>, vector<16xf32>, vector<16xi32>, vector<16xi32>, vector<16xi32>, vector<16xi32>, vector<16xi32>, vector<16xi32>)  : i32 {
        %mul3A_1507 = arith.constant 32 : i32
        %mul3A_1508 = arith.muli %scan3A_1494, %mul3A_1507 : i32
        %add3A_1509 = arith.constant 0 : i32
        %add3A_1510 = arith.addi %mul3A_1508, %add3A_1509 : i32
        %get3A_1511 = arith.index_cast %add3A_1510 : i32 to index
        %get3A_1512 = tpu.vector_load %arg14[%get3A_1511] {strides = array<i32>} : memref<2048xi32, #tpu.memory_space<vmem>>, vector<16xi32>,
        %gather3A_1513 = tpu.vector_load_idx %arg5[%get3A_1512] : memref<4000xf32, #tpu.memory_space<vmem>>[vector<16xi32>], vector<16xf32>,
        %add3A_1514 = arith.constant 1 : i32
        %add3A_1515 = vector.broadcast %add3A_1514 : i32 to vector<16xi32>
        %add3A_1516 = arith.addi %get3A_1512, %add3A_1515 : vector<16xi32>
        %gather3A_1517 = tpu.vector_load_idx %arg5[%add3A_1516] : memref<4000xf32, #tpu.memory_space<vmem>>[vector<16xi32>], vector<16xf32>,
        %get3A_1518 = arith.index_cast %add3A_1510 : i32 to index
        %get3A_1519 = tpu.vector_load %arg13[%get3A_1518] {strides = array<i32>} : memref<2048xi32, #tpu.memory_space<vmem>>, vector<16xi32>,
        %gather3A_1520 = tpu.vector_load_idx %arg9[%get3A_1519] : memref<128xf32, #tpu.memory_space<vmem>>[vector<16xi32>], vector<16xf32>,
        %lt3A_1521 = arith.constant 5.000000e-01 : f32
        %lt3A_1522 = vector.broadcast %lt3A_1521 : f32 to vector<16xf32>
        %lt3A_1523 = arith.cmpf olt, %gather3A_1520, %lt3A_1522 : vector<16xf32>
        %mul3A_1524 = arith.constant 3.000000e+01 : f32
        %mul3A_1525 = vector.broadcast %mul3A_1524 : f32 to vector<16xf32>
        %mul3A_1526 = arith.mulf %gather3A_1513, %mul3A_1525 : vector<16xf32>
        %sub3A_1527 = arith.constant 1.500000e+01 : f32
        %sub3A_1528 = vector.broadcast %sub3A_1527 : f32 to vector<16xf32>
        %sub3A_1529 = arith.subf %mul3A_1526, %sub3A_1528 : vector<16xf32>
        %mul3A_1530 = arith.constant 6.000000e+01 : f32
        %mul3A_1531 = vector.broadcast %mul3A_1530 : f32 to vector<16xf32>
        %mul3A_1532 = arith.mulf %gather3A_1517, %mul3A_1531 : vector<16xf32>
        %sub3A_1533 = arith.constant 3.000000e+01 : f32
        %sub3A_1534 = vector.broadcast %sub3A_1533 : f32 to vector<16xf32>
        %sub3A_1535 = arith.subf %mul3A_1532, %sub3A_1534 : vector<16xf32>
        %mul3A_1536 = arith.mulf %sub3A_1529, %sub3A_1529 : vector<16xf32>
        %mul3A_1537 = arith.mulf %sub3A_1535, %sub3A_1535 : vector<16xf32>
        %add3A_1538 = arith.addf %mul3A_1536, %mul3A_1537 : vector<16xf32>
        %jit3A_1539 = arith.constant 1.000000e+30 : f32
        %broadcast_in_dim3A_1540 = vector.broadcast %jit3A_1539 : f32 to vector<16xf32>
        %select_n3A_1541 = arith.select %lt3A_1523, %broadcast_in_dim3A_1540, %add3A_1538 : vector<16xi1>, vector<16xf32>
        %add3A_1542 = vector.broadcast %add3A_1510 : i32 to vector<16xi32>
        %add3A_1543 = arith.addi %add3A_1542, %iota3A : vector<16xi32>
        %mul3A_1544 = vector.broadcast %mul3A_91 : f32 to vector<16xf32>
        %mul3A_1545 = arith.mulf %sub3A_1529, %mul3A_1544 : vector<16xf32>
        %add3A_1546 = arith.addf %mul3A_1545, %select_n3A_1541 : vector<16xf32>
        %mul3A_1547 = vector.broadcast %mul3A_93 : f32 to vector<16xf32>
        %mul3A_1548 = arith.mulf %sub3A_1535, %mul3A_1547 : vector<16xf32>
        %add3A_1549 = arith.addf %mul3A_1548, %add3A_1546 : vector<16xf32>
        %lt3A_1550 = arith.cmpf olt, %add3A_1549, %scan3A_1495 : vector<16xf32>
        %select_n3A_1551 = arith.select %lt3A_1550, %add3A_1549, %scan3A_1495 : vector<16xi1>, vector<16xf32>
        %select_n3A_1552 = arith.select %lt3A_1550, %add3A_1543, %scan3A_1501 : vector<16xi1>, vector<16xi32>
        %mul3A_1553 = vector.broadcast %mul3A_101 : f32 to vector<16xf32>
        %mul3A_1554 = arith.mulf %sub3A_1529, %mul3A_1553 : vector<16xf32>
        %add3A_1555 = arith.addf %mul3A_1554, %select_n3A_1541 : vector<16xf32>
        %mul3A_1556 = vector.broadcast %mul3A_103 : f32 to vector<16xf32>
        %mul3A_1557 = arith.mulf %sub3A_1535, %mul3A_1556 : vector<16xf32>
        %add3A_1558 = arith.addf %mul3A_1557, %add3A_1555 : vector<16xf32>
        %lt3A_1559 = arith.cmpf olt, %add3A_1558, %scan3A_1496 : vector<16xf32>
        %select_n3A_1560 = arith.select %lt3A_1559, %add3A_1558, %scan3A_1496 : vector<16xi1>, vector<16xf32>
        %select_n3A_1561 = arith.select %lt3A_1559, %add3A_1543, %scan3A_1502 : vector<16xi1>, vector<16xi32>
        %mul3A_1562 = vector.broadcast %mul3A_111 : f32 to vector<16xf32>
        %mul3A_1563 = arith.mulf %sub3A_1529, %mul3A_1562 : vector<16xf32>
        %add3A_1564 = arith.addf %mul3A_1563, %select_n3A_1541 : vector<16xf32>
        %mul3A_1565 = vector.broadcast %mul3A_113 : f32 to vector<16xf32>
        %mul3A_1566 = arith.mulf %sub3A_1535, %mul3A_1565 : vector<16xf32>
        %add3A_1567 = arith.addf %mul3A_1566, %add3A_1564 : vector<16xf32>
        %lt3A_1568 = arith.cmpf olt, %add3A_1567, %scan3A_1497 : vector<16xf32>
        %select_n3A_1569 = arith.select %lt3A_1568, %add3A_1567, %scan3A_1497 : vector<16xi1>, vector<16xf32>
        %select_n3A_1570 = arith.select %lt3A_1568, %add3A_1543, %scan3A_1503 : vector<16xi1>, vector<16xi32>
        %mul3A_1571 = vector.broadcast %mul3A_121 : f32 to vector<16xf32>
        %mul3A_1572 = arith.mulf %sub3A_1529, %mul3A_1571 : vector<16xf32>
        %add3A_1573 = arith.addf %mul3A_1572, %select_n3A_1541 : vector<16xf32>
        %mul3A_1574 = vector.broadcast %mul3A_123 : f32 to vector<16xf32>
        %mul3A_1575 = arith.mulf %sub3A_1535, %mul3A_1574 : vector<16xf32>
        %add3A_1576 = arith.addf %mul3A_1575, %add3A_1573 : vector<16xf32>
        %lt3A_1577 = arith.cmpf olt, %add3A_1576, %scan3A_1498 : vector<16xf32>
        %select_n3A_1578 = arith.select %lt3A_1577, %add3A_1576, %scan3A_1498 : vector<16xi1>, vector<16xf32>
        %select_n3A_1579 = arith.select %lt3A_1577, %add3A_1543, %scan3A_1504 : vector<16xi1>, vector<16xi32>
        %mul3A_1580 = vector.broadcast %mul3A_131 : f32 to vector<16xf32>
        %mul3A_1581 = arith.mulf %sub3A_1529, %mul3A_1580 : vector<16xf32>
        %add3A_1582 = arith.addf %mul3A_1581, %select_n3A_1541 : vector<16xf32>
        %mul3A_1583 = vector.broadcast %mul3A_133 : f32 to vector<16xf32>
        %mul3A_1584 = arith.mulf %sub3A_1535, %mul3A_1583 : vector<16xf32>
        %add3A_1585 = arith.addf %mul3A_1584, %add3A_1582 : vector<16xf32>
        %lt3A_1586 = arith.cmpf olt, %add3A_1585, %scan3A_1499 : vector<16xf32>
        %select_n3A_1587 = arith.select %lt3A_1586, %add3A_1585, %scan3A_1499 : vector<16xi1>, vector<16xf32>
        %select_n3A_1588 = arith.select %lt3A_1586, %add3A_1543, %scan3A_1505 : vector<16xi1>, vector<16xi32>
        %mul3A_1589 = vector.broadcast %mul3A_141 : f32 to vector<16xf32>
        %mul3A_1590 = arith.mulf %sub3A_1529, %mul3A_1589 : vector<16xf32>
        %add3A_1591 = arith.addf %mul3A_1590, %select_n3A_1541 : vector<16xf32>
        %mul3A_1592 = vector.broadcast %mul3A_143 : f32 to vector<16xf32>
        %mul3A_1593 = arith.mulf %sub3A_1535, %mul3A_1592 : vector<16xf32>
        %add3A_1594 = arith.addf %mul3A_1593, %add3A_1591 : vector<16xf32>
        %lt3A_1595 = arith.cmpf olt, %add3A_1594, %scan3A_1500 : vector<16xf32>
        %select_n3A_1596 = arith.select %lt3A_1595, %add3A_1594, %scan3A_1500 : vector<16xi1>, vector<16xf32>
        %select_n3A_1597 = arith.select %lt3A_1595, %add3A_1543, %scan3A_1506 : vector<16xi1>, vector<16xi32>
        %mul3A_1598 = arith.constant 32 : i32
        %mul3A_1599 = arith.muli %scan3A_1494, %mul3A_1598 : i32
        %add3A_1600 = arith.constant 16 : i32
        %add3A_1601 = arith.addi %mul3A_1599, %add3A_1600 : i32
        %get3A_1602 = arith.index_cast %add3A_1601 : i32 to index
        %get3A_1603 = tpu.vector_load %arg14[%get3A_1602] {strides = array<i32>} : memref<2048xi32, #tpu.memory_space<vmem>>, vector<16xi32>,
        %gather3A_1604 = tpu.vector_load_idx %arg5[%get3A_1603] : memref<4000xf32, #tpu.memory_space<vmem>>[vector<16xi32>], vector<16xf32>,
        %add3A_1605 = arith.constant 1 : i32
        %add3A_1606 = vector.broadcast %add3A_1605 : i32 to vector<16xi32>
        %add3A_1607 = arith.addi %get3A_1603, %add3A_1606 : vector<16xi32>
        %gather3A_1608 = tpu.vector_load_idx %arg5[%add3A_1607] : memref<4000xf32, #tpu.memory_space<vmem>>[vector<16xi32>], vector<16xf32>,
        %get3A_1609 = arith.index_cast %add3A_1601 : i32 to index
        %get3A_1610 = tpu.vector_load %arg13[%get3A_1609] {strides = array<i32>} : memref<2048xi32, #tpu.memory_space<vmem>>, vector<16xi32>,
        %gather3A_1611 = tpu.vector_load_idx %arg9[%get3A_1610] : memref<128xf32, #tpu.memory_space<vmem>>[vector<16xi32>], vector<16xf32>,
        %lt3A_1612 = arith.constant 5.000000e-01 : f32
        %lt3A_1613 = vector.broadcast %lt3A_1612 : f32 to vector<16xf32>
        %lt3A_1614 = arith.cmpf olt, %gather3A_1611, %lt3A_1613 : vector<16xf32>
        %mul3A_1615 = arith.constant 3.000000e+01 : f32
        %mul3A_1616 = vector.broadcast %mul3A_1615 : f32 to vector<16xf32>
        %mul3A_1617 = arith.mulf %gather3A_1604, %mul3A_1616 : vector<16xf32>
        %sub3A_1618 = arith.constant 1.500000e+01 : f32
        %sub3A_1619 = vector.broadcast %sub3A_1618 : f32 to vector<16xf32>
        %sub3A_1620 = arith.subf %mul3A_1617, %sub3A_1619 : vector<16xf32>
        %mul3A_1621 = arith.constant 6.000000e+01 : f32
        %mul3A_1622 = vector.broadcast %mul3A_1621 : f32 to vector<16xf32>
        %mul3A_1623 = arith.mulf %gather3A_1608, %mul3A_1622 : vector<16xf32>
        %sub3A_1624 = arith.constant 3.000000e+01 : f32
        %sub3A_1625 = vector.broadcast %sub3A_1624 : f32 to vector<16xf32>
        %sub3A_1626 = arith.subf %mul3A_1623, %sub3A_1625 : vector<16xf32>
        %mul3A_1627 = arith.mulf %sub3A_1620, %sub3A_1620 : vector<16xf32>
        %mul3A_1628 = arith.mulf %sub3A_1626, %sub3A_1626 : vector<16xf32>
        %add3A_1629 = arith.addf %mul3A_1627, %mul3A_1628 : vector<16xf32>
        %jit3A_1630 = arith.constant 1.000000e+30 : f32
        %broadcast_in_dim3A_1631 = vector.broadcast %jit3A_1630 : f32 to vector<16xf32>
        %select_n3A_1632 = arith.select %lt3A_1614, %broadcast_in_dim3A_1631, %add3A_1629 : vector<16xi1>, vector<16xf32>
        %add3A_1633 = vector.broadcast %add3A_1601 : i32 to vector<16xi32>
        %add3A_1634 = arith.addi %add3A_1633, %iota3A : vector<16xi32>
        %mul3A_1635 = vector.broadcast %mul3A_91 : f32 to vector<16xf32>
        %mul3A_1636 = arith.mulf %sub3A_1620, %mul3A_1635 : vector<16xf32>
        %add3A_1637 = arith.addf %mul3A_1636, %select_n3A_1632 : vector<16xf32>
        %mul3A_1638 = vector.broadcast %mul3A_93 : f32 to vector<16xf32>
        %mul3A_1639 = arith.mulf %sub3A_1626, %mul3A_1638 : vector<16xf32>
        %add3A_1640 = arith.addf %mul3A_1639, %add3A_1637 : vector<16xf32>
        %lt3A_1641 = arith.cmpf olt, %add3A_1640, %select_n3A_1551 : vector<16xf32>
        %select_n3A_1642 = arith.select %lt3A_1641, %add3A_1640, %select_n3A_1551 : vector<16xi1>, vector<16xf32>
        %select_n3A_1643 = arith.select %lt3A_1641, %add3A_1634, %select_n3A_1552 : vector<16xi1>, vector<16xi32>
        %mul3A_1644 = vector.broadcast %mul3A_101 : f32 to vector<16xf32>
        %mul3A_1645 = arith.mulf %sub3A_1620, %mul3A_1644 : vector<16xf32>
        %add3A_1646 = arith.addf %mul3A_1645, %select_n3A_1632 : vector<16xf32>
        %mul3A_1647 = vector.broadcast %mul3A_103 : f32 to vector<16xf32>
        %mul3A_1648 = arith.mulf %sub3A_1626, %mul3A_1647 : vector<16xf32>
        %add3A_1649 = arith.addf %mul3A_1648, %add3A_1646 : vector<16xf32>
        %lt3A_1650 = arith.cmpf olt, %add3A_1649, %select_n3A_1560 : vector<16xf32>
        %select_n3A_1651 = arith.select %lt3A_1650, %add3A_1649, %select_n3A_1560 : vector<16xi1>, vector<16xf32>
        %select_n3A_1652 = arith.select %lt3A_1650, %add3A_1634, %select_n3A_1561 : vector<16xi1>, vector<16xi32>
        %mul3A_1653 = vector.broadcast %mul3A_111 : f32 to vector<16xf32>
        %mul3A_1654 = arith.mulf %sub3A_1620, %mul3A_1653 : vector<16xf32>
        %add3A_1655 = arith.addf %mul3A_1654, %select_n3A_1632 : vector<16xf32>
        %mul3A_1656 = vector.broadcast %mul3A_113 : f32 to vector<16xf32>
        %mul3A_1657 = arith.mulf %sub3A_1626, %mul3A_1656 : vector<16xf32>
        %add3A_1658 = arith.addf %mul3A_1657, %add3A_1655 : vector<16xf32>
        %lt3A_1659 = arith.cmpf olt, %add3A_1658, %select_n3A_1569 : vector<16xf32>
        %select_n3A_1660 = arith.select %lt3A_1659, %add3A_1658, %select_n3A_1569 : vector<16xi1>, vector<16xf32>
        %select_n3A_1661 = arith.select %lt3A_1659, %add3A_1634, %select_n3A_1570 : vector<16xi1>, vector<16xi32>
        %mul3A_1662 = vector.broadcast %mul3A_121 : f32 to vector<16xf32>
        %mul3A_1663 = arith.mulf %sub3A_1620, %mul3A_1662 : vector<16xf32>
        %add3A_1664 = arith.addf %mul3A_1663, %select_n3A_1632 : vector<16xf32>
        %mul3A_1665 = vector.broadcast %mul3A_123 : f32 to vector<16xf32>
        %mul3A_1666 = arith.mulf %sub3A_1626, %mul3A_1665 : vector<16xf32>
        %add3A_1667 = arith.addf %mul3A_1666, %add3A_1664 : vector<16xf32>
        %lt3A_1668 = arith.cmpf olt, %add3A_1667, %select_n3A_1578 : vector<16xf32>
        %select_n3A_1669 = arith.select %lt3A_1668, %add3A_1667, %select_n3A_1578 : vector<16xi1>, vector<16xf32>
        %select_n3A_1670 = arith.select %lt3A_1668, %add3A_1634, %select_n3A_1579 : vector<16xi1>, vector<16xi32>
        %mul3A_1671 = vector.broadcast %mul3A_131 : f32 to vector<16xf32>
        %mul3A_1672 = arith.mulf %sub3A_1620, %mul3A_1671 : vector<16xf32>
        %add3A_1673 = arith.addf %mul3A_1672, %select_n3A_1632 : vector<16xf32>
        %mul3A_1674 = vector.broadcast %mul3A_133 : f32 to vector<16xf32>
        %mul3A_1675 = arith.mulf %sub3A_1626, %mul3A_1674 : vector<16xf32>
        %add3A_1676 = arith.addf %mul3A_1675, %add3A_1673 : vector<16xf32>
        %lt3A_1677 = arith.cmpf olt, %add3A_1676, %select_n3A_1587 : vector<16xf32>
        %select_n3A_1678 = arith.select %lt3A_1677, %add3A_1676, %select_n3A_1587 : vector<16xi1>, vector<16xf32>
        %select_n3A_1679 = arith.select %lt3A_1677, %add3A_1634, %select_n3A_1588 : vector<16xi1>, vector<16xi32>
        %mul3A_1680 = vector.broadcast %mul3A_141 : f32 to vector<16xf32>
        %mul3A_1681 = arith.mulf %sub3A_1620, %mul3A_1680 : vector<16xf32>
        %add3A_1682 = arith.addf %mul3A_1681, %select_n3A_1632 : vector<16xf32>
        %mul3A_1683 = vector.broadcast %mul3A_143 : f32 to vector<16xf32>
        %mul3A_1684 = arith.mulf %sub3A_1626, %mul3A_1683 : vector<16xf32>
        %add3A_1685 = arith.addf %mul3A_1684, %add3A_1682 : vector<16xf32>
        %lt3A_1686 = arith.cmpf olt, %add3A_1685, %select_n3A_1596 : vector<16xf32>
        %select_n3A_1687 = arith.select %lt3A_1686, %add3A_1685, %select_n3A_1596 : vector<16xi1>, vector<16xf32>
        %select_n3A_1688 = arith.select %lt3A_1686, %add3A_1634, %select_n3A_1597 : vector<16xi1>, vector<16xi32>
        scf.yield %select_n3A_1642, %select_n3A_1651, %select_n3A_1660, %select_n3A_1669, %select_n3A_1678, %select_n3A_1687, %select_n3A_1643, %select_n3A_1652, %select_n3A_1661, %select_n3A_1670, %select_n3A_1679, %select_n3A_1688 : vector<16xf32>, vector<16xf32>, vector<16xf32>, vector<16xf32>, vector<16xf32>, vector<16xf32>, vector<16xi32>, vector<16xi32>, vector<16xi32>, vector<16xi32>, vector<16xi32>, vector<16xi32>
      }
      %scan3A_152 = arith.constant 64 : i32
      %broadcast_in_dim3A_153 = arith.constant 0 : i32
      %broadcast_in_dim3A_154 = vector.broadcast %broadcast_in_dim3A_153 : i32 to vector<16xi32>
      %reduce_min3A = arith.constant true
      %reduce_min3A_155 = vector.broadcast %reduce_min3A : i1 to vector<16xi1>
      %reduce_min3A_156 = tpu.scan <min>, %scan3A_151#0 masked %reduce_min3A_155 : vector<16xf32>, vector<16xi1> -> vector<16xf32>
      %reduce_min3A_157 = vector.extract %reduce_min3A_156[15] : f32 from vector<16xf32>
      %eq3A = vector.broadcast %reduce_min3A_157 : f32 to vector<16xf32>
      %eq3A_158 = arith.cmpf oeq, %scan3A_151#0, %eq3A : vector<16xf32>
      %jit3A = arith.constant 2147483647 : i32
      %broadcast_in_dim3A_159 = vector.broadcast %jit3A : i32 to vector<16xi32>
      %select_n3A = arith.select %eq3A_158, %scan3A_151#6, %broadcast_in_dim3A_159 : vector<16xi1>, vector<16xi32>
      %reduce_min3A_160 = arith.constant true
      %reduce_min3A_161 = vector.broadcast %reduce_min3A_160 : i1 to vector<16xi1>
      %reduce_min3A_162 = arith.constant -2147483648 : i32
      %reduce_min3A_163 = vector.broadcast %reduce_min3A_162 : i32 to vector<16xi32>
      %reduce_min3A_164 = arith.xori %select_n3A, %reduce_min3A_163 : vector<16xi32>
      %reduce_min3A_165 = tpu.scan <min>, %reduce_min3A_164 masked %reduce_min3A_161 : vector<16xi32>, vector<16xi1> -> vector<16xi32>
      %reduce_min3A_166 = arith.xori %reduce_min3A_165, %reduce_min3A_163 : vector<16xi32>
      %reduce_min3A_167 = vector.extract %reduce_min3A_166[15] : i32 from vector<16xi32>
      %rem3A = arith.constant 20 : i32
      %rem3A_168 = arith.remsi %reduce_min3A_167, %rem3A : i32
      %eq3A_169 = arith.constant 19 : i32
      %eq3A_170 = arith.cmpi eq, %rem3A_168, %eq3A_169 : i32
      %sub3A = arith.constant 1 : i32
      %sub3A_171 = arith.subi %reduce_min3A_167, %sub3A : i32
      %add3A_172 = arith.constant 1 : i32
      %add3A_173 = arith.addi %reduce_min3A_167, %add3A_172 : i32
      %select_n3A_174 = arith.select %eq3A_170, %sub3A_171, %add3A_173 : i32
      %eq3A_175 = arith.constant 0 : i32
      %eq3A_176 = vector.broadcast %eq3A_175 : i32 to vector<16xi32>
      %eq3A_177 = arith.cmpi eq, %iota3A, %eq3A_176 : vector<16xi32>
      %broadcast_in_dim3A_178 = vector.broadcast %reduce_min3A_167 : i32 to vector<16xi32>
      %select_n3A_179 = arith.select %eq3A_177, %broadcast_in_dim3A_178, %broadcast_in_dim3A_154 : vector<16xi1>, vector<16xi32>
      %eq3A_180 = arith.constant 8 : i32
      %eq3A_181 = vector.broadcast %eq3A_180 : i32 to vector<16xi32>
      %eq3A_182 = arith.cmpi eq, %iota3A, %eq3A_181 : vector<16xi32>
      %broadcast_in_dim3A_183 = vector.broadcast %select_n3A_174 : i32 to vector<16xi32>
      %select_n3A_184 = arith.select %eq3A_182, %broadcast_in_dim3A_183, %select_n3A_179 : vector<16xi1>, vector<16xi32>
      %reduce_min3A_185 = arith.constant true
      %reduce_min3A_186 = vector.broadcast %reduce_min3A_185 : i1 to vector<16xi1>
      %reduce_min3A_187 = tpu.scan <min>, %scan3A_151#1 masked %reduce_min3A_186 : vector<16xf32>, vector<16xi1> -> vector<16xf32>
      %reduce_min3A_188 = vector.extract %reduce_min3A_187[15] : f32 from vector<16xf32>
      %eq3A_189 = vector.broadcast %reduce_min3A_188 : f32 to vector<16xf32>
      %eq3A_190 = arith.cmpf oeq, %scan3A_151#1, %eq3A_189 : vector<16xf32>
      %jit3A_191 = arith.constant 2147483647 : i32
      %broadcast_in_dim3A_192 = vector.broadcast %jit3A_191 : i32 to vector<16xi32>
      %select_n3A_193 = arith.select %eq3A_190, %scan3A_151#7, %broadcast_in_dim3A_192 : vector<16xi1>, vector<16xi32>
      %reduce_min3A_194 = arith.constant true
      %reduce_min3A_195 = vector.broadcast %reduce_min3A_194 : i1 to vector<16xi1>
      %reduce_min3A_196 = arith.constant -2147483648 : i32
      %reduce_min3A_197 = vector.broadcast %reduce_min3A_196 : i32 to vector<16xi32>
      %reduce_min3A_198 = arith.xori %select_n3A_193, %reduce_min3A_197 : vector<16xi32>
      %reduce_min3A_199 = tpu.scan <min>, %reduce_min3A_198 masked %reduce_min3A_195 : vector<16xi32>, vector<16xi1> -> vector<16xi32>
      %reduce_min3A_200 = arith.xori %reduce_min3A_199, %reduce_min3A_197 : vector<16xi32>
      %reduce_min3A_201 = vector.extract %reduce_min3A_200[15] : i32 from vector<16xi32>
      %rem3A_202 = arith.constant 20 : i32
      %rem3A_203 = arith.remsi %reduce_min3A_201, %rem3A_202 : i32
      %eq3A_204 = arith.constant 19 : i32
      %eq3A_205 = arith.cmpi eq, %rem3A_203, %eq3A_204 : i32
      %sub3A_206 = arith.constant 1 : i32
      %sub3A_207 = arith.subi %reduce_min3A_201, %sub3A_206 : i32
      %add3A_208 = arith.constant 1 : i32
      %add3A_209 = arith.addi %reduce_min3A_201, %add3A_208 : i32
      %select_n3A_210 = arith.select %eq3A_205, %sub3A_207, %add3A_209 : i32
      %eq3A_211 = arith.constant 1 : i32
      %eq3A_212 = vector.broadcast %eq3A_211 : i32 to vector<16xi32>
      %eq3A_213 = arith.cmpi eq, %iota3A, %eq3A_212 : vector<16xi32>
      %broadcast_in_dim3A_214 = vector.broadcast %reduce_min3A_201 : i32 to vector<16xi32>
      %select_n3A_215 = arith.select %eq3A_213, %broadcast_in_dim3A_214, %select_n3A_184 : vector<16xi1>, vector<16xi32>
      %eq3A_216 = arith.constant 9 : i32
      %eq3A_217 = vector.broadcast %eq3A_216 : i32 to vector<16xi32>
      %eq3A_218 = arith.cmpi eq, %iota3A, %eq3A_217 : vector<16xi32>
      %broadcast_in_dim3A_219 = vector.broadcast %select_n3A_210 : i32 to vector<16xi32>
      %select_n3A_220 = arith.select %eq3A_218, %broadcast_in_dim3A_219, %select_n3A_215 : vector<16xi1>, vector<16xi32>
      %reduce_min3A_221 = arith.constant true
      %reduce_min3A_222 = vector.broadcast %reduce_min3A_221 : i1 to vector<16xi1>
      %reduce_min3A_223 = tpu.scan <min>, %scan3A_151#2 masked %reduce_min3A_222 : vector<16xf32>, vector<16xi1> -> vector<16xf32>
      %reduce_min3A_224 = vector.extract %reduce_min3A_223[15] : f32 from vector<16xf32>
      %eq3A_225 = vector.broadcast %reduce_min3A_224 : f32 to vector<16xf32>
      %eq3A_226 = arith.cmpf oeq, %scan3A_151#2, %eq3A_225 : vector<16xf32>
      %jit3A_227 = arith.constant 2147483647 : i32
      %broadcast_in_dim3A_228 = vector.broadcast %jit3A_227 : i32 to vector<16xi32>
      %select_n3A_229 = arith.select %eq3A_226, %scan3A_151#8, %broadcast_in_dim3A_228 : vector<16xi1>, vector<16xi32>
      %reduce_min3A_230 = arith.constant true
      %reduce_min3A_231 = vector.broadcast %reduce_min3A_230 : i1 to vector<16xi1>
      %reduce_min3A_232 = arith.constant -2147483648 : i32
      %reduce_min3A_233 = vector.broadcast %reduce_min3A_232 : i32 to vector<16xi32>
      %reduce_min3A_234 = arith.xori %select_n3A_229, %reduce_min3A_233 : vector<16xi32>
      %reduce_min3A_235 = tpu.scan <min>, %reduce_min3A_234 masked %reduce_min3A_231 : vector<16xi32>, vector<16xi1> -> vector<16xi32>
      %reduce_min3A_236 = arith.xori %reduce_min3A_235, %reduce_min3A_233 : vector<16xi32>
      %reduce_min3A_237 = vector.extract %reduce_min3A_236[15] : i32 from vector<16xi32>
      %rem3A_238 = arith.constant 20 : i32
      %rem3A_239 = arith.remsi %reduce_min3A_237, %rem3A_238 : i32
      %eq3A_240 = arith.constant 19 : i32
      %eq3A_241 = arith.cmpi eq, %rem3A_239, %eq3A_240 : i32
      %sub3A_242 = arith.constant 1 : i32
      %sub3A_243 = arith.subi %reduce_min3A_237, %sub3A_242 : i32
      %add3A_244 = arith.constant 1 : i32
      %add3A_245 = arith.addi %reduce_min3A_237, %add3A_244 : i32
      %select_n3A_246 = arith.select %eq3A_241, %sub3A_243, %add3A_245 : i32
      %eq3A_247 = arith.constant 2 : i32
      %eq3A_248 = vector.broadcast %eq3A_247 : i32 to vector<16xi32>
      %eq3A_249 = arith.cmpi eq, %iota3A, %eq3A_248 : vector<16xi32>
      %broadcast_in_dim3A_250 = vector.broadcast %reduce_min3A_237 : i32 to vector<16xi32>
      %select_n3A_251 = arith.select %eq3A_249, %broadcast_in_dim3A_250, %select_n3A_220 : vector<16xi1>, vector<16xi32>
      %eq3A_252 = arith.constant 10 : i32
      %eq3A_253 = vector.broadcast %eq3A_252 : i32 to vector<16xi32>
      %eq3A_254 = arith.cmpi eq, %iota3A, %eq3A_253 : vector<16xi32>
      %broadcast_in_dim3A_255 = vector.broadcast %select_n3A_246 : i32 to vector<16xi32>
      %select_n3A_256 = arith.select %eq3A_254, %broadcast_in_dim3A_255, %select_n3A_251 : vector<16xi1>, vector<16xi32>
      %reduce_min3A_257 = arith.constant true
      %reduce_min3A_258 = vector.broadcast %reduce_min3A_257 : i1 to vector<16xi1>
      %reduce_min3A_259 = tpu.scan <min>, %scan3A_151#3 masked %reduce_min3A_258 : vector<16xf32>, vector<16xi1> -> vector<16xf32>
      %reduce_min3A_260 = vector.extract %reduce_min3A_259[15] : f32 from vector<16xf32>
      %eq3A_261 = vector.broadcast %reduce_min3A_260 : f32 to vector<16xf32>
      %eq3A_262 = arith.cmpf oeq, %scan3A_151#3, %eq3A_261 : vector<16xf32>
      %jit3A_263 = arith.constant 2147483647 : i32
      %broadcast_in_dim3A_264 = vector.broadcast %jit3A_263 : i32 to vector<16xi32>
      %select_n3A_265 = arith.select %eq3A_262, %scan3A_151#9, %broadcast_in_dim3A_264 : vector<16xi1>, vector<16xi32>
      %reduce_min3A_266 = arith.constant true
      %reduce_min3A_267 = vector.broadcast %reduce_min3A_266 : i1 to vector<16xi1>
      %reduce_min3A_268 = arith.constant -2147483648 : i32
      %reduce_min3A_269 = vector.broadcast %reduce_min3A_268 : i32 to vector<16xi32>
      %reduce_min3A_270 = arith.xori %select_n3A_265, %reduce_min3A_269 : vector<16xi32>
      %reduce_min3A_271 = tpu.scan <min>, %reduce_min3A_270 masked %reduce_min3A_267 : vector<16xi32>, vector<16xi1> -> vector<16xi32>
      %reduce_min3A_272 = arith.xori %reduce_min3A_271, %reduce_min3A_269 : vector<16xi32>
      %reduce_min3A_273 = vector.extract %reduce_min3A_272[15] : i32 from vector<16xi32>
      %rem3A_274 = arith.constant 20 : i32
      %rem3A_275 = arith.remsi %reduce_min3A_273, %rem3A_274 : i32
      %eq3A_276 = arith.constant 19 : i32
      %eq3A_277 = arith.cmpi eq, %rem3A_275, %eq3A_276 : i32
      %sub3A_278 = arith.constant 1 : i32
      %sub3A_279 = arith.subi %reduce_min3A_273, %sub3A_278 : i32
      %add3A_280 = arith.constant 1 : i32
      %add3A_281 = arith.addi %reduce_min3A_273, %add3A_280 : i32
      %select_n3A_282 = arith.select %eq3A_277, %sub3A_279, %add3A_281 : i32
      %eq3A_283 = arith.constant 3 : i32
      %eq3A_284 = vector.broadcast %eq3A_283 : i32 to vector<16xi32>
      %eq3A_285 = arith.cmpi eq, %iota3A, %eq3A_284 : vector<16xi32>
      %broadcast_in_dim3A_286 = vector.broadcast %reduce_min3A_273 : i32 to vector<16xi32>
      %select_n3A_287 = arith.select %eq3A_285, %broadcast_in_dim3A_286, %select_n3A_256 : vector<16xi1>, vector<16xi32>
      %eq3A_288 = arith.constant 11 : i32
      %eq3A_289 = vector.broadcast %eq3A_288 : i32 to vector<16xi32>
      %eq3A_290 = arith.cmpi eq, %iota3A, %eq3A_289 : vector<16xi32>
      %broadcast_in_dim3A_291 = vector.broadcast %select_n3A_282 : i32 to vector<16xi32>
      %select_n3A_292 = arith.select %eq3A_290, %broadcast_in_dim3A_291, %select_n3A_287 : vector<16xi1>, vector<16xi32>
      %reduce_min3A_293 = arith.constant true
      %reduce_min3A_294 = vector.broadcast %reduce_min3A_293 : i1 to vector<16xi1>
      %reduce_min3A_295 = tpu.scan <min>, %scan3A_151#4 masked %reduce_min3A_294 : vector<16xf32>, vector<16xi1> -> vector<16xf32>
      %reduce_min3A_296 = vector.extract %reduce_min3A_295[15] : f32 from vector<16xf32>
      %eq3A_297 = vector.broadcast %reduce_min3A_296 : f32 to vector<16xf32>
      %eq3A_298 = arith.cmpf oeq, %scan3A_151#4, %eq3A_297 : vector<16xf32>
      %jit3A_299 = arith.constant 2147483647 : i32
      %broadcast_in_dim3A_300 = vector.broadcast %jit3A_299 : i32 to vector<16xi32>
      %select_n3A_301 = arith.select %eq3A_298, %scan3A_151#10, %broadcast_in_dim3A_300 : vector<16xi1>, vector<16xi32>
      %reduce_min3A_302 = arith.constant true
      %reduce_min3A_303 = vector.broadcast %reduce_min3A_302 : i1 to vector<16xi1>
      %reduce_min3A_304 = arith.constant -2147483648 : i32
      %reduce_min3A_305 = vector.broadcast %reduce_min3A_304 : i32 to vector<16xi32>
      %reduce_min3A_306 = arith.xori %select_n3A_301, %reduce_min3A_305 : vector<16xi32>
      %reduce_min3A_307 = tpu.scan <min>, %reduce_min3A_306 masked %reduce_min3A_303 : vector<16xi32>, vector<16xi1> -> vector<16xi32>
      %reduce_min3A_308 = arith.xori %reduce_min3A_307, %reduce_min3A_305 : vector<16xi32>
      %reduce_min3A_309 = vector.extract %reduce_min3A_308[15] : i32 from vector<16xi32>
      %rem3A_310 = arith.constant 20 : i32
      %rem3A_311 = arith.remsi %reduce_min3A_309, %rem3A_310 : i32
      %eq3A_312 = arith.constant 19 : i32
      %eq3A_313 = arith.cmpi eq, %rem3A_311, %eq3A_312 : i32
      %sub3A_314 = arith.constant 1 : i32
      %sub3A_315 = arith.subi %reduce_min3A_309, %sub3A_314 : i32
      %add3A_316 = arith.constant 1 : i32
      %add3A_317 = arith.addi %reduce_min3A_309, %add3A_316 : i32
      %select_n3A_318 = arith.select %eq3A_313, %sub3A_315, %add3A_317 : i32
      %eq3A_319 = arith.constant 4 : i32
      %eq3A_320 = vector.broadcast %eq3A_319 : i32 to vector<16xi32>
      %eq3A_321 = arith.cmpi eq, %iota3A, %eq3A_320 : vector<16xi32>
      %broadcast_in_dim3A_322 = vector.broadcast %reduce_min3A_309 : i32 to vector<16xi32>
      %select_n3A_323 = arith.select %eq3A_321, %broadcast_in_dim3A_322, %select_n3A_292 : vector<16xi1>, vector<16xi32>
      %eq3A_324 = arith.constant 12 : i32
      %eq3A_325 = vector.broadcast %eq3A_324 : i32 to vector<16xi32>
      %eq3A_326 = arith.cmpi eq, %iota3A, %eq3A_325 : vector<16xi32>
      %broadcast_in_dim3A_327 = vector.broadcast %select_n3A_318 : i32 to vector<16xi32>
      %select_n3A_328 = arith.select %eq3A_326, %broadcast_in_dim3A_327, %select_n3A_323 : vector<16xi1>, vector<16xi32>
      %reduce_min3A_329 = arith.constant true
      %reduce_min3A_330 = vector.broadcast %reduce_min3A_329 : i1 to vector<16xi1>
      %reduce_min3A_331 = tpu.scan <min>, %scan3A_151#5 masked %reduce_min3A_330 : vector<16xf32>, vector<16xi1> -> vector<16xf32>
      %reduce_min3A_332 = vector.extract %reduce_min3A_331[15] : f32 from vector<16xf32>
      %eq3A_333 = vector.broadcast %reduce_min3A_332 : f32 to vector<16xf32>
      %eq3A_334 = arith.cmpf oeq, %scan3A_151#5, %eq3A_333 : vector<16xf32>
      %jit3A_335 = arith.constant 2147483647 : i32
      %broadcast_in_dim3A_336 = vector.broadcast %jit3A_335 : i32 to vector<16xi32>
      %select_n3A_337 = arith.select %eq3A_334, %scan3A_151#11, %broadcast_in_dim3A_336 : vector<16xi1>, vector<16xi32>
      %reduce_min3A_338 = arith.constant true
      %reduce_min3A_339 = vector.broadcast %reduce_min3A_338 : i1 to vector<16xi1>
      %reduce_min3A_340 = arith.constant -2147483648 : i32
      %reduce_min3A_341 = vector.broadcast %reduce_min3A_340 : i32 to vector<16xi32>
      %reduce_min3A_342 = arith.xori %select_n3A_337, %reduce_min3A_341 : vector<16xi32>
      %reduce_min3A_343 = tpu.scan <min>, %reduce_min3A_342 masked %reduce_min3A_339 : vector<16xi32>, vector<16xi1> -> vector<16xi32>
      %reduce_min3A_344 = arith.xori %reduce_min3A_343, %reduce_min3A_341 : vector<16xi32>
      %reduce_min3A_345 = vector.extract %reduce_min3A_344[15] : i32 from vector<16xi32>
      %rem3A_346 = arith.constant 20 : i32
      %rem3A_347 = arith.remsi %reduce_min3A_345, %rem3A_346 : i32
      %eq3A_348 = arith.constant 19 : i32
      %eq3A_349 = arith.cmpi eq, %rem3A_347, %eq3A_348 : i32
      %sub3A_350 = arith.constant 1 : i32
      %sub3A_351 = arith.subi %reduce_min3A_345, %sub3A_350 : i32
      %add3A_352 = arith.constant 1 : i32
      %add3A_353 = arith.addi %reduce_min3A_345, %add3A_352 : i32
      %select_n3A_354 = arith.select %eq3A_349, %sub3A_351, %add3A_353 : i32
      %eq3A_355 = arith.constant 5 : i32
      %eq3A_356 = vector.broadcast %eq3A_355 : i32 to vector<16xi32>
      %eq3A_357 = arith.cmpi eq, %iota3A, %eq3A_356 : vector<16xi32>
      %broadcast_in_dim3A_358 = vector.broadcast %reduce_min3A_345 : i32 to vector<16xi32>
      %select_n3A_359 = arith.select %eq3A_357, %broadcast_in_dim3A_358, %select_n3A_328 : vector<16xi1>, vector<16xi32>
      %eq3A_360 = arith.constant 13 : i32
      %eq3A_361 = vector.broadcast %eq3A_360 : i32 to vector<16xi32>
      %eq3A_362 = arith.cmpi eq, %iota3A, %eq3A_361 : vector<16xi32>
      %broadcast_in_dim3A_363 = vector.broadcast %select_n3A_354 : i32 to vector<16xi32>
      %select_n3A_364 = arith.select %eq3A_362, %broadcast_in_dim3A_363, %select_n3A_359 : vector<16xi1>, vector<16xi32>
      %mul3A_365 = arith.constant 2 : i32
      %mul3A_366 = vector.broadcast %mul3A_365 : i32 to vector<16xi32>
      %mul3A_367 = arith.muli %select_n3A_364, %mul3A_366 : vector<16xi32>
      %gather3A = tpu.vector_load_idx %arg5[%mul3A_367] : memref<4000xf32, #tpu.memory_space<vmem>>[vector<16xi32>], vector<16xf32>,
      %mul3A_368 = arith.constant 2 : i32
      %mul3A_369 = vector.broadcast %mul3A_368 : i32 to vector<16xi32>
      %mul3A_370 = arith.muli %select_n3A_364, %mul3A_369 : vector<16xi32>
      %add3A_371 = arith.constant 1 : i32
      %add3A_372 = vector.broadcast %add3A_371 : i32 to vector<16xi32>
      %add3A_373 = arith.addi %mul3A_370, %add3A_372 : vector<16xi32>
      %gather3A_374 = tpu.vector_load_idx %arg5[%add3A_373] : memref<4000xf32, #tpu.memory_space<vmem>>[vector<16xi32>], vector<16xf32>,
      %gather3A_375 = tpu.vector_load_idx %arg13[%select_n3A_364] : memref<2048xi32, #tpu.memory_space<vmem>>[vector<16xi32>], vector<16xi32>,
      %gather3A_376 = tpu.vector_load_idx %arg9[%gather3A_375] : memref<128xf32, #tpu.memory_space<vmem>>[vector<16xi32>], vector<16xf32>,
      %lt3A_377 = arith.constant 5.000000e-01 : f32
      %lt3A_378 = vector.broadcast %lt3A_377 : f32 to vector<16xf32>
      %lt3A_379 = arith.cmpf olt, %gather3A_376, %lt3A_378 : vector<16xf32>
      %mul3A_380 = arith.constant 3.000000e+01 : f32
      %mul3A_381 = vector.broadcast %mul3A_380 : f32 to vector<16xf32>
      %mul3A_382 = arith.mulf %gather3A, %mul3A_381 : vector<16xf32>
      %sub3A_383 = arith.constant 1.500000e+01 : f32
      %sub3A_384 = vector.broadcast %sub3A_383 : f32 to vector<16xf32>
      %sub3A_385 = arith.subf %mul3A_382, %sub3A_384 : vector<16xf32>
      %jit3A_386 = arith.constant 1.000000e+06 : f32
      %broadcast_in_dim3A_387 = vector.broadcast %jit3A_386 : f32 to vector<16xf32>
      %select_n3A_388 = arith.select %lt3A_379, %broadcast_in_dim3A_387, %sub3A_385 : vector<16xi1>, vector<16xf32>
      %mul3A_389 = arith.constant 6.000000e+01 : f32
      %mul3A_390 = vector.broadcast %mul3A_389 : f32 to vector<16xf32>
      %mul3A_391 = arith.mulf %gather3A_374, %mul3A_390 : vector<16xf32>
      %sub3A_392 = arith.constant 3.000000e+01 : f32
      %sub3A_393 = vector.broadcast %sub3A_392 : f32 to vector<16xf32>
      %sub3A_394 = arith.subf %mul3A_391, %sub3A_393 : vector<16xf32>
      %jit3A_395 = arith.constant 1.000000e+06 : f32
      %broadcast_in_dim3A_396 = vector.broadcast %jit3A_395 : f32 to vector<16xf32>
      %select_n3A_397 = arith.select %lt3A_379, %broadcast_in_dim3A_396, %sub3A_394 : vector<16xi1>, vector<16xf32>
      %mul3A_398 = arith.constant 32 : i32
      %mul3A_399 = arith.muli %add3A_64, %mul3A_398 : i32
      %swap3A = arith.index_cast %mul3A_399 : i32 to index
      %swap3A_400 = tpu.vector_load %arg15[%swap3A] {strides = array<i32>} : memref<512xf32, #tpu.memory_space<vmem>>, vector<16xf32>,
      tpu.vector_store %arg15[%swap3A], %select_n3A_388 {strides = array<i32>} : memref<512xf32, #tpu.memory_space<vmem>>, vector<16xf32>,
      %mul3A_401 = arith.constant 32 : i32
      %mul3A_402 = arith.muli %add3A_64, %mul3A_401 : i32
      %add3A_403 = arith.constant 16 : i32
      %add3A_404 = arith.addi %mul3A_402, %add3A_403 : i32
      %swap3A_405 = arith.index_cast %add3A_404 : i32 to index
      %swap3A_406 = tpu.vector_load %arg15[%swap3A_405] {strides = array<i32>} : memref<512xf32, #tpu.memory_space<vmem>>, vector<16xf32>,
      tpu.vector_store %arg15[%swap3A_405], %select_n3A_397 {strides = array<i32>} : memref<512xf32, #tpu.memory_space<vmem>>, vector<16xf32>,
      %mul3A_407 = arith.constant 4 : i32
      %mul3A_408 = arith.muli %mul3A_407, %scan3A_59 : i32
      %add3A_409 = arith.constant 1 : i32
      %add3A_410 = arith.addi %mul3A_408, %add3A_409 : i32
      %add3A_411 = arith.addi %mul3A_2, %add3A_410 : i32
      %add3A_412 = arith.constant 3 : i32
      %add3A_413 = arith.addi %add3A_410, %add3A_412 : i32
      %lt3A_414 = arith.constant 16 : i32
      %lt3A_415 = arith.cmpi slt, %add3A_413, %lt3A_414 : i32
      %convert_element_type3A_416 = arith.extui %lt3A_415 : i1 to i32
      %cond3A_417 = arith.constant 0 : i32
      %cond3A_418 = arith.cmpi ne, %convert_element_type3A_416, %cond3A_417 : i32
      scf.if %cond3A_418 {
        %add3A_1494 = arith.addi %mul3A_2, %add3A_410 : i32
        %add3A_1495 = arith.constant 3 : i32
        %add3A_1496 = arith.addi %add3A_1494, %add3A_1495 : i32
        %dma_start3A_1497 = arith.constant 0 : i32
        %dma_start3A_1498 = tpu.memref_slice %arg2[%add3A_1496, %dma_start3A_1497] : memref<512x4000xf32, #tpu.memory_space<hbm>> -> memref<1x4000xf32, #tpu.memory_space<hbm>>
        %dma_start3A_1499 = tpu.memref_squeeze %dma_start3A_1498 : memref<1x4000xf32, #tpu.memory_space<hbm>> -> memref<4000xf32, #tpu.memory_space<hbm>>
        %dma_start3A_1500 = arith.constant 0 : i32
        %dma_start3A_1501 = tpu.memref_slice %arg2[%add3A_1496, %dma_start3A_1500] : memref<512x4000xf32, #tpu.memory_space<hbm>> -> memref<1x4000xf32, #tpu.memory_space<hbm>>
        %dma_start3A_1502 = tpu.memref_squeeze %dma_start3A_1501 : memref<1x4000xf32, #tpu.memory_space<hbm>> -> memref<4000xf32, #tpu.memory_space<hbm>>
        tpu.enqueue_dma source(%dma_start3A_1502 : memref<4000xf32, #tpu.memory_space<hbm>>) target(%arg5 : memref<4000xf32, #tpu.memory_space<vmem>>) target_semaphore(%arg16 : memref<!tpu.dma_semaphore, #tpu.memory_space<semaphore_mem>>)
        %dma_start3A_1503 = arith.constant 0 : i32
        %dma_start3A_1504 = tpu.memref_slice %arg3[%add3A_1496, %dma_start3A_1503] : memref<512x128xf32, #tpu.memory_space<hbm>> -> memref<1x128xf32, #tpu.memory_space<hbm>>
        %dma_start3A_1505 = tpu.memref_squeeze %dma_start3A_1504 : memref<1x128xf32, #tpu.memory_space<hbm>> -> memref<128xf32, #tpu.memory_space<hbm>>
        %dma_start3A_1506 = arith.constant 0 : i32
        %dma_start3A_1507 = tpu.memref_slice %arg3[%add3A_1496, %dma_start3A_1506] : memref<512x128xf32, #tpu.memory_space<hbm>> -> memref<1x128xf32, #tpu.memory_space<hbm>>
        %dma_start3A_1508 = tpu.memref_squeeze %dma_start3A_1507 : memref<1x128xf32, #tpu.memory_space<hbm>> -> memref<128xf32, #tpu.memory_space<hbm>>
        tpu.enqueue_dma source(%dma_start3A_1508 : memref<128xf32, #tpu.memory_space<hbm>>) target(%arg9 : memref<128xf32, #tpu.memory_space<vmem>>) target_semaphore(%arg16 : memref<!tpu.dma_semaphore, #tpu.memory_space<semaphore_mem>>)
      } else {
      }
      %dma_wait3A_419 = arith.constant 0 : i32
      %dma_wait3A_420 = tpu.memref_slice %arg2[%add3A_411, %dma_wait3A_419] : memref<512x4000xf32, #tpu.memory_space<hbm>> -> memref<1x4000xf32, #tpu.memory_space<hbm>>
      %dma_wait3A_421 = tpu.memref_squeeze %dma_wait3A_420 : memref<1x4000xf32, #tpu.memory_space<hbm>> -> memref<4000xf32, #tpu.memory_space<hbm>>
      %dma_wait3A_422 = arith.constant 0 : i32
      %dma_wait3A_423 = tpu.memref_slice %arg2[%add3A_411, %dma_wait3A_422] : memref<512x4000xf32, #tpu.memory_space<hbm>> -> memref<1x4000xf32, #tpu.memory_space<hbm>>
      %dma_wait3A_424 = tpu.memref_squeeze %dma_wait3A_423 : memref<1x4000xf32, #tpu.memory_space<hbm>> -> memref<4000xf32, #tpu.memory_space<hbm>>
      tpu.wait_dma2 semaphore(%arg17 : memref<!tpu.dma_semaphore, #tpu.memory_space<semaphore_mem>>) src(%dma_wait3A_424 : memref<4000xf32, #tpu.memory_space<hbm>>) dst(%arg6 : memref<4000xf32, #tpu.memory_space<vmem>>)
      %dma_wait3A_425 = arith.constant 0 : i32
      %dma_wait3A_426 = tpu.memref_slice %arg3[%add3A_411, %dma_wait3A_425] : memref<512x128xf32, #tpu.memory_space<hbm>> -> memref<1x128xf32, #tpu.memory_space<hbm>>
      %dma_wait3A_427 = tpu.memref_squeeze %dma_wait3A_426 : memref<1x128xf32, #tpu.memory_space<hbm>> -> memref<128xf32, #tpu.memory_space<hbm>>
      %dma_wait3A_428 = arith.constant 0 : i32
      %dma_wait3A_429 = tpu.memref_slice %arg3[%add3A_411, %dma_wait3A_428] : memref<512x128xf32, #tpu.memory_space<hbm>> -> memref<1x128xf32, #tpu.memory_space<hbm>>
      %dma_wait3A_430 = tpu.memref_squeeze %dma_wait3A_429 : memref<1x128xf32, #tpu.memory_space<hbm>> -> memref<128xf32, #tpu.memory_space<hbm>>
      tpu.wait_dma2 semaphore(%arg17 : memref<!tpu.dma_semaphore, #tpu.memory_space<semaphore_mem>>) src(%dma_wait3A_430 : memref<128xf32, #tpu.memory_space<hbm>>) dst(%arg10 : memref<128xf32, #tpu.memory_space<vmem>>)
      %get3A_431 = arith.constant 112 : index
      %get3A_432 = tpu.vector_load %arg10[%get3A_431] {strides = array<i32>} : memref<128xf32, #tpu.memory_space<vmem>>, vector<16xf32>,
      %slice3A_433 = vector.extract_strided_slice %get3A_432 {offsets = [0], sizes = [1], strides = [1]} : vector<16xf32> to vector<1xf32>
      %squeeze3A_434 = vector.extract %slice3A_433[0] : f32 from vector<1xf32>
      %mul3A_435 = arith.constant 0.000000e+00 : f32
      %mul3A_436 = arith.mulf %squeeze3A_434, %mul3A_435 : f32
      %slice3A_437 = vector.extract_strided_slice %get3A_432 {offsets = [0], sizes = [1], strides = [1]} : vector<16xf32> to vector<1xf32>
      %squeeze3A_438 = vector.extract %slice3A_437[0] : f32 from vector<1xf32>
      %add3A_439 = arith.addf %mul3A_436, %squeeze3A_438 : f32
      %slice3A_440 = vector.extract_strided_slice %get3A_432 {offsets = [1], sizes = [1], strides = [1]} : vector<16xf32> to vector<1xf32>
      %squeeze3A_441 = vector.extract %slice3A_440[0] : f32 from vector<1xf32>
      %add3A_442 = arith.addf %mul3A_436, %squeeze3A_441 : f32
      %mul3A_443 = arith.constant -2.000000e+00 : f32
      %mul3A_444 = arith.mulf %mul3A_443, %add3A_439 : f32
      %mul3A_445 = arith.constant -2.000000e+00 : f32
      %mul3A_446 = arith.mulf %mul3A_445, %add3A_442 : f32
      %slice3A_447 = vector.extract_strided_slice %get3A_432 {offsets = [2], sizes = [1], strides = [1]} : vector<16xf32> to vector<1xf32>
      %squeeze3A_448 = vector.extract %slice3A_447[0] : f32 from vector<1xf32>
      %add3A_449 = arith.addf %add3A_439, %squeeze3A_448 : f32
      %slice3A_450 = vector.extract_strided_slice %get3A_432 {offsets = [3], sizes = [1], strides = [1]} : vector<16xf32> to vector<1xf32>
      %squeeze3A_451 = vector.extract %slice3A_450[0] : f32 from vector<1xf32>
      %add3A_452 = arith.addf %add3A_442, %squeeze3A_451 : f32
      %mul3A_453 = arith.constant -2.000000e+00 : f32
      %mul3A_454 = arith.mulf %mul3A_453, %add3A_449 : f32
      %mul3A_455 = arith.constant -2.000000e+00 : f32
      %mul3A_456 = arith.mulf %mul3A_455, %add3A_452 : f32
      %slice3A_457 = vector.extract_strided_slice %get3A_432 {offsets = [4], sizes = [1], strides = [1]} : vector<16xf32> to vector<1xf32>
      %squeeze3A_458 = vector.extract %slice3A_457[0] : f32 from vector<1xf32>
      %add3A_459 = arith.addf %add3A_449, %squeeze3A_458 : f32
      %slice3A_460 = vector.extract_strided_slice %get3A_432 {offsets = [5], sizes = [1], strides = [1]} : vector<16xf32> to vector<1xf32>
      %squeeze3A_461 = vector.extract %slice3A_460[0] : f32 from vector<1xf32>
      %add3A_462 = arith.addf %add3A_452, %squeeze3A_461 : f32
      %mul3A_463 = arith.constant -2.000000e+00 : f32
      %mul3A_464 = arith.mulf %mul3A_463, %add3A_459 : f32
      %mul3A_465 = arith.constant -2.000000e+00 : f32
      %mul3A_466 = arith.mulf %mul3A_465, %add3A_462 : f32
      %slice3A_467 = vector.extract_strided_slice %get3A_432 {offsets = [6], sizes = [1], strides = [1]} : vector<16xf32> to vector<1xf32>
      %squeeze3A_468 = vector.extract %slice3A_467[0] : f32 from vector<1xf32>
      %add3A_469 = arith.addf %add3A_459, %squeeze3A_468 : f32
      %slice3A_470 = vector.extract_strided_slice %get3A_432 {offsets = [7], sizes = [1], strides = [1]} : vector<16xf32> to vector<1xf32>
      %squeeze3A_471 = vector.extract %slice3A_470[0] : f32 from vector<1xf32>
      %add3A_472 = arith.addf %add3A_462, %squeeze3A_471 : f32
      %mul3A_473 = arith.constant -2.000000e+00 : f32
      %mul3A_474 = arith.mulf %mul3A_473, %add3A_469 : f32
      %mul3A_475 = arith.constant -2.000000e+00 : f32
      %mul3A_476 = arith.mulf %mul3A_475, %add3A_472 : f32
      %slice3A_477 = vector.extract_strided_slice %get3A_432 {offsets = [8], sizes = [1], strides = [1]} : vector<16xf32> to vector<1xf32>
      %squeeze3A_478 = vector.extract %slice3A_477[0] : f32 from vector<1xf32>
      %add3A_479 = arith.addf %add3A_469, %squeeze3A_478 : f32
      %slice3A_480 = vector.extract_strided_slice %get3A_432 {offsets = [9], sizes = [1], strides = [1]} : vector<16xf32> to vector<1xf32>
      %squeeze3A_481 = vector.extract %slice3A_480[0] : f32 from vector<1xf32>
      %add3A_482 = arith.addf %add3A_472, %squeeze3A_481 : f32
      %mul3A_483 = arith.constant -2.000000e+00 : f32
      %mul3A_484 = arith.mulf %mul3A_483, %add3A_479 : f32
      %mul3A_485 = arith.constant -2.000000e+00 : f32
      %mul3A_486 = arith.mulf %mul3A_485, %add3A_482 : f32
      %slice3A_487 = vector.extract_strided_slice %get3A_432 {offsets = [10], sizes = [1], strides = [1]} : vector<16xf32> to vector<1xf32>
      %squeeze3A_488 = vector.extract %slice3A_487[0] : f32 from vector<1xf32>
      %add3A_489 = arith.addf %add3A_479, %squeeze3A_488 : f32
      %slice3A_490 = vector.extract_strided_slice %get3A_432 {offsets = [11], sizes = [1], strides = [1]} : vector<16xf32> to vector<1xf32>
      %squeeze3A_491 = vector.extract %slice3A_490[0] : f32 from vector<1xf32>
      %add3A_492 = arith.addf %add3A_482, %squeeze3A_491 : f32
      %mul3A_493 = arith.constant -2.000000e+00 : f32
      %mul3A_494 = arith.mulf %mul3A_493, %add3A_489 : f32
      %mul3A_495 = arith.constant -2.000000e+00 : f32
      %mul3A_496 = arith.mulf %mul3A_495, %add3A_492 : f32
      %broadcast_in_dim3A_497 = arith.constant 3.000000e+38 : f32
      %broadcast_in_dim3A_498 = vector.broadcast %broadcast_in_dim3A_497 : f32 to vector<16xf32>
      %broadcast_in_dim3A_499 = arith.constant 0 : i32
      %broadcast_in_dim3A_500 = vector.broadcast %broadcast_in_dim3A_499 : i32 to vector<16xi32>
      %scan3A_501 = arith.constant 0 : i32
      %scan3A_502 = arith.constant 64 : i32
      %scan3A_503 = arith.addi %scan3A_501, %scan3A_502 : i32
      %scan3A_504 = arith.constant 1 : i32
      %scan3A_505:12 = scf.for %scan3A_1494 = %scan3A_501 to %scan3A_503 step %scan3A_504 iter_args(%scan3A_1495 = %broadcast_in_dim3A_498, %scan3A_1496 = %broadcast_in_dim3A_498, %scan3A_1497 = %broadcast_in_dim3A_498, %scan3A_1498 = %broadcast_in_dim3A_498, %scan3A_1499 = %broadcast_in_dim3A_498, %scan3A_1500 = %broadcast_in_dim3A_498, %scan3A_1501 = %broadcast_in_dim3A_500, %scan3A_1502 = %broadcast_in_dim3A_500, %scan3A_1503 = %broadcast_in_dim3A_500, %scan3A_1504 = %broadcast_in_dim3A_500, %scan3A_1505 = %broadcast_in_dim3A_500, %scan3A_1506 = %broadcast_in_dim3A_500) -> (vector<16xf32>, vector<16xf32>, vector<16xf32>, vector<16xf32>, vector<16xf32>, vector<16xf32>, vector<16xi32>, vector<16xi32>, vector<16xi32>, vector<16xi32>, vector<16xi32>, vector<16xi32>)  : i32 {
        %mul3A_1507 = arith.constant 32 : i32
        %mul3A_1508 = arith.muli %scan3A_1494, %mul3A_1507 : i32
        %add3A_1509 = arith.constant 0 : i32
        %add3A_1510 = arith.addi %mul3A_1508, %add3A_1509 : i32
        %get3A_1511 = arith.index_cast %add3A_1510 : i32 to index
        %get3A_1512 = tpu.vector_load %arg14[%get3A_1511] {strides = array<i32>} : memref<2048xi32, #tpu.memory_space<vmem>>, vector<16xi32>,
        %gather3A_1513 = tpu.vector_load_idx %arg6[%get3A_1512] : memref<4000xf32, #tpu.memory_space<vmem>>[vector<16xi32>], vector<16xf32>,
        %add3A_1514 = arith.constant 1 : i32
        %add3A_1515 = vector.broadcast %add3A_1514 : i32 to vector<16xi32>
        %add3A_1516 = arith.addi %get3A_1512, %add3A_1515 : vector<16xi32>
        %gather3A_1517 = tpu.vector_load_idx %arg6[%add3A_1516] : memref<4000xf32, #tpu.memory_space<vmem>>[vector<16xi32>], vector<16xf32>,
        %get3A_1518 = arith.index_cast %add3A_1510 : i32 to index
        %get3A_1519 = tpu.vector_load %arg13[%get3A_1518] {strides = array<i32>} : memref<2048xi32, #tpu.memory_space<vmem>>, vector<16xi32>,
        %gather3A_1520 = tpu.vector_load_idx %arg10[%get3A_1519] : memref<128xf32, #tpu.memory_space<vmem>>[vector<16xi32>], vector<16xf32>,
        %lt3A_1521 = arith.constant 5.000000e-01 : f32
        %lt3A_1522 = vector.broadcast %lt3A_1521 : f32 to vector<16xf32>
        %lt3A_1523 = arith.cmpf olt, %gather3A_1520, %lt3A_1522 : vector<16xf32>
        %mul3A_1524 = arith.constant 3.000000e+01 : f32
        %mul3A_1525 = vector.broadcast %mul3A_1524 : f32 to vector<16xf32>
        %mul3A_1526 = arith.mulf %gather3A_1513, %mul3A_1525 : vector<16xf32>
        %sub3A_1527 = arith.constant 1.500000e+01 : f32
        %sub3A_1528 = vector.broadcast %sub3A_1527 : f32 to vector<16xf32>
        %sub3A_1529 = arith.subf %mul3A_1526, %sub3A_1528 : vector<16xf32>
        %mul3A_1530 = arith.constant 6.000000e+01 : f32
        %mul3A_1531 = vector.broadcast %mul3A_1530 : f32 to vector<16xf32>
        %mul3A_1532 = arith.mulf %gather3A_1517, %mul3A_1531 : vector<16xf32>
        %sub3A_1533 = arith.constant 3.000000e+01 : f32
        %sub3A_1534 = vector.broadcast %sub3A_1533 : f32 to vector<16xf32>
        %sub3A_1535 = arith.subf %mul3A_1532, %sub3A_1534 : vector<16xf32>
        %mul3A_1536 = arith.mulf %sub3A_1529, %sub3A_1529 : vector<16xf32>
        %mul3A_1537 = arith.mulf %sub3A_1535, %sub3A_1535 : vector<16xf32>
        %add3A_1538 = arith.addf %mul3A_1536, %mul3A_1537 : vector<16xf32>
        %jit3A_1539 = arith.constant 1.000000e+30 : f32
        %broadcast_in_dim3A_1540 = vector.broadcast %jit3A_1539 : f32 to vector<16xf32>
        %select_n3A_1541 = arith.select %lt3A_1523, %broadcast_in_dim3A_1540, %add3A_1538 : vector<16xi1>, vector<16xf32>
        %add3A_1542 = vector.broadcast %add3A_1510 : i32 to vector<16xi32>
        %add3A_1543 = arith.addi %add3A_1542, %iota3A : vector<16xi32>
        %mul3A_1544 = vector.broadcast %mul3A_444 : f32 to vector<16xf32>
        %mul3A_1545 = arith.mulf %sub3A_1529, %mul3A_1544 : vector<16xf32>
        %add3A_1546 = arith.addf %mul3A_1545, %select_n3A_1541 : vector<16xf32>
        %mul3A_1547 = vector.broadcast %mul3A_446 : f32 to vector<16xf32>
        %mul3A_1548 = arith.mulf %sub3A_1535, %mul3A_1547 : vector<16xf32>
        %add3A_1549 = arith.addf %mul3A_1548, %add3A_1546 : vector<16xf32>
        %lt3A_1550 = arith.cmpf olt, %add3A_1549, %scan3A_1495 : vector<16xf32>
        %select_n3A_1551 = arith.select %lt3A_1550, %add3A_1549, %scan3A_1495 : vector<16xi1>, vector<16xf32>
        %select_n3A_1552 = arith.select %lt3A_1550, %add3A_1543, %scan3A_1501 : vector<16xi1>, vector<16xi32>
        %mul3A_1553 = vector.broadcast %mul3A_454 : f32 to vector<16xf32>
        %mul3A_1554 = arith.mulf %sub3A_1529, %mul3A_1553 : vector<16xf32>
        %add3A_1555 = arith.addf %mul3A_1554, %select_n3A_1541 : vector<16xf32>
        %mul3A_1556 = vector.broadcast %mul3A_456 : f32 to vector<16xf32>
        %mul3A_1557 = arith.mulf %sub3A_1535, %mul3A_1556 : vector<16xf32>
        %add3A_1558 = arith.addf %mul3A_1557, %add3A_1555 : vector<16xf32>
        %lt3A_1559 = arith.cmpf olt, %add3A_1558, %scan3A_1496 : vector<16xf32>
        %select_n3A_1560 = arith.select %lt3A_1559, %add3A_1558, %scan3A_1496 : vector<16xi1>, vector<16xf32>
        %select_n3A_1561 = arith.select %lt3A_1559, %add3A_1543, %scan3A_1502 : vector<16xi1>, vector<16xi32>
        %mul3A_1562 = vector.broadcast %mul3A_464 : f32 to vector<16xf32>
        %mul3A_1563 = arith.mulf %sub3A_1529, %mul3A_1562 : vector<16xf32>
        %add3A_1564 = arith.addf %mul3A_1563, %select_n3A_1541 : vector<16xf32>
        %mul3A_1565 = vector.broadcast %mul3A_466 : f32 to vector<16xf32>
        %mul3A_1566 = arith.mulf %sub3A_1535, %mul3A_1565 : vector<16xf32>
        %add3A_1567 = arith.addf %mul3A_1566, %add3A_1564 : vector<16xf32>
        %lt3A_1568 = arith.cmpf olt, %add3A_1567, %scan3A_1497 : vector<16xf32>
        %select_n3A_1569 = arith.select %lt3A_1568, %add3A_1567, %scan3A_1497 : vector<16xi1>, vector<16xf32>
        %select_n3A_1570 = arith.select %lt3A_1568, %add3A_1543, %scan3A_1503 : vector<16xi1>, vector<16xi32>
        %mul3A_1571 = vector.broadcast %mul3A_474 : f32 to vector<16xf32>
        %mul3A_1572 = arith.mulf %sub3A_1529, %mul3A_1571 : vector<16xf32>
        %add3A_1573 = arith.addf %mul3A_1572, %select_n3A_1541 : vector<16xf32>
        %mul3A_1574 = vector.broadcast %mul3A_476 : f32 to vector<16xf32>
        %mul3A_1575 = arith.mulf %sub3A_1535, %mul3A_1574 : vector<16xf32>
        %add3A_1576 = arith.addf %mul3A_1575, %add3A_1573 : vector<16xf32>
        %lt3A_1577 = arith.cmpf olt, %add3A_1576, %scan3A_1498 : vector<16xf32>
        %select_n3A_1578 = arith.select %lt3A_1577, %add3A_1576, %scan3A_1498 : vector<16xi1>, vector<16xf32>
        %select_n3A_1579 = arith.select %lt3A_1577, %add3A_1543, %scan3A_1504 : vector<16xi1>, vector<16xi32>
        %mul3A_1580 = vector.broadcast %mul3A_484 : f32 to vector<16xf32>
        %mul3A_1581 = arith.mulf %sub3A_1529, %mul3A_1580 : vector<16xf32>
        %add3A_1582 = arith.addf %mul3A_1581, %select_n3A_1541 : vector<16xf32>
        %mul3A_1583 = vector.broadcast %mul3A_486 : f32 to vector<16xf32>
        %mul3A_1584 = arith.mulf %sub3A_1535, %mul3A_1583 : vector<16xf32>
        %add3A_1585 = arith.addf %mul3A_1584, %add3A_1582 : vector<16xf32>
        %lt3A_1586 = arith.cmpf olt, %add3A_1585, %scan3A_1499 : vector<16xf32>
        %select_n3A_1587 = arith.select %lt3A_1586, %add3A_1585, %scan3A_1499 : vector<16xi1>, vector<16xf32>
        %select_n3A_1588 = arith.select %lt3A_1586, %add3A_1543, %scan3A_1505 : vector<16xi1>, vector<16xi32>
        %mul3A_1589 = vector.broadcast %mul3A_494 : f32 to vector<16xf32>
        %mul3A_1590 = arith.mulf %sub3A_1529, %mul3A_1589 : vector<16xf32>
        %add3A_1591 = arith.addf %mul3A_1590, %select_n3A_1541 : vector<16xf32>
        %mul3A_1592 = vector.broadcast %mul3A_496 : f32 to vector<16xf32>
        %mul3A_1593 = arith.mulf %sub3A_1535, %mul3A_1592 : vector<16xf32>
        %add3A_1594 = arith.addf %mul3A_1593, %add3A_1591 : vector<16xf32>
        %lt3A_1595 = arith.cmpf olt, %add3A_1594, %scan3A_1500 : vector<16xf32>
        %select_n3A_1596 = arith.select %lt3A_1595, %add3A_1594, %scan3A_1500 : vector<16xi1>, vector<16xf32>
        %select_n3A_1597 = arith.select %lt3A_1595, %add3A_1543, %scan3A_1506 : vector<16xi1>, vector<16xi32>
        %mul3A_1598 = arith.constant 32 : i32
        %mul3A_1599 = arith.muli %scan3A_1494, %mul3A_1598 : i32
        %add3A_1600 = arith.constant 16 : i32
        %add3A_1601 = arith.addi %mul3A_1599, %add3A_1600 : i32
        %get3A_1602 = arith.index_cast %add3A_1601 : i32 to index
        %get3A_1603 = tpu.vector_load %arg14[%get3A_1602] {strides = array<i32>} : memref<2048xi32, #tpu.memory_space<vmem>>, vector<16xi32>,
        %gather3A_1604 = tpu.vector_load_idx %arg6[%get3A_1603] : memref<4000xf32, #tpu.memory_space<vmem>>[vector<16xi32>], vector<16xf32>,
        %add3A_1605 = arith.constant 1 : i32
        %add3A_1606 = vector.broadcast %add3A_1605 : i32 to vector<16xi32>
        %add3A_1607 = arith.addi %get3A_1603, %add3A_1606 : vector<16xi32>
        %gather3A_1608 = tpu.vector_load_idx %arg6[%add3A_1607] : memref<4000xf32, #tpu.memory_space<vmem>>[vector<16xi32>], vector<16xf32>,
        %get3A_1609 = arith.index_cast %add3A_1601 : i32 to index
        %get3A_1610 = tpu.vector_load %arg13[%get3A_1609] {strides = array<i32>} : memref<2048xi32, #tpu.memory_space<vmem>>, vector<16xi32>,
        %gather3A_1611 = tpu.vector_load_idx %arg10[%get3A_1610] : memref<128xf32, #tpu.memory_space<vmem>>[vector<16xi32>], vector<16xf32>,
        %lt3A_1612 = arith.constant 5.000000e-01 : f32
        %lt3A_1613 = vector.broadcast %lt3A_1612 : f32 to vector<16xf32>
        %lt3A_1614 = arith.cmpf olt, %gather3A_1611, %lt3A_1613 : vector<16xf32>
        %mul3A_1615 = arith.constant 3.000000e+01 : f32
        %mul3A_1616 = vector.broadcast %mul3A_1615 : f32 to vector<16xf32>
        %mul3A_1617 = arith.mulf %gather3A_1604, %mul3A_1616 : vector<16xf32>
        %sub3A_1618 = arith.constant 1.500000e+01 : f32
        %sub3A_1619 = vector.broadcast %sub3A_1618 : f32 to vector<16xf32>
        %sub3A_1620 = arith.subf %mul3A_1617, %sub3A_1619 : vector<16xf32>
        %mul3A_1621 = arith.constant 6.000000e+01 : f32
        %mul3A_1622 = vector.broadcast %mul3A_1621 : f32 to vector<16xf32>
        %mul3A_1623 = arith.mulf %gather3A_1608, %mul3A_1622 : vector<16xf32>
        %sub3A_1624 = arith.constant 3.000000e+01 : f32
        %sub3A_1625 = vector.broadcast %sub3A_1624 : f32 to vector<16xf32>
        %sub3A_1626 = arith.subf %mul3A_1623, %sub3A_1625 : vector<16xf32>
        %mul3A_1627 = arith.mulf %sub3A_1620, %sub3A_1620 : vector<16xf32>
        %mul3A_1628 = arith.mulf %sub3A_1626, %sub3A_1626 : vector<16xf32>
        %add3A_1629 = arith.addf %mul3A_1627, %mul3A_1628 : vector<16xf32>
        %jit3A_1630 = arith.constant 1.000000e+30 : f32
        %broadcast_in_dim3A_1631 = vector.broadcast %jit3A_1630 : f32 to vector<16xf32>
        %select_n3A_1632 = arith.select %lt3A_1614, %broadcast_in_dim3A_1631, %add3A_1629 : vector<16xi1>, vector<16xf32>
        %add3A_1633 = vector.broadcast %add3A_1601 : i32 to vector<16xi32>
        %add3A_1634 = arith.addi %add3A_1633, %iota3A : vector<16xi32>
        %mul3A_1635 = vector.broadcast %mul3A_444 : f32 to vector<16xf32>
        %mul3A_1636 = arith.mulf %sub3A_1620, %mul3A_1635 : vector<16xf32>
        %add3A_1637 = arith.addf %mul3A_1636, %select_n3A_1632 : vector<16xf32>
        %mul3A_1638 = vector.broadcast %mul3A_446 : f32 to vector<16xf32>
        %mul3A_1639 = arith.mulf %sub3A_1626, %mul3A_1638 : vector<16xf32>
        %add3A_1640 = arith.addf %mul3A_1639, %add3A_1637 : vector<16xf32>
        %lt3A_1641 = arith.cmpf olt, %add3A_1640, %select_n3A_1551 : vector<16xf32>
        %select_n3A_1642 = arith.select %lt3A_1641, %add3A_1640, %select_n3A_1551 : vector<16xi1>, vector<16xf32>
        %select_n3A_1643 = arith.select %lt3A_1641, %add3A_1634, %select_n3A_1552 : vector<16xi1>, vector<16xi32>
        %mul3A_1644 = vector.broadcast %mul3A_454 : f32 to vector<16xf32>
        %mul3A_1645 = arith.mulf %sub3A_1620, %mul3A_1644 : vector<16xf32>
        %add3A_1646 = arith.addf %mul3A_1645, %select_n3A_1632 : vector<16xf32>
        %mul3A_1647 = vector.broadcast %mul3A_456 : f32 to vector<16xf32>
        %mul3A_1648 = arith.mulf %sub3A_1626, %mul3A_1647 : vector<16xf32>
        %add3A_1649 = arith.addf %mul3A_1648, %add3A_1646 : vector<16xf32>
        %lt3A_1650 = arith.cmpf olt, %add3A_1649, %select_n3A_1560 : vector<16xf32>
        %select_n3A_1651 = arith.select %lt3A_1650, %add3A_1649, %select_n3A_1560 : vector<16xi1>, vector<16xf32>
        %select_n3A_1652 = arith.select %lt3A_1650, %add3A_1634, %select_n3A_1561 : vector<16xi1>, vector<16xi32>
        %mul3A_1653 = vector.broadcast %mul3A_464 : f32 to vector<16xf32>
        %mul3A_1654 = arith.mulf %sub3A_1620, %mul3A_1653 : vector<16xf32>
        %add3A_1655 = arith.addf %mul3A_1654, %select_n3A_1632 : vector<16xf32>
        %mul3A_1656 = vector.broadcast %mul3A_466 : f32 to vector<16xf32>
        %mul3A_1657 = arith.mulf %sub3A_1626, %mul3A_1656 : vector<16xf32>
        %add3A_1658 = arith.addf %mul3A_1657, %add3A_1655 : vector<16xf32>
        %lt3A_1659 = arith.cmpf olt, %add3A_1658, %select_n3A_1569 : vector<16xf32>
        %select_n3A_1660 = arith.select %lt3A_1659, %add3A_1658, %select_n3A_1569 : vector<16xi1>, vector<16xf32>
        %select_n3A_1661 = arith.select %lt3A_1659, %add3A_1634, %select_n3A_1570 : vector<16xi1>, vector<16xi32>
        %mul3A_1662 = vector.broadcast %mul3A_474 : f32 to vector<16xf32>
        %mul3A_1663 = arith.mulf %sub3A_1620, %mul3A_1662 : vector<16xf32>
        %add3A_1664 = arith.addf %mul3A_1663, %select_n3A_1632 : vector<16xf32>
        %mul3A_1665 = vector.broadcast %mul3A_476 : f32 to vector<16xf32>
        %mul3A_1666 = arith.mulf %sub3A_1626, %mul3A_1665 : vector<16xf32>
        %add3A_1667 = arith.addf %mul3A_1666, %add3A_1664 : vector<16xf32>
        %lt3A_1668 = arith.cmpf olt, %add3A_1667, %select_n3A_1578 : vector<16xf32>
        %select_n3A_1669 = arith.select %lt3A_1668, %add3A_1667, %select_n3A_1578 : vector<16xi1>, vector<16xf32>
        %select_n3A_1670 = arith.select %lt3A_1668, %add3A_1634, %select_n3A_1579 : vector<16xi1>, vector<16xi32>
        %mul3A_1671 = vector.broadcast %mul3A_484 : f32 to vector<16xf32>
        %mul3A_1672 = arith.mulf %sub3A_1620, %mul3A_1671 : vector<16xf32>
        %add3A_1673 = arith.addf %mul3A_1672, %select_n3A_1632 : vector<16xf32>
        %mul3A_1674 = vector.broadcast %mul3A_486 : f32 to vector<16xf32>
        %mul3A_1675 = arith.mulf %sub3A_1626, %mul3A_1674 : vector<16xf32>
        %add3A_1676 = arith.addf %mul3A_1675, %add3A_1673 : vector<16xf32>
        %lt3A_1677 = arith.cmpf olt, %add3A_1676, %select_n3A_1587 : vector<16xf32>
        %select_n3A_1678 = arith.select %lt3A_1677, %add3A_1676, %select_n3A_1587 : vector<16xi1>, vector<16xf32>
        %select_n3A_1679 = arith.select %lt3A_1677, %add3A_1634, %select_n3A_1588 : vector<16xi1>, vector<16xi32>
        %mul3A_1680 = vector.broadcast %mul3A_494 : f32 to vector<16xf32>
        %mul3A_1681 = arith.mulf %sub3A_1620, %mul3A_1680 : vector<16xf32>
        %add3A_1682 = arith.addf %mul3A_1681, %select_n3A_1632 : vector<16xf32>
        %mul3A_1683 = vector.broadcast %mul3A_496 : f32 to vector<16xf32>
        %mul3A_1684 = arith.mulf %sub3A_1626, %mul3A_1683 : vector<16xf32>
        %add3A_1685 = arith.addf %mul3A_1684, %add3A_1682 : vector<16xf32>
        %lt3A_1686 = arith.cmpf olt, %add3A_1685, %select_n3A_1596 : vector<16xf32>
        %select_n3A_1687 = arith.select %lt3A_1686, %add3A_1685, %select_n3A_1596 : vector<16xi1>, vector<16xf32>
        %select_n3A_1688 = arith.select %lt3A_1686, %add3A_1634, %select_n3A_1597 : vector<16xi1>, vector<16xi32>
        scf.yield %select_n3A_1642, %select_n3A_1651, %select_n3A_1660, %select_n3A_1669, %select_n3A_1678, %select_n3A_1687, %select_n3A_1643, %select_n3A_1652, %select_n3A_1661, %select_n3A_1670, %select_n3A_1679, %select_n3A_1688 : vector<16xf32>, vector<16xf32>, vector<16xf32>, vector<16xf32>, vector<16xf32>, vector<16xf32>, vector<16xi32>, vector<16xi32>, vector<16xi32>, vector<16xi32>, vector<16xi32>, vector<16xi32>
      }
      %scan3A_506 = arith.constant 64 : i32
      %broadcast_in_dim3A_507 = arith.constant 0 : i32
      %broadcast_in_dim3A_508 = vector.broadcast %broadcast_in_dim3A_507 : i32 to vector<16xi32>
      %reduce_min3A_509 = arith.constant true
      %reduce_min3A_510 = vector.broadcast %reduce_min3A_509 : i1 to vector<16xi1>
      %reduce_min3A_511 = tpu.scan <min>, %scan3A_505#0 masked %reduce_min3A_510 : vector<16xf32>, vector<16xi1> -> vector<16xf32>
      %reduce_min3A_512 = vector.extract %reduce_min3A_511[15] : f32 from vector<16xf32>
      %eq3A_513 = vector.broadcast %reduce_min3A_512 : f32 to vector<16xf32>
      %eq3A_514 = arith.cmpf oeq, %scan3A_505#0, %eq3A_513 : vector<16xf32>
      %jit3A_515 = arith.constant 2147483647 : i32
      %broadcast_in_dim3A_516 = vector.broadcast %jit3A_515 : i32 to vector<16xi32>
      %select_n3A_517 = arith.select %eq3A_514, %scan3A_505#6, %broadcast_in_dim3A_516 : vector<16xi1>, vector<16xi32>
      %reduce_min3A_518 = arith.constant true
      %reduce_min3A_519 = vector.broadcast %reduce_min3A_518 : i1 to vector<16xi1>
      %reduce_min3A_520 = arith.constant -2147483648 : i32
      %reduce_min3A_521 = vector.broadcast %reduce_min3A_520 : i32 to vector<16xi32>
      %reduce_min3A_522 = arith.xori %select_n3A_517, %reduce_min3A_521 : vector<16xi32>
      %reduce_min3A_523 = tpu.scan <min>, %reduce_min3A_522 masked %reduce_min3A_519 : vector<16xi32>, vector<16xi1> -> vector<16xi32>
      %reduce_min3A_524 = arith.xori %reduce_min3A_523, %reduce_min3A_521 : vector<16xi32>
      %reduce_min3A_525 = vector.extract %reduce_min3A_524[15] : i32 from vector<16xi32>
      %rem3A_526 = arith.constant 20 : i32
      %rem3A_527 = arith.remsi %reduce_min3A_525, %rem3A_526 : i32
      %eq3A_528 = arith.constant 19 : i32
      %eq3A_529 = arith.cmpi eq, %rem3A_527, %eq3A_528 : i32
      %sub3A_530 = arith.constant 1 : i32
      %sub3A_531 = arith.subi %reduce_min3A_525, %sub3A_530 : i32
      %add3A_532 = arith.constant 1 : i32
      %add3A_533 = arith.addi %reduce_min3A_525, %add3A_532 : i32
      %select_n3A_534 = arith.select %eq3A_529, %sub3A_531, %add3A_533 : i32
      %eq3A_535 = arith.constant 0 : i32
      %eq3A_536 = vector.broadcast %eq3A_535 : i32 to vector<16xi32>
      %eq3A_537 = arith.cmpi eq, %iota3A, %eq3A_536 : vector<16xi32>
      %broadcast_in_dim3A_538 = vector.broadcast %reduce_min3A_525 : i32 to vector<16xi32>
      %select_n3A_539 = arith.select %eq3A_537, %broadcast_in_dim3A_538, %broadcast_in_dim3A_508 : vector<16xi1>, vector<16xi32>
      %eq3A_540 = arith.constant 8 : i32
      %eq3A_541 = vector.broadcast %eq3A_540 : i32 to vector<16xi32>
      %eq3A_542 = arith.cmpi eq, %iota3A, %eq3A_541 : vector<16xi32>
      %broadcast_in_dim3A_543 = vector.broadcast %select_n3A_534 : i32 to vector<16xi32>
      %select_n3A_544 = arith.select %eq3A_542, %broadcast_in_dim3A_543, %select_n3A_539 : vector<16xi1>, vector<16xi32>
      %reduce_min3A_545 = arith.constant true
      %reduce_min3A_546 = vector.broadcast %reduce_min3A_545 : i1 to vector<16xi1>
      %reduce_min3A_547 = tpu.scan <min>, %scan3A_505#1 masked %reduce_min3A_546 : vector<16xf32>, vector<16xi1> -> vector<16xf32>
      %reduce_min3A_548 = vector.extract %reduce_min3A_547[15] : f32 from vector<16xf32>
      %eq3A_549 = vector.broadcast %reduce_min3A_548 : f32 to vector<16xf32>
      %eq3A_550 = arith.cmpf oeq, %scan3A_505#1, %eq3A_549 : vector<16xf32>
      %jit3A_551 = arith.constant 2147483647 : i32
      %broadcast_in_dim3A_552 = vector.broadcast %jit3A_551 : i32 to vector<16xi32>
      %select_n3A_553 = arith.select %eq3A_550, %scan3A_505#7, %broadcast_in_dim3A_552 : vector<16xi1>, vector<16xi32>
      %reduce_min3A_554 = arith.constant true
      %reduce_min3A_555 = vector.broadcast %reduce_min3A_554 : i1 to vector<16xi1>
      %reduce_min3A_556 = arith.constant -2147483648 : i32
      %reduce_min3A_557 = vector.broadcast %reduce_min3A_556 : i32 to vector<16xi32>
      %reduce_min3A_558 = arith.xori %select_n3A_553, %reduce_min3A_557 : vector<16xi32>
      %reduce_min3A_559 = tpu.scan <min>, %reduce_min3A_558 masked %reduce_min3A_555 : vector<16xi32>, vector<16xi1> -> vector<16xi32>
      %reduce_min3A_560 = arith.xori %reduce_min3A_559, %reduce_min3A_557 : vector<16xi32>
      %reduce_min3A_561 = vector.extract %reduce_min3A_560[15] : i32 from vector<16xi32>
      %rem3A_562 = arith.constant 20 : i32
      %rem3A_563 = arith.remsi %reduce_min3A_561, %rem3A_562 : i32
      %eq3A_564 = arith.constant 19 : i32
      %eq3A_565 = arith.cmpi eq, %rem3A_563, %eq3A_564 : i32
      %sub3A_566 = arith.constant 1 : i32
      %sub3A_567 = arith.subi %reduce_min3A_561, %sub3A_566 : i32
      %add3A_568 = arith.constant 1 : i32
      %add3A_569 = arith.addi %reduce_min3A_561, %add3A_568 : i32
      %select_n3A_570 = arith.select %eq3A_565, %sub3A_567, %add3A_569 : i32
      %eq3A_571 = arith.constant 1 : i32
      %eq3A_572 = vector.broadcast %eq3A_571 : i32 to vector<16xi32>
      %eq3A_573 = arith.cmpi eq, %iota3A, %eq3A_572 : vector<16xi32>
      %broadcast_in_dim3A_574 = vector.broadcast %reduce_min3A_561 : i32 to vector<16xi32>
      %select_n3A_575 = arith.select %eq3A_573, %broadcast_in_dim3A_574, %select_n3A_544 : vector<16xi1>, vector<16xi32>
      %eq3A_576 = arith.constant 9 : i32
      %eq3A_577 = vector.broadcast %eq3A_576 : i32 to vector<16xi32>
      %eq3A_578 = arith.cmpi eq, %iota3A, %eq3A_577 : vector<16xi32>
      %broadcast_in_dim3A_579 = vector.broadcast %select_n3A_570 : i32 to vector<16xi32>
      %select_n3A_580 = arith.select %eq3A_578, %broadcast_in_dim3A_579, %select_n3A_575 : vector<16xi1>, vector<16xi32>
      %reduce_min3A_581 = arith.constant true
      %reduce_min3A_582 = vector.broadcast %reduce_min3A_581 : i1 to vector<16xi1>
      %reduce_min3A_583 = tpu.scan <min>, %scan3A_505#2 masked %reduce_min3A_582 : vector<16xf32>, vector<16xi1> -> vector<16xf32>
      %reduce_min3A_584 = vector.extract %reduce_min3A_583[15] : f32 from vector<16xf32>
      %eq3A_585 = vector.broadcast %reduce_min3A_584 : f32 to vector<16xf32>
      %eq3A_586 = arith.cmpf oeq, %scan3A_505#2, %eq3A_585 : vector<16xf32>
      %jit3A_587 = arith.constant 2147483647 : i32
      %broadcast_in_dim3A_588 = vector.broadcast %jit3A_587 : i32 to vector<16xi32>
      %select_n3A_589 = arith.select %eq3A_586, %scan3A_505#8, %broadcast_in_dim3A_588 : vector<16xi1>, vector<16xi32>
      %reduce_min3A_590 = arith.constant true
      %reduce_min3A_591 = vector.broadcast %reduce_min3A_590 : i1 to vector<16xi1>
      %reduce_min3A_592 = arith.constant -2147483648 : i32
      %reduce_min3A_593 = vector.broadcast %reduce_min3A_592 : i32 to vector<16xi32>
      %reduce_min3A_594 = arith.xori %select_n3A_589, %reduce_min3A_593 : vector<16xi32>
      %reduce_min3A_595 = tpu.scan <min>, %reduce_min3A_594 masked %reduce_min3A_591 : vector<16xi32>, vector<16xi1> -> vector<16xi32>
      %reduce_min3A_596 = arith.xori %reduce_min3A_595, %reduce_min3A_593 : vector<16xi32>
      %reduce_min3A_597 = vector.extract %reduce_min3A_596[15] : i32 from vector<16xi32>
      %rem3A_598 = arith.constant 20 : i32
      %rem3A_599 = arith.remsi %reduce_min3A_597, %rem3A_598 : i32
      %eq3A_600 = arith.constant 19 : i32
      %eq3A_601 = arith.cmpi eq, %rem3A_599, %eq3A_600 : i32
      %sub3A_602 = arith.constant 1 : i32
      %sub3A_603 = arith.subi %reduce_min3A_597, %sub3A_602 : i32
      %add3A_604 = arith.constant 1 : i32
      %add3A_605 = arith.addi %reduce_min3A_597, %add3A_604 : i32
      %select_n3A_606 = arith.select %eq3A_601, %sub3A_603, %add3A_605 : i32
      %eq3A_607 = arith.constant 2 : i32
      %eq3A_608 = vector.broadcast %eq3A_607 : i32 to vector<16xi32>
      %eq3A_609 = arith.cmpi eq, %iota3A, %eq3A_608 : vector<16xi32>
      %broadcast_in_dim3A_610 = vector.broadcast %reduce_min3A_597 : i32 to vector<16xi32>
      %select_n3A_611 = arith.select %eq3A_609, %broadcast_in_dim3A_610, %select_n3A_580 : vector<16xi1>, vector<16xi32>
      %eq3A_612 = arith.constant 10 : i32
      %eq3A_613 = vector.broadcast %eq3A_612 : i32 to vector<16xi32>
      %eq3A_614 = arith.cmpi eq, %iota3A, %eq3A_613 : vector<16xi32>
      %broadcast_in_dim3A_615 = vector.broadcast %select_n3A_606 : i32 to vector<16xi32>
      %select_n3A_616 = arith.select %eq3A_614, %broadcast_in_dim3A_615, %select_n3A_611 : vector<16xi1>, vector<16xi32>
      %reduce_min3A_617 = arith.constant true
      %reduce_min3A_618 = vector.broadcast %reduce_min3A_617 : i1 to vector<16xi1>
      %reduce_min3A_619 = tpu.scan <min>, %scan3A_505#3 masked %reduce_min3A_618 : vector<16xf32>, vector<16xi1> -> vector<16xf32>
      %reduce_min3A_620 = vector.extract %reduce_min3A_619[15] : f32 from vector<16xf32>
      %eq3A_621 = vector.broadcast %reduce_min3A_620 : f32 to vector<16xf32>
      %eq3A_622 = arith.cmpf oeq, %scan3A_505#3, %eq3A_621 : vector<16xf32>
      %jit3A_623 = arith.constant 2147483647 : i32
      %broadcast_in_dim3A_624 = vector.broadcast %jit3A_623 : i32 to vector<16xi32>
      %select_n3A_625 = arith.select %eq3A_622, %scan3A_505#9, %broadcast_in_dim3A_624 : vector<16xi1>, vector<16xi32>
      %reduce_min3A_626 = arith.constant true
      %reduce_min3A_627 = vector.broadcast %reduce_min3A_626 : i1 to vector<16xi1>
      %reduce_min3A_628 = arith.constant -2147483648 : i32
      %reduce_min3A_629 = vector.broadcast %reduce_min3A_628 : i32 to vector<16xi32>
      %reduce_min3A_630 = arith.xori %select_n3A_625, %reduce_min3A_629 : vector<16xi32>
      %reduce_min3A_631 = tpu.scan <min>, %reduce_min3A_630 masked %reduce_min3A_627 : vector<16xi32>, vector<16xi1> -> vector<16xi32>
      %reduce_min3A_632 = arith.xori %reduce_min3A_631, %reduce_min3A_629 : vector<16xi32>
      %reduce_min3A_633 = vector.extract %reduce_min3A_632[15] : i32 from vector<16xi32>
      %rem3A_634 = arith.constant 20 : i32
      %rem3A_635 = arith.remsi %reduce_min3A_633, %rem3A_634 : i32
      %eq3A_636 = arith.constant 19 : i32
      %eq3A_637 = arith.cmpi eq, %rem3A_635, %eq3A_636 : i32
      %sub3A_638 = arith.constant 1 : i32
      %sub3A_639 = arith.subi %reduce_min3A_633, %sub3A_638 : i32
      %add3A_640 = arith.constant 1 : i32
      %add3A_641 = arith.addi %reduce_min3A_633, %add3A_640 : i32
      %select_n3A_642 = arith.select %eq3A_637, %sub3A_639, %add3A_641 : i32
      %eq3A_643 = arith.constant 3 : i32
      %eq3A_644 = vector.broadcast %eq3A_643 : i32 to vector<16xi32>
      %eq3A_645 = arith.cmpi eq, %iota3A, %eq3A_644 : vector<16xi32>
      %broadcast_in_dim3A_646 = vector.broadcast %reduce_min3A_633 : i32 to vector<16xi32>
      %select_n3A_647 = arith.select %eq3A_645, %broadcast_in_dim3A_646, %select_n3A_616 : vector<16xi1>, vector<16xi32>
      %eq3A_648 = arith.constant 11 : i32
      %eq3A_649 = vector.broadcast %eq3A_648 : i32 to vector<16xi32>
      %eq3A_650 = arith.cmpi eq, %iota3A, %eq3A_649 : vector<16xi32>
      %broadcast_in_dim3A_651 = vector.broadcast %select_n3A_642 : i32 to vector<16xi32>
      %select_n3A_652 = arith.select %eq3A_650, %broadcast_in_dim3A_651, %select_n3A_647 : vector<16xi1>, vector<16xi32>
      %reduce_min3A_653 = arith.constant true
      %reduce_min3A_654 = vector.broadcast %reduce_min3A_653 : i1 to vector<16xi1>
      %reduce_min3A_655 = tpu.scan <min>, %scan3A_505#4 masked %reduce_min3A_654 : vector<16xf32>, vector<16xi1> -> vector<16xf32>
      %reduce_min3A_656 = vector.extract %reduce_min3A_655[15] : f32 from vector<16xf32>
      %eq3A_657 = vector.broadcast %reduce_min3A_656 : f32 to vector<16xf32>
      %eq3A_658 = arith.cmpf oeq, %scan3A_505#4, %eq3A_657 : vector<16xf32>
      %jit3A_659 = arith.constant 2147483647 : i32
      %broadcast_in_dim3A_660 = vector.broadcast %jit3A_659 : i32 to vector<16xi32>
      %select_n3A_661 = arith.select %eq3A_658, %scan3A_505#10, %broadcast_in_dim3A_660 : vector<16xi1>, vector<16xi32>
      %reduce_min3A_662 = arith.constant true
      %reduce_min3A_663 = vector.broadcast %reduce_min3A_662 : i1 to vector<16xi1>
      %reduce_min3A_664 = arith.constant -2147483648 : i32
      %reduce_min3A_665 = vector.broadcast %reduce_min3A_664 : i32 to vector<16xi32>
      %reduce_min3A_666 = arith.xori %select_n3A_661, %reduce_min3A_665 : vector<16xi32>
      %reduce_min3A_667 = tpu.scan <min>, %reduce_min3A_666 masked %reduce_min3A_663 : vector<16xi32>, vector<16xi1> -> vector<16xi32>
      %reduce_min3A_668 = arith.xori %reduce_min3A_667, %reduce_min3A_665 : vector<16xi32>
      %reduce_min3A_669 = vector.extract %reduce_min3A_668[15] : i32 from vector<16xi32>
      %rem3A_670 = arith.constant 20 : i32
      %rem3A_671 = arith.remsi %reduce_min3A_669, %rem3A_670 : i32
      %eq3A_672 = arith.constant 19 : i32
      %eq3A_673 = arith.cmpi eq, %rem3A_671, %eq3A_672 : i32
      %sub3A_674 = arith.constant 1 : i32
      %sub3A_675 = arith.subi %reduce_min3A_669, %sub3A_674 : i32
      %add3A_676 = arith.constant 1 : i32
      %add3A_677 = arith.addi %reduce_min3A_669, %add3A_676 : i32
      %select_n3A_678 = arith.select %eq3A_673, %sub3A_675, %add3A_677 : i32
      %eq3A_679 = arith.constant 4 : i32
      %eq3A_680 = vector.broadcast %eq3A_679 : i32 to vector<16xi32>
      %eq3A_681 = arith.cmpi eq, %iota3A, %eq3A_680 : vector<16xi32>
      %broadcast_in_dim3A_682 = vector.broadcast %reduce_min3A_669 : i32 to vector<16xi32>
      %select_n3A_683 = arith.select %eq3A_681, %broadcast_in_dim3A_682, %select_n3A_652 : vector<16xi1>, vector<16xi32>
      %eq3A_684 = arith.constant 12 : i32
      %eq3A_685 = vector.broadcast %eq3A_684 : i32 to vector<16xi32>
      %eq3A_686 = arith.cmpi eq, %iota3A, %eq3A_685 : vector<16xi32>
      %broadcast_in_dim3A_687 = vector.broadcast %select_n3A_678 : i32 to vector<16xi32>
      %select_n3A_688 = arith.select %eq3A_686, %broadcast_in_dim3A_687, %select_n3A_683 : vector<16xi1>, vector<16xi32>
      %reduce_min3A_689 = arith.constant true
      %reduce_min3A_690 = vector.broadcast %reduce_min3A_689 : i1 to vector<16xi1>
      %reduce_min3A_691 = tpu.scan <min>, %scan3A_505#5 masked %reduce_min3A_690 : vector<16xf32>, vector<16xi1> -> vector<16xf32>
      %reduce_min3A_692 = vector.extract %reduce_min3A_691[15] : f32 from vector<16xf32>
      %eq3A_693 = vector.broadcast %reduce_min3A_692 : f32 to vector<16xf32>
      %eq3A_694 = arith.cmpf oeq, %scan3A_505#5, %eq3A_693 : vector<16xf32>
      %jit3A_695 = arith.constant 2147483647 : i32
      %broadcast_in_dim3A_696 = vector.broadcast %jit3A_695 : i32 to vector<16xi32>
      %select_n3A_697 = arith.select %eq3A_694, %scan3A_505#11, %broadcast_in_dim3A_696 : vector<16xi1>, vector<16xi32>
      %reduce_min3A_698 = arith.constant true
      %reduce_min3A_699 = vector.broadcast %reduce_min3A_698 : i1 to vector<16xi1>
      %reduce_min3A_700 = arith.constant -2147483648 : i32
      %reduce_min3A_701 = vector.broadcast %reduce_min3A_700 : i32 to vector<16xi32>
      %reduce_min3A_702 = arith.xori %select_n3A_697, %reduce_min3A_701 : vector<16xi32>
      %reduce_min3A_703 = tpu.scan <min>, %reduce_min3A_702 masked %reduce_min3A_699 : vector<16xi32>, vector<16xi1> -> vector<16xi32>
      %reduce_min3A_704 = arith.xori %reduce_min3A_703, %reduce_min3A_701 : vector<16xi32>
      %reduce_min3A_705 = vector.extract %reduce_min3A_704[15] : i32 from vector<16xi32>
      %rem3A_706 = arith.constant 20 : i32
      %rem3A_707 = arith.remsi %reduce_min3A_705, %rem3A_706 : i32
      %eq3A_708 = arith.constant 19 : i32
      %eq3A_709 = arith.cmpi eq, %rem3A_707, %eq3A_708 : i32
      %sub3A_710 = arith.constant 1 : i32
      %sub3A_711 = arith.subi %reduce_min3A_705, %sub3A_710 : i32
      %add3A_712 = arith.constant 1 : i32
      %add3A_713 = arith.addi %reduce_min3A_705, %add3A_712 : i32
      %select_n3A_714 = arith.select %eq3A_709, %sub3A_711, %add3A_713 : i32
      %eq3A_715 = arith.constant 5 : i32
      %eq3A_716 = vector.broadcast %eq3A_715 : i32 to vector<16xi32>
      %eq3A_717 = arith.cmpi eq, %iota3A, %eq3A_716 : vector<16xi32>
      %broadcast_in_dim3A_718 = vector.broadcast %reduce_min3A_705 : i32 to vector<16xi32>
      %select_n3A_719 = arith.select %eq3A_717, %broadcast_in_dim3A_718, %select_n3A_688 : vector<16xi1>, vector<16xi32>
      %eq3A_720 = arith.constant 13 : i32
      %eq3A_721 = vector.broadcast %eq3A_720 : i32 to vector<16xi32>
      %eq3A_722 = arith.cmpi eq, %iota3A, %eq3A_721 : vector<16xi32>
      %broadcast_in_dim3A_723 = vector.broadcast %select_n3A_714 : i32 to vector<16xi32>
      %select_n3A_724 = arith.select %eq3A_722, %broadcast_in_dim3A_723, %select_n3A_719 : vector<16xi1>, vector<16xi32>
      %mul3A_725 = arith.constant 2 : i32
      %mul3A_726 = vector.broadcast %mul3A_725 : i32 to vector<16xi32>
      %mul3A_727 = arith.muli %select_n3A_724, %mul3A_726 : vector<16xi32>
      %gather3A_728 = tpu.vector_load_idx %arg6[%mul3A_727] : memref<4000xf32, #tpu.memory_space<vmem>>[vector<16xi32>], vector<16xf32>,
      %mul3A_729 = arith.constant 2 : i32
      %mul3A_730 = vector.broadcast %mul3A_729 : i32 to vector<16xi32>
      %mul3A_731 = arith.muli %select_n3A_724, %mul3A_730 : vector<16xi32>
      %add3A_732 = arith.constant 1 : i32
      %add3A_733 = vector.broadcast %add3A_732 : i32 to vector<16xi32>
      %add3A_734 = arith.addi %mul3A_731, %add3A_733 : vector<16xi32>
      %gather3A_735 = tpu.vector_load_idx %arg6[%add3A_734] : memref<4000xf32, #tpu.memory_space<vmem>>[vector<16xi32>], vector<16xf32>,
      %gather3A_736 = tpu.vector_load_idx %arg13[%select_n3A_724] : memref<2048xi32, #tpu.memory_space<vmem>>[vector<16xi32>], vector<16xi32>,
      %gather3A_737 = tpu.vector_load_idx %arg10[%gather3A_736] : memref<128xf32, #tpu.memory_space<vmem>>[vector<16xi32>], vector<16xf32>,
      %lt3A_738 = arith.constant 5.000000e-01 : f32
      %lt3A_739 = vector.broadcast %lt3A_738 : f32 to vector<16xf32>
      %lt3A_740 = arith.cmpf olt, %gather3A_737, %lt3A_739 : vector<16xf32>
      %mul3A_741 = arith.constant 3.000000e+01 : f32
      %mul3A_742 = vector.broadcast %mul3A_741 : f32 to vector<16xf32>
      %mul3A_743 = arith.mulf %gather3A_728, %mul3A_742 : vector<16xf32>
      %sub3A_744 = arith.constant 1.500000e+01 : f32
      %sub3A_745 = vector.broadcast %sub3A_744 : f32 to vector<16xf32>
      %sub3A_746 = arith.subf %mul3A_743, %sub3A_745 : vector<16xf32>
      %jit3A_747 = arith.constant 1.000000e+06 : f32
      %broadcast_in_dim3A_748 = vector.broadcast %jit3A_747 : f32 to vector<16xf32>
      %select_n3A_749 = arith.select %lt3A_740, %broadcast_in_dim3A_748, %sub3A_746 : vector<16xi1>, vector<16xf32>
      %mul3A_750 = arith.constant 6.000000e+01 : f32
      %mul3A_751 = vector.broadcast %mul3A_750 : f32 to vector<16xf32>
      %mul3A_752 = arith.mulf %gather3A_735, %mul3A_751 : vector<16xf32>
      %sub3A_753 = arith.constant 3.000000e+01 : f32
      %sub3A_754 = vector.broadcast %sub3A_753 : f32 to vector<16xf32>
      %sub3A_755 = arith.subf %mul3A_752, %sub3A_754 : vector<16xf32>
      %jit3A_756 = arith.constant 1.000000e+06 : f32
      %broadcast_in_dim3A_757 = vector.broadcast %jit3A_756 : f32 to vector<16xf32>
      %select_n3A_758 = arith.select %lt3A_740, %broadcast_in_dim3A_757, %sub3A_755 : vector<16xi1>, vector<16xf32>
      %mul3A_759 = arith.constant 32 : i32
      %mul3A_760 = arith.muli %add3A_410, %mul3A_759 : i32
      %swap3A_761 = arith.index_cast %mul3A_760 : i32 to index
      %swap3A_762 = tpu.vector_load %arg15[%swap3A_761] {strides = array<i32>} : memref<512xf32, #tpu.memory_space<vmem>>, vector<16xf32>,
      tpu.vector_store %arg15[%swap3A_761], %select_n3A_749 {strides = array<i32>} : memref<512xf32, #tpu.memory_space<vmem>>, vector<16xf32>,
      %mul3A_763 = arith.constant 32 : i32
      %mul3A_764 = arith.muli %add3A_410, %mul3A_763 : i32
      %add3A_765 = arith.constant 16 : i32
      %add3A_766 = arith.addi %mul3A_764, %add3A_765 : i32
      %swap3A_767 = arith.index_cast %add3A_766 : i32 to index
      %swap3A_768 = tpu.vector_load %arg15[%swap3A_767] {strides = array<i32>} : memref<512xf32, #tpu.memory_space<vmem>>, vector<16xf32>,
      tpu.vector_store %arg15[%swap3A_767], %select_n3A_758 {strides = array<i32>} : memref<512xf32, #tpu.memory_space<vmem>>, vector<16xf32>,
      %mul3A_769 = arith.constant 4 : i32
      %mul3A_770 = arith.muli %mul3A_769, %scan3A_59 : i32
      %add3A_771 = arith.constant 2 : i32
      %add3A_772 = arith.addi %mul3A_770, %add3A_771 : i32
      %add3A_773 = arith.addi %mul3A_2, %add3A_772 : i32
      %add3A_774 = arith.constant 3 : i32
      %add3A_775 = arith.addi %add3A_772, %add3A_774 : i32
      %lt3A_776 = arith.constant 16 : i32
      %lt3A_777 = arith.cmpi slt, %add3A_775, %lt3A_776 : i32
      %convert_element_type3A_778 = arith.extui %lt3A_777 : i1 to i32
      %cond3A_779 = arith.constant 0 : i32
      %cond3A_780 = arith.cmpi ne, %convert_element_type3A_778, %cond3A_779 : i32
      scf.if %cond3A_780 {
        %add3A_1494 = arith.addi %mul3A_2, %add3A_772 : i32
        %add3A_1495 = arith.constant 3 : i32
        %add3A_1496 = arith.addi %add3A_1494, %add3A_1495 : i32
        %dma_start3A_1497 = arith.constant 0 : i32
        %dma_start3A_1498 = tpu.memref_slice %arg2[%add3A_1496, %dma_start3A_1497] : memref<512x4000xf32, #tpu.memory_space<hbm>> -> memref<1x4000xf32, #tpu.memory_space<hbm>>
        %dma_start3A_1499 = tpu.memref_squeeze %dma_start3A_1498 : memref<1x4000xf32, #tpu.memory_space<hbm>> -> memref<4000xf32, #tpu.memory_space<hbm>>
        %dma_start3A_1500 = arith.constant 0 : i32
        %dma_start3A_1501 = tpu.memref_slice %arg2[%add3A_1496, %dma_start3A_1500] : memref<512x4000xf32, #tpu.memory_space<hbm>> -> memref<1x4000xf32, #tpu.memory_space<hbm>>
        %dma_start3A_1502 = tpu.memref_squeeze %dma_start3A_1501 : memref<1x4000xf32, #tpu.memory_space<hbm>> -> memref<4000xf32, #tpu.memory_space<hbm>>
        tpu.enqueue_dma source(%dma_start3A_1502 : memref<4000xf32, #tpu.memory_space<hbm>>) target(%arg6 : memref<4000xf32, #tpu.memory_space<vmem>>) target_semaphore(%arg17 : memref<!tpu.dma_semaphore, #tpu.memory_space<semaphore_mem>>)
        %dma_start3A_1503 = arith.constant 0 : i32
        %dma_start3A_1504 = tpu.memref_slice %arg3[%add3A_1496, %dma_start3A_1503] : memref<512x128xf32, #tpu.memory_space<hbm>> -> memref<1x128xf32, #tpu.memory_space<hbm>>
        %dma_start3A_1505 = tpu.memref_squeeze %dma_start3A_1504 : memref<1x128xf32, #tpu.memory_space<hbm>> -> memref<128xf32, #tpu.memory_space<hbm>>
        %dma_start3A_1506 = arith.constant 0 : i32
        %dma_start3A_1507 = tpu.memref_slice %arg3[%add3A_1496, %dma_start3A_1506] : memref<512x128xf32, #tpu.memory_space<hbm>> -> memref<1x128xf32, #tpu.memory_space<hbm>>
        %dma_start3A_1508 = tpu.memref_squeeze %dma_start3A_1507 : memref<1x128xf32, #tpu.memory_space<hbm>> -> memref<128xf32, #tpu.memory_space<hbm>>
        tpu.enqueue_dma source(%dma_start3A_1508 : memref<128xf32, #tpu.memory_space<hbm>>) target(%arg10 : memref<128xf32, #tpu.memory_space<vmem>>) target_semaphore(%arg17 : memref<!tpu.dma_semaphore, #tpu.memory_space<semaphore_mem>>)
      } else {
      }
      %dma_wait3A_781 = arith.constant 0 : i32
      %dma_wait3A_782 = tpu.memref_slice %arg2[%add3A_773, %dma_wait3A_781] : memref<512x4000xf32, #tpu.memory_space<hbm>> -> memref<1x4000xf32, #tpu.memory_space<hbm>>
      %dma_wait3A_783 = tpu.memref_squeeze %dma_wait3A_782 : memref<1x4000xf32, #tpu.memory_space<hbm>> -> memref<4000xf32, #tpu.memory_space<hbm>>
      %dma_wait3A_784 = arith.constant 0 : i32
      %dma_wait3A_785 = tpu.memref_slice %arg2[%add3A_773, %dma_wait3A_784] : memref<512x4000xf32, #tpu.memory_space<hbm>> -> memref<1x4000xf32, #tpu.memory_space<hbm>>
      %dma_wait3A_786 = tpu.memref_squeeze %dma_wait3A_785 : memref<1x4000xf32, #tpu.memory_space<hbm>> -> memref<4000xf32, #tpu.memory_space<hbm>>
      tpu.wait_dma2 semaphore(%arg18 : memref<!tpu.dma_semaphore, #tpu.memory_space<semaphore_mem>>) src(%dma_wait3A_786 : memref<4000xf32, #tpu.memory_space<hbm>>) dst(%arg7 : memref<4000xf32, #tpu.memory_space<vmem>>)
      %dma_wait3A_787 = arith.constant 0 : i32
      %dma_wait3A_788 = tpu.memref_slice %arg3[%add3A_773, %dma_wait3A_787] : memref<512x128xf32, #tpu.memory_space<hbm>> -> memref<1x128xf32, #tpu.memory_space<hbm>>
      %dma_wait3A_789 = tpu.memref_squeeze %dma_wait3A_788 : memref<1x128xf32, #tpu.memory_space<hbm>> -> memref<128xf32, #tpu.memory_space<hbm>>
      %dma_wait3A_790 = arith.constant 0 : i32
      %dma_wait3A_791 = tpu.memref_slice %arg3[%add3A_773, %dma_wait3A_790] : memref<512x128xf32, #tpu.memory_space<hbm>> -> memref<1x128xf32, #tpu.memory_space<hbm>>
      %dma_wait3A_792 = tpu.memref_squeeze %dma_wait3A_791 : memref<1x128xf32, #tpu.memory_space<hbm>> -> memref<128xf32, #tpu.memory_space<hbm>>
      tpu.wait_dma2 semaphore(%arg18 : memref<!tpu.dma_semaphore, #tpu.memory_space<semaphore_mem>>) src(%dma_wait3A_792 : memref<128xf32, #tpu.memory_space<hbm>>) dst(%arg11 : memref<128xf32, #tpu.memory_space<vmem>>)
      %get3A_793 = arith.constant 112 : index
      %get3A_794 = tpu.vector_load %arg11[%get3A_793] {strides = array<i32>} : memref<128xf32, #tpu.memory_space<vmem>>, vector<16xf32>,
      %slice3A_795 = vector.extract_strided_slice %get3A_794 {offsets = [0], sizes = [1], strides = [1]} : vector<16xf32> to vector<1xf32>
      %squeeze3A_796 = vector.extract %slice3A_795[0] : f32 from vector<1xf32>
      %mul3A_797 = arith.constant 0.000000e+00 : f32
      %mul3A_798 = arith.mulf %squeeze3A_796, %mul3A_797 : f32
      %slice3A_799 = vector.extract_strided_slice %get3A_794 {offsets = [0], sizes = [1], strides = [1]} : vector<16xf32> to vector<1xf32>
      %squeeze3A_800 = vector.extract %slice3A_799[0] : f32 from vector<1xf32>
      %add3A_801 = arith.addf %mul3A_798, %squeeze3A_800 : f32
      %slice3A_802 = vector.extract_strided_slice %get3A_794 {offsets = [1], sizes = [1], strides = [1]} : vector<16xf32> to vector<1xf32>
      %squeeze3A_803 = vector.extract %slice3A_802[0] : f32 from vector<1xf32>
      %add3A_804 = arith.addf %mul3A_798, %squeeze3A_803 : f32
      %mul3A_805 = arith.constant -2.000000e+00 : f32
      %mul3A_806 = arith.mulf %mul3A_805, %add3A_801 : f32
      %mul3A_807 = arith.constant -2.000000e+00 : f32
      %mul3A_808 = arith.mulf %mul3A_807, %add3A_804 : f32
      %slice3A_809 = vector.extract_strided_slice %get3A_794 {offsets = [2], sizes = [1], strides = [1]} : vector<16xf32> to vector<1xf32>
      %squeeze3A_810 = vector.extract %slice3A_809[0] : f32 from vector<1xf32>
      %add3A_811 = arith.addf %add3A_801, %squeeze3A_810 : f32
      %slice3A_812 = vector.extract_strided_slice %get3A_794 {offsets = [3], sizes = [1], strides = [1]} : vector<16xf32> to vector<1xf32>
      %squeeze3A_813 = vector.extract %slice3A_812[0] : f32 from vector<1xf32>
      %add3A_814 = arith.addf %add3A_804, %squeeze3A_813 : f32
      %mul3A_815 = arith.constant -2.000000e+00 : f32
      %mul3A_816 = arith.mulf %mul3A_815, %add3A_811 : f32
      %mul3A_817 = arith.constant -2.000000e+00 : f32
      %mul3A_818 = arith.mulf %mul3A_817, %add3A_814 : f32
      %slice3A_819 = vector.extract_strided_slice %get3A_794 {offsets = [4], sizes = [1], strides = [1]} : vector<16xf32> to vector<1xf32>
      %squeeze3A_820 = vector.extract %slice3A_819[0] : f32 from vector<1xf32>
      %add3A_821 = arith.addf %add3A_811, %squeeze3A_820 : f32
      %slice3A_822 = vector.extract_strided_slice %get3A_794 {offsets = [5], sizes = [1], strides = [1]} : vector<16xf32> to vector<1xf32>
      %squeeze3A_823 = vector.extract %slice3A_822[0] : f32 from vector<1xf32>
      %add3A_824 = arith.addf %add3A_814, %squeeze3A_823 : f32
      %mul3A_825 = arith.constant -2.000000e+00 : f32
      %mul3A_826 = arith.mulf %mul3A_825, %add3A_821 : f32
      %mul3A_827 = arith.constant -2.000000e+00 : f32
      %mul3A_828 = arith.mulf %mul3A_827, %add3A_824 : f32
      %slice3A_829 = vector.extract_strided_slice %get3A_794 {offsets = [6], sizes = [1], strides = [1]} : vector<16xf32> to vector<1xf32>
      %squeeze3A_830 = vector.extract %slice3A_829[0] : f32 from vector<1xf32>
      %add3A_831 = arith.addf %add3A_821, %squeeze3A_830 : f32
      %slice3A_832 = vector.extract_strided_slice %get3A_794 {offsets = [7], sizes = [1], strides = [1]} : vector<16xf32> to vector<1xf32>
      %squeeze3A_833 = vector.extract %slice3A_832[0] : f32 from vector<1xf32>
      %add3A_834 = arith.addf %add3A_824, %squeeze3A_833 : f32
      %mul3A_835 = arith.constant -2.000000e+00 : f32
      %mul3A_836 = arith.mulf %mul3A_835, %add3A_831 : f32
      %mul3A_837 = arith.constant -2.000000e+00 : f32
      %mul3A_838 = arith.mulf %mul3A_837, %add3A_834 : f32
      %slice3A_839 = vector.extract_strided_slice %get3A_794 {offsets = [8], sizes = [1], strides = [1]} : vector<16xf32> to vector<1xf32>
      %squeeze3A_840 = vector.extract %slice3A_839[0] : f32 from vector<1xf32>
      %add3A_841 = arith.addf %add3A_831, %squeeze3A_840 : f32
      %slice3A_842 = vector.extract_strided_slice %get3A_794 {offsets = [9], sizes = [1], strides = [1]} : vector<16xf32> to vector<1xf32>
      %squeeze3A_843 = vector.extract %slice3A_842[0] : f32 from vector<1xf32>
      %add3A_844 = arith.addf %add3A_834, %squeeze3A_843 : f32
      %mul3A_845 = arith.constant -2.000000e+00 : f32
      %mul3A_846 = arith.mulf %mul3A_845, %add3A_841 : f32
      %mul3A_847 = arith.constant -2.000000e+00 : f32
      %mul3A_848 = arith.mulf %mul3A_847, %add3A_844 : f32
      %slice3A_849 = vector.extract_strided_slice %get3A_794 {offsets = [10], sizes = [1], strides = [1]} : vector<16xf32> to vector<1xf32>
      %squeeze3A_850 = vector.extract %slice3A_849[0] : f32 from vector<1xf32>
      %add3A_851 = arith.addf %add3A_841, %squeeze3A_850 : f32
      %slice3A_852 = vector.extract_strided_slice %get3A_794 {offsets = [11], sizes = [1], strides = [1]} : vector<16xf32> to vector<1xf32>
      %squeeze3A_853 = vector.extract %slice3A_852[0] : f32 from vector<1xf32>
      %add3A_854 = arith.addf %add3A_844, %squeeze3A_853 : f32
      %mul3A_855 = arith.constant -2.000000e+00 : f32
      %mul3A_856 = arith.mulf %mul3A_855, %add3A_851 : f32
      %mul3A_857 = arith.constant -2.000000e+00 : f32
      %mul3A_858 = arith.mulf %mul3A_857, %add3A_854 : f32
      %broadcast_in_dim3A_859 = arith.constant 3.000000e+38 : f32
      %broadcast_in_dim3A_860 = vector.broadcast %broadcast_in_dim3A_859 : f32 to vector<16xf32>
      %broadcast_in_dim3A_861 = arith.constant 0 : i32
      %broadcast_in_dim3A_862 = vector.broadcast %broadcast_in_dim3A_861 : i32 to vector<16xi32>
      %scan3A_863 = arith.constant 0 : i32
      %scan3A_864 = arith.constant 64 : i32
      %scan3A_865 = arith.addi %scan3A_863, %scan3A_864 : i32
      %scan3A_866 = arith.constant 1 : i32
      %scan3A_867:12 = scf.for %scan3A_1494 = %scan3A_863 to %scan3A_865 step %scan3A_866 iter_args(%scan3A_1495 = %broadcast_in_dim3A_860, %scan3A_1496 = %broadcast_in_dim3A_860, %scan3A_1497 = %broadcast_in_dim3A_860, %scan3A_1498 = %broadcast_in_dim3A_860, %scan3A_1499 = %broadcast_in_dim3A_860, %scan3A_1500 = %broadcast_in_dim3A_860, %scan3A_1501 = %broadcast_in_dim3A_862, %scan3A_1502 = %broadcast_in_dim3A_862, %scan3A_1503 = %broadcast_in_dim3A_862, %scan3A_1504 = %broadcast_in_dim3A_862, %scan3A_1505 = %broadcast_in_dim3A_862, %scan3A_1506 = %broadcast_in_dim3A_862) -> (vector<16xf32>, vector<16xf32>, vector<16xf32>, vector<16xf32>, vector<16xf32>, vector<16xf32>, vector<16xi32>, vector<16xi32>, vector<16xi32>, vector<16xi32>, vector<16xi32>, vector<16xi32>)  : i32 {
        %mul3A_1507 = arith.constant 32 : i32
        %mul3A_1508 = arith.muli %scan3A_1494, %mul3A_1507 : i32
        %add3A_1509 = arith.constant 0 : i32
        %add3A_1510 = arith.addi %mul3A_1508, %add3A_1509 : i32
        %get3A_1511 = arith.index_cast %add3A_1510 : i32 to index
        %get3A_1512 = tpu.vector_load %arg14[%get3A_1511] {strides = array<i32>} : memref<2048xi32, #tpu.memory_space<vmem>>, vector<16xi32>,
        %gather3A_1513 = tpu.vector_load_idx %arg7[%get3A_1512] : memref<4000xf32, #tpu.memory_space<vmem>>[vector<16xi32>], vector<16xf32>,
        %add3A_1514 = arith.constant 1 : i32
        %add3A_1515 = vector.broadcast %add3A_1514 : i32 to vector<16xi32>
        %add3A_1516 = arith.addi %get3A_1512, %add3A_1515 : vector<16xi32>
        %gather3A_1517 = tpu.vector_load_idx %arg7[%add3A_1516] : memref<4000xf32, #tpu.memory_space<vmem>>[vector<16xi32>], vector<16xf32>,
        %get3A_1518 = arith.index_cast %add3A_1510 : i32 to index
        %get3A_1519 = tpu.vector_load %arg13[%get3A_1518] {strides = array<i32>} : memref<2048xi32, #tpu.memory_space<vmem>>, vector<16xi32>,
        %gather3A_1520 = tpu.vector_load_idx %arg11[%get3A_1519] : memref<128xf32, #tpu.memory_space<vmem>>[vector<16xi32>], vector<16xf32>,
        %lt3A_1521 = arith.constant 5.000000e-01 : f32
        %lt3A_1522 = vector.broadcast %lt3A_1521 : f32 to vector<16xf32>
        %lt3A_1523 = arith.cmpf olt, %gather3A_1520, %lt3A_1522 : vector<16xf32>
        %mul3A_1524 = arith.constant 3.000000e+01 : f32
        %mul3A_1525 = vector.broadcast %mul3A_1524 : f32 to vector<16xf32>
        %mul3A_1526 = arith.mulf %gather3A_1513, %mul3A_1525 : vector<16xf32>
        %sub3A_1527 = arith.constant 1.500000e+01 : f32
        %sub3A_1528 = vector.broadcast %sub3A_1527 : f32 to vector<16xf32>
        %sub3A_1529 = arith.subf %mul3A_1526, %sub3A_1528 : vector<16xf32>
        %mul3A_1530 = arith.constant 6.000000e+01 : f32
        %mul3A_1531 = vector.broadcast %mul3A_1530 : f32 to vector<16xf32>
        %mul3A_1532 = arith.mulf %gather3A_1517, %mul3A_1531 : vector<16xf32>
        %sub3A_1533 = arith.constant 3.000000e+01 : f32
        %sub3A_1534 = vector.broadcast %sub3A_1533 : f32 to vector<16xf32>
        %sub3A_1535 = arith.subf %mul3A_1532, %sub3A_1534 : vector<16xf32>
        %mul3A_1536 = arith.mulf %sub3A_1529, %sub3A_1529 : vector<16xf32>
        %mul3A_1537 = arith.mulf %sub3A_1535, %sub3A_1535 : vector<16xf32>
        %add3A_1538 = arith.addf %mul3A_1536, %mul3A_1537 : vector<16xf32>
        %jit3A_1539 = arith.constant 1.000000e+30 : f32
        %broadcast_in_dim3A_1540 = vector.broadcast %jit3A_1539 : f32 to vector<16xf32>
        %select_n3A_1541 = arith.select %lt3A_1523, %broadcast_in_dim3A_1540, %add3A_1538 : vector<16xi1>, vector<16xf32>
        %add3A_1542 = vector.broadcast %add3A_1510 : i32 to vector<16xi32>
        %add3A_1543 = arith.addi %add3A_1542, %iota3A : vector<16xi32>
        %mul3A_1544 = vector.broadcast %mul3A_806 : f32 to vector<16xf32>
        %mul3A_1545 = arith.mulf %sub3A_1529, %mul3A_1544 : vector<16xf32>
        %add3A_1546 = arith.addf %mul3A_1545, %select_n3A_1541 : vector<16xf32>
        %mul3A_1547 = vector.broadcast %mul3A_808 : f32 to vector<16xf32>
        %mul3A_1548 = arith.mulf %sub3A_1535, %mul3A_1547 : vector<16xf32>
        %add3A_1549 = arith.addf %mul3A_1548, %add3A_1546 : vector<16xf32>
        %lt3A_1550 = arith.cmpf olt, %add3A_1549, %scan3A_1495 : vector<16xf32>
        %select_n3A_1551 = arith.select %lt3A_1550, %add3A_1549, %scan3A_1495 : vector<16xi1>, vector<16xf32>
        %select_n3A_1552 = arith.select %lt3A_1550, %add3A_1543, %scan3A_1501 : vector<16xi1>, vector<16xi32>
        %mul3A_1553 = vector.broadcast %mul3A_816 : f32 to vector<16xf32>
        %mul3A_1554 = arith.mulf %sub3A_1529, %mul3A_1553 : vector<16xf32>
        %add3A_1555 = arith.addf %mul3A_1554, %select_n3A_1541 : vector<16xf32>
        %mul3A_1556 = vector.broadcast %mul3A_818 : f32 to vector<16xf32>
        %mul3A_1557 = arith.mulf %sub3A_1535, %mul3A_1556 : vector<16xf32>
        %add3A_1558 = arith.addf %mul3A_1557, %add3A_1555 : vector<16xf32>
        %lt3A_1559 = arith.cmpf olt, %add3A_1558, %scan3A_1496 : vector<16xf32>
        %select_n3A_1560 = arith.select %lt3A_1559, %add3A_1558, %scan3A_1496 : vector<16xi1>, vector<16xf32>
        %select_n3A_1561 = arith.select %lt3A_1559, %add3A_1543, %scan3A_1502 : vector<16xi1>, vector<16xi32>
        %mul3A_1562 = vector.broadcast %mul3A_826 : f32 to vector<16xf32>
        %mul3A_1563 = arith.mulf %sub3A_1529, %mul3A_1562 : vector<16xf32>
        %add3A_1564 = arith.addf %mul3A_1563, %select_n3A_1541 : vector<16xf32>
        %mul3A_1565 = vector.broadcast %mul3A_828 : f32 to vector<16xf32>
        %mul3A_1566 = arith.mulf %sub3A_1535, %mul3A_1565 : vector<16xf32>
        %add3A_1567 = arith.addf %mul3A_1566, %add3A_1564 : vector<16xf32>
        %lt3A_1568 = arith.cmpf olt, %add3A_1567, %scan3A_1497 : vector<16xf32>
        %select_n3A_1569 = arith.select %lt3A_1568, %add3A_1567, %scan3A_1497 : vector<16xi1>, vector<16xf32>
        %select_n3A_1570 = arith.select %lt3A_1568, %add3A_1543, %scan3A_1503 : vector<16xi1>, vector<16xi32>
        %mul3A_1571 = vector.broadcast %mul3A_836 : f32 to vector<16xf32>
        %mul3A_1572 = arith.mulf %sub3A_1529, %mul3A_1571 : vector<16xf32>
        %add3A_1573 = arith.addf %mul3A_1572, %select_n3A_1541 : vector<16xf32>
        %mul3A_1574 = vector.broadcast %mul3A_838 : f32 to vector<16xf32>
        %mul3A_1575 = arith.mulf %sub3A_1535, %mul3A_1574 : vector<16xf32>
        %add3A_1576 = arith.addf %mul3A_1575, %add3A_1573 : vector<16xf32>
        %lt3A_1577 = arith.cmpf olt, %add3A_1576, %scan3A_1498 : vector<16xf32>
        %select_n3A_1578 = arith.select %lt3A_1577, %add3A_1576, %scan3A_1498 : vector<16xi1>, vector<16xf32>
        %select_n3A_1579 = arith.select %lt3A_1577, %add3A_1543, %scan3A_1504 : vector<16xi1>, vector<16xi32>
        %mul3A_1580 = vector.broadcast %mul3A_846 : f32 to vector<16xf32>
        %mul3A_1581 = arith.mulf %sub3A_1529, %mul3A_1580 : vector<16xf32>
        %add3A_1582 = arith.addf %mul3A_1581, %select_n3A_1541 : vector<16xf32>
        %mul3A_1583 = vector.broadcast %mul3A_848 : f32 to vector<16xf32>
        %mul3A_1584 = arith.mulf %sub3A_1535, %mul3A_1583 : vector<16xf32>
        %add3A_1585 = arith.addf %mul3A_1584, %add3A_1582 : vector<16xf32>
        %lt3A_1586 = arith.cmpf olt, %add3A_1585, %scan3A_1499 : vector<16xf32>
        %select_n3A_1587 = arith.select %lt3A_1586, %add3A_1585, %scan3A_1499 : vector<16xi1>, vector<16xf32>
        %select_n3A_1588 = arith.select %lt3A_1586, %add3A_1543, %scan3A_1505 : vector<16xi1>, vector<16xi32>
        %mul3A_1589 = vector.broadcast %mul3A_856 : f32 to vector<16xf32>
        %mul3A_1590 = arith.mulf %sub3A_1529, %mul3A_1589 : vector<16xf32>
        %add3A_1591 = arith.addf %mul3A_1590, %select_n3A_1541 : vector<16xf32>
        %mul3A_1592 = vector.broadcast %mul3A_858 : f32 to vector<16xf32>
        %mul3A_1593 = arith.mulf %sub3A_1535, %mul3A_1592 : vector<16xf32>
        %add3A_1594 = arith.addf %mul3A_1593, %add3A_1591 : vector<16xf32>
        %lt3A_1595 = arith.cmpf olt, %add3A_1594, %scan3A_1500 : vector<16xf32>
        %select_n3A_1596 = arith.select %lt3A_1595, %add3A_1594, %scan3A_1500 : vector<16xi1>, vector<16xf32>
        %select_n3A_1597 = arith.select %lt3A_1595, %add3A_1543, %scan3A_1506 : vector<16xi1>, vector<16xi32>
        %mul3A_1598 = arith.constant 32 : i32
        %mul3A_1599 = arith.muli %scan3A_1494, %mul3A_1598 : i32
        %add3A_1600 = arith.constant 16 : i32
        %add3A_1601 = arith.addi %mul3A_1599, %add3A_1600 : i32
        %get3A_1602 = arith.index_cast %add3A_1601 : i32 to index
        %get3A_1603 = tpu.vector_load %arg14[%get3A_1602] {strides = array<i32>} : memref<2048xi32, #tpu.memory_space<vmem>>, vector<16xi32>,
        %gather3A_1604 = tpu.vector_load_idx %arg7[%get3A_1603] : memref<4000xf32, #tpu.memory_space<vmem>>[vector<16xi32>], vector<16xf32>,
        %add3A_1605 = arith.constant 1 : i32
        %add3A_1606 = vector.broadcast %add3A_1605 : i32 to vector<16xi32>
        %add3A_1607 = arith.addi %get3A_1603, %add3A_1606 : vector<16xi32>
        %gather3A_1608 = tpu.vector_load_idx %arg7[%add3A_1607] : memref<4000xf32, #tpu.memory_space<vmem>>[vector<16xi32>], vector<16xf32>,
        %get3A_1609 = arith.index_cast %add3A_1601 : i32 to index
        %get3A_1610 = tpu.vector_load %arg13[%get3A_1609] {strides = array<i32>} : memref<2048xi32, #tpu.memory_space<vmem>>, vector<16xi32>,
        %gather3A_1611 = tpu.vector_load_idx %arg11[%get3A_1610] : memref<128xf32, #tpu.memory_space<vmem>>[vector<16xi32>], vector<16xf32>,
        %lt3A_1612 = arith.constant 5.000000e-01 : f32
        %lt3A_1613 = vector.broadcast %lt3A_1612 : f32 to vector<16xf32>
        %lt3A_1614 = arith.cmpf olt, %gather3A_1611, %lt3A_1613 : vector<16xf32>
        %mul3A_1615 = arith.constant 3.000000e+01 : f32
        %mul3A_1616 = vector.broadcast %mul3A_1615 : f32 to vector<16xf32>
        %mul3A_1617 = arith.mulf %gather3A_1604, %mul3A_1616 : vector<16xf32>
        %sub3A_1618 = arith.constant 1.500000e+01 : f32
        %sub3A_1619 = vector.broadcast %sub3A_1618 : f32 to vector<16xf32>
        %sub3A_1620 = arith.subf %mul3A_1617, %sub3A_1619 : vector<16xf32>
        %mul3A_1621 = arith.constant 6.000000e+01 : f32
        %mul3A_1622 = vector.broadcast %mul3A_1621 : f32 to vector<16xf32>
        %mul3A_1623 = arith.mulf %gather3A_1608, %mul3A_1622 : vector<16xf32>
        %sub3A_1624 = arith.constant 3.000000e+01 : f32
        %sub3A_1625 = vector.broadcast %sub3A_1624 : f32 to vector<16xf32>
        %sub3A_1626 = arith.subf %mul3A_1623, %sub3A_1625 : vector<16xf32>
        %mul3A_1627 = arith.mulf %sub3A_1620, %sub3A_1620 : vector<16xf32>
        %mul3A_1628 = arith.mulf %sub3A_1626, %sub3A_1626 : vector<16xf32>
        %add3A_1629 = arith.addf %mul3A_1627, %mul3A_1628 : vector<16xf32>
        %jit3A_1630 = arith.constant 1.000000e+30 : f32
        %broadcast_in_dim3A_1631 = vector.broadcast %jit3A_1630 : f32 to vector<16xf32>
        %select_n3A_1632 = arith.select %lt3A_1614, %broadcast_in_dim3A_1631, %add3A_1629 : vector<16xi1>, vector<16xf32>
        %add3A_1633 = vector.broadcast %add3A_1601 : i32 to vector<16xi32>
        %add3A_1634 = arith.addi %add3A_1633, %iota3A : vector<16xi32>
        %mul3A_1635 = vector.broadcast %mul3A_806 : f32 to vector<16xf32>
        %mul3A_1636 = arith.mulf %sub3A_1620, %mul3A_1635 : vector<16xf32>
        %add3A_1637 = arith.addf %mul3A_1636, %select_n3A_1632 : vector<16xf32>
        %mul3A_1638 = vector.broadcast %mul3A_808 : f32 to vector<16xf32>
        %mul3A_1639 = arith.mulf %sub3A_1626, %mul3A_1638 : vector<16xf32>
        %add3A_1640 = arith.addf %mul3A_1639, %add3A_1637 : vector<16xf32>
        %lt3A_1641 = arith.cmpf olt, %add3A_1640, %select_n3A_1551 : vector<16xf32>
        %select_n3A_1642 = arith.select %lt3A_1641, %add3A_1640, %select_n3A_1551 : vector<16xi1>, vector<16xf32>
        %select_n3A_1643 = arith.select %lt3A_1641, %add3A_1634, %select_n3A_1552 : vector<16xi1>, vector<16xi32>
        %mul3A_1644 = vector.broadcast %mul3A_816 : f32 to vector<16xf32>
        %mul3A_1645 = arith.mulf %sub3A_1620, %mul3A_1644 : vector<16xf32>
        %add3A_1646 = arith.addf %mul3A_1645, %select_n3A_1632 : vector<16xf32>
        %mul3A_1647 = vector.broadcast %mul3A_818 : f32 to vector<16xf32>
        %mul3A_1648 = arith.mulf %sub3A_1626, %mul3A_1647 : vector<16xf32>
        %add3A_1649 = arith.addf %mul3A_1648, %add3A_1646 : vector<16xf32>
        %lt3A_1650 = arith.cmpf olt, %add3A_1649, %select_n3A_1560 : vector<16xf32>
        %select_n3A_1651 = arith.select %lt3A_1650, %add3A_1649, %select_n3A_1560 : vector<16xi1>, vector<16xf32>
        %select_n3A_1652 = arith.select %lt3A_1650, %add3A_1634, %select_n3A_1561 : vector<16xi1>, vector<16xi32>
        %mul3A_1653 = vector.broadcast %mul3A_826 : f32 to vector<16xf32>
        %mul3A_1654 = arith.mulf %sub3A_1620, %mul3A_1653 : vector<16xf32>
        %add3A_1655 = arith.addf %mul3A_1654, %select_n3A_1632 : vector<16xf32>
        %mul3A_1656 = vector.broadcast %mul3A_828 : f32 to vector<16xf32>
        %mul3A_1657 = arith.mulf %sub3A_1626, %mul3A_1656 : vector<16xf32>
        %add3A_1658 = arith.addf %mul3A_1657, %add3A_1655 : vector<16xf32>
        %lt3A_1659 = arith.cmpf olt, %add3A_1658, %select_n3A_1569 : vector<16xf32>
        %select_n3A_1660 = arith.select %lt3A_1659, %add3A_1658, %select_n3A_1569 : vector<16xi1>, vector<16xf32>
        %select_n3A_1661 = arith.select %lt3A_1659, %add3A_1634, %select_n3A_1570 : vector<16xi1>, vector<16xi32>
        %mul3A_1662 = vector.broadcast %mul3A_836 : f32 to vector<16xf32>
        %mul3A_1663 = arith.mulf %sub3A_1620, %mul3A_1662 : vector<16xf32>
        %add3A_1664 = arith.addf %mul3A_1663, %select_n3A_1632 : vector<16xf32>
        %mul3A_1665 = vector.broadcast %mul3A_838 : f32 to vector<16xf32>
        %mul3A_1666 = arith.mulf %sub3A_1626, %mul3A_1665 : vector<16xf32>
        %add3A_1667 = arith.addf %mul3A_1666, %add3A_1664 : vector<16xf32>
        %lt3A_1668 = arith.cmpf olt, %add3A_1667, %select_n3A_1578 : vector<16xf32>
        %select_n3A_1669 = arith.select %lt3A_1668, %add3A_1667, %select_n3A_1578 : vector<16xi1>, vector<16xf32>
        %select_n3A_1670 = arith.select %lt3A_1668, %add3A_1634, %select_n3A_1579 : vector<16xi1>, vector<16xi32>
        %mul3A_1671 = vector.broadcast %mul3A_846 : f32 to vector<16xf32>
        %mul3A_1672 = arith.mulf %sub3A_1620, %mul3A_1671 : vector<16xf32>
        %add3A_1673 = arith.addf %mul3A_1672, %select_n3A_1632 : vector<16xf32>
        %mul3A_1674 = vector.broadcast %mul3A_848 : f32 to vector<16xf32>
        %mul3A_1675 = arith.mulf %sub3A_1626, %mul3A_1674 : vector<16xf32>
        %add3A_1676 = arith.addf %mul3A_1675, %add3A_1673 : vector<16xf32>
        %lt3A_1677 = arith.cmpf olt, %add3A_1676, %select_n3A_1587 : vector<16xf32>
        %select_n3A_1678 = arith.select %lt3A_1677, %add3A_1676, %select_n3A_1587 : vector<16xi1>, vector<16xf32>
        %select_n3A_1679 = arith.select %lt3A_1677, %add3A_1634, %select_n3A_1588 : vector<16xi1>, vector<16xi32>
        %mul3A_1680 = vector.broadcast %mul3A_856 : f32 to vector<16xf32>
        %mul3A_1681 = arith.mulf %sub3A_1620, %mul3A_1680 : vector<16xf32>
        %add3A_1682 = arith.addf %mul3A_1681, %select_n3A_1632 : vector<16xf32>
        %mul3A_1683 = vector.broadcast %mul3A_858 : f32 to vector<16xf32>
        %mul3A_1684 = arith.mulf %sub3A_1626, %mul3A_1683 : vector<16xf32>
        %add3A_1685 = arith.addf %mul3A_1684, %add3A_1682 : vector<16xf32>
        %lt3A_1686 = arith.cmpf olt, %add3A_1685, %select_n3A_1596 : vector<16xf32>
        %select_n3A_1687 = arith.select %lt3A_1686, %add3A_1685, %select_n3A_1596 : vector<16xi1>, vector<16xf32>
        %select_n3A_1688 = arith.select %lt3A_1686, %add3A_1634, %select_n3A_1597 : vector<16xi1>, vector<16xi32>
        scf.yield %select_n3A_1642, %select_n3A_1651, %select_n3A_1660, %select_n3A_1669, %select_n3A_1678, %select_n3A_1687, %select_n3A_1643, %select_n3A_1652, %select_n3A_1661, %select_n3A_1670, %select_n3A_1679, %select_n3A_1688 : vector<16xf32>, vector<16xf32>, vector<16xf32>, vector<16xf32>, vector<16xf32>, vector<16xf32>, vector<16xi32>, vector<16xi32>, vector<16xi32>, vector<16xi32>, vector<16xi32>, vector<16xi32>
      }
      %scan3A_868 = arith.constant 64 : i32
      %broadcast_in_dim3A_869 = arith.constant 0 : i32
      %broadcast_in_dim3A_870 = vector.broadcast %broadcast_in_dim3A_869 : i32 to vector<16xi32>
      %reduce_min3A_871 = arith.constant true
      %reduce_min3A_872 = vector.broadcast %reduce_min3A_871 : i1 to vector<16xi1>
      %reduce_min3A_873 = tpu.scan <min>, %scan3A_867#0 masked %reduce_min3A_872 : vector<16xf32>, vector<16xi1> -> vector<16xf32>
      %reduce_min3A_874 = vector.extract %reduce_min3A_873[15] : f32 from vector<16xf32>
      %eq3A_875 = vector.broadcast %reduce_min3A_874 : f32 to vector<16xf32>
      %eq3A_876 = arith.cmpf oeq, %scan3A_867#0, %eq3A_875 : vector<16xf32>
      %jit3A_877 = arith.constant 2147483647 : i32
      %broadcast_in_dim3A_878 = vector.broadcast %jit3A_877 : i32 to vector<16xi32>
      %select_n3A_879 = arith.select %eq3A_876, %scan3A_867#6, %broadcast_in_dim3A_878 : vector<16xi1>, vector<16xi32>
      %reduce_min3A_880 = arith.constant true
      %reduce_min3A_881 = vector.broadcast %reduce_min3A_880 : i1 to vector<16xi1>
      %reduce_min3A_882 = arith.constant -2147483648 : i32
      %reduce_min3A_883 = vector.broadcast %reduce_min3A_882 : i32 to vector<16xi32>
      %reduce_min3A_884 = arith.xori %select_n3A_879, %reduce_min3A_883 : vector<16xi32>
      %reduce_min3A_885 = tpu.scan <min>, %reduce_min3A_884 masked %reduce_min3A_881 : vector<16xi32>, vector<16xi1> -> vector<16xi32>
      %reduce_min3A_886 = arith.xori %reduce_min3A_885, %reduce_min3A_883 : vector<16xi32>
      %reduce_min3A_887 = vector.extract %reduce_min3A_886[15] : i32 from vector<16xi32>
      %rem3A_888 = arith.constant 20 : i32
      %rem3A_889 = arith.remsi %reduce_min3A_887, %rem3A_888 : i32
      %eq3A_890 = arith.constant 19 : i32
      %eq3A_891 = arith.cmpi eq, %rem3A_889, %eq3A_890 : i32
      %sub3A_892 = arith.constant 1 : i32
      %sub3A_893 = arith.subi %reduce_min3A_887, %sub3A_892 : i32
      %add3A_894 = arith.constant 1 : i32
      %add3A_895 = arith.addi %reduce_min3A_887, %add3A_894 : i32
      %select_n3A_896 = arith.select %eq3A_891, %sub3A_893, %add3A_895 : i32
      %eq3A_897 = arith.constant 0 : i32
      %eq3A_898 = vector.broadcast %eq3A_897 : i32 to vector<16xi32>
      %eq3A_899 = arith.cmpi eq, %iota3A, %eq3A_898 : vector<16xi32>
      %broadcast_in_dim3A_900 = vector.broadcast %reduce_min3A_887 : i32 to vector<16xi32>
      %select_n3A_901 = arith.select %eq3A_899, %broadcast_in_dim3A_900, %broadcast_in_dim3A_870 : vector<16xi1>, vector<16xi32>
      %eq3A_902 = arith.constant 8 : i32
      %eq3A_903 = vector.broadcast %eq3A_902 : i32 to vector<16xi32>
      %eq3A_904 = arith.cmpi eq, %iota3A, %eq3A_903 : vector<16xi32>
      %broadcast_in_dim3A_905 = vector.broadcast %select_n3A_896 : i32 to vector<16xi32>
      %select_n3A_906 = arith.select %eq3A_904, %broadcast_in_dim3A_905, %select_n3A_901 : vector<16xi1>, vector<16xi32>
      %reduce_min3A_907 = arith.constant true
      %reduce_min3A_908 = vector.broadcast %reduce_min3A_907 : i1 to vector<16xi1>
      %reduce_min3A_909 = tpu.scan <min>, %scan3A_867#1 masked %reduce_min3A_908 : vector<16xf32>, vector<16xi1> -> vector<16xf32>
      %reduce_min3A_910 = vector.extract %reduce_min3A_909[15] : f32 from vector<16xf32>
      %eq3A_911 = vector.broadcast %reduce_min3A_910 : f32 to vector<16xf32>
      %eq3A_912 = arith.cmpf oeq, %scan3A_867#1, %eq3A_911 : vector<16xf32>
      %jit3A_913 = arith.constant 2147483647 : i32
      %broadcast_in_dim3A_914 = vector.broadcast %jit3A_913 : i32 to vector<16xi32>
      %select_n3A_915 = arith.select %eq3A_912, %scan3A_867#7, %broadcast_in_dim3A_914 : vector<16xi1>, vector<16xi32>
      %reduce_min3A_916 = arith.constant true
      %reduce_min3A_917 = vector.broadcast %reduce_min3A_916 : i1 to vector<16xi1>
      %reduce_min3A_918 = arith.constant -2147483648 : i32
      %reduce_min3A_919 = vector.broadcast %reduce_min3A_918 : i32 to vector<16xi32>
      %reduce_min3A_920 = arith.xori %select_n3A_915, %reduce_min3A_919 : vector<16xi32>
      %reduce_min3A_921 = tpu.scan <min>, %reduce_min3A_920 masked %reduce_min3A_917 : vector<16xi32>, vector<16xi1> -> vector<16xi32>
      %reduce_min3A_922 = arith.xori %reduce_min3A_921, %reduce_min3A_919 : vector<16xi32>
      %reduce_min3A_923 = vector.extract %reduce_min3A_922[15] : i32 from vector<16xi32>
      %rem3A_924 = arith.constant 20 : i32
      %rem3A_925 = arith.remsi %reduce_min3A_923, %rem3A_924 : i32
      %eq3A_926 = arith.constant 19 : i32
      %eq3A_927 = arith.cmpi eq, %rem3A_925, %eq3A_926 : i32
      %sub3A_928 = arith.constant 1 : i32
      %sub3A_929 = arith.subi %reduce_min3A_923, %sub3A_928 : i32
      %add3A_930 = arith.constant 1 : i32
      %add3A_931 = arith.addi %reduce_min3A_923, %add3A_930 : i32
      %select_n3A_932 = arith.select %eq3A_927, %sub3A_929, %add3A_931 : i32
      %eq3A_933 = arith.constant 1 : i32
      %eq3A_934 = vector.broadcast %eq3A_933 : i32 to vector<16xi32>
      %eq3A_935 = arith.cmpi eq, %iota3A, %eq3A_934 : vector<16xi32>
      %broadcast_in_dim3A_936 = vector.broadcast %reduce_min3A_923 : i32 to vector<16xi32>
      %select_n3A_937 = arith.select %eq3A_935, %broadcast_in_dim3A_936, %select_n3A_906 : vector<16xi1>, vector<16xi32>
      %eq3A_938 = arith.constant 9 : i32
      %eq3A_939 = vector.broadcast %eq3A_938 : i32 to vector<16xi32>
      %eq3A_940 = arith.cmpi eq, %iota3A, %eq3A_939 : vector<16xi32>
      %broadcast_in_dim3A_941 = vector.broadcast %select_n3A_932 : i32 to vector<16xi32>
      %select_n3A_942 = arith.select %eq3A_940, %broadcast_in_dim3A_941, %select_n3A_937 : vector<16xi1>, vector<16xi32>
      %reduce_min3A_943 = arith.constant true
      %reduce_min3A_944 = vector.broadcast %reduce_min3A_943 : i1 to vector<16xi1>
      %reduce_min3A_945 = tpu.scan <min>, %scan3A_867#2 masked %reduce_min3A_944 : vector<16xf32>, vector<16xi1> -> vector<16xf32>
      %reduce_min3A_946 = vector.extract %reduce_min3A_945[15] : f32 from vector<16xf32>
      %eq3A_947 = vector.broadcast %reduce_min3A_946 : f32 to vector<16xf32>
      %eq3A_948 = arith.cmpf oeq, %scan3A_867#2, %eq3A_947 : vector<16xf32>
      %jit3A_949 = arith.constant 2147483647 : i32
      %broadcast_in_dim3A_950 = vector.broadcast %jit3A_949 : i32 to vector<16xi32>
      %select_n3A_951 = arith.select %eq3A_948, %scan3A_867#8, %broadcast_in_dim3A_950 : vector<16xi1>, vector<16xi32>
      %reduce_min3A_952 = arith.constant true
      %reduce_min3A_953 = vector.broadcast %reduce_min3A_952 : i1 to vector<16xi1>
      %reduce_min3A_954 = arith.constant -2147483648 : i32
      %reduce_min3A_955 = vector.broadcast %reduce_min3A_954 : i32 to vector<16xi32>
      %reduce_min3A_956 = arith.xori %select_n3A_951, %reduce_min3A_955 : vector<16xi32>
      %reduce_min3A_957 = tpu.scan <min>, %reduce_min3A_956 masked %reduce_min3A_953 : vector<16xi32>, vector<16xi1> -> vector<16xi32>
      %reduce_min3A_958 = arith.xori %reduce_min3A_957, %reduce_min3A_955 : vector<16xi32>
      %reduce_min3A_959 = vector.extract %reduce_min3A_958[15] : i32 from vector<16xi32>
      %rem3A_960 = arith.constant 20 : i32
      %rem3A_961 = arith.remsi %reduce_min3A_959, %rem3A_960 : i32
      %eq3A_962 = arith.constant 19 : i32
      %eq3A_963 = arith.cmpi eq, %rem3A_961, %eq3A_962 : i32
      %sub3A_964 = arith.constant 1 : i32
      %sub3A_965 = arith.subi %reduce_min3A_959, %sub3A_964 : i32
      %add3A_966 = arith.constant 1 : i32
      %add3A_967 = arith.addi %reduce_min3A_959, %add3A_966 : i32
      %select_n3A_968 = arith.select %eq3A_963, %sub3A_965, %add3A_967 : i32
      %eq3A_969 = arith.constant 2 : i32
      %eq3A_970 = vector.broadcast %eq3A_969 : i32 to vector<16xi32>
      %eq3A_971 = arith.cmpi eq, %iota3A, %eq3A_970 : vector<16xi32>
      %broadcast_in_dim3A_972 = vector.broadcast %reduce_min3A_959 : i32 to vector<16xi32>
      %select_n3A_973 = arith.select %eq3A_971, %broadcast_in_dim3A_972, %select_n3A_942 : vector<16xi1>, vector<16xi32>
      %eq3A_974 = arith.constant 10 : i32
      %eq3A_975 = vector.broadcast %eq3A_974 : i32 to vector<16xi32>
      %eq3A_976 = arith.cmpi eq, %iota3A, %eq3A_975 : vector<16xi32>
      %broadcast_in_dim3A_977 = vector.broadcast %select_n3A_968 : i32 to vector<16xi32>
      %select_n3A_978 = arith.select %eq3A_976, %broadcast_in_dim3A_977, %select_n3A_973 : vector<16xi1>, vector<16xi32>
      %reduce_min3A_979 = arith.constant true
      %reduce_min3A_980 = vector.broadcast %reduce_min3A_979 : i1 to vector<16xi1>
      %reduce_min3A_981 = tpu.scan <min>, %scan3A_867#3 masked %reduce_min3A_980 : vector<16xf32>, vector<16xi1> -> vector<16xf32>
      %reduce_min3A_982 = vector.extract %reduce_min3A_981[15] : f32 from vector<16xf32>
      %eq3A_983 = vector.broadcast %reduce_min3A_982 : f32 to vector<16xf32>
      %eq3A_984 = arith.cmpf oeq, %scan3A_867#3, %eq3A_983 : vector<16xf32>
      %jit3A_985 = arith.constant 2147483647 : i32
      %broadcast_in_dim3A_986 = vector.broadcast %jit3A_985 : i32 to vector<16xi32>
      %select_n3A_987 = arith.select %eq3A_984, %scan3A_867#9, %broadcast_in_dim3A_986 : vector<16xi1>, vector<16xi32>
      %reduce_min3A_988 = arith.constant true
      %reduce_min3A_989 = vector.broadcast %reduce_min3A_988 : i1 to vector<16xi1>
      %reduce_min3A_990 = arith.constant -2147483648 : i32
      %reduce_min3A_991 = vector.broadcast %reduce_min3A_990 : i32 to vector<16xi32>
      %reduce_min3A_992 = arith.xori %select_n3A_987, %reduce_min3A_991 : vector<16xi32>
      %reduce_min3A_993 = tpu.scan <min>, %reduce_min3A_992 masked %reduce_min3A_989 : vector<16xi32>, vector<16xi1> -> vector<16xi32>
      %reduce_min3A_994 = arith.xori %reduce_min3A_993, %reduce_min3A_991 : vector<16xi32>
      %reduce_min3A_995 = vector.extract %reduce_min3A_994[15] : i32 from vector<16xi32>
      %rem3A_996 = arith.constant 20 : i32
      %rem3A_997 = arith.remsi %reduce_min3A_995, %rem3A_996 : i32
      %eq3A_998 = arith.constant 19 : i32
      %eq3A_999 = arith.cmpi eq, %rem3A_997, %eq3A_998 : i32
      %sub3A_1000 = arith.constant 1 : i32
      %sub3A_1001 = arith.subi %reduce_min3A_995, %sub3A_1000 : i32
      %add3A_1002 = arith.constant 1 : i32
      %add3A_1003 = arith.addi %reduce_min3A_995, %add3A_1002 : i32
      %select_n3A_1004 = arith.select %eq3A_999, %sub3A_1001, %add3A_1003 : i32
      %eq3A_1005 = arith.constant 3 : i32
      %eq3A_1006 = vector.broadcast %eq3A_1005 : i32 to vector<16xi32>
      %eq3A_1007 = arith.cmpi eq, %iota3A, %eq3A_1006 : vector<16xi32>
      %broadcast_in_dim3A_1008 = vector.broadcast %reduce_min3A_995 : i32 to vector<16xi32>
      %select_n3A_1009 = arith.select %eq3A_1007, %broadcast_in_dim3A_1008, %select_n3A_978 : vector<16xi1>, vector<16xi32>
      %eq3A_1010 = arith.constant 11 : i32
      %eq3A_1011 = vector.broadcast %eq3A_1010 : i32 to vector<16xi32>
      %eq3A_1012 = arith.cmpi eq, %iota3A, %eq3A_1011 : vector<16xi32>
      %broadcast_in_dim3A_1013 = vector.broadcast %select_n3A_1004 : i32 to vector<16xi32>
      %select_n3A_1014 = arith.select %eq3A_1012, %broadcast_in_dim3A_1013, %select_n3A_1009 : vector<16xi1>, vector<16xi32>
      %reduce_min3A_1015 = arith.constant true
      %reduce_min3A_1016 = vector.broadcast %reduce_min3A_1015 : i1 to vector<16xi1>
      %reduce_min3A_1017 = tpu.scan <min>, %scan3A_867#4 masked %reduce_min3A_1016 : vector<16xf32>, vector<16xi1> -> vector<16xf32>
      %reduce_min3A_1018 = vector.extract %reduce_min3A_1017[15] : f32 from vector<16xf32>
      %eq3A_1019 = vector.broadcast %reduce_min3A_1018 : f32 to vector<16xf32>
      %eq3A_1020 = arith.cmpf oeq, %scan3A_867#4, %eq3A_1019 : vector<16xf32>
      %jit3A_1021 = arith.constant 2147483647 : i32
      %broadcast_in_dim3A_1022 = vector.broadcast %jit3A_1021 : i32 to vector<16xi32>
      %select_n3A_1023 = arith.select %eq3A_1020, %scan3A_867#10, %broadcast_in_dim3A_1022 : vector<16xi1>, vector<16xi32>
      %reduce_min3A_1024 = arith.constant true
      %reduce_min3A_1025 = vector.broadcast %reduce_min3A_1024 : i1 to vector<16xi1>
      %reduce_min3A_1026 = arith.constant -2147483648 : i32
      %reduce_min3A_1027 = vector.broadcast %reduce_min3A_1026 : i32 to vector<16xi32>
      %reduce_min3A_1028 = arith.xori %select_n3A_1023, %reduce_min3A_1027 : vector<16xi32>
      %reduce_min3A_1029 = tpu.scan <min>, %reduce_min3A_1028 masked %reduce_min3A_1025 : vector<16xi32>, vector<16xi1> -> vector<16xi32>
      %reduce_min3A_1030 = arith.xori %reduce_min3A_1029, %reduce_min3A_1027 : vector<16xi32>
      %reduce_min3A_1031 = vector.extract %reduce_min3A_1030[15] : i32 from vector<16xi32>
      %rem3A_1032 = arith.constant 20 : i32
      %rem3A_1033 = arith.remsi %reduce_min3A_1031, %rem3A_1032 : i32
      %eq3A_1034 = arith.constant 19 : i32
      %eq3A_1035 = arith.cmpi eq, %rem3A_1033, %eq3A_1034 : i32
      %sub3A_1036 = arith.constant 1 : i32
      %sub3A_1037 = arith.subi %reduce_min3A_1031, %sub3A_1036 : i32
      %add3A_1038 = arith.constant 1 : i32
      %add3A_1039 = arith.addi %reduce_min3A_1031, %add3A_1038 : i32
      %select_n3A_1040 = arith.select %eq3A_1035, %sub3A_1037, %add3A_1039 : i32
      %eq3A_1041 = arith.constant 4 : i32
      %eq3A_1042 = vector.broadcast %eq3A_1041 : i32 to vector<16xi32>
      %eq3A_1043 = arith.cmpi eq, %iota3A, %eq3A_1042 : vector<16xi32>
      %broadcast_in_dim3A_1044 = vector.broadcast %reduce_min3A_1031 : i32 to vector<16xi32>
      %select_n3A_1045 = arith.select %eq3A_1043, %broadcast_in_dim3A_1044, %select_n3A_1014 : vector<16xi1>, vector<16xi32>
      %eq3A_1046 = arith.constant 12 : i32
      %eq3A_1047 = vector.broadcast %eq3A_1046 : i32 to vector<16xi32>
      %eq3A_1048 = arith.cmpi eq, %iota3A, %eq3A_1047 : vector<16xi32>
      %broadcast_in_dim3A_1049 = vector.broadcast %select_n3A_1040 : i32 to vector<16xi32>
      %select_n3A_1050 = arith.select %eq3A_1048, %broadcast_in_dim3A_1049, %select_n3A_1045 : vector<16xi1>, vector<16xi32>
      %reduce_min3A_1051 = arith.constant true
      %reduce_min3A_1052 = vector.broadcast %reduce_min3A_1051 : i1 to vector<16xi1>
      %reduce_min3A_1053 = tpu.scan <min>, %scan3A_867#5 masked %reduce_min3A_1052 : vector<16xf32>, vector<16xi1> -> vector<16xf32>
      %reduce_min3A_1054 = vector.extract %reduce_min3A_1053[15] : f32 from vector<16xf32>
      %eq3A_1055 = vector.broadcast %reduce_min3A_1054 : f32 to vector<16xf32>
      %eq3A_1056 = arith.cmpf oeq, %scan3A_867#5, %eq3A_1055 : vector<16xf32>
      %jit3A_1057 = arith.constant 2147483647 : i32
      %broadcast_in_dim3A_1058 = vector.broadcast %jit3A_1057 : i32 to vector<16xi32>
      %select_n3A_1059 = arith.select %eq3A_1056, %scan3A_867#11, %broadcast_in_dim3A_1058 : vector<16xi1>, vector<16xi32>
      %reduce_min3A_1060 = arith.constant true
      %reduce_min3A_1061 = vector.broadcast %reduce_min3A_1060 : i1 to vector<16xi1>
      %reduce_min3A_1062 = arith.constant -2147483648 : i32
      %reduce_min3A_1063 = vector.broadcast %reduce_min3A_1062 : i32 to vector<16xi32>
      %reduce_min3A_1064 = arith.xori %select_n3A_1059, %reduce_min3A_1063 : vector<16xi32>
      %reduce_min3A_1065 = tpu.scan <min>, %reduce_min3A_1064 masked %reduce_min3A_1061 : vector<16xi32>, vector<16xi1> -> vector<16xi32>
      %reduce_min3A_1066 = arith.xori %reduce_min3A_1065, %reduce_min3A_1063 : vector<16xi32>
      %reduce_min3A_1067 = vector.extract %reduce_min3A_1066[15] : i32 from vector<16xi32>
      %rem3A_1068 = arith.constant 20 : i32
      %rem3A_1069 = arith.remsi %reduce_min3A_1067, %rem3A_1068 : i32
      %eq3A_1070 = arith.constant 19 : i32
      %eq3A_1071 = arith.cmpi eq, %rem3A_1069, %eq3A_1070 : i32
      %sub3A_1072 = arith.constant 1 : i32
      %sub3A_1073 = arith.subi %reduce_min3A_1067, %sub3A_1072 : i32
      %add3A_1074 = arith.constant 1 : i32
      %add3A_1075 = arith.addi %reduce_min3A_1067, %add3A_1074 : i32
      %select_n3A_1076 = arith.select %eq3A_1071, %sub3A_1073, %add3A_1075 : i32
      %eq3A_1077 = arith.constant 5 : i32
      %eq3A_1078 = vector.broadcast %eq3A_1077 : i32 to vector<16xi32>
      %eq3A_1079 = arith.cmpi eq, %iota3A, %eq3A_1078 : vector<16xi32>
      %broadcast_in_dim3A_1080 = vector.broadcast %reduce_min3A_1067 : i32 to vector<16xi32>
      %select_n3A_1081 = arith.select %eq3A_1079, %broadcast_in_dim3A_1080, %select_n3A_1050 : vector<16xi1>, vector<16xi32>
      %eq3A_1082 = arith.constant 13 : i32
      %eq3A_1083 = vector.broadcast %eq3A_1082 : i32 to vector<16xi32>
      %eq3A_1084 = arith.cmpi eq, %iota3A, %eq3A_1083 : vector<16xi32>
      %broadcast_in_dim3A_1085 = vector.broadcast %select_n3A_1076 : i32 to vector<16xi32>
      %select_n3A_1086 = arith.select %eq3A_1084, %broadcast_in_dim3A_1085, %select_n3A_1081 : vector<16xi1>, vector<16xi32>
      %mul3A_1087 = arith.constant 2 : i32
      %mul3A_1088 = vector.broadcast %mul3A_1087 : i32 to vector<16xi32>
      %mul3A_1089 = arith.muli %select_n3A_1086, %mul3A_1088 : vector<16xi32>
      %gather3A_1090 = tpu.vector_load_idx %arg7[%mul3A_1089] : memref<4000xf32, #tpu.memory_space<vmem>>[vector<16xi32>], vector<16xf32>,
      %mul3A_1091 = arith.constant 2 : i32
      %mul3A_1092 = vector.broadcast %mul3A_1091 : i32 to vector<16xi32>
      %mul3A_1093 = arith.muli %select_n3A_1086, %mul3A_1092 : vector<16xi32>
      %add3A_1094 = arith.constant 1 : i32
      %add3A_1095 = vector.broadcast %add3A_1094 : i32 to vector<16xi32>
      %add3A_1096 = arith.addi %mul3A_1093, %add3A_1095 : vector<16xi32>
      %gather3A_1097 = tpu.vector_load_idx %arg7[%add3A_1096] : memref<4000xf32, #tpu.memory_space<vmem>>[vector<16xi32>], vector<16xf32>,
      %gather3A_1098 = tpu.vector_load_idx %arg13[%select_n3A_1086] : memref<2048xi32, #tpu.memory_space<vmem>>[vector<16xi32>], vector<16xi32>,
      %gather3A_1099 = tpu.vector_load_idx %arg11[%gather3A_1098] : memref<128xf32, #tpu.memory_space<vmem>>[vector<16xi32>], vector<16xf32>,
      %lt3A_1100 = arith.constant 5.000000e-01 : f32
      %lt3A_1101 = vector.broadcast %lt3A_1100 : f32 to vector<16xf32>
      %lt3A_1102 = arith.cmpf olt, %gather3A_1099, %lt3A_1101 : vector<16xf32>
      %mul3A_1103 = arith.constant 3.000000e+01 : f32
      %mul3A_1104 = vector.broadcast %mul3A_1103 : f32 to vector<16xf32>
      %mul3A_1105 = arith.mulf %gather3A_1090, %mul3A_1104 : vector<16xf32>
      %sub3A_1106 = arith.constant 1.500000e+01 : f32
      %sub3A_1107 = vector.broadcast %sub3A_1106 : f32 to vector<16xf32>
      %sub3A_1108 = arith.subf %mul3A_1105, %sub3A_1107 : vector<16xf32>
      %jit3A_1109 = arith.constant 1.000000e+06 : f32
      %broadcast_in_dim3A_1110 = vector.broadcast %jit3A_1109 : f32 to vector<16xf32>
      %select_n3A_1111 = arith.select %lt3A_1102, %broadcast_in_dim3A_1110, %sub3A_1108 : vector<16xi1>, vector<16xf32>
      %mul3A_1112 = arith.constant 6.000000e+01 : f32
      %mul3A_1113 = vector.broadcast %mul3A_1112 : f32 to vector<16xf32>
      %mul3A_1114 = arith.mulf %gather3A_1097, %mul3A_1113 : vector<16xf32>
      %sub3A_1115 = arith.constant 3.000000e+01 : f32
      %sub3A_1116 = vector.broadcast %sub3A_1115 : f32 to vector<16xf32>
      %sub3A_1117 = arith.subf %mul3A_1114, %sub3A_1116 : vector<16xf32>
      %jit3A_1118 = arith.constant 1.000000e+06 : f32
      %broadcast_in_dim3A_1119 = vector.broadcast %jit3A_1118 : f32 to vector<16xf32>
      %select_n3A_1120 = arith.select %lt3A_1102, %broadcast_in_dim3A_1119, %sub3A_1117 : vector<16xi1>, vector<16xf32>
      %mul3A_1121 = arith.constant 32 : i32
      %mul3A_1122 = arith.muli %add3A_772, %mul3A_1121 : i32
      %swap3A_1123 = arith.index_cast %mul3A_1122 : i32 to index
      %swap3A_1124 = tpu.vector_load %arg15[%swap3A_1123] {strides = array<i32>} : memref<512xf32, #tpu.memory_space<vmem>>, vector<16xf32>,
      tpu.vector_store %arg15[%swap3A_1123], %select_n3A_1111 {strides = array<i32>} : memref<512xf32, #tpu.memory_space<vmem>>, vector<16xf32>,
      %mul3A_1125 = arith.constant 32 : i32
      %mul3A_1126 = arith.muli %add3A_772, %mul3A_1125 : i32
      %add3A_1127 = arith.constant 16 : i32
      %add3A_1128 = arith.addi %mul3A_1126, %add3A_1127 : i32
      %swap3A_1129 = arith.index_cast %add3A_1128 : i32 to index
      %swap3A_1130 = tpu.vector_load %arg15[%swap3A_1129] {strides = array<i32>} : memref<512xf32, #tpu.memory_space<vmem>>, vector<16xf32>,
      tpu.vector_store %arg15[%swap3A_1129], %select_n3A_1120 {strides = array<i32>} : memref<512xf32, #tpu.memory_space<vmem>>, vector<16xf32>,
      %mul3A_1131 = arith.constant 4 : i32
      %mul3A_1132 = arith.muli %mul3A_1131, %scan3A_59 : i32
      %add3A_1133 = arith.constant 3 : i32
      %add3A_1134 = arith.addi %mul3A_1132, %add3A_1133 : i32
      %add3A_1135 = arith.addi %mul3A_2, %add3A_1134 : i32
      %add3A_1136 = arith.constant 3 : i32
      %add3A_1137 = arith.addi %add3A_1134, %add3A_1136 : i32
      %lt3A_1138 = arith.constant 16 : i32
      %lt3A_1139 = arith.cmpi slt, %add3A_1137, %lt3A_1138 : i32
      %convert_element_type3A_1140 = arith.extui %lt3A_1139 : i1 to i32
      %cond3A_1141 = arith.constant 0 : i32
      %cond3A_1142 = arith.cmpi ne, %convert_element_type3A_1140, %cond3A_1141 : i32
      scf.if %cond3A_1142 {
        %add3A_1494 = arith.addi %mul3A_2, %add3A_1134 : i32
        %add3A_1495 = arith.constant 3 : i32
        %add3A_1496 = arith.addi %add3A_1494, %add3A_1495 : i32
        %dma_start3A_1497 = arith.constant 0 : i32
        %dma_start3A_1498 = tpu.memref_slice %arg2[%add3A_1496, %dma_start3A_1497] : memref<512x4000xf32, #tpu.memory_space<hbm>> -> memref<1x4000xf32, #tpu.memory_space<hbm>>
        %dma_start3A_1499 = tpu.memref_squeeze %dma_start3A_1498 : memref<1x4000xf32, #tpu.memory_space<hbm>> -> memref<4000xf32, #tpu.memory_space<hbm>>
        %dma_start3A_1500 = arith.constant 0 : i32
        %dma_start3A_1501 = tpu.memref_slice %arg2[%add3A_1496, %dma_start3A_1500] : memref<512x4000xf32, #tpu.memory_space<hbm>> -> memref<1x4000xf32, #tpu.memory_space<hbm>>
        %dma_start3A_1502 = tpu.memref_squeeze %dma_start3A_1501 : memref<1x4000xf32, #tpu.memory_space<hbm>> -> memref<4000xf32, #tpu.memory_space<hbm>>
        tpu.enqueue_dma source(%dma_start3A_1502 : memref<4000xf32, #tpu.memory_space<hbm>>) target(%arg7 : memref<4000xf32, #tpu.memory_space<vmem>>) target_semaphore(%arg18 : memref<!tpu.dma_semaphore, #tpu.memory_space<semaphore_mem>>)
        %dma_start3A_1503 = arith.constant 0 : i32
        %dma_start3A_1504 = tpu.memref_slice %arg3[%add3A_1496, %dma_start3A_1503] : memref<512x128xf32, #tpu.memory_space<hbm>> -> memref<1x128xf32, #tpu.memory_space<hbm>>
        %dma_start3A_1505 = tpu.memref_squeeze %dma_start3A_1504 : memref<1x128xf32, #tpu.memory_space<hbm>> -> memref<128xf32, #tpu.memory_space<hbm>>
        %dma_start3A_1506 = arith.constant 0 : i32
        %dma_start3A_1507 = tpu.memref_slice %arg3[%add3A_1496, %dma_start3A_1506] : memref<512x128xf32, #tpu.memory_space<hbm>> -> memref<1x128xf32, #tpu.memory_space<hbm>>
        %dma_start3A_1508 = tpu.memref_squeeze %dma_start3A_1507 : memref<1x128xf32, #tpu.memory_space<hbm>> -> memref<128xf32, #tpu.memory_space<hbm>>
        tpu.enqueue_dma source(%dma_start3A_1508 : memref<128xf32, #tpu.memory_space<hbm>>) target(%arg11 : memref<128xf32, #tpu.memory_space<vmem>>) target_semaphore(%arg18 : memref<!tpu.dma_semaphore, #tpu.memory_space<semaphore_mem>>)
      } else {
      }
      %dma_wait3A_1143 = arith.constant 0 : i32
      %dma_wait3A_1144 = tpu.memref_slice %arg2[%add3A_1135, %dma_wait3A_1143] : memref<512x4000xf32, #tpu.memory_space<hbm>> -> memref<1x4000xf32, #tpu.memory_space<hbm>>
      %dma_wait3A_1145 = tpu.memref_squeeze %dma_wait3A_1144 : memref<1x4000xf32, #tpu.memory_space<hbm>> -> memref<4000xf32, #tpu.memory_space<hbm>>
      %dma_wait3A_1146 = arith.constant 0 : i32
      %dma_wait3A_1147 = tpu.memref_slice %arg2[%add3A_1135, %dma_wait3A_1146] : memref<512x4000xf32, #tpu.memory_space<hbm>> -> memref<1x4000xf32, #tpu.memory_space<hbm>>
      %dma_wait3A_1148 = tpu.memref_squeeze %dma_wait3A_1147 : memref<1x4000xf32, #tpu.memory_space<hbm>> -> memref<4000xf32, #tpu.memory_space<hbm>>
      tpu.wait_dma2 semaphore(%arg19 : memref<!tpu.dma_semaphore, #tpu.memory_space<semaphore_mem>>) src(%dma_wait3A_1148 : memref<4000xf32, #tpu.memory_space<hbm>>) dst(%arg8 : memref<4000xf32, #tpu.memory_space<vmem>>)
      %dma_wait3A_1149 = arith.constant 0 : i32
      %dma_wait3A_1150 = tpu.memref_slice %arg3[%add3A_1135, %dma_wait3A_1149] : memref<512x128xf32, #tpu.memory_space<hbm>> -> memref<1x128xf32, #tpu.memory_space<hbm>>
      %dma_wait3A_1151 = tpu.memref_squeeze %dma_wait3A_1150 : memref<1x128xf32, #tpu.memory_space<hbm>> -> memref<128xf32, #tpu.memory_space<hbm>>
      %dma_wait3A_1152 = arith.constant 0 : i32
      %dma_wait3A_1153 = tpu.memref_slice %arg3[%add3A_1135, %dma_wait3A_1152] : memref<512x128xf32, #tpu.memory_space<hbm>> -> memref<1x128xf32, #tpu.memory_space<hbm>>
      %dma_wait3A_1154 = tpu.memref_squeeze %dma_wait3A_1153 : memref<1x128xf32, #tpu.memory_space<hbm>> -> memref<128xf32, #tpu.memory_space<hbm>>
      tpu.wait_dma2 semaphore(%arg19 : memref<!tpu.dma_semaphore, #tpu.memory_space<semaphore_mem>>) src(%dma_wait3A_1154 : memref<128xf32, #tpu.memory_space<hbm>>) dst(%arg12 : memref<128xf32, #tpu.memory_space<vmem>>)
      %get3A_1155 = arith.constant 112 : index
      %get3A_1156 = tpu.vector_load %arg12[%get3A_1155] {strides = array<i32>} : memref<128xf32, #tpu.memory_space<vmem>>, vector<16xf32>,
      %slice3A_1157 = vector.extract_strided_slice %get3A_1156 {offsets = [0], sizes = [1], strides = [1]} : vector<16xf32> to vector<1xf32>
      %squeeze3A_1158 = vector.extract %slice3A_1157[0] : f32 from vector<1xf32>
      %mul3A_1159 = arith.constant 0.000000e+00 : f32
      %mul3A_1160 = arith.mulf %squeeze3A_1158, %mul3A_1159 : f32
      %slice3A_1161 = vector.extract_strided_slice %get3A_1156 {offsets = [0], sizes = [1], strides = [1]} : vector<16xf32> to vector<1xf32>
      %squeeze3A_1162 = vector.extract %slice3A_1161[0] : f32 from vector<1xf32>
      %add3A_1163 = arith.addf %mul3A_1160, %squeeze3A_1162 : f32
      %slice3A_1164 = vector.extract_strided_slice %get3A_1156 {offsets = [1], sizes = [1], strides = [1]} : vector<16xf32> to vector<1xf32>
      %squeeze3A_1165 = vector.extract %slice3A_1164[0] : f32 from vector<1xf32>
      %add3A_1166 = arith.addf %mul3A_1160, %squeeze3A_1165 : f32
      %mul3A_1167 = arith.constant -2.000000e+00 : f32
      %mul3A_1168 = arith.mulf %mul3A_1167, %add3A_1163 : f32
      %mul3A_1169 = arith.constant -2.000000e+00 : f32
      %mul3A_1170 = arith.mulf %mul3A_1169, %add3A_1166 : f32
      %slice3A_1171 = vector.extract_strided_slice %get3A_1156 {offsets = [2], sizes = [1], strides = [1]} : vector<16xf32> to vector<1xf32>
      %squeeze3A_1172 = vector.extract %slice3A_1171[0] : f32 from vector<1xf32>
      %add3A_1173 = arith.addf %add3A_1163, %squeeze3A_1172 : f32
      %slice3A_1174 = vector.extract_strided_slice %get3A_1156 {offsets = [3], sizes = [1], strides = [1]} : vector<16xf32> to vector<1xf32>
      %squeeze3A_1175 = vector.extract %slice3A_1174[0] : f32 from vector<1xf32>
      %add3A_1176 = arith.addf %add3A_1166, %squeeze3A_1175 : f32
      %mul3A_1177 = arith.constant -2.000000e+00 : f32
      %mul3A_1178 = arith.mulf %mul3A_1177, %add3A_1173 : f32
      %mul3A_1179 = arith.constant -2.000000e+00 : f32
      %mul3A_1180 = arith.mulf %mul3A_1179, %add3A_1176 : f32
      %slice3A_1181 = vector.extract_strided_slice %get3A_1156 {offsets = [4], sizes = [1], strides = [1]} : vector<16xf32> to vector<1xf32>
      %squeeze3A_1182 = vector.extract %slice3A_1181[0] : f32 from vector<1xf32>
      %add3A_1183 = arith.addf %add3A_1173, %squeeze3A_1182 : f32
      %slice3A_1184 = vector.extract_strided_slice %get3A_1156 {offsets = [5], sizes = [1], strides = [1]} : vector<16xf32> to vector<1xf32>
      %squeeze3A_1185 = vector.extract %slice3A_1184[0] : f32 from vector<1xf32>
      %add3A_1186 = arith.addf %add3A_1176, %squeeze3A_1185 : f32
      %mul3A_1187 = arith.constant -2.000000e+00 : f32
      %mul3A_1188 = arith.mulf %mul3A_1187, %add3A_1183 : f32
      %mul3A_1189 = arith.constant -2.000000e+00 : f32
      %mul3A_1190 = arith.mulf %mul3A_1189, %add3A_1186 : f32
      %slice3A_1191 = vector.extract_strided_slice %get3A_1156 {offsets = [6], sizes = [1], strides = [1]} : vector<16xf32> to vector<1xf32>
      %squeeze3A_1192 = vector.extract %slice3A_1191[0] : f32 from vector<1xf32>
      %add3A_1193 = arith.addf %add3A_1183, %squeeze3A_1192 : f32
      %slice3A_1194 = vector.extract_strided_slice %get3A_1156 {offsets = [7], sizes = [1], strides = [1]} : vector<16xf32> to vector<1xf32>
      %squeeze3A_1195 = vector.extract %slice3A_1194[0] : f32 from vector<1xf32>
      %add3A_1196 = arith.addf %add3A_1186, %squeeze3A_1195 : f32
      %mul3A_1197 = arith.constant -2.000000e+00 : f32
      %mul3A_1198 = arith.mulf %mul3A_1197, %add3A_1193 : f32
      %mul3A_1199 = arith.constant -2.000000e+00 : f32
      %mul3A_1200 = arith.mulf %mul3A_1199, %add3A_1196 : f32
      %slice3A_1201 = vector.extract_strided_slice %get3A_1156 {offsets = [8], sizes = [1], strides = [1]} : vector<16xf32> to vector<1xf32>
      %squeeze3A_1202 = vector.extract %slice3A_1201[0] : f32 from vector<1xf32>
      %add3A_1203 = arith.addf %add3A_1193, %squeeze3A_1202 : f32
      %slice3A_1204 = vector.extract_strided_slice %get3A_1156 {offsets = [9], sizes = [1], strides = [1]} : vector<16xf32> to vector<1xf32>
      %squeeze3A_1205 = vector.extract %slice3A_1204[0] : f32 from vector<1xf32>
      %add3A_1206 = arith.addf %add3A_1196, %squeeze3A_1205 : f32
      %mul3A_1207 = arith.constant -2.000000e+00 : f32
      %mul3A_1208 = arith.mulf %mul3A_1207, %add3A_1203 : f32
      %mul3A_1209 = arith.constant -2.000000e+00 : f32
      %mul3A_1210 = arith.mulf %mul3A_1209, %add3A_1206 : f32
      %slice3A_1211 = vector.extract_strided_slice %get3A_1156 {offsets = [10], sizes = [1], strides = [1]} : vector<16xf32> to vector<1xf32>
      %squeeze3A_1212 = vector.extract %slice3A_1211[0] : f32 from vector<1xf32>
      %add3A_1213 = arith.addf %add3A_1203, %squeeze3A_1212 : f32
      %slice3A_1214 = vector.extract_strided_slice %get3A_1156 {offsets = [11], sizes = [1], strides = [1]} : vector<16xf32> to vector<1xf32>
      %squeeze3A_1215 = vector.extract %slice3A_1214[0] : f32 from vector<1xf32>
      %add3A_1216 = arith.addf %add3A_1206, %squeeze3A_1215 : f32
      %mul3A_1217 = arith.constant -2.000000e+00 : f32
      %mul3A_1218 = arith.mulf %mul3A_1217, %add3A_1213 : f32
      %mul3A_1219 = arith.constant -2.000000e+00 : f32
      %mul3A_1220 = arith.mulf %mul3A_1219, %add3A_1216 : f32
      %broadcast_in_dim3A_1221 = arith.constant 3.000000e+38 : f32
      %broadcast_in_dim3A_1222 = vector.broadcast %broadcast_in_dim3A_1221 : f32 to vector<16xf32>
      %broadcast_in_dim3A_1223 = arith.constant 0 : i32
      %broadcast_in_dim3A_1224 = vector.broadcast %broadcast_in_dim3A_1223 : i32 to vector<16xi32>
      %scan3A_1225 = arith.constant 0 : i32
      %scan3A_1226 = arith.constant 64 : i32
      %scan3A_1227 = arith.addi %scan3A_1225, %scan3A_1226 : i32
      %scan3A_1228 = arith.constant 1 : i32
      %scan3A_1229:12 = scf.for %scan3A_1494 = %scan3A_1225 to %scan3A_1227 step %scan3A_1228 iter_args(%scan3A_1495 = %broadcast_in_dim3A_1222, %scan3A_1496 = %broadcast_in_dim3A_1222, %scan3A_1497 = %broadcast_in_dim3A_1222, %scan3A_1498 = %broadcast_in_dim3A_1222, %scan3A_1499 = %broadcast_in_dim3A_1222, %scan3A_1500 = %broadcast_in_dim3A_1222, %scan3A_1501 = %broadcast_in_dim3A_1224, %scan3A_1502 = %broadcast_in_dim3A_1224, %scan3A_1503 = %broadcast_in_dim3A_1224, %scan3A_1504 = %broadcast_in_dim3A_1224, %scan3A_1505 = %broadcast_in_dim3A_1224, %scan3A_1506 = %broadcast_in_dim3A_1224) -> (vector<16xf32>, vector<16xf32>, vector<16xf32>, vector<16xf32>, vector<16xf32>, vector<16xf32>, vector<16xi32>, vector<16xi32>, vector<16xi32>, vector<16xi32>, vector<16xi32>, vector<16xi32>)  : i32 {
        %mul3A_1507 = arith.constant 32 : i32
        %mul3A_1508 = arith.muli %scan3A_1494, %mul3A_1507 : i32
        %add3A_1509 = arith.constant 0 : i32
        %add3A_1510 = arith.addi %mul3A_1508, %add3A_1509 : i32
        %get3A_1511 = arith.index_cast %add3A_1510 : i32 to index
        %get3A_1512 = tpu.vector_load %arg14[%get3A_1511] {strides = array<i32>} : memref<2048xi32, #tpu.memory_space<vmem>>, vector<16xi32>,
        %gather3A_1513 = tpu.vector_load_idx %arg8[%get3A_1512] : memref<4000xf32, #tpu.memory_space<vmem>>[vector<16xi32>], vector<16xf32>,
        %add3A_1514 = arith.constant 1 : i32
        %add3A_1515 = vector.broadcast %add3A_1514 : i32 to vector<16xi32>
        %add3A_1516 = arith.addi %get3A_1512, %add3A_1515 : vector<16xi32>
        %gather3A_1517 = tpu.vector_load_idx %arg8[%add3A_1516] : memref<4000xf32, #tpu.memory_space<vmem>>[vector<16xi32>], vector<16xf32>,
        %get3A_1518 = arith.index_cast %add3A_1510 : i32 to index
        %get3A_1519 = tpu.vector_load %arg13[%get3A_1518] {strides = array<i32>} : memref<2048xi32, #tpu.memory_space<vmem>>, vector<16xi32>,
        %gather3A_1520 = tpu.vector_load_idx %arg12[%get3A_1519] : memref<128xf32, #tpu.memory_space<vmem>>[vector<16xi32>], vector<16xf32>,
        %lt3A_1521 = arith.constant 5.000000e-01 : f32
        %lt3A_1522 = vector.broadcast %lt3A_1521 : f32 to vector<16xf32>
        %lt3A_1523 = arith.cmpf olt, %gather3A_1520, %lt3A_1522 : vector<16xf32>
        %mul3A_1524 = arith.constant 3.000000e+01 : f32
        %mul3A_1525 = vector.broadcast %mul3A_1524 : f32 to vector<16xf32>
        %mul3A_1526 = arith.mulf %gather3A_1513, %mul3A_1525 : vector<16xf32>
        %sub3A_1527 = arith.constant 1.500000e+01 : f32
        %sub3A_1528 = vector.broadcast %sub3A_1527 : f32 to vector<16xf32>
        %sub3A_1529 = arith.subf %mul3A_1526, %sub3A_1528 : vector<16xf32>
        %mul3A_1530 = arith.constant 6.000000e+01 : f32
        %mul3A_1531 = vector.broadcast %mul3A_1530 : f32 to vector<16xf32>
        %mul3A_1532 = arith.mulf %gather3A_1517, %mul3A_1531 : vector<16xf32>
        %sub3A_1533 = arith.constant 3.000000e+01 : f32
        %sub3A_1534 = vector.broadcast %sub3A_1533 : f32 to vector<16xf32>
        %sub3A_1535 = arith.subf %mul3A_1532, %sub3A_1534 : vector<16xf32>
        %mul3A_1536 = arith.mulf %sub3A_1529, %sub3A_1529 : vector<16xf32>
        %mul3A_1537 = arith.mulf %sub3A_1535, %sub3A_1535 : vector<16xf32>
        %add3A_1538 = arith.addf %mul3A_1536, %mul3A_1537 : vector<16xf32>
        %jit3A_1539 = arith.constant 1.000000e+30 : f32
        %broadcast_in_dim3A_1540 = vector.broadcast %jit3A_1539 : f32 to vector<16xf32>
        %select_n3A_1541 = arith.select %lt3A_1523, %broadcast_in_dim3A_1540, %add3A_1538 : vector<16xi1>, vector<16xf32>
        %add3A_1542 = vector.broadcast %add3A_1510 : i32 to vector<16xi32>
        %add3A_1543 = arith.addi %add3A_1542, %iota3A : vector<16xi32>
        %mul3A_1544 = vector.broadcast %mul3A_1168 : f32 to vector<16xf32>
        %mul3A_1545 = arith.mulf %sub3A_1529, %mul3A_1544 : vector<16xf32>
        %add3A_1546 = arith.addf %mul3A_1545, %select_n3A_1541 : vector<16xf32>
        %mul3A_1547 = vector.broadcast %mul3A_1170 : f32 to vector<16xf32>
        %mul3A_1548 = arith.mulf %sub3A_1535, %mul3A_1547 : vector<16xf32>
        %add3A_1549 = arith.addf %mul3A_1548, %add3A_1546 : vector<16xf32>
        %lt3A_1550 = arith.cmpf olt, %add3A_1549, %scan3A_1495 : vector<16xf32>
        %select_n3A_1551 = arith.select %lt3A_1550, %add3A_1549, %scan3A_1495 : vector<16xi1>, vector<16xf32>
        %select_n3A_1552 = arith.select %lt3A_1550, %add3A_1543, %scan3A_1501 : vector<16xi1>, vector<16xi32>
        %mul3A_1553 = vector.broadcast %mul3A_1178 : f32 to vector<16xf32>
        %mul3A_1554 = arith.mulf %sub3A_1529, %mul3A_1553 : vector<16xf32>
        %add3A_1555 = arith.addf %mul3A_1554, %select_n3A_1541 : vector<16xf32>
        %mul3A_1556 = vector.broadcast %mul3A_1180 : f32 to vector<16xf32>
        %mul3A_1557 = arith.mulf %sub3A_1535, %mul3A_1556 : vector<16xf32>
        %add3A_1558 = arith.addf %mul3A_1557, %add3A_1555 : vector<16xf32>
        %lt3A_1559 = arith.cmpf olt, %add3A_1558, %scan3A_1496 : vector<16xf32>
        %select_n3A_1560 = arith.select %lt3A_1559, %add3A_1558, %scan3A_1496 : vector<16xi1>, vector<16xf32>
        %select_n3A_1561 = arith.select %lt3A_1559, %add3A_1543, %scan3A_1502 : vector<16xi1>, vector<16xi32>
        %mul3A_1562 = vector.broadcast %mul3A_1188 : f32 to vector<16xf32>
        %mul3A_1563 = arith.mulf %sub3A_1529, %mul3A_1562 : vector<16xf32>
        %add3A_1564 = arith.addf %mul3A_1563, %select_n3A_1541 : vector<16xf32>
        %mul3A_1565 = vector.broadcast %mul3A_1190 : f32 to vector<16xf32>
        %mul3A_1566 = arith.mulf %sub3A_1535, %mul3A_1565 : vector<16xf32>
        %add3A_1567 = arith.addf %mul3A_1566, %add3A_1564 : vector<16xf32>
        %lt3A_1568 = arith.cmpf olt, %add3A_1567, %scan3A_1497 : vector<16xf32>
        %select_n3A_1569 = arith.select %lt3A_1568, %add3A_1567, %scan3A_1497 : vector<16xi1>, vector<16xf32>
        %select_n3A_1570 = arith.select %lt3A_1568, %add3A_1543, %scan3A_1503 : vector<16xi1>, vector<16xi32>
        %mul3A_1571 = vector.broadcast %mul3A_1198 : f32 to vector<16xf32>
        %mul3A_1572 = arith.mulf %sub3A_1529, %mul3A_1571 : vector<16xf32>
        %add3A_1573 = arith.addf %mul3A_1572, %select_n3A_1541 : vector<16xf32>
        %mul3A_1574 = vector.broadcast %mul3A_1200 : f32 to vector<16xf32>
        %mul3A_1575 = arith.mulf %sub3A_1535, %mul3A_1574 : vector<16xf32>
        %add3A_1576 = arith.addf %mul3A_1575, %add3A_1573 : vector<16xf32>
        %lt3A_1577 = arith.cmpf olt, %add3A_1576, %scan3A_1498 : vector<16xf32>
        %select_n3A_1578 = arith.select %lt3A_1577, %add3A_1576, %scan3A_1498 : vector<16xi1>, vector<16xf32>
        %select_n3A_1579 = arith.select %lt3A_1577, %add3A_1543, %scan3A_1504 : vector<16xi1>, vector<16xi32>
        %mul3A_1580 = vector.broadcast %mul3A_1208 : f32 to vector<16xf32>
        %mul3A_1581 = arith.mulf %sub3A_1529, %mul3A_1580 : vector<16xf32>
        %add3A_1582 = arith.addf %mul3A_1581, %select_n3A_1541 : vector<16xf32>
        %mul3A_1583 = vector.broadcast %mul3A_1210 : f32 to vector<16xf32>
        %mul3A_1584 = arith.mulf %sub3A_1535, %mul3A_1583 : vector<16xf32>
        %add3A_1585 = arith.addf %mul3A_1584, %add3A_1582 : vector<16xf32>
        %lt3A_1586 = arith.cmpf olt, %add3A_1585, %scan3A_1499 : vector<16xf32>
        %select_n3A_1587 = arith.select %lt3A_1586, %add3A_1585, %scan3A_1499 : vector<16xi1>, vector<16xf32>
        %select_n3A_1588 = arith.select %lt3A_1586, %add3A_1543, %scan3A_1505 : vector<16xi1>, vector<16xi32>
        %mul3A_1589 = vector.broadcast %mul3A_1218 : f32 to vector<16xf32>
        %mul3A_1590 = arith.mulf %sub3A_1529, %mul3A_1589 : vector<16xf32>
        %add3A_1591 = arith.addf %mul3A_1590, %select_n3A_1541 : vector<16xf32>
        %mul3A_1592 = vector.broadcast %mul3A_1220 : f32 to vector<16xf32>
        %mul3A_1593 = arith.mulf %sub3A_1535, %mul3A_1592 : vector<16xf32>
        %add3A_1594 = arith.addf %mul3A_1593, %add3A_1591 : vector<16xf32>
        %lt3A_1595 = arith.cmpf olt, %add3A_1594, %scan3A_1500 : vector<16xf32>
        %select_n3A_1596 = arith.select %lt3A_1595, %add3A_1594, %scan3A_1500 : vector<16xi1>, vector<16xf32>
        %select_n3A_1597 = arith.select %lt3A_1595, %add3A_1543, %scan3A_1506 : vector<16xi1>, vector<16xi32>
        %mul3A_1598 = arith.constant 32 : i32
        %mul3A_1599 = arith.muli %scan3A_1494, %mul3A_1598 : i32
        %add3A_1600 = arith.constant 16 : i32
        %add3A_1601 = arith.addi %mul3A_1599, %add3A_1600 : i32
        %get3A_1602 = arith.index_cast %add3A_1601 : i32 to index
        %get3A_1603 = tpu.vector_load %arg14[%get3A_1602] {strides = array<i32>} : memref<2048xi32, #tpu.memory_space<vmem>>, vector<16xi32>,
        %gather3A_1604 = tpu.vector_load_idx %arg8[%get3A_1603] : memref<4000xf32, #tpu.memory_space<vmem>>[vector<16xi32>], vector<16xf32>,
        %add3A_1605 = arith.constant 1 : i32
        %add3A_1606 = vector.broadcast %add3A_1605 : i32 to vector<16xi32>
        %add3A_1607 = arith.addi %get3A_1603, %add3A_1606 : vector<16xi32>
        %gather3A_1608 = tpu.vector_load_idx %arg8[%add3A_1607] : memref<4000xf32, #tpu.memory_space<vmem>>[vector<16xi32>], vector<16xf32>,
        %get3A_1609 = arith.index_cast %add3A_1601 : i32 to index
        %get3A_1610 = tpu.vector_load %arg13[%get3A_1609] {strides = array<i32>} : memref<2048xi32, #tpu.memory_space<vmem>>, vector<16xi32>,
        %gather3A_1611 = tpu.vector_load_idx %arg12[%get3A_1610] : memref<128xf32, #tpu.memory_space<vmem>>[vector<16xi32>], vector<16xf32>,
        %lt3A_1612 = arith.constant 5.000000e-01 : f32
        %lt3A_1613 = vector.broadcast %lt3A_1612 : f32 to vector<16xf32>
        %lt3A_1614 = arith.cmpf olt, %gather3A_1611, %lt3A_1613 : vector<16xf32>
        %mul3A_1615 = arith.constant 3.000000e+01 : f32
        %mul3A_1616 = vector.broadcast %mul3A_1615 : f32 to vector<16xf32>
        %mul3A_1617 = arith.mulf %gather3A_1604, %mul3A_1616 : vector<16xf32>
        %sub3A_1618 = arith.constant 1.500000e+01 : f32
        %sub3A_1619 = vector.broadcast %sub3A_1618 : f32 to vector<16xf32>
        %sub3A_1620 = arith.subf %mul3A_1617, %sub3A_1619 : vector<16xf32>
        %mul3A_1621 = arith.constant 6.000000e+01 : f32
        %mul3A_1622 = vector.broadcast %mul3A_1621 : f32 to vector<16xf32>
        %mul3A_1623 = arith.mulf %gather3A_1608, %mul3A_1622 : vector<16xf32>
        %sub3A_1624 = arith.constant 3.000000e+01 : f32
        %sub3A_1625 = vector.broadcast %sub3A_1624 : f32 to vector<16xf32>
        %sub3A_1626 = arith.subf %mul3A_1623, %sub3A_1625 : vector<16xf32>
        %mul3A_1627 = arith.mulf %sub3A_1620, %sub3A_1620 : vector<16xf32>
        %mul3A_1628 = arith.mulf %sub3A_1626, %sub3A_1626 : vector<16xf32>
        %add3A_1629 = arith.addf %mul3A_1627, %mul3A_1628 : vector<16xf32>
        %jit3A_1630 = arith.constant 1.000000e+30 : f32
        %broadcast_in_dim3A_1631 = vector.broadcast %jit3A_1630 : f32 to vector<16xf32>
        %select_n3A_1632 = arith.select %lt3A_1614, %broadcast_in_dim3A_1631, %add3A_1629 : vector<16xi1>, vector<16xf32>
        %add3A_1633 = vector.broadcast %add3A_1601 : i32 to vector<16xi32>
        %add3A_1634 = arith.addi %add3A_1633, %iota3A : vector<16xi32>
        %mul3A_1635 = vector.broadcast %mul3A_1168 : f32 to vector<16xf32>
        %mul3A_1636 = arith.mulf %sub3A_1620, %mul3A_1635 : vector<16xf32>
        %add3A_1637 = arith.addf %mul3A_1636, %select_n3A_1632 : vector<16xf32>
        %mul3A_1638 = vector.broadcast %mul3A_1170 : f32 to vector<16xf32>
        %mul3A_1639 = arith.mulf %sub3A_1626, %mul3A_1638 : vector<16xf32>
        %add3A_1640 = arith.addf %mul3A_1639, %add3A_1637 : vector<16xf32>
        %lt3A_1641 = arith.cmpf olt, %add3A_1640, %select_n3A_1551 : vector<16xf32>
        %select_n3A_1642 = arith.select %lt3A_1641, %add3A_1640, %select_n3A_1551 : vector<16xi1>, vector<16xf32>
        %select_n3A_1643 = arith.select %lt3A_1641, %add3A_1634, %select_n3A_1552 : vector<16xi1>, vector<16xi32>
        %mul3A_1644 = vector.broadcast %mul3A_1178 : f32 to vector<16xf32>
        %mul3A_1645 = arith.mulf %sub3A_1620, %mul3A_1644 : vector<16xf32>
        %add3A_1646 = arith.addf %mul3A_1645, %select_n3A_1632 : vector<16xf32>
        %mul3A_1647 = vector.broadcast %mul3A_1180 : f32 to vector<16xf32>
        %mul3A_1648 = arith.mulf %sub3A_1626, %mul3A_1647 : vector<16xf32>
        %add3A_1649 = arith.addf %mul3A_1648, %add3A_1646 : vector<16xf32>
        %lt3A_1650 = arith.cmpf olt, %add3A_1649, %select_n3A_1560 : vector<16xf32>
        %select_n3A_1651 = arith.select %lt3A_1650, %add3A_1649, %select_n3A_1560 : vector<16xi1>, vector<16xf32>
        %select_n3A_1652 = arith.select %lt3A_1650, %add3A_1634, %select_n3A_1561 : vector<16xi1>, vector<16xi32>
        %mul3A_1653 = vector.broadcast %mul3A_1188 : f32 to vector<16xf32>
        %mul3A_1654 = arith.mulf %sub3A_1620, %mul3A_1653 : vector<16xf32>
        %add3A_1655 = arith.addf %mul3A_1654, %select_n3A_1632 : vector<16xf32>
        %mul3A_1656 = vector.broadcast %mul3A_1190 : f32 to vector<16xf32>
        %mul3A_1657 = arith.mulf %sub3A_1626, %mul3A_1656 : vector<16xf32>
        %add3A_1658 = arith.addf %mul3A_1657, %add3A_1655 : vector<16xf32>
        %lt3A_1659 = arith.cmpf olt, %add3A_1658, %select_n3A_1569 : vector<16xf32>
        %select_n3A_1660 = arith.select %lt3A_1659, %add3A_1658, %select_n3A_1569 : vector<16xi1>, vector<16xf32>
        %select_n3A_1661 = arith.select %lt3A_1659, %add3A_1634, %select_n3A_1570 : vector<16xi1>, vector<16xi32>
        %mul3A_1662 = vector.broadcast %mul3A_1198 : f32 to vector<16xf32>
        %mul3A_1663 = arith.mulf %sub3A_1620, %mul3A_1662 : vector<16xf32>
        %add3A_1664 = arith.addf %mul3A_1663, %select_n3A_1632 : vector<16xf32>
        %mul3A_1665 = vector.broadcast %mul3A_1200 : f32 to vector<16xf32>
        %mul3A_1666 = arith.mulf %sub3A_1626, %mul3A_1665 : vector<16xf32>
        %add3A_1667 = arith.addf %mul3A_1666, %add3A_1664 : vector<16xf32>
        %lt3A_1668 = arith.cmpf olt, %add3A_1667, %select_n3A_1578 : vector<16xf32>
        %select_n3A_1669 = arith.select %lt3A_1668, %add3A_1667, %select_n3A_1578 : vector<16xi1>, vector<16xf32>
        %select_n3A_1670 = arith.select %lt3A_1668, %add3A_1634, %select_n3A_1579 : vector<16xi1>, vector<16xi32>
        %mul3A_1671 = vector.broadcast %mul3A_1208 : f32 to vector<16xf32>
        %mul3A_1672 = arith.mulf %sub3A_1620, %mul3A_1671 : vector<16xf32>
        %add3A_1673 = arith.addf %mul3A_1672, %select_n3A_1632 : vector<16xf32>
        %mul3A_1674 = vector.broadcast %mul3A_1210 : f32 to vector<16xf32>
        %mul3A_1675 = arith.mulf %sub3A_1626, %mul3A_1674 : vector<16xf32>
        %add3A_1676 = arith.addf %mul3A_1675, %add3A_1673 : vector<16xf32>
        %lt3A_1677 = arith.cmpf olt, %add3A_1676, %select_n3A_1587 : vector<16xf32>
        %select_n3A_1678 = arith.select %lt3A_1677, %add3A_1676, %select_n3A_1587 : vector<16xi1>, vector<16xf32>
        %select_n3A_1679 = arith.select %lt3A_1677, %add3A_1634, %select_n3A_1588 : vector<16xi1>, vector<16xi32>
        %mul3A_1680 = vector.broadcast %mul3A_1218 : f32 to vector<16xf32>
        %mul3A_1681 = arith.mulf %sub3A_1620, %mul3A_1680 : vector<16xf32>
        %add3A_1682 = arith.addf %mul3A_1681, %select_n3A_1632 : vector<16xf32>
        %mul3A_1683 = vector.broadcast %mul3A_1220 : f32 to vector<16xf32>
        %mul3A_1684 = arith.mulf %sub3A_1626, %mul3A_1683 : vector<16xf32>
        %add3A_1685 = arith.addf %mul3A_1684, %add3A_1682 : vector<16xf32>
        %lt3A_1686 = arith.cmpf olt, %add3A_1685, %select_n3A_1596 : vector<16xf32>
        %select_n3A_1687 = arith.select %lt3A_1686, %add3A_1685, %select_n3A_1596 : vector<16xi1>, vector<16xf32>
        %select_n3A_1688 = arith.select %lt3A_1686, %add3A_1634, %select_n3A_1597 : vector<16xi1>, vector<16xi32>
        scf.yield %select_n3A_1642, %select_n3A_1651, %select_n3A_1660, %select_n3A_1669, %select_n3A_1678, %select_n3A_1687, %select_n3A_1643, %select_n3A_1652, %select_n3A_1661, %select_n3A_1670, %select_n3A_1679, %select_n3A_1688 : vector<16xf32>, vector<16xf32>, vector<16xf32>, vector<16xf32>, vector<16xf32>, vector<16xf32>, vector<16xi32>, vector<16xi32>, vector<16xi32>, vector<16xi32>, vector<16xi32>, vector<16xi32>
      }
      %scan3A_1230 = arith.constant 64 : i32
      %broadcast_in_dim3A_1231 = arith.constant 0 : i32
      %broadcast_in_dim3A_1232 = vector.broadcast %broadcast_in_dim3A_1231 : i32 to vector<16xi32>
      %reduce_min3A_1233 = arith.constant true
      %reduce_min3A_1234 = vector.broadcast %reduce_min3A_1233 : i1 to vector<16xi1>
      %reduce_min3A_1235 = tpu.scan <min>, %scan3A_1229#0 masked %reduce_min3A_1234 : vector<16xf32>, vector<16xi1> -> vector<16xf32>
      %reduce_min3A_1236 = vector.extract %reduce_min3A_1235[15] : f32 from vector<16xf32>
      %eq3A_1237 = vector.broadcast %reduce_min3A_1236 : f32 to vector<16xf32>
      %eq3A_1238 = arith.cmpf oeq, %scan3A_1229#0, %eq3A_1237 : vector<16xf32>
      %jit3A_1239 = arith.constant 2147483647 : i32
      %broadcast_in_dim3A_1240 = vector.broadcast %jit3A_1239 : i32 to vector<16xi32>
      %select_n3A_1241 = arith.select %eq3A_1238, %scan3A_1229#6, %broadcast_in_dim3A_1240 : vector<16xi1>, vector<16xi32>
      %reduce_min3A_1242 = arith.constant true
      %reduce_min3A_1243 = vector.broadcast %reduce_min3A_1242 : i1 to vector<16xi1>
      %reduce_min3A_1244 = arith.constant -2147483648 : i32
      %reduce_min3A_1245 = vector.broadcast %reduce_min3A_1244 : i32 to vector<16xi32>
      %reduce_min3A_1246 = arith.xori %select_n3A_1241, %reduce_min3A_1245 : vector<16xi32>
      %reduce_min3A_1247 = tpu.scan <min>, %reduce_min3A_1246 masked %reduce_min3A_1243 : vector<16xi32>, vector<16xi1> -> vector<16xi32>
      %reduce_min3A_1248 = arith.xori %reduce_min3A_1247, %reduce_min3A_1245 : vector<16xi32>
      %reduce_min3A_1249 = vector.extract %reduce_min3A_1248[15] : i32 from vector<16xi32>
      %rem3A_1250 = arith.constant 20 : i32
      %rem3A_1251 = arith.remsi %reduce_min3A_1249, %rem3A_1250 : i32
      %eq3A_1252 = arith.constant 19 : i32
      %eq3A_1253 = arith.cmpi eq, %rem3A_1251, %eq3A_1252 : i32
      %sub3A_1254 = arith.constant 1 : i32
      %sub3A_1255 = arith.subi %reduce_min3A_1249, %sub3A_1254 : i32
      %add3A_1256 = arith.constant 1 : i32
      %add3A_1257 = arith.addi %reduce_min3A_1249, %add3A_1256 : i32
      %select_n3A_1258 = arith.select %eq3A_1253, %sub3A_1255, %add3A_1257 : i32
      %eq3A_1259 = arith.constant 0 : i32
      %eq3A_1260 = vector.broadcast %eq3A_1259 : i32 to vector<16xi32>
      %eq3A_1261 = arith.cmpi eq, %iota3A, %eq3A_1260 : vector<16xi32>
      %broadcast_in_dim3A_1262 = vector.broadcast %reduce_min3A_1249 : i32 to vector<16xi32>
      %select_n3A_1263 = arith.select %eq3A_1261, %broadcast_in_dim3A_1262, %broadcast_in_dim3A_1232 : vector<16xi1>, vector<16xi32>
      %eq3A_1264 = arith.constant 8 : i32
      %eq3A_1265 = vector.broadcast %eq3A_1264 : i32 to vector<16xi32>
      %eq3A_1266 = arith.cmpi eq, %iota3A, %eq3A_1265 : vector<16xi32>
      %broadcast_in_dim3A_1267 = vector.broadcast %select_n3A_1258 : i32 to vector<16xi32>
      %select_n3A_1268 = arith.select %eq3A_1266, %broadcast_in_dim3A_1267, %select_n3A_1263 : vector<16xi1>, vector<16xi32>
      %reduce_min3A_1269 = arith.constant true
      %reduce_min3A_1270 = vector.broadcast %reduce_min3A_1269 : i1 to vector<16xi1>
      %reduce_min3A_1271 = tpu.scan <min>, %scan3A_1229#1 masked %reduce_min3A_1270 : vector<16xf32>, vector<16xi1> -> vector<16xf32>
      %reduce_min3A_1272 = vector.extract %reduce_min3A_1271[15] : f32 from vector<16xf32>
      %eq3A_1273 = vector.broadcast %reduce_min3A_1272 : f32 to vector<16xf32>
      %eq3A_1274 = arith.cmpf oeq, %scan3A_1229#1, %eq3A_1273 : vector<16xf32>
      %jit3A_1275 = arith.constant 2147483647 : i32
      %broadcast_in_dim3A_1276 = vector.broadcast %jit3A_1275 : i32 to vector<16xi32>
      %select_n3A_1277 = arith.select %eq3A_1274, %scan3A_1229#7, %broadcast_in_dim3A_1276 : vector<16xi1>, vector<16xi32>
      %reduce_min3A_1278 = arith.constant true
      %reduce_min3A_1279 = vector.broadcast %reduce_min3A_1278 : i1 to vector<16xi1>
      %reduce_min3A_1280 = arith.constant -2147483648 : i32
      %reduce_min3A_1281 = vector.broadcast %reduce_min3A_1280 : i32 to vector<16xi32>
      %reduce_min3A_1282 = arith.xori %select_n3A_1277, %reduce_min3A_1281 : vector<16xi32>
      %reduce_min3A_1283 = tpu.scan <min>, %reduce_min3A_1282 masked %reduce_min3A_1279 : vector<16xi32>, vector<16xi1> -> vector<16xi32>
      %reduce_min3A_1284 = arith.xori %reduce_min3A_1283, %reduce_min3A_1281 : vector<16xi32>
      %reduce_min3A_1285 = vector.extract %reduce_min3A_1284[15] : i32 from vector<16xi32>
      %rem3A_1286 = arith.constant 20 : i32
      %rem3A_1287 = arith.remsi %reduce_min3A_1285, %rem3A_1286 : i32
      %eq3A_1288 = arith.constant 19 : i32
      %eq3A_1289 = arith.cmpi eq, %rem3A_1287, %eq3A_1288 : i32
      %sub3A_1290 = arith.constant 1 : i32
      %sub3A_1291 = arith.subi %reduce_min3A_1285, %sub3A_1290 : i32
      %add3A_1292 = arith.constant 1 : i32
      %add3A_1293 = arith.addi %reduce_min3A_1285, %add3A_1292 : i32
      %select_n3A_1294 = arith.select %eq3A_1289, %sub3A_1291, %add3A_1293 : i32
      %eq3A_1295 = arith.constant 1 : i32
      %eq3A_1296 = vector.broadcast %eq3A_1295 : i32 to vector<16xi32>
      %eq3A_1297 = arith.cmpi eq, %iota3A, %eq3A_1296 : vector<16xi32>
      %broadcast_in_dim3A_1298 = vector.broadcast %reduce_min3A_1285 : i32 to vector<16xi32>
      %select_n3A_1299 = arith.select %eq3A_1297, %broadcast_in_dim3A_1298, %select_n3A_1268 : vector<16xi1>, vector<16xi32>
      %eq3A_1300 = arith.constant 9 : i32
      %eq3A_1301 = vector.broadcast %eq3A_1300 : i32 to vector<16xi32>
      %eq3A_1302 = arith.cmpi eq, %iota3A, %eq3A_1301 : vector<16xi32>
      %broadcast_in_dim3A_1303 = vector.broadcast %select_n3A_1294 : i32 to vector<16xi32>
      %select_n3A_1304 = arith.select %eq3A_1302, %broadcast_in_dim3A_1303, %select_n3A_1299 : vector<16xi1>, vector<16xi32>
      %reduce_min3A_1305 = arith.constant true
      %reduce_min3A_1306 = vector.broadcast %reduce_min3A_1305 : i1 to vector<16xi1>
      %reduce_min3A_1307 = tpu.scan <min>, %scan3A_1229#2 masked %reduce_min3A_1306 : vector<16xf32>, vector<16xi1> -> vector<16xf32>
      %reduce_min3A_1308 = vector.extract %reduce_min3A_1307[15] : f32 from vector<16xf32>
      %eq3A_1309 = vector.broadcast %reduce_min3A_1308 : f32 to vector<16xf32>
      %eq3A_1310 = arith.cmpf oeq, %scan3A_1229#2, %eq3A_1309 : vector<16xf32>
      %jit3A_1311 = arith.constant 2147483647 : i32
      %broadcast_in_dim3A_1312 = vector.broadcast %jit3A_1311 : i32 to vector<16xi32>
      %select_n3A_1313 = arith.select %eq3A_1310, %scan3A_1229#8, %broadcast_in_dim3A_1312 : vector<16xi1>, vector<16xi32>
      %reduce_min3A_1314 = arith.constant true
      %reduce_min3A_1315 = vector.broadcast %reduce_min3A_1314 : i1 to vector<16xi1>
      %reduce_min3A_1316 = arith.constant -2147483648 : i32
      %reduce_min3A_1317 = vector.broadcast %reduce_min3A_1316 : i32 to vector<16xi32>
      %reduce_min3A_1318 = arith.xori %select_n3A_1313, %reduce_min3A_1317 : vector<16xi32>
      %reduce_min3A_1319 = tpu.scan <min>, %reduce_min3A_1318 masked %reduce_min3A_1315 : vector<16xi32>, vector<16xi1> -> vector<16xi32>
      %reduce_min3A_1320 = arith.xori %reduce_min3A_1319, %reduce_min3A_1317 : vector<16xi32>
      %reduce_min3A_1321 = vector.extract %reduce_min3A_1320[15] : i32 from vector<16xi32>
      %rem3A_1322 = arith.constant 20 : i32
      %rem3A_1323 = arith.remsi %reduce_min3A_1321, %rem3A_1322 : i32
      %eq3A_1324 = arith.constant 19 : i32
      %eq3A_1325 = arith.cmpi eq, %rem3A_1323, %eq3A_1324 : i32
      %sub3A_1326 = arith.constant 1 : i32
      %sub3A_1327 = arith.subi %reduce_min3A_1321, %sub3A_1326 : i32
      %add3A_1328 = arith.constant 1 : i32
      %add3A_1329 = arith.addi %reduce_min3A_1321, %add3A_1328 : i32
      %select_n3A_1330 = arith.select %eq3A_1325, %sub3A_1327, %add3A_1329 : i32
      %eq3A_1331 = arith.constant 2 : i32
      %eq3A_1332 = vector.broadcast %eq3A_1331 : i32 to vector<16xi32>
      %eq3A_1333 = arith.cmpi eq, %iota3A, %eq3A_1332 : vector<16xi32>
      %broadcast_in_dim3A_1334 = vector.broadcast %reduce_min3A_1321 : i32 to vector<16xi32>
      %select_n3A_1335 = arith.select %eq3A_1333, %broadcast_in_dim3A_1334, %select_n3A_1304 : vector<16xi1>, vector<16xi32>
      %eq3A_1336 = arith.constant 10 : i32
      %eq3A_1337 = vector.broadcast %eq3A_1336 : i32 to vector<16xi32>
      %eq3A_1338 = arith.cmpi eq, %iota3A, %eq3A_1337 : vector<16xi32>
      %broadcast_in_dim3A_1339 = vector.broadcast %select_n3A_1330 : i32 to vector<16xi32>
      %select_n3A_1340 = arith.select %eq3A_1338, %broadcast_in_dim3A_1339, %select_n3A_1335 : vector<16xi1>, vector<16xi32>
      %reduce_min3A_1341 = arith.constant true
      %reduce_min3A_1342 = vector.broadcast %reduce_min3A_1341 : i1 to vector<16xi1>
      %reduce_min3A_1343 = tpu.scan <min>, %scan3A_1229#3 masked %reduce_min3A_1342 : vector<16xf32>, vector<16xi1> -> vector<16xf32>
      %reduce_min3A_1344 = vector.extract %reduce_min3A_1343[15] : f32 from vector<16xf32>
      %eq3A_1345 = vector.broadcast %reduce_min3A_1344 : f32 to vector<16xf32>
      %eq3A_1346 = arith.cmpf oeq, %scan3A_1229#3, %eq3A_1345 : vector<16xf32>
      %jit3A_1347 = arith.constant 2147483647 : i32
      %broadcast_in_dim3A_1348 = vector.broadcast %jit3A_1347 : i32 to vector<16xi32>
      %select_n3A_1349 = arith.select %eq3A_1346, %scan3A_1229#9, %broadcast_in_dim3A_1348 : vector<16xi1>, vector<16xi32>
      %reduce_min3A_1350 = arith.constant true
      %reduce_min3A_1351 = vector.broadcast %reduce_min3A_1350 : i1 to vector<16xi1>
      %reduce_min3A_1352 = arith.constant -2147483648 : i32
      %reduce_min3A_1353 = vector.broadcast %reduce_min3A_1352 : i32 to vector<16xi32>
      %reduce_min3A_1354 = arith.xori %select_n3A_1349, %reduce_min3A_1353 : vector<16xi32>
      %reduce_min3A_1355 = tpu.scan <min>, %reduce_min3A_1354 masked %reduce_min3A_1351 : vector<16xi32>, vector<16xi1> -> vector<16xi32>
      %reduce_min3A_1356 = arith.xori %reduce_min3A_1355, %reduce_min3A_1353 : vector<16xi32>
      %reduce_min3A_1357 = vector.extract %reduce_min3A_1356[15] : i32 from vector<16xi32>
      %rem3A_1358 = arith.constant 20 : i32
      %rem3A_1359 = arith.remsi %reduce_min3A_1357, %rem3A_1358 : i32
      %eq3A_1360 = arith.constant 19 : i32
      %eq3A_1361 = arith.cmpi eq, %rem3A_1359, %eq3A_1360 : i32
      %sub3A_1362 = arith.constant 1 : i32
      %sub3A_1363 = arith.subi %reduce_min3A_1357, %sub3A_1362 : i32
      %add3A_1364 = arith.constant 1 : i32
      %add3A_1365 = arith.addi %reduce_min3A_1357, %add3A_1364 : i32
      %select_n3A_1366 = arith.select %eq3A_1361, %sub3A_1363, %add3A_1365 : i32
      %eq3A_1367 = arith.constant 3 : i32
      %eq3A_1368 = vector.broadcast %eq3A_1367 : i32 to vector<16xi32>
      %eq3A_1369 = arith.cmpi eq, %iota3A, %eq3A_1368 : vector<16xi32>
      %broadcast_in_dim3A_1370 = vector.broadcast %reduce_min3A_1357 : i32 to vector<16xi32>
      %select_n3A_1371 = arith.select %eq3A_1369, %broadcast_in_dim3A_1370, %select_n3A_1340 : vector<16xi1>, vector<16xi32>
      %eq3A_1372 = arith.constant 11 : i32
      %eq3A_1373 = vector.broadcast %eq3A_1372 : i32 to vector<16xi32>
      %eq3A_1374 = arith.cmpi eq, %iota3A, %eq3A_1373 : vector<16xi32>
      %broadcast_in_dim3A_1375 = vector.broadcast %select_n3A_1366 : i32 to vector<16xi32>
      %select_n3A_1376 = arith.select %eq3A_1374, %broadcast_in_dim3A_1375, %select_n3A_1371 : vector<16xi1>, vector<16xi32>
      %reduce_min3A_1377 = arith.constant true
      %reduce_min3A_1378 = vector.broadcast %reduce_min3A_1377 : i1 to vector<16xi1>
      %reduce_min3A_1379 = tpu.scan <min>, %scan3A_1229#4 masked %reduce_min3A_1378 : vector<16xf32>, vector<16xi1> -> vector<16xf32>
      %reduce_min3A_1380 = vector.extract %reduce_min3A_1379[15] : f32 from vector<16xf32>
      %eq3A_1381 = vector.broadcast %reduce_min3A_1380 : f32 to vector<16xf32>
      %eq3A_1382 = arith.cmpf oeq, %scan3A_1229#4, %eq3A_1381 : vector<16xf32>
      %jit3A_1383 = arith.constant 2147483647 : i32
      %broadcast_in_dim3A_1384 = vector.broadcast %jit3A_1383 : i32 to vector<16xi32>
      %select_n3A_1385 = arith.select %eq3A_1382, %scan3A_1229#10, %broadcast_in_dim3A_1384 : vector<16xi1>, vector<16xi32>
      %reduce_min3A_1386 = arith.constant true
      %reduce_min3A_1387 = vector.broadcast %reduce_min3A_1386 : i1 to vector<16xi1>
      %reduce_min3A_1388 = arith.constant -2147483648 : i32
      %reduce_min3A_1389 = vector.broadcast %reduce_min3A_1388 : i32 to vector<16xi32>
      %reduce_min3A_1390 = arith.xori %select_n3A_1385, %reduce_min3A_1389 : vector<16xi32>
      %reduce_min3A_1391 = tpu.scan <min>, %reduce_min3A_1390 masked %reduce_min3A_1387 : vector<16xi32>, vector<16xi1> -> vector<16xi32>
      %reduce_min3A_1392 = arith.xori %reduce_min3A_1391, %reduce_min3A_1389 : vector<16xi32>
      %reduce_min3A_1393 = vector.extract %reduce_min3A_1392[15] : i32 from vector<16xi32>
      %rem3A_1394 = arith.constant 20 : i32
      %rem3A_1395 = arith.remsi %reduce_min3A_1393, %rem3A_1394 : i32
      %eq3A_1396 = arith.constant 19 : i32
      %eq3A_1397 = arith.cmpi eq, %rem3A_1395, %eq3A_1396 : i32
      %sub3A_1398 = arith.constant 1 : i32
      %sub3A_1399 = arith.subi %reduce_min3A_1393, %sub3A_1398 : i32
      %add3A_1400 = arith.constant 1 : i32
      %add3A_1401 = arith.addi %reduce_min3A_1393, %add3A_1400 : i32
      %select_n3A_1402 = arith.select %eq3A_1397, %sub3A_1399, %add3A_1401 : i32
      %eq3A_1403 = arith.constant 4 : i32
      %eq3A_1404 = vector.broadcast %eq3A_1403 : i32 to vector<16xi32>
      %eq3A_1405 = arith.cmpi eq, %iota3A, %eq3A_1404 : vector<16xi32>
      %broadcast_in_dim3A_1406 = vector.broadcast %reduce_min3A_1393 : i32 to vector<16xi32>
      %select_n3A_1407 = arith.select %eq3A_1405, %broadcast_in_dim3A_1406, %select_n3A_1376 : vector<16xi1>, vector<16xi32>
      %eq3A_1408 = arith.constant 12 : i32
      %eq3A_1409 = vector.broadcast %eq3A_1408 : i32 to vector<16xi32>
      %eq3A_1410 = arith.cmpi eq, %iota3A, %eq3A_1409 : vector<16xi32>
      %broadcast_in_dim3A_1411 = vector.broadcast %select_n3A_1402 : i32 to vector<16xi32>
      %select_n3A_1412 = arith.select %eq3A_1410, %broadcast_in_dim3A_1411, %select_n3A_1407 : vector<16xi1>, vector<16xi32>
      %reduce_min3A_1413 = arith.constant true
      %reduce_min3A_1414 = vector.broadcast %reduce_min3A_1413 : i1 to vector<16xi1>
      %reduce_min3A_1415 = tpu.scan <min>, %scan3A_1229#5 masked %reduce_min3A_1414 : vector<16xf32>, vector<16xi1> -> vector<16xf32>
      %reduce_min3A_1416 = vector.extract %reduce_min3A_1415[15] : f32 from vector<16xf32>
      %eq3A_1417 = vector.broadcast %reduce_min3A_1416 : f32 to vector<16xf32>
      %eq3A_1418 = arith.cmpf oeq, %scan3A_1229#5, %eq3A_1417 : vector<16xf32>
      %jit3A_1419 = arith.constant 2147483647 : i32
      %broadcast_in_dim3A_1420 = vector.broadcast %jit3A_1419 : i32 to vector<16xi32>
      %select_n3A_1421 = arith.select %eq3A_1418, %scan3A_1229#11, %broadcast_in_dim3A_1420 : vector<16xi1>, vector<16xi32>
      %reduce_min3A_1422 = arith.constant true
      %reduce_min3A_1423 = vector.broadcast %reduce_min3A_1422 : i1 to vector<16xi1>
      %reduce_min3A_1424 = arith.constant -2147483648 : i32
      %reduce_min3A_1425 = vector.broadcast %reduce_min3A_1424 : i32 to vector<16xi32>
      %reduce_min3A_1426 = arith.xori %select_n3A_1421, %reduce_min3A_1425 : vector<16xi32>
      %reduce_min3A_1427 = tpu.scan <min>, %reduce_min3A_1426 masked %reduce_min3A_1423 : vector<16xi32>, vector<16xi1> -> vector<16xi32>
      %reduce_min3A_1428 = arith.xori %reduce_min3A_1427, %reduce_min3A_1425 : vector<16xi32>
      %reduce_min3A_1429 = vector.extract %reduce_min3A_1428[15] : i32 from vector<16xi32>
      %rem3A_1430 = arith.constant 20 : i32
      %rem3A_1431 = arith.remsi %reduce_min3A_1429, %rem3A_1430 : i32
      %eq3A_1432 = arith.constant 19 : i32
      %eq3A_1433 = arith.cmpi eq, %rem3A_1431, %eq3A_1432 : i32
      %sub3A_1434 = arith.constant 1 : i32
      %sub3A_1435 = arith.subi %reduce_min3A_1429, %sub3A_1434 : i32
      %add3A_1436 = arith.constant 1 : i32
      %add3A_1437 = arith.addi %reduce_min3A_1429, %add3A_1436 : i32
      %select_n3A_1438 = arith.select %eq3A_1433, %sub3A_1435, %add3A_1437 : i32
      %eq3A_1439 = arith.constant 5 : i32
      %eq3A_1440 = vector.broadcast %eq3A_1439 : i32 to vector<16xi32>
      %eq3A_1441 = arith.cmpi eq, %iota3A, %eq3A_1440 : vector<16xi32>
      %broadcast_in_dim3A_1442 = vector.broadcast %reduce_min3A_1429 : i32 to vector<16xi32>
      %select_n3A_1443 = arith.select %eq3A_1441, %broadcast_in_dim3A_1442, %select_n3A_1412 : vector<16xi1>, vector<16xi32>
      %eq3A_1444 = arith.constant 13 : i32
      %eq3A_1445 = vector.broadcast %eq3A_1444 : i32 to vector<16xi32>
      %eq3A_1446 = arith.cmpi eq, %iota3A, %eq3A_1445 : vector<16xi32>
      %broadcast_in_dim3A_1447 = vector.broadcast %select_n3A_1438 : i32 to vector<16xi32>
      %select_n3A_1448 = arith.select %eq3A_1446, %broadcast_in_dim3A_1447, %select_n3A_1443 : vector<16xi1>, vector<16xi32>
      %mul3A_1449 = arith.constant 2 : i32
      %mul3A_1450 = vector.broadcast %mul3A_1449 : i32 to vector<16xi32>
      %mul3A_1451 = arith.muli %select_n3A_1448, %mul3A_1450 : vector<16xi32>
      %gather3A_1452 = tpu.vector_load_idx %arg8[%mul3A_1451] : memref<4000xf32, #tpu.memory_space<vmem>>[vector<16xi32>], vector<16xf32>,
      %mul3A_1453 = arith.constant 2 : i32
      %mul3A_1454 = vector.broadcast %mul3A_1453 : i32 to vector<16xi32>
      %mul3A_1455 = arith.muli %select_n3A_1448, %mul3A_1454 : vector<16xi32>
      %add3A_1456 = arith.constant 1 : i32
      %add3A_1457 = vector.broadcast %add3A_1456 : i32 to vector<16xi32>
      %add3A_1458 = arith.addi %mul3A_1455, %add3A_1457 : vector<16xi32>
      %gather3A_1459 = tpu.vector_load_idx %arg8[%add3A_1458] : memref<4000xf32, #tpu.memory_space<vmem>>[vector<16xi32>], vector<16xf32>,
      %gather3A_1460 = tpu.vector_load_idx %arg13[%select_n3A_1448] : memref<2048xi32, #tpu.memory_space<vmem>>[vector<16xi32>], vector<16xi32>,
      %gather3A_1461 = tpu.vector_load_idx %arg12[%gather3A_1460] : memref<128xf32, #tpu.memory_space<vmem>>[vector<16xi32>], vector<16xf32>,
      %lt3A_1462 = arith.constant 5.000000e-01 : f32
      %lt3A_1463 = vector.broadcast %lt3A_1462 : f32 to vector<16xf32>
      %lt3A_1464 = arith.cmpf olt, %gather3A_1461, %lt3A_1463 : vector<16xf32>
      %mul3A_1465 = arith.constant 3.000000e+01 : f32
      %mul3A_1466 = vector.broadcast %mul3A_1465 : f32 to vector<16xf32>
      %mul3A_1467 = arith.mulf %gather3A_1452, %mul3A_1466 : vector<16xf32>
      %sub3A_1468 = arith.constant 1.500000e+01 : f32
      %sub3A_1469 = vector.broadcast %sub3A_1468 : f32 to vector<16xf32>
      %sub3A_1470 = arith.subf %mul3A_1467, %sub3A_1469 : vector<16xf32>
      %jit3A_1471 = arith.constant 1.000000e+06 : f32
      %broadcast_in_dim3A_1472 = vector.broadcast %jit3A_1471 : f32 to vector<16xf32>
      %select_n3A_1473 = arith.select %lt3A_1464, %broadcast_in_dim3A_1472, %sub3A_1470 : vector<16xi1>, vector<16xf32>
      %mul3A_1474 = arith.constant 6.000000e+01 : f32
      %mul3A_1475 = vector.broadcast %mul3A_1474 : f32 to vector<16xf32>
      %mul3A_1476 = arith.mulf %gather3A_1459, %mul3A_1475 : vector<16xf32>
      %sub3A_1477 = arith.constant 3.000000e+01 : f32
      %sub3A_1478 = vector.broadcast %sub3A_1477 : f32 to vector<16xf32>
      %sub3A_1479 = arith.subf %mul3A_1476, %sub3A_1478 : vector<16xf32>
      %jit3A_1480 = arith.constant 1.000000e+06 : f32
      %broadcast_in_dim3A_1481 = vector.broadcast %jit3A_1480 : f32 to vector<16xf32>
      %select_n3A_1482 = arith.select %lt3A_1464, %broadcast_in_dim3A_1481, %sub3A_1479 : vector<16xi1>, vector<16xf32>
      %mul3A_1483 = arith.constant 32 : i32
      %mul3A_1484 = arith.muli %add3A_1134, %mul3A_1483 : i32
      %swap3A_1485 = arith.index_cast %mul3A_1484 : i32 to index
      %swap3A_1486 = tpu.vector_load %arg15[%swap3A_1485] {strides = array<i32>} : memref<512xf32, #tpu.memory_space<vmem>>, vector<16xf32>,
      tpu.vector_store %arg15[%swap3A_1485], %select_n3A_1473 {strides = array<i32>} : memref<512xf32, #tpu.memory_space<vmem>>, vector<16xf32>,
      %mul3A_1487 = arith.constant 32 : i32
      %mul3A_1488 = arith.muli %add3A_1134, %mul3A_1487 : i32
      %add3A_1489 = arith.constant 16 : i32
      %add3A_1490 = arith.addi %mul3A_1488, %add3A_1489 : i32
      %swap3A_1491 = arith.index_cast %add3A_1490 : i32 to index
      %swap3A_1492 = tpu.vector_load %arg15[%swap3A_1491] {strides = array<i32>} : memref<512xf32, #tpu.memory_space<vmem>>, vector<16xf32>,
      tpu.vector_store %arg15[%swap3A_1491], %select_n3A_1482 {strides = array<i32>} : memref<512xf32, #tpu.memory_space<vmem>>, vector<16xf32>,
      %scan3A_1493 = arith.constant 0 : i32
      scf.yield %scan3A_1493 : i32
    }
    %scan3A_56 = arith.constant 4 : i32
    %mul3A_57 = arith.constant 512 : i32
    %mul3A_58 = arith.muli %add3A, %mul3A_57 : i32
    "tpu.region"() ({
      %run_scoped3A = tpu.sem_alloc : memref<!tpu.dma_semaphore, #tpu.memory_space<semaphore_mem>>
      %dma_start3A_59 = tpu.memref_slice %arg4[%mul3A_58] : memref<16384xf32, #tpu.memory_space<hbm>> -> memref<512xf32, #tpu.memory_space<hbm>>
      %dma_start3A_60 = tpu.memref_slice %arg4[%mul3A_58] : memref<16384xf32, #tpu.memory_space<hbm>> -> memref<512xf32, #tpu.memory_space<hbm>>
      tpu.enqueue_dma source(%arg15 : memref<512xf32, #tpu.memory_space<vmem>>) target(%dma_start3A_60 : memref<512xf32, #tpu.memory_space<hbm>>) target_semaphore(%run_scoped3A : memref<!tpu.dma_semaphore, #tpu.memory_space<semaphore_mem>>)
      %dma_wait3A = tpu.memref_slice %arg4[%mul3A_58] : memref<16384xf32, #tpu.memory_space<hbm>> -> memref<512xf32, #tpu.memory_space<hbm>>
      %dma_wait3A_61 = tpu.memref_slice %arg4[%mul3A_58] : memref<16384xf32, #tpu.memory_space<hbm>> -> memref<512xf32, #tpu.memory_space<hbm>>
      tpu.wait_dma2 semaphore(%run_scoped3A : memref<!tpu.dma_semaphore, #tpu.memory_space<semaphore_mem>>) src(%arg15 : memref<512xf32, #tpu.memory_space<vmem>>) dst(%dma_wait3A_61 : memref<512xf32, #tpu.memory_space<hbm>>)
      tpu.yield
    }) : () -> ()
    return
  }
}

module attributes {stable_mosaic.version = 14 : i64} {
  func.func @_tc_body(%arg0: memref<512x8xf32, #tpu.memory_space<vmem>>, %arg1: memref<512x8xf32, #tpu.memory_space<vmem>>, %arg2: memref<512x32xf32, #tpu.memory_space<vmem>>, %arg3: memref<1x1xf32, #tpu.memory_space<vmem>>) attributes {dimension_semantics = [], scalar_prefetch = 0 : i64, scratch_operands = 0 : i64, tpu.core_type = #tpu.core_type<tc>} {
    %get3A = arith.constant 0 : index
    %get3A_0 = arith.constant 0 : index
    %get3A_1 = vector.load %arg0[%get3A, %get3A_0] : memref<512x8xf32, #tpu.memory_space<vmem>>, vector<512x8xf32>
    %get3A_2 = arith.constant 0 : index
    %get3A_3 = arith.constant 0 : index
    %get3A_4 = vector.load %arg1[%get3A_2, %get3A_3] : memref<512x8xf32, #tpu.memory_space<vmem>>, vector<512x8xf32>
    %get3A_5 = arith.constant 0 : index
    %get3A_6 = arith.constant 0 : index
    %get3A_7 = vector.load %arg2[%get3A_5, %get3A_6] : memref<512x32xf32, #tpu.memory_space<vmem>>, vector<512x32xf32>
    %slice3A = vector.extract_strided_slice %get3A_1 {offsets = [0, 0], sizes = [512, 1], strides = [1, 1]} : vector<512x8xf32> to vector<512x1xf32>
    %slice3A_8 = vector.extract_strided_slice %get3A_4 {offsets = [0, 0], sizes = [512, 1], strides = [1, 1]} : vector<512x8xf32> to vector<512x1xf32>
    %slice3A_9 = vector.extract_strided_slice %get3A_1 {offsets = [0, 1], sizes = [512, 1], strides = [1, 1]} : vector<512x8xf32> to vector<512x1xf32>
    %add3A = arith.addf %slice3A, %slice3A_9 : vector<512x1xf32>
    %slice3A_10 = vector.extract_strided_slice %get3A_4 {offsets = [0, 1], sizes = [512, 1], strides = [1, 1]} : vector<512x8xf32> to vector<512x1xf32>
    %add3A_11 = arith.addf %slice3A_8, %slice3A_10 : vector<512x1xf32>
    %slice3A_12 = vector.extract_strided_slice %get3A_1 {offsets = [0, 2], sizes = [512, 1], strides = [1, 1]} : vector<512x8xf32> to vector<512x1xf32>
    %add3A_13 = arith.addf %add3A, %slice3A_12 : vector<512x1xf32>
    %slice3A_14 = vector.extract_strided_slice %get3A_4 {offsets = [0, 2], sizes = [512, 1], strides = [1, 1]} : vector<512x8xf32> to vector<512x1xf32>
    %add3A_15 = arith.addf %add3A_11, %slice3A_14 : vector<512x1xf32>
    %slice3A_16 = vector.extract_strided_slice %get3A_1 {offsets = [0, 3], sizes = [512, 1], strides = [1, 1]} : vector<512x8xf32> to vector<512x1xf32>
    %add3A_17 = arith.addf %add3A_13, %slice3A_16 : vector<512x1xf32>
    %slice3A_18 = vector.extract_strided_slice %get3A_4 {offsets = [0, 3], sizes = [512, 1], strides = [1, 1]} : vector<512x8xf32> to vector<512x1xf32>
    %add3A_19 = arith.addf %add3A_15, %slice3A_18 : vector<512x1xf32>
    %slice3A_20 = vector.extract_strided_slice %get3A_1 {offsets = [0, 4], sizes = [512, 1], strides = [1, 1]} : vector<512x8xf32> to vector<512x1xf32>
    %add3A_21 = arith.addf %add3A_17, %slice3A_20 : vector<512x1xf32>
    %slice3A_22 = vector.extract_strided_slice %get3A_4 {offsets = [0, 4], sizes = [512, 1], strides = [1, 1]} : vector<512x8xf32> to vector<512x1xf32>
    %add3A_23 = arith.addf %add3A_19, %slice3A_22 : vector<512x1xf32>
    %slice3A_24 = vector.extract_strided_slice %get3A_1 {offsets = [0, 5], sizes = [512, 1], strides = [1, 1]} : vector<512x8xf32> to vector<512x1xf32>
    %add3A_25 = arith.addf %add3A_21, %slice3A_24 : vector<512x1xf32>
    %slice3A_26 = vector.extract_strided_slice %get3A_4 {offsets = [0, 5], sizes = [512, 1], strides = [1, 1]} : vector<512x8xf32> to vector<512x1xf32>
    %add3A_27 = arith.addf %add3A_23, %slice3A_26 : vector<512x1xf32>
    %concatenate3A = tpu.concatenate %slice3A, %add3A, %add3A_13, %add3A_17, %add3A_21, %add3A_25 in 1 : vector<512x1xf32>, vector<512x1xf32>, vector<512x1xf32>, vector<512x1xf32>, vector<512x1xf32>, vector<512x1xf32> -> vector<512x6xf32>
    %concatenate3A_28 = tpu.concatenate %slice3A_8, %add3A_11, %add3A_15, %add3A_19, %add3A_23, %add3A_27 in 1 : vector<512x1xf32>, vector<512x1xf32>, vector<512x1xf32>, vector<512x1xf32>, vector<512x1xf32>, vector<512x1xf32> -> vector<512x6xf32>
    %slice3A_29 = vector.extract_strided_slice %get3A_7 {offsets = [0, 0], sizes = [512, 6], strides = [1, 1]} : vector<512x32xf32> to vector<512x6xf32>
    %slice3A_30 = vector.extract_strided_slice %get3A_7 {offsets = [0, 8], sizes = [512, 6], strides = [1, 1]} : vector<512x32xf32> to vector<512x6xf32>
    %slice3A_31 = vector.extract_strided_slice %get3A_7 {offsets = [0, 16], sizes = [512, 6], strides = [1, 1]} : vector<512x32xf32> to vector<512x6xf32>
    %slice3A_32 = vector.extract_strided_slice %get3A_7 {offsets = [0, 24], sizes = [512, 6], strides = [1, 1]} : vector<512x32xf32> to vector<512x6xf32>
    %sub3A = arith.subf %slice3A_30, %slice3A_29 : vector<512x6xf32>
    %sub3A_33 = arith.subf %slice3A_32, %slice3A_31 : vector<512x6xf32>
    %slice3A_34 = vector.extract_strided_slice %get3A_1 {offsets = [0, 1], sizes = [512, 5], strides = [1, 1]} : vector<512x8xf32> to vector<512x5xf32>
    %slice3A_35 = vector.extract_strided_slice %get3A_1 {offsets = [0, 5], sizes = [512, 1], strides = [1, 1]} : vector<512x8xf32> to vector<512x1xf32>
    %concatenate3A_36 = tpu.concatenate %slice3A_34, %slice3A_35 in 1 : vector<512x5xf32>, vector<512x1xf32> -> vector<512x6xf32>
    %slice3A_37 = vector.extract_strided_slice %get3A_4 {offsets = [0, 1], sizes = [512, 5], strides = [1, 1]} : vector<512x8xf32> to vector<512x5xf32>
    %slice3A_38 = vector.extract_strided_slice %get3A_4 {offsets = [0, 5], sizes = [512, 1], strides = [1, 1]} : vector<512x8xf32> to vector<512x1xf32>
    %concatenate3A_39 = tpu.concatenate %slice3A_37, %slice3A_38 in 1 : vector<512x5xf32>, vector<512x1xf32> -> vector<512x6xf32>
    %mul3A = arith.mulf %concatenate3A_36, %sub3A_33 : vector<512x6xf32>
    %mul3A_40 = arith.mulf %concatenate3A_39, %sub3A : vector<512x6xf32>
    %sub3A_41 = arith.subf %mul3A, %mul3A_40 : vector<512x6xf32>
    %mul3A_42 = arith.mulf %concatenate3A_36, %sub3A : vector<512x6xf32>
    %mul3A_43 = arith.mulf %concatenate3A_39, %sub3A_33 : vector<512x6xf32>
    %add3A_44 = arith.addf %mul3A_42, %mul3A_43 : vector<512x6xf32>
    %abs3A = math.absf %sub3A_41 : vector<512x6xf32>
    %abs3A_45 = math.absf %add3A_44 : vector<512x6xf32>
    %min3A = arith.minimumf %abs3A, %abs3A_45 : vector<512x6xf32>
    %max3A = arith.maximumf %abs3A, %abs3A_45 : vector<512x6xf32>
    %add3A_46 = arith.constant 1.000000e-30 : f32
    %add3A_47 = vector.broadcast %add3A_46 : f32 to vector<512x6xf32>
    %add3A_48 = arith.addf %max3A, %add3A_47 : vector<512x6xf32>
    %div3A = arith.divf %min3A, %add3A_48 : vector<512x6xf32>
    %mul3A_49 = arith.mulf %div3A, %div3A : vector<512x6xf32>
    %mul3A_50 = arith.constant -0.0138874734 : f32
    %mul3A_51 = vector.broadcast %mul3A_50 : f32 to vector<512x6xf32>
    %mul3A_52 = arith.mulf %mul3A_51, %mul3A_49 : vector<512x6xf32>
    %add3A_53 = arith.constant 0.0585594028 : f32
    %add3A_54 = vector.broadcast %add3A_53 : f32 to vector<512x6xf32>
    %add3A_55 = arith.addf %mul3A_52, %add3A_54 : vector<512x6xf32>
    %mul3A_56 = arith.mulf %add3A_55, %mul3A_49 : vector<512x6xf32>
    %sub3A_57 = arith.constant 0.12227039 : f32
    %sub3A_58 = vector.broadcast %sub3A_57 : f32 to vector<512x6xf32>
    %sub3A_59 = arith.subf %mul3A_56, %sub3A_58 : vector<512x6xf32>
    %mul3A_60 = arith.mulf %sub3A_59, %mul3A_49 : vector<512x6xf32>
    %add3A_61 = arith.constant 0.196054831 : f32
    %add3A_62 = vector.broadcast %add3A_61 : f32 to vector<512x6xf32>
    %add3A_63 = arith.addf %mul3A_60, %add3A_62 : vector<512x6xf32>
    %mul3A_64 = arith.mulf %add3A_63, %mul3A_49 : vector<512x6xf32>
    %sub3A_65 = arith.constant 0.333060145 : f32
    %sub3A_66 = vector.broadcast %sub3A_65 : f32 to vector<512x6xf32>
    %sub3A_67 = arith.subf %mul3A_64, %sub3A_66 : vector<512x6xf32>
    %mul3A_68 = arith.mulf %sub3A_67, %mul3A_49 : vector<512x6xf32>
    %add3A_69 = arith.constant 0.999998033 : f32
    %add3A_70 = vector.broadcast %add3A_69 : f32 to vector<512x6xf32>
    %add3A_71 = arith.addf %mul3A_68, %add3A_70 : vector<512x6xf32>
    %mul3A_72 = arith.mulf %add3A_71, %div3A : vector<512x6xf32>
    %le3A = arith.cmpf ole, %abs3A, %abs3A_45 : vector<512x6xf32>
    %sub3A_73 = arith.constant 1.57079637 : f32
    %sub3A_74 = vector.broadcast %sub3A_73 : f32 to vector<512x6xf32>
    %sub3A_75 = arith.subf %sub3A_74, %mul3A_72 : vector<512x6xf32>
    %select_n3A = arith.select %le3A, %mul3A_72, %sub3A_75 : vector<512x6xi1>, vector<512x6xf32>
    %sub3A_76 = arith.subf %slice3A_29, %concatenate3A : vector<512x6xf32>
    %sub3A_77 = arith.subf %slice3A_31, %concatenate3A_28 : vector<512x6xf32>
    %mul3A_78 = arith.mulf %sub3A_76, %sub3A_76 : vector<512x6xf32>
    %mul3A_79 = arith.mulf %sub3A_77, %sub3A_77 : vector<512x6xf32>
    %add3A_80 = arith.addf %mul3A_78, %mul3A_79 : vector<512x6xf32>
    %gt3A = arith.constant 4.000000e+00 : f32
    %gt3A_81 = vector.broadcast %gt3A : f32 to vector<512x6xf32>
    %gt3A_82 = arith.cmpf ogt, %add3A_80, %gt3A_81 : vector<512x6xf32>
    %slice3A_83 = vector.extract_strided_slice %concatenate3A {offsets = [0, 5], sizes = [512, 1], strides = [1, 1]} : vector<512x6xf32> to vector<512x1xf32>
    %slice3A_84 = vector.extract_strided_slice %concatenate3A {offsets = [0, 0], sizes = [512, 1], strides = [1, 1]} : vector<512x6xf32> to vector<512x1xf32>
    %sub3A_85 = arith.subf %slice3A_83, %slice3A_84 : vector<512x1xf32>
    %slice3A_86 = vector.extract_strided_slice %concatenate3A_28 {offsets = [0, 5], sizes = [512, 1], strides = [1, 1]} : vector<512x6xf32> to vector<512x1xf32>
    %slice3A_87 = vector.extract_strided_slice %concatenate3A_28 {offsets = [0, 0], sizes = [512, 1], strides = [1, 1]} : vector<512x6xf32> to vector<512x1xf32>
    %sub3A_88 = arith.subf %slice3A_86, %slice3A_87 : vector<512x1xf32>
    %mul3A_89 = arith.mulf %sub3A_85, %sub3A_85 : vector<512x1xf32>
    %mul3A_90 = arith.mulf %sub3A_88, %sub3A_88 : vector<512x1xf32>
    %add3A_91 = arith.addf %mul3A_89, %mul3A_90 : vector<512x1xf32>
    %lt3A = arith.constant 1.000000e+00 : f32
    %lt3A_92 = vector.broadcast %lt3A : f32 to vector<512x1xf32>
    %lt3A_93 = arith.cmpf olt, %add3A_91, %lt3A_92 : vector<512x1xf32>
    %or3A = vector.broadcast %lt3A_93 : vector<512x1xi1> to vector<512x6xi1>
    %or3A_94 = arith.ori %gt3A_82, %or3A : vector<512x6xi1>
    %jit3A = arith.constant 0.000000e+00 : f32
    %broadcast_in_dim3A = vector.broadcast %jit3A : f32 to vector<512x6xf32>
    %select_n3A_95 = arith.select %or3A_94, %broadcast_in_dim3A, %select_n3A : vector<512x6xi1>, vector<512x6xf32>
    %reduce_sum3A = vector.shape_cast %select_n3A_95 : vector<512x6xf32> to vector<1x512x6xf32>
    %reduce_sum3A_96 = arith.constant dense<0.000000e+00> : vector<1xf32>
    %reduce_sum3A_97 = vector.multi_reduction <add>, %reduce_sum3A, %reduce_sum3A_96 [1, 2] : vector<1x512x6xf32> to vector<1xf32>
    %reduce_sum3A_98 = vector.shape_cast %reduce_sum3A_97 : vector<1xf32> to vector<1x1x1xf32>
    %reduce_sum3A_99 = vector.extract %reduce_sum3A_98[0, 0, 0] : f32 from vector<1x1x1xf32>
    %reshape3A = vector.broadcast %reduce_sum3A_99 : f32 to vector<1x1xf32>
    %mul3A_100 = arith.constant 3.25520843E-4 : f32
    %mul3A_101 = vector.broadcast %mul3A_100 : f32 to vector<1x1xf32>
    %mul3A_102 = arith.mulf %reshape3A, %mul3A_101 : vector<1x1xf32>
    %swap3A = arith.constant 0 : index
    %swap3A_103 = arith.constant 0 : index
    %swap3A_104 = vector.load %arg3[%swap3A, %swap3A_103] : memref<1x1xf32, #tpu.memory_space<vmem>>, vector<1x1xf32>
    tpu.vector_store %arg3[%swap3A, %swap3A_103], %mul3A_102 {strides = array<i32>} : memref<1x1xf32, #tpu.memory_space<vmem>>, vector<1x1xf32>,
    return
  }
}

</mosaic_0001>

<sc_bundles>
// kernel: kernel.4.cloned.1.call-start
scs
__scs_entry_jumppad:
0x0: {  	(pc) =	sbr.rel $0x88, $3  }
0x1: {  	(tag) =	ssettag $0x0;
	lr =	simm.s32 $0x1  }
0x2: {  	[smem:$0x3F9E] =	sst lr;
	_ =	strace $0xD0000000  }
0x3: {  	_ = 	snop  }
0x4: {  	_ = 	snop  }
0x5: {  	_ = 	snop  }
0x6: {  	_ = 	snop  }
0x7: {  	_ = 	snop  }
__scs_overlays_trampoline_lowered:
0x8: {  	[smem:$0x3FAD] =	sst s0  }
0x9: {  	[smem:$0x3FAE] =	sst s1  }
0xa: {  	[smem:$0x3FAF] =	sst s2  }
0xb: {  	[smem:$0x3FB0] =	sst s3  }
0xc: {  	[smem:$0x3FB1] =	sst s4  }
0xd: {  	[smem:$0x3FB2] =	sst s5  }
0xe: {  	[smem:$0x3FB3] =	sst s6  }
0xf: {  	[smem:$0x3FB4] =	sst s7  }
0x10: {  	[smem:$0x3FB5] =	sst s8  }
0x11: {  	[smem:$0x3FB6] =	sst s9;
	s0 =	simm.s32 @!p0 $0x0  }
0x12: {  	s1 =	sld [smem:$0x3F9C];
	s0 =	simm.s32 @p0 $0x1  }
0x13: {  	[smem:$0x3FB7] =	sst s0;
	s0 =	simm.s32 @!p1 $0x0  }
0x14: {  	s2 =	sld [smem:$0x3F9B];
	s0 =	simm.s32 @p1 $0x1  }
0x15: {  	[smem:$0x3FB8] =	sst s0;
	s0 =	simm.s32 @!p2 $0x0  }
0x16: {  	s3 =	sld [smem:$0x3FDB];
	s0 =	simm.s32 @p2 $0x1  }
0x17: {  	s4 =	simm.s32 $0x1BF5;
	[smem:$0x3FBA] =	sst s0  }
0x18: {  	s0 =	sld [smem:$0x3F9D];
	_ =	swait.ge [sflag:s4], $0x0  }
0x19: {  	s7 =	sld [smem:$0x3F9E]  }
0x1a: {  	s8 =	sadd.s32 $0xFFFFE003, lr  }
0x1b: {  	s9 =	sadd.s32 $0xFFFFFEF7, lr;
	s5 =	simm.s32 $0xFFFFFFFF;
	p2 =	slt.u32 s8, $0xFFFFF086  }
0x1c: {  	p1 =	slt.u32 s9, $0xF7A;
	s5 =	simm.s32 @!p2 $0x0  }
0x1d: {  	s5 =	simm.s32 @p1 $0x1;
	p0 =	seq.s32 s7, s2  }
0x1e: {  	s7 =	smul.u32 @!p0 $0xF7A, s2;
	p2 =	seq.s32 @!p0 s5, $0x0  }
0x1f: {  	s9 =	smul.u32 $0xF7A, s1;
	s8 =	simm.s32 @!p0 $0x1BF5;
	p2 =	por !p2, p0  }
0x20: {  	[sflag:s8] =	ssyncset.s32 @!p0 $0xFFFFF086;
	s6 =	sadd.s32 @!p0 s3, s7;
	s7 =	simm.s32 @!p0 $0x108  }
0x21: {  	s3 =	sadd.s32 s3, s9;
	s6 =	sadd.s32 @!p0 $0x88, s6;
	s7 =	simm.s32 @p2 $0x1082  }
0x22: {  	[simem:s7], [sflag:s8] =	dma.local @!p0 [hbm:s6], $0xF7A  }
0x23: {  	s9 =	sor.u32 $0xD0000000, s2;
	s6 =	simm.s32 $0x108;
	_ =	swait.ge @!p0 [sflag:s8], $0x0  }
0x24: {  	s3 =	sadd.s32 $0x88, s3;
	s6 =	simm.s32 @!p1 $0x1082;
	[sflag:s4] =	ssyncset.s32 $0xFFFFF086  }
0x25: {  	[simem:s6], [sflag:s4] =	dma.local [hbm:s3], $0xF7A  }
0x26: {  	[smem:$0x3F9E] =	sst s1;
	(tag) =	ssettag s2;
	_ =	strace s9  }
0x27: {  	s1 =	sld [smem:$0x3FAE]  }
0x28: {  	s2 =	sld [smem:$0x3FAF]  }
0x29: {  	s4 =	sld [smem:$0x3FB1]  }
0x2a: {  	p0 =	seq.s32 s5, $0x0;
	s5 =	sld [smem:$0x3FB2]  }
0x2b: {  	s6 =	sld [smem:$0x3FB3]  }
0x2c: {  	s7 =	sld [smem:$0x3FB4]  }
0x2d: {  	s3 =	simm.s32 $0x108;
	s8 =	sld [smem:$0x3FB5]  }
0x2e: {  	s3 =	simm.s32 @!p0 $0x1082;
	s9 =	sld [smem:$0x3FB6]  }
0x2f: {  	lr =	sadd.s32 s0, s3;
	s0 =	sld [smem:$0x3FAD]  }
0x30: {  	s3 =	sld [smem:$0x3FB0]  }
0x31: {  	[smem:$0x3FB9] =	sst s10  }
0x32: {  	s10 =	sld [smem:$0x3FB7];
	_ =	sdelay $0x3  }
0x33: {  	p0 =	seq.s32 s10, $0x1;
	s10 =	sld [smem:$0x3FB9];
	_ =	sdelay $0x3  }
0x34: {  	[smem:$0x3FB9] =	sst s10  }
0x35: {  	s10 =	sld [smem:$0x3FB8];
	_ =	sdelay $0x3  }
0x36: {  	p1 =	seq.s32 s10, $0x1;
	s10 =	sld [smem:$0x3FB9];
	_ =	sdelay $0x3  }
0x37: {  	[smem:$0x3FB9] =	sst s10  }
0x38: {  	s10 =	sld [smem:$0x3FBA]  }
0x39: {  	_ = 	snop;
	(pc) =	sbr.ind lr, $3  }
0x3a: {  	_ = 	snop  }
0x3b: {  	_ = 	snop  }
0x3c: {  	p2 =	seq.s32 s10, $0x1;
	s10 =	sld [smem:$0x3FB9]  }
0x3d: {  	_ =	shalt  }
0x3e: {  	_ =	shalt  }
0x3f: {  	_ =	shalt  }
0x40: {  	_ =	shalt  }
0x41: {  	_ =	shalt  }
0x42: {  	_ =	shalt  }
0x43: {  	_ =	shalt  }
0x44: {  	_ =	shalt  }
0x45: {  	_ =	shalt  }
0x46: {  	_ =	shalt  }
0x47: {  	_ =	shalt  }
0x48: {  	_ =	shalt  }
0x49: {  	_ =	shalt  }
0x4a: {  	_ =	shalt  }
0x4b: {  	_ =	shalt  }
0x4c: {  	_ =	shalt  }
0x4d: {  	_ =	shalt  }
0x4e: {  	_ =	shalt  }
0x4f: {  	_ =	shalt  }
0x50: {  	_ =	shalt  }
0x51: {  	_ =	shalt  }
0x52: {  	_ =	shalt  }
0x53: {  	_ =	shalt  }
0x54: {  	_ =	shalt  }
0x55: {  	_ =	shalt  }
0x56: {  	_ =	shalt  }
0x57: {  	_ =	shalt  }
0x58: {  	_ =	shalt  }
0x59: {  	_ =	shalt  }
0x5a: {  	_ =	shalt  }
0x5b: {  	_ =	shalt  }
0x5c: {  	_ =	shalt  }
0x5d: {  	_ =	shalt  }
0x5e: {  	_ =	shalt  }
0x5f: {  	_ =	shalt  }
0x60: {  	_ =	shalt  }
0x61: {  	_ =	shalt  }
0x62: {  	_ =	shalt  }
0x63: {  	_ =	shalt  }
0x64: {  	_ =	shalt  }
0x65: {  	_ =	shalt  }
0x66: {  	_ =	shalt  }
0x67: {  	_ =	shalt  }
0x68: {  	_ =	shalt  }
0x69: {  	_ =	shalt  }
0x6a: {  	_ =	shalt  }
0x6b: {  	_ =	shalt  }
0x6c: {  	_ =	shalt  }
0x6d: {  	_ =	shalt  }
0x6e: {  	_ =	shalt  }
0x6f: {  	_ =	shalt  }
0x70: {  	_ =	shalt  }
0x71: {  	_ =	shalt  }
0x72: {  	_ =	shalt  }
0x73: {  	_ =	shalt  }
0x74: {  	_ =	shalt  }
0x75: {  	_ =	shalt  }
0x76: {  	_ =	shalt  }
0x77: {  	_ =	shalt  }
0x78: {  	_ =	shalt  }
0x79: {  	_ =	shalt  }
0x7a: {  	_ =	shalt  }
0x7b: {  	_ =	shalt  }
0x7c: {  	_ =	shalt  }
0x7d: {  	_ =	shalt  }
0x7e: {  	_ =	shalt  }
0x7f: {  	_ =	shalt  }
0x80: {  	_ =	shalt  }
0x81: {  	_ =	shalt  }
0x82: {  	_ =	shalt  }
0x83: {  	_ =	shalt  }
0x84: {  	_ =	shalt  }
0x85: {  	_ =	shalt  }
0x86: {  	_ =	shalt  }
0x87: {  	_ =	shalt  }
.Lfunc_end0:
.L_simem_size_0:
called_computation_lowered:
.L_overlay_start_0:
0x88: {  	s2 =	sld [smem:$0x3FD9]  }
0x89: {  	s3 =	sld [smem:$0x3FFE];
	_ =	sdelay $0x1  }
0x8a: {  	s1 =	srdreg.scid  }
0x8b: {  	s0 =	sand.u32 $0x1, s1  }
0x8c: {  	s16 =	sshll.u32 s0, $0xA;
	s2 =	sadd.s32 s3, s2  }
0x8d: {  	s2 =	sadd.s32 s2, s16  }
0x8e: {  	[smem:$0x3FC5] =	sst s2  }
0x8f: {  	_ = 	snop  }
0x90: {  	(tm) =	ssettm $0x1  }
0x91: {  	s17 =	sld [smem:$0x3FFB];
	_ =	sdelay $0x3  }
0x92: {  	_ =	strace s17  }
0x93: {  	s2 =	sld [smem:$0x3FFC];
	_ =	sdelay $0x3  }
0x94: {  	_ =	strace s2  }
0x95: {  	s2 =	sld [smem:$0x3FFD];
	_ =	sdelay $0x3  }
0x96: {  	_ =	strace s2  }
0x97: {  	_ =	strace $0x8FFFFFFF  }
0x98: {  	s18 =	sld [smem:$0x3FDB];
	_ =	sdelay $0x1  }
0x99: {  	s19 =	simm.s32 $_scs_section_size  }
0x9a: {  	s4 =	simm.s32 $_size__tile_overlayer_lowered;
	s5 =	simm.s32 $_tile_overlayer_lowered  }
0x9b: {  	s22 =	simm.s32 $0x1BFF;
	s21 =	sshll.u32 s5, $0x1;
	s2 =	sadd.s32 s19, s18  }
0x9c: {  	s6 =	simm.s32 $0x0;
	s20 =	sshll.u32 s4, $0x1;
	s4 =	sadd.s32 s21, s2  }
0x9d: {  	[timem:s6], [sflag:s22] =	dma.local [hbm:s4], s20  }
0x9e: {  	_ =	swait.ge [sflag:s22], s20  }
0x9f: {  	s3 =	ssub.s32 $0x0, s20;
	[sflag:s22] =	ssyncset.done $0x0  }
0xa0: {  	[sflag:s22] =	ssyncadd.s32 s3;
	_ =	sdelay $0x1  }
0xa1: {  	s23 =	simm.s32 $0x1B8B  }
0xa2: {  	_ =	swait.ge [sflag:s23], $0x1  }
0xa3: {  	[sflag:s23] =	ssyncset.done $0x0  }
0xa4: {  	s25 =	simm.s32 $0x1B8E;
	s24 =	sld [smem:$0x3FFE];
	[sflag:s23] =	ssyncadd.s32 $0xFFFFFFFF  }
0xa5: {  	s26 =	simm.s32 $execute0_lowered;
	[smem:$0x3FD2] =	sst s25  }
0xa6: {  	s4 =	sshll.u32 s26, $0x1;
	_ =	strace $0x80000046;
	[dreg:$0x1] =	wrdreg $0xFFFFFFFF  }
0xa7: {  	s28 =	simm.s32 $_size_execute0_lowered;
	s2 =	sadd.s32 s2, s4;
	[dreg:$0x0] =	wrdreg $0x0  }
0xa8: {  	s4 =	sshll.u32 s28, $0x1;
	[dreg:$0x2] =	wrdreg s2  }
0xa9: {  	[dreg:$0x3] =	wrdreg s4  }
0xaa: {  	[dreg:$0x4] =	wrdreg $0xC0  }
0xab: {  	_ =	task [dreg:s6], $0x5FFFF  }
0xac: {  	[dreg:$0x1] =	wrdreg $0xFFFFFFFF  }
0xad: {  	[dreg:$0x0] =	wrdreg $0x60  }
0xae: {  	[dreg:$0x2] =	wrdreg s24  }
0xaf: {  	[dreg:$0x3] =	wrdreg $0x9  }
0xb0: {  	_ =	task.clear_ibuf [dreg:s6], $0x4FFFF;
	_ =	strace $0x90000046  }
0xb1: {  	s29 =	simm.s32 $0x9;
	_ =	strace $0x80000048  }
0xb2: {  	_ =	swait.ge [sflag:s29], $0x1  }
0xb3: {  	[sflag:s29] =	ssyncadd.s32 $0xFFFFFFFF  }
0xb4: {  	_ =	strace $0x90000048  }
0xb5: {  	_ =	sfence  }
0xb6: {  	s30 =	sld [smem:$0x0];
	_ =	sdelay $0x2  }
0xb7: {  	s31 =	sshll.u32 s1, $0xD;
	s1 =	sshrl.u32 s1, $0x2  }
0xb8: {  	s3 =	sand.u32 $0x4000, s31;
	s1 =	sadd.s32 s1, s30  }
0xb9: {  	s0 =	sor.u32 s3, s0;
	s1 =	sshll.u32 s1, $0x11  }
0xba: {  	s0 =	sor.u32 s1, s0  }
0xbb: {  	s0 =	sadd.s32 $0x8F2B, s0  }
0xbc: {  	[sflag:s0] =	ssyncadd.remote.s32 $0x1  }
0xbd: {  	_ =	sfence.sel $0xFFFF  }
0xbe: {  	[dreg:$0x0] =	wrdreg $0xFFFFFFFF;
	(pc) =	sbr.abs _section_cstart, $3  }
0xbf: {  	[dreg:$0x1] =	wrdreg $0xFFFFFFFF  }
0xc0: {  	_ =	task.clear_ibuf [dreg:s6], $0x2FFFF;
	_ =	strace $0x9FFFFFFF  }
0xc1: {  	(tm) =	ssettm $0x7FFFFFFF  }
tec
execute0_lowered:
.L_overlay_start_1:
0x0: {  	(tag) =	ssettag $0x1  }
0x1: {  	s0 =	rddreg [dreg:$0x0]  }
0x2: {  	s1 =	srdreg.scid;
	s3 =	stileid.u32  }
0x3: {  	s2 =	simm.s32 $0x0;
	s16 =	simm.s32 $0x4000;
	s17 =	simm.s32 $0x1000  }
0x4: {  	s18 =	simm.s32 $0x4080;
	s19 =	simm.s32 $0x2000;
	s1 =	sand.u32 $0x1, s1  }
0x5: {  	s3 =	sshll.u32 s3, $0x1;
	[smem:$0x7FF] =	sst s2;
	s31 =	sadd.s32 $0xC00, s0  }
0x6: {  	s24 =	sadd.s32 $0x40C00, s0;
	s7 =	sor.u32 s1, s3;
	_ =	strace $0x80000047  }
0x7: {  	[dreg:$0x2] =	wrdreg s24;
	s6 =	sshll.u32 s7, $0xD;
	s26 =	sshll.u32 s7, $0x4  }
0x8: {  	s8 =	sshll.u32 s7, $0x8;
	s4 =	sadd.s32 s31, s6;
	[dreg:$0x5] =	wrdreg s26  }
0x9: {  	s20 =	simm.s32 $0x4100;
	s3 =	sadd.s32 s24, s8;
	[dreg:$0x3] =	wrdreg s4  }
0xa: {  	s1 =	ssub.s32 $0x2, s1;
	s28 =	sadd.s32 $0x10, s4;
	[dreg:$0x4] =	wrdreg s3  }
0xb: {  	s5 =	sshll.u32 s7, $0x6;
	s29 =	sadd.s32 $0x10, s3;
	[dreg:$0x6] =	wrdreg s28  }
0xc: {  	s25 =	sshrl.u32 s1, $0x1;
	s4 =	sadd.s32 $0x20, s4;
	[dreg:$0x7] =	wrdreg s29  }
0xd: {  	s0 =	sadd.s32 s5, s0;
	s3 =	sadd.s32 $0x20, s3;
	[dreg:$0x8] =	wrdreg s4  }
0xe: {  	s1 =	ssub.s32 s1, s25;
	s0 =	sadd.s32 $0x42C00, s0;
	[dreg:$0x9] =	wrdreg s3  }
0xf: {  	v0 =	vlaneseq.u32;
	s21 =	simm.s32 $0x3000;
	vm8 =	vcmask $0x2B28;
	s30 =	smax.u32 s1, $0x1;
	[dreg:$0xa] =	wrdreg s0  }
0x10: {  	s22 =	simm.s32 $0x4180;
	vm9 =	vcmask $0x2F2C;
	vm10 =	vcmask $0x3330;
	vm11 =	vcmask $0x3734;
	[dreg:$0xb] =	wrdreg s30;
	s3 =	simm.s32 $0x0  }
.LBB2_1:
0x11: {  	v1 =	vor.u32 s2, v0  }
0x12: {  	v2 =	vmulhi.u32 $0xCCCCCCCD, v1;
	_ =	sdelay $0x1  }
0x13: {  	v2 =	vshrl.u32 v2, $0x4  }
0x14: {  	[dreg:$0xc] =	wrdreg s3;
	s30 =	simm.s32 $0x4200;
	v1 =	vshll.u32 v1, $0x1;
	v2 =	vmin.u32 v2, $0x63  }
0x15: {  	s0 =	simm.s32 $0x4A00;
	s1 =	simm.s32 $0x10;
	s8 =	simm.s32 $0x4200;
	v1 =	vmin.u32 v1, $0xF9E;
	[tilespmem:s30+$0x0] =	vst v2  }
.LBB2_2:
0x16: {  	v2 =	vor.u32 s1, v0;
	[tilespmem:s0+$0x0] =	vst v1;
	p0 =	sne.s32 s1, $0x7F0  }
.Ltmp0:
0x17: {  	s1 =	sadd.s32 $0x10, s1;
	v1 =	vmulhi.u32 $0xCCCCCCCD, v2;
	(pc) =	sbr.rel @p0 .LBB2_2-.Ltmp0, $4  }
0x18: {  	_ = 	snop  }
0x19: {  	v1 =	vshrl.u32 v1, $0x4  }
0x1a: {  	s8 =	sadd.s32 $0x10, s8;
	v2 =	vshll.u32 v2, $0x1;
	v1 =	vmin.u32 v1, $0x63  }
0x1b: {  	s0 =	sadd.s32 $0x10, s0;
	[tilespmem:s8+$0x0] =	vst v1;
	v1 =	vmin.u32 v2, $0xF9E  }
0x1c: {  	s4 =	simm.s32 $0x0  }
0x1d: {  	[tilespmem:s0+$0x0] =	vst v1;
	s24 =	rddreg [dreg:$0x3];
	s1 =	simm.s32 $0x80;
	s3 =	simm.s32 $0x400  }
0x1e: {  	[tilespmem:s4], [sflag:$0x1] =	stream.strided.gather [hbm4b:s24+s1], $0x1000, s3, s1, $0x38;
	[tilespmem:$0x5400] =	vst v63  }
0x1f: {  	s25 =	rddreg [dreg:$0x4]  }
0x20: {  	[tilespmem:s16], [sflag:$0x1] =	stream.linear.gather [hbm4b:s25+s4], $0x80, $0x38;
	[tilespmem:$0x5400] =	vst v63  }
0x21: {  	s26 =	rddreg [dreg:$0x6]  }
0x22: {  	[tilespmem:s17], [sflag:$0x2] =	stream.strided.gather [hbm4b:s26+s1], $0x1000, s3, s1, $0x38;
	[tilespmem:$0x5400] =	vst v63  }
0x23: {  	s28 =	rddreg [dreg:$0x7]  }
0x24: {  	[tilespmem:s18], [sflag:$0x2] =	stream.linear.gather [hbm4b:s28+s4], $0x80, $0x38;
	[tilespmem:$0x5400] =	vst v63  }
0x25: {  	s29 =	rddreg [dreg:$0x8]  }
0x26: {  	[tilespmem:s19], [sflag:$0x3] =	stream.strided.gather [hbm4b:s29+s1], $0x1000, s3, s1, $0x38;
	[tilespmem:$0x5400] =	vst v63  }
0x27: {  	s30 =	rddreg [dreg:$0x9];
	s1 =	simm.s32 $0x0  }
0x28: {  	[tilespmem:s20], [sflag:$0x3] =	stream.linear.gather [hbm4b:s30+s4], $0x80, $0x38;
	[tilespmem:$0x5400] =	vst v63  }
.LBB2_4:
0x29: {  	s8 =	sshll.u32 s1, $0x2;
	s0 =	rddreg [dreg:$0x5]  }
0x2a: {  	s29 =	sshll.u32 s1, $0x9;
	s9 =	sor.u32 s0, s8  }
0x2b: {  	s10 =	sand.u32 $0x200, s29;
	s9 =	sshrl.u32 s9, $0x3  }
0x2c: {  	s10 =	sor.u32 $0x180, s10;
	s11 =	sshll.u32 s9, $0xF  }
0x2d: {  	s12 =	simm.s32 $0x80;
	s9 =	sshll.u32 s9, $0xA;
	s11 =	sor.u32 s10, s11  }
0x2e: {  	s3 =	simm.s32 $0x400;
	s9 =	sor.u32 s10, s9;
	s11 =	sshrl.u32 s11, $0x3  }
0x2f: {  	s13 =	rddreg [dreg:$0x2];
	s9 =	sshrl.u32 s9, $0x3;
	s11 =	sadd.s32 s31, s11  }
0x30: {  	[tilespmem:s21], [sflag:$0x4] =	stream.strided.gather [hbm4b:s11+s12], $0x1000, s3, s12, $0x38;
	[tilespmem:$0x5400] =	vst v63  }
0x31: {  	s14 =	simm.s32 $0x0;
	s15 =	simm.s32 $0x1;
	s9 =	sadd.s32 s13, s9  }
0x32: {  	[tilespmem:s22], [sflag:$0x4] =	stream.linear.gather [hbm4b:s9+s14], $0x80, $0x38;
	[tilespmem:$0x5400] =	vst v63  }
0x33: {  	_ =	swait.ge [sflag:s15], $0x1000  }
0x34: {  	[sflag:s15] =	ssyncset.done $0x0  }
0x35: {  	[sflag:s15] =	ssyncadd.s32 $0xFFFFF000  }
0x36: {  	_ =	swait.ge [sflag:s15], $0x80  }
0x37: {  	[sflag:s15] =	ssyncset.done $0x0  }
0x38: {  	[sflag:s15] =	ssyncadd.s32 $0xFFFFFF80  }
0x39: {  	v1 =	vld [tilespmem:$0x4070];
	_ =	sdelay $0x4  }
0x3a: {  	(v2sf) =	vpush v1, $0x0  }
0x3b: {  	(v2sf) =	vpush v1, $0x1  }
0x3c: {  	(v2sf) =	vpush v1, $0x2  }
0x3d: {  	(v2sf) =	vpush v1, $0x3  }
0x3e: {  	(v2sf) =	vpush v1, $0x4;
	_ =	sdelay $0x1  }
0x3f: {  	(v2sf) =	vpush v1, $0x5  }
0x40: {  	(v2sf) =	vpush v1, $0x6  }
0x41: {  	(v2sf) =	vpush v1, $0x7;
	_ =	sdelay $0x1  }
0x42: {  	(v2sf) =	vpush v1, $0x8  }
0x43: {  	(v2sf) =	vpush v1, $0x9;
	_ =	sdelay $0x3  }
0x44: {  	s23 =	spop (v2sf)  }
0x45: {  	(v2sf) =	vpush v1, $0xA;
	s24 =	spop (v2sf);
	s30 =	smul.f32 $0.0e+00, s23  }
0x46: {  	(v2sf) =	vpush v1, $0xB;
	s25 =	spop (v2sf)  }
0x47: {  	s12 =	spop (v2sf);
	s9 =	sadd.f32 s30, s23  }
0x48: {  	s10 =	sadd.f32 s30, s24;
	s13 =	spop (v2sf)  }
0x49: {  	s30 =	smul.f32 $-2.000000000e+00, s9;
	s11 =	sadd.f32 s9, s25;
	s9 =	simm.s32 $0x4A10  }
0x4a: {  	s5 =	spop (v2sf);
	v1 =	vld [tilespmem:s9+$0x0]  }
0x4b: {  	s0 =	smul.f32 $-2.000000000e+00, s10;
	s6 =	spop (v2sf)  }
0x4c: {  	s10 =	sadd.f32 s10, s12;
	v4 =	vld [tilespmem:s9+$0xFFFFFFF0];
	s26 =	spop (v2sf)  }
0x4d: {  	s28 =	smul.f32 $-2.000000000e+00, s11;
	s11 =	sadd.f32 s11, s13  }
0x4e: {  	s13 =	smul.f32 $-2.000000000e+00, s10;
	s14 =	spop (v2sf)  }
0x4f: {  	s5 =	sadd.f32 s10, s5;
	s15 =	spop (v2sf)  }
0x50: {  	s10 =	smul.f32 $-2.000000000e+00, s11;
	s6 =	sadd.f32 s11, s6  }
0x51: {  	s3 =	smul.f32 $-2.000000000e+00, s5;
	s5 =	sadd.f32 s5, s26;
	v15 =	vadd.s32 $0x1, v4  }
0x52: {  	v24 =	vimm.f32 $3.000000010e+38;
	s11 =	simm.s32 $0x4210;
	s4 =	smul.f32 $-2.000000000e+00, s6;
	s6 =	sadd.f32 s6, s14;
	v5 =	vld.idx.msk [tilespmem:v1+s2+$0x0], $0xffff;
	v1 =	vadd.s32 $0x1, v1  }
0x53: {  	v8 =	vimm.s32 $0x0;
	v21 =	vimm.f32 $3.000000010e+38;
	v16 =	vimm.f32 $3.000000010e+38;
	v28 =	vld [tilespmem:s11+$0x0];
	s24 =	smul.f32 $-2.000000000e+00, s5;
	s5 =	sadd.f32 s5, s15  }
0x54: {  	v12 =	vimm.f32 $3.000000010e+38;
	v9 =	vimm.f32 $3.000000010e+38;
	v23 =	vimm.s32 $0x0;
	v31 =	vld [tilespmem:s11+$0xFFFFFFF0];
	s25 =	smul.f32 $-2.000000000e+00, s6;
	s23 =	spop (v2sf)  }
0x55: {  	v19 =	vimm.s32 $0x0;
	v22 =	vmov s30;
	v20 =	vmov s0;
	v30 =	vld.idx.msk [tilespmem:v4+s2+$0x0], $0xffff;
	s6 =	sadd.f32 s6, s23;
	s26 =	spop (v2sf)  }
0x56: {  	v18 =	vmov s28;
	v17 =	vmov s13;
	v14 =	vmov s10;
	v32 =	vld.idx.msk [tilespmem:v15+s2+$0x0], $0xffff;
	s14 =	sadd.f32 s5, s26;
	s5 =	smul.f32 $-2.000000000e+00, s5  }
0x57: {  	v13 =	vmov s3;
	v11 =	vmov s4;
	v10 =	vmov s24;
	s28 =	smul.f32 $-2.000000000e+00, s6;
	v29 =	vld.idx.msk [tilespmem:v1+s2+$0x0], $0xffff  }
0x58: {  	v4 =	vimm.f32 $3.000000010e+38;
	v7 =	vmov s25;
	v15 =	vimm.s32 $0x0;
	s30 =	smul.f32 $-2.000000000e+00, s14  }
0x59: {  	v6 =	vmov s5;
	v27 =	vmul.f32 $3.000000000e+01, v5;
	v5 =	vimm.s32 $0x0  }
0x5a: {  	s7 =	smov.u32 s31;
	s12 =	simm.s32 $0x20;
	s10 =	simm.s32 $0x0;
	v1 =	vimm.s32 $0x0;
	v3 =	vmov s28;
	v2 =	vmov s30  }
.LBB2_5:
0x5b: {  	p0 =	sne.s32 s12, $0x7E0;
	v26 =	vmul.f32 $3.000000000e+01, v30;
	v27 =	vadd.f32 $-1.500000000e+01, v27;
	s9 =	sadd.s32 $0x20, s9  }
0x5c: {  	v32 =	vmul.f32 $6.000000000e+01, v32;
	v29 =	vmul.f32 $6.000000000e+01, v29;
	v30 =	vld [tilespmem:s9+$0x0]  }
0x5d: {  	v25 =	vor.u32 s10, v0;
	v28 =	vld.idx.msk [tilespmem:v28+s16+$0x0], $0xffff;
	v33 =	vmul.f32 v27, v22;
	v34 =	vmul.f32 v27, v18  }
0x5e: {  	s0 =	sadd.s32 $0x10, s10;
	s10 =	smov.u32 s12;
	v35 =	vadd.f32 $-1.500000000e+01, v26;
	v36 =	vmul.f32 v27, v14;
	v37 =	vmul.f32 v27, v11  }
0x5f: {  	v26 =	vor.u32 s0, v0;
	v38 =	vmul.f32 v27, v7;
	v39 =	vmul.f32 v27, v3;
	v31 =	vld.idx.msk [tilespmem:v31+s16+$0x0], $0xffff  }
0x60: {  	v29 =	vadd.f32 $-3.000000000e+01, v29;
	v40 =	vmul.f32 v35, v22;
	v41 =	vmul.f32 v35, v18  }
0x61: {  	v43 =	vmul.f32 v35, v14;
	v44 =	vmul.f32 v35, v11;
	v42 =	vadd.s32 $0x1, v30  }
0x62: {  	v32 =	vadd.f32 $-3.000000000e+01, v32;
	v27 =	vmul.f32 v27, v27;
	v45 =	vmul.f32 v29, v29  }
0x63: {  	v46 =	vmul.f32 v35, v7;
	v47 =	vmul.f32 v35, v3;
	vm0 =	vlt.f32 v28, $5.000000000e-01  }
0x64: {  	v27 =	vadd.f32 v45, v27;
	v28 =	vmul.f32 v35, v35;
	v35 =	vmul.f32 v32, v32  }
0x65: {  	v45 =	vmul.f32 v29, v17;
	vm1 =	vlt.f32 v31, $5.000000000e-01;
	v31 =	vmul.f32 v29, v20  }
0x66: {  	v27 =	vsel vm0, $0x7149F2CA, v27;
	v28 =	vadd.f32 v35, v28;
	v35 =	vmul.f32 v29, v13  }
0x67: {  	v48 =	vmul.f32 v29, v10;
	v33 =	vadd.f32 v27, v33;
	v34 =	vadd.f32 v27, v34  }
0x68: {  	v49 =	vmul.f32 v29, v6;
	v36 =	vadd.f32 v27, v36;
	v37 =	vadd.f32 v27, v37  }
0x69: {  	v38 =	vadd.f32 v27, v38;
	v27 =	vadd.f32 v27, v39;
	v28 =	vsel vm1, $0x7149F2CA, v28  }
0x6a: {  	v29 =	vmul.f32 v29, v2;
	v39 =	vadd.f32 v28, v40;
	v40 =	vadd.f32 v28, v41  }
0x6b: {  	v50 =	vmul.f32 v32, v20;
	v43 =	vadd.f32 v28, v43;
	v44 =	vadd.f32 v28, v44;
	v41 =	vld [tilespmem:s9+$0xFFFFFFF0]  }
0x6c: {  	v51 =	vmul.f32 v32, v17;
	v46 =	vadd.f32 v28, v46;
	v28 =	vadd.f32 v28, v47;
	v30 =	vld.idx.msk [tilespmem:v30+s2+$0x0], $0xffff  }
0x6d: {  	v31 =	vadd.f32 v33, v31;
	v33 =	vadd.f32 v34, v45;
	v47 =	vmul.f32 v32, v13  }
0x6e: {  	v34 =	vmul.f32 v32, v10;
	v35 =	vadd.f32 v36, v35;
	v36 =	vadd.f32 v37, v48  }
0x6f: {  	v37 =	vmul.f32 v32, v6;
	v38 =	vadd.f32 v38, v49;
	v45 =	vadd.f32 v27, v29  }
0x70: {  	v32 =	vmul.f32 v32, v2;
	v29 =	vadd.f32 v39, v50;
	v39 =	vadd.f32 v40, v51  }
0x71: {  	v43 =	vadd.f32 v43, v47;
	v34 =	vadd.f32 v44, v34;
	v40 =	vadd.s32 $0x1, v41  }
0x72: {  	v37 =	vadd.f32 v46, v37;
	v32 =	vadd.f32 v28, v32;
	v27 =	vmul.f32 $3.000000000e+01, v30  }
0x73: {  	vm12 =	vlt.f32 v29, v24;
	vm13 =	vlt.f32 v39, v21;
	vm14 =	vlt.f32 v43, v16  }
0x74: {  	v24 =	vsel vm12, v29, v24;
	v21 =	vsel vm13, v39, v21;
	v16 =	vsel vm14, v43, v16  }
0x75: {  	vm15 =	vlt.f32 v31, v24;
	vm0 =	vlt.f32 v33, v21;
	vm1 =	vlt.f32 v35, v16  }
0x76: {  	s11 =	sadd.s32 $0x20, s11;
	v24 =	vsel vm15, v31, v24;
	v21 =	vsel vm0, v33, v21;
	v16 =	vsel vm1, v35, v16  }
0x77: {  	vm2 =	vlt.f32 v34, v12;
	vm3 =	vlt.f32 v37, v9;
	vm4 =	vlt.f32 v32, v4;
	v28 =	vld [tilespmem:s11+$0x0]  }
0x78: {  	v12 =	vsel vm2, v34, v12;
	v9 =	vsel vm3, v37, v9;
	v4 =	vsel vm4, v32, v4;
	v30 =	vld.idx.msk [tilespmem:v41+s2+$0x0], $0xffff  }
0x79: {  	vm5 =	vlt.f32 v36, v12;
	vm6 =	vlt.f32 v38, v9;
	vm7 =	vlt.f32 v45, v4;
	v29 =	vld.idx.msk [tilespmem:v42+s2+$0x0], $0xffff  }
.Ltmp1:
0x7a: {  	v12 =	vsel vm5, v36, v12;
	v9 =	vsel vm6, v38, v9;
	v4 =	vsel vm7, v45, v4;
	v32 =	vld.idx.msk [tilespmem:v40+s2+$0x0], $0xffff;
	(pc) =	sbr.rel @p0 .LBB2_5-.Ltmp1, $4  }
0x7b: {  	v8 =	vsel vm2, v25, v8;
	v5 =	vsel vm3, v25, v5;
	v1 =	vsel vm4, v25, v1;
	v31 =	vld [tilespmem:s11+$0xFFFFFFF0]  }
0x7c: {  	v8 =	vsel vm5, v26, v8;
	v5 =	vsel vm6, v26, v5;
	v1 =	vsel vm7, v26, v1  }
0x7d: {  	v23 =	vsel vm12, v25, v23;
	v19 =	vsel vm13, v25, v19;
	v15 =	vsel vm14, v25, v15  }
0x7e: {  	s12 =	sadd.s32 $0x20, s12;
	v23 =	vsel vm15, v26, v23;
	v19 =	vsel vm0, v26, v19;
	v15 =	vsel vm1, v26, v15  }
0x7f: {  	_ =	sdelay $0x2  }
0x80: {  	v25 =	vmul.f32 $3.000000000e+01, v30;
	v26 =	vmul.f32 $6.000000000e+01, v32;
	_ =	sdelay $0x1  }
0x81: {  	v29 =	vmul.f32 $6.000000000e+01, v29;
	v30 =	vld.idx.msk [tilespmem:v31+s16+$0x0], $0xffff;
	v25 =	vadd.f32 $-1.500000000e+01, v25;
	v26 =	vadd.f32 $-3.000000000e+01, v26  }
0x82: {  	v27 =	vadd.f32 $-1.500000000e+01, v27  }
0x83: {  	v28 =	vld.idx.msk [tilespmem:v28+s16+$0x0], $0xffff;
	v29 =	vadd.f32 $-3.000000000e+01, v29;
	v31 =	vmul.f32 v25, v25;
	v60 =	vmul.f32 v26, v26;
	_ =	sdelay $0x1  }
0x84: {  	v33 =	vmul.f32 v27, v27;
	v34 =	vmul.f32 v29, v29;
	v31 =	vadd.f32 v60, v31  }
0x85: {  	v61 =	vmul.f32 v25, v22;
	vm0 =	vlt.f32 v30, $5.000000000e-01  }
0x86: {  	v22 =	vmul.f32 v27, v22;
	v30 =	vadd.f32 v34, v33;
	v31 =	vsel vm0, $0x7149F2CA, v31  }
0x87: {  	v62 =	vmul.f32 v26, v20;
	vm13 =	vlt.f32 v28, $5.000000000e-01;
	v28 =	vadd.f32 v31, v61  }
0x88: {  	v30 =	vsel vm13, $0x7149F2CA, v30  }
0x89: {  	v20 =	vmul.f32 v29, v20;
	v22 =	vadd.f32 v30, v22;
	v28 =	vadd.f32 v28, v62;
	_ =	sdelay $0x1  }
0x8a: {  	v20 =	vadd.f32 v22, v20;
	vm14 =	vlt.f32 v28, v24  }
0x8b: {  	v22 =	vsel vm14, v28, v24  }
0x8c: {  	vm1 =	vlt.f32 v20, v22  }
0x8d: {  	v20 =	vsel vm1, v20, v22  }
0x8e: {  	(xrf0) =	vmin.scan.msk.f32 $0xffff, v20;
	_ =	sdelay $0x1  }
0x8f: {  	v24 =	vmul.f32 v26, v17;
	v22 =	vmul.f32 v25, v18;
	_ =	sdelay $0x1  }
0x90: {  	v18 =	vmul.f32 v27, v18;
	v22 =	vadd.f32 v31, v22  }
0x91: {  	v28 =	vor.u32 s10, v0  }
0x92: {  	s0 =	sadd.s32 $0x10, s10;
	v17 =	vmul.f32 v29, v17;
	v18 =	vadd.f32 v30, v18;
	v22 =	vadd.f32 v22, v24;
	v24, _, _ =	vpop (xrf0)  }
0x93: {  	v63 =	vor.u32 s0, v0;
	v23 =	vsel vm14, v28, v23;
	v24 =	vbroadcast v24, $0xF  }
0x94: {  	v17 =	vadd.f32 v18, v17;
	v18 =	vsel vm1, v63, v23;
	vm15 =	vlt.f32 v22, v21  }
0x95: {  	v18 =	vxor.u32 $0x80000000, v18;
	v21 =	vsel vm15, v22, v21;
	vm4 =	veq.f32 v20, v24  }
0x96: {  	vm5 =	vlt.f32 v17, v21;
	v18 =	vnsel vm4, $0xFFFFFFFF, v18  }
0x97: {  	v17 =	vsel vm5, v17, v21;
	(xrf0) =	vmin.scan.msk.u32 $0xffff, v18  }
0x98: {  	(xrf0) =	vmin.scan.msk.f32 $0xffff, v17;
	_ =	sdelay $0x1  }
0x99: {  	v20 =	vmul.f32 v26, v13;
	v18 =	vmul.f32 v25, v14;
	_ =	sdelay $0x1  }
0x9a: {  	v14 =	vmul.f32 v27, v14;
	v18 =	vadd.f32 v31, v18  }
0x9b: {  	v21, _, _ =	vpop (xrf0)  }
0x9c: {  	v13 =	vmul.f32 v29, v13;
	v14 =	vadd.f32 v30, v14;
	v18 =	vadd.f32 v18, v20;
	v20, _, _ =	vpop (xrf0)  }
0x9d: {  	v19 =	vsel vm15, v28, v19;
	v20 =	vbroadcast v20, $0xF  }
0x9e: {  	v13 =	vadd.f32 v14, v13;
	v14 =	vsel vm5, v63, v19;
	vm12 =	vlt.f32 v18, v16  }
0x9f: {  	v14 =	vxor.u32 $0x80000000, v14;
	v16 =	vsel vm12, v18, v16;
	vm13 =	veq.f32 v17, v20  }
0xa0: {  	vm14 =	vlt.f32 v13, v16;
	v14 =	vnsel vm13, $0xFFFFFFFF, v14  }
0xa1: {  	v13 =	vsel vm14, v13, v16;
	(xrf0) =	vmin.scan.msk.u32 $0xffff, v14  }
0xa2: {  	(xrf0) =	vmin.scan.msk.f32 $0xffff, v13;
	_ =	sdelay $0x1  }
0xa3: {  	v16 =	vmul.f32 v26, v10;
	v14 =	vmul.f32 v25, v11;
	_ =	sdelay $0x1  }
0xa4: {  	v11 =	vmul.f32 v27, v11;
	v14 =	vadd.f32 v31, v14  }
0xa5: {  	v17, _, _ =	vpop (xrf0)  }
0xa6: {  	v10 =	vmul.f32 v29, v10;
	v11 =	vadd.f32 v30, v11;
	v14 =	vadd.f32 v14, v16;
	v16, _, _ =	vpop (xrf0)  }
0xa7: {  	v15 =	vsel vm12, v28, v15;
	v16 =	vbroadcast v16, $0xF  }
0xa8: {  	v10 =	vadd.f32 v11, v10;
	v11 =	vsel vm14, v63, v15;
	vm15 =	vlt.f32 v14, v12  }
0xa9: {  	v11 =	vxor.u32 $0x80000000, v11;
	v12 =	vsel vm15, v14, v12;
	vm4 =	veq.f32 v13, v16  }
0xaa: {  	vm5 =	vlt.f32 v10, v12;
	v11 =	vnsel vm4, $0xFFFFFFFF, v11  }
0xab: {  	v10 =	vsel vm5, v10, v12;
	(xrf0) =	vmin.scan.msk.u32 $0xffff, v11  }
0xac: {  	(xrf0) =	vmin.scan.msk.f32 $0xffff, v10;
	_ =	sdelay $0x1  }
0xad: {  	v12 =	vmul.f32 v26, v6;
	v11 =	vmul.f32 v25, v7;
	_ =	sdelay $0x1  }
0xae: {  	v7 =	vmul.f32 v27, v7;
	v11 =	vadd.f32 v31, v11  }
0xaf: {  	v13, _, _ =	vpop (xrf0)  }
0xb0: {  	v6 =	vmul.f32 v29, v6;
	v7 =	vadd.f32 v30, v7;
	v11 =	vadd.f32 v11, v12;
	v12, _, _ =	vpop (xrf0)  }
0xb1: {  	v8 =	vsel vm15, v28, v8;
	v12 =	vbroadcast v12, $0xF  }
0xb2: {  	v6 =	vadd.f32 v7, v6;
	v7 =	vsel vm5, v63, v8;
	vm12 =	vlt.f32 v11, v9  }
0xb3: {  	v7 =	vxor.u32 $0x80000000, v7;
	v8 =	vsel vm12, v11, v9;
	vm13 =	veq.f32 v10, v12  }
0xb4: {  	vm14 =	vlt.f32 v6, v8;
	v7 =	vnsel vm13, $0xFFFFFFFF, v7  }
0xb5: {  	v6 =	vsel vm14, v6, v8;
	(xrf0) =	vmin.scan.msk.u32 $0xffff, v7  }
0xb6: {  	(xrf0) =	vmin.scan.msk.f32 $0xffff, v6;
	_ =	sdelay $0x1  }
0xb7: {  	v8 =	vmul.f32 v26, v2;
	v7 =	vmul.f32 v25, v3;
	_ =	sdelay $0x1  }
0xb8: {  	v3 =	vmul.f32 v27, v3;
	v7 =	vadd.f32 v31, v7  }
0xb9: {  	(v2sf) =	vpush v21, $0xF;
	v9, _, _ =	vpop (xrf0)  }
0xba: {  	v2 =	vmul.f32 v29, v2;
	v3 =	vadd.f32 v30, v3;
	v7 =	vadd.f32 v7, v8;
	v8, _, _ =	vpop (xrf0)  }
0xbb: {  	v5 =	vsel vm12, v28, v5;
	v8 =	vbroadcast v8, $0xF  }
0xbc: {  	v2 =	vadd.f32 v3, v2;
	v3 =	vsel vm14, v63, v5;
	vm15 =	vlt.f32 v7, v4  }
0xbd: {  	v3 =	vxor.u32 $0x80000000, v3;
	v4 =	vsel vm15, v7, v4;
	vm4 =	veq.f32 v6, v8  }
0xbe: {  	vm5 =	vlt.f32 v2, v4;
	v3 =	vnsel vm4, $0xFFFFFFFF, v3  }
0xbf: {  	v2 =	vsel vm5, v2, v4;
	(xrf0) =	vmin.scan.msk.u32 $0xffff, v3  }
0xc0: {  	(xrf0) =	vmin.scan.msk.f32 $0xffff, v2  }
0xc1: {  	(v2sf) =	vpush v17, $0xF;
	_ =	sdelay $0x3  }
0xc2: {  	v3, _, _ =	vpop (xrf0)  }
0xc3: {  	(v2sf) =	vpush v13, $0xF;
	v4, _, _ =	vpop (xrf0)  }
0xc4: {  	v1 =	vsel vm15, v28, v1;
	v4 =	vbroadcast v4, $0xF  }
0xc5: {  	v1 =	vsel vm5, v63, v1  }
0xc6: {  	s4 =	spop (v2sf);
	(v2sf) =	vpush v9, $0xF;
	v1 =	vxor.u32 $0x80000000, v1;
	vm12 =	veq.f32 v2, v4  }
0xc7: {  	s11 =	sxor.u32 $0x80000000, s4;
	v1 =	vnsel vm12, $0xFFFFFFFF, v1  }
0xc8: {  	s5 =	smulhi.u32 $0x66666667, s11;
	s6 =	sshra.s32 s11, $0x1F;
	(xrf0) =	vmin.scan.msk.u32 $0xffff, v1  }
0xc9: {  	s6 =	smul.u32 $0x66666667, s6;
	_ =	sdelay $0x1  }
0xca: {  	s5 =	sadd.s32 s6, s5  }
0xcb: {  	s6 =	sshrl.u32 s5, $0x1F;
	s5 =	sshra.s32 s5, $0x3  }
0xcc: {  	s5 =	sadd.s32 s6, s5;
	s9 =	spop (v2sf);
	(v2sf) =	vpush v3, $0xF  }
0xcd: {  	s5 =	smul.u32 $0x14, s5;
	s6 =	sxor.u32 $0x80000000, s9;
	v1, _, _ =	vpop (xrf0)  }
0xce: {  	s14 =	smulhi.u32 $0x66666667, s6;
	s12 =	sshra.s32 s6, $0x1F;
	(v2sf) =	vpush v1, $0xF  }
0xcf: {  	s12 =	smul.u32 $0x66666667, s12  }
0xd0: {  	s5 =	ssub.s32 s11, s5  }
0xd1: {  	p0 =	seq.s32 s5, $0x13;
	s15 =	sadd.s32 s12, s14;
	s10 =	spop (v2sf)  }
0xd2: {  	s12 =	simm.s32 $0x7FFFFFFF;
	s13 =	sshrl.u32 s15, $0x1F;
	s14 =	sxor.u32 $0x80000000, s10  }
0xd3: {  	s5 =	sshra.s32 s15, $0x3;
	s15 =	smulhi.u32 $0x66666667, s14;
	s24 =	sshra.s32 s14, $0x1F  }
0xd4: {  	s5 =	sadd.s32 s13, s5;
	s23 =	smul.u32 $0x66666667, s24;
	s24 =	spop (v2sf)  }
0xd5: {  	s12 =	simm.s32 @!p0 $0x80000001;
	s5 =	smul.u32 $0x14, s5;
	s30 =	sxor.u32 $0x80000000, s24  }
0xd6: {  	s13 =	sadd.s32 s23, s15;
	s25 =	smulhi.u32 $0x66666667, s30;
	s31 =	sshra.s32 s30, $0x1F  }
0xd7: {  	s23 =	sshrl.u32 s13, $0x1F;
	s13 =	sshra.s32 s13, $0x3;
	s31 =	smul.u32 $0x66666667, s31  }
0xd8: {  	s0 =	sadd.s32 s4, s12;
	s26 =	sadd.s32 s23, s13  }
0xd9: {  	s5 =	ssub.s32 s6, s5;
	s12 =	smul.u32 $0x14, s26;
	s28 =	sadd.s32 s31, s25  }
0xda: {  	p0 =	seq.s32 s5, $0x13;
	s31 =	sshrl.u32 s28, $0x1F;
	s13 =	sshra.s32 s28, $0x3  }
0xdb: {  	s12 =	ssub.s32 s14, s12;
	s5 =	sadd.s32 s31, s13;
	s13 =	spop (v2sf)  }
0xdc: {  	p2 =	seq.s32 s12, $0x13;
	s5 =	smul.u32 $0x14, s5;
	s12 =	sxor.u32 $0x80000000, s13  }
0xdd: {  	s15 =	smulhi.u32 $0x66666667, s12;
	s3 =	sshra.s32 s12, $0x1F;
	s31 =	spop (v2sf)  }
0xde: {  	s23 =	smul.u32 $0x66666667, s3;
	s25 =	sxor.u32 $0x80000000, s31  }
0xdf: {  	s4 =	smulhi.u32 $0x66666667, s25;
	s26 =	sshra.s32 s25, $0x1F  }
0xe0: {  	vm13 =	vcmask $0x300;
	v1 =	vmov s11;
	s5 =	ssub.s32 s30, s5;
	s26 =	smul.u32 $0x66666667, s26  }
0xe1: {  	vm14 =	vcmask $0x704;
	s28 =	simm.s32 $0x7FFFFFFF;
	v1 =	vnsel vm13, $0x0, v1;
	p1 =	seq.s32 s5, $0x13;
	s15 =	sadd.s32 s23, s15  }
0xe2: {  	vm15 =	vcmask $0xB08;
	v1 =	vsel vm14, s6, v1;
	s5 =	sadd.s32 s26, s4;
	s26 =	sshrl.u32 s15, $0x1F;
	s15 =	sshra.s32 s15, $0x3  }
0xe3: {  	vm4 =	vcmask $0xF0C;
	s28 =	simm.s32 @!p2 $0x80000001;
	s11 =	simm.s32 $0x7FFFFFFF;
	v1 =	vsel vm15, s14, v1;
	s6 =	sadd.s32 s26, s15  }
0xe4: {  	vm5 =	vcmask $0x1310;
	v1 =	vsel vm4, s30, v1;
	s3 =	sshrl.u32 s5, $0x1F;
	s5 =	sshra.s32 s5, $0x3;
	s6 =	smul.u32 $0x14, s6  }
0xe5: {  	vm12 =	vcmask $0x1714;
	s10 =	sadd.s32 s10, s28;
	s11 =	simm.s32 @!p0 $0x80000001;
	v1 =	vsel vm5, s12, v1;
	s5 =	sadd.s32 s3, s5  }
0xe6: {  	vm13 =	vcmask $0x2320;
	s9 =	sadd.s32 s9, s11;
	v1 =	vsel vm12, s25, v1;
	s5 =	smul.u32 $0x14, s5;
	s6 =	ssub.s32 s12, s6  }
0xe7: {  	vm14 =	vcmask $0x2724;
	v1 =	vsel vm13, s0, v1;
	s0 =	simm.s32 $0x7FFFFFFF;
	s15 =	simm.s32 $0x7FFFFFFF;
	p0 =	seq.s32 s6, $0x13  }
0xe8: {  	v1 =	vsel vm14, s9, v1;
	s15 =	simm.s32 @!p1 $0x80000001;
	s5 =	ssub.s32 s25, s5;
	s0 =	simm.s32 @!p0 $0x80000001  }
0xe9: {  	v1 =	vsel vm8, s10, v1;
	s4 =	sadd.s32 s24, s15;
	p0 =	seq.s32 s5, $0x13;
	s5 =	simm.s32 $0x7FFFFFFF  }
0xea: {  	v1 =	vsel vm9, s4, v1;
	s0 =	sadd.s32 s13, s0;
	s5 =	simm.s32 @!p0 $0x80000001  }
0xeb: {  	s5 =	sadd.s32 s31, s5;
	v1 =	vsel vm10, s0, v1  }
0xec: {  	v1 =	vsel vm11, s5, v1;
	_ =	sdelay $0x3  }
0xed: {  	s10 =	simm.s32 $0x4200  }
0xee: {  	v2 =	vshll.u32 v1, $0x1;
	v1 =	vld.idx.msk [tilespmem:v1+s10+$0x0], $0xffff  }
0xef: {  	v3 =	vor.u32 $0x1, v2;
	_ =	sdelay $0x3  }
0xf0: {  	v2 =	vld.idx.msk [tilespmem:v2+s2+$0x0], $0xffff  }
0xf1: {  	v3 =	vld.idx.msk [tilespmem:v3+s2+$0x0], $0xffff;
	_ =	sdelay $0x1  }
0xf2: {  	v1 =	vld.idx.msk [tilespmem:v1+s16+$0x0], $0xffff  }
0xf3: {  	s9 =	sor.u32 $0x1, s8;
	p0 =	seq.s32 s1, $0x3;
	s0 =	rddreg [dreg:$0x5]  }
0xf4: {  	s0 =	sor.u32 @!p0 s0, s9;
	v2 =	vmul.f32 $3.000000000e+01, v2  }
0xf5: {  	s0 =	sadd.s32 @!p0 $0x3, s0;
	v3 =	vmul.f32 $6.000000000e+01, v3  }
0xf6: {  	s11 =	sshrl.u32 s29, $0x2;
	s5 =	sshrl.u32 @!p0 s0, $0x3;
	s0 =	sshll.u32 @!p0 s0, $0x7;
	v2 =	vadd.f32 $-1.500000000e+01, v2  }
0xf7: {  	s3 =	rddreg [dreg:$0x2];
	s6 =	sshll.u32 @!p0 s5, $0xF;
	s0 =	sand.u32 @!p0 $0x200, s0;
	vm15 =	vlt.f32 v1, $5.000000000e-01;
	v1 =	vadd.f32 $-3.000000000e+01, v3  }
0xf8: {  	s12 =	simm.s32 @!p0 $0x0;
	s5 =	sshll.u32 @!p0 s5, $0xA;
	s6 =	sor.u32 @!p0 s0, s6;
	v2 =	vsel vm15, $0x49742400, v2  }
0xf9: {  	s0 =	sor.u32 @!p0 s0, s5;
	s6 =	sshrl.u32 @!p0 s6, $0x3;
	s10 =	simm.s32 @!p0 $0x80;
	v1 =	vsel vm15, $0x49742400, v1;
	[tilespmem:s11+$0x5200] =	vst v2  }
0xfa: {  	s0 =	sshrl.u32 @!p0 s0, $0x3;
	s6 =	sadd.s32 @!p0 s7, s6;
	[tilespmem:s11+$0x5210] =	vst v1;
	s11 =	simm.s32 @!p0 $0x400  }
0xfb: {  	[tilespmem:s12], [sflag:$0x1] =	stream.strided.gather @!p0 [hbm4b:s6+s10], $0x1000, s11, s10, $0x38;
	[tilespmem:$0x5400] =	vst v63  }
0xfc: {  	s5 =	simm.s32 @!p0 $0x4000;
	s0 =	sadd.s32 @!p0 s3, s0  }
0xfd: {  	[tilespmem:s5], [sflag:$0x1] =	stream.linear.gather @!p0 [hbm4b:s0+s12], $0x80, $0x38;
	[tilespmem:$0x5400] =	vst v63  }
0xfe: {  	s12 =	simm.s32 $0x2  }
0xff: {  	_ =	swait.ge [sflag:s12], $0x1000  }
0x100: {  	[sflag:s12] =	ssyncset.done $0x0  }
0x101: {  	[sflag:s12] =	ssyncadd.s32 $0xFFFFF000  }
0x102: {  	_ =	swait.ge [sflag:s12], $0x80  }
0x103: {  	[sflag:s12] =	ssyncset.done $0x0  }
0x104: {  	[sflag:s12] =	ssyncadd.s32 $0xFFFFFF80  }
0x105: {  	v1 =	vld [tilespmem:$0x40F0];
	_ =	sdelay $0x4  }
0x106: {  	(v2sf) =	vpush v1, $0x0  }
0x107: {  	(v2sf) =	vpush v1, $0x1  }
0x108: {  	(v2sf) =	vpush v1, $0x2  }
0x109: {  	(v2sf) =	vpush v1, $0x3  }
0x10a: {  	(v2sf) =	vpush v1, $0x4  }
0x10b: {  	(v2sf) =	vpush v1, $0x5;
	_ =	sdelay $0x1  }
0x10c: {  	(v2sf) =	vpush v1, $0x6  }
0x10d: {  	(v2sf) =	vpush v1, $0x7;
	_ =	sdelay $0x1  }
0x10e: {  	(v2sf) =	vpush v1, $0x8  }
0x10f: {  	(v2sf) =	vpush v1, $0x9;
	_ =	sdelay $0x3  }
0x110: {  	s13 =	spop (v2sf)  }
0x111: {  	(v2sf) =	vpush v1, $0xA;
	s14 =	spop (v2sf)  }
0x112: {  	(v2sf) =	vpush v1, $0xB;
	s30 =	smul.f32 $0.0e+00, s13;
	s15 =	spop (v2sf)  }
0x113: {  	s23 =	spop (v2sf)  }
0x114: {  	s10 =	simm.s32 $0x4A10;
	s0 =	sadd.f32 s30, s13;
	s24 =	spop (v2sf)  }
0x115: {  	v4 =	vld [tilespmem:s10+$0xFFFFFFF0];
	s5 =	sadd.f32 s30, s14;
	s26 =	spop (v2sf)  }
0x116: {  	v1 =	vld [tilespmem:s10+$0x0];
	s14 =	smul.f32 $-2.000000000e+00, s0;
	s0 =	sadd.f32 s0, s15  }
0x117: {  	s6 =	smul.f32 $-2.000000000e+00, s5;
	s28 =	spop (v2sf)  }
0x118: {  	s5 =	sadd.f32 s5, s23;
	s31 =	spop (v2sf)  }
0x119: {  	s25 =	smul.f32 $-2.000000000e+00, s0;
	s0 =	sadd.f32 s0, s24  }
0x11a: {  	s11 =	smul.f32 $-2.000000000e+00, s5;
	s3 =	spop (v2sf)  }
0x11b: {  	v15 =	vadd.s32 $0x1, v4;
	s5 =	sadd.f32 s5, s26;
	s4 =	spop (v2sf)  }
0x11c: {  	s12 =	smul.f32 $-2.000000000e+00, s0;
	s0 =	sadd.f32 s0, s28  }
0x11d: {  	s13 =	smul.f32 $-2.000000000e+00, s5;
	s5 =	sadd.f32 s5, s31  }
0x11e: {  	v23 =	vimm.f32 $3.000000010e+38;
	v5 =	vld.idx.msk [tilespmem:v1+s17+$0x0], $0xffff;
	v1 =	vadd.s32 $0x1, v1;
	s26 =	smul.f32 $-2.000000000e+00, s0;
	s0 =	sadd.f32 s0, s3  }
0x11f: {  	v24 =	vimm.s32 $0x0;
	v19 =	vimm.s32 $0x0;
	v21 =	vimm.f32 $3.000000010e+38;
	v30 =	vld.idx.msk [tilespmem:v4+s17+$0x0], $0xffff;
	s3 =	smul.f32 $-2.000000000e+00, s5;
	s5 =	sadd.f32 s5, s4  }
0x120: {  	v16 =	vimm.f32 $3.000000010e+38;
	v12 =	vimm.f32 $3.000000010e+38;
	v32 =	vld.idx.msk [tilespmem:v15+s17+$0x0], $0xffff;
	v14 =	vmov s12;
	s12 =	simm.s32 $0x4210;
	s4 =	smul.f32 $-2.000000000e+00, s0;
	s31 =	spop (v2sf)  }
0x121: {  	v9 =	vimm.f32 $3.000000010e+38;
	v8 =	vimm.s32 $0x0;
	v4 =	vimm.f32 $3.000000010e+38;
	v28 =	vld [tilespmem:s12+$0x0];
	s0 =	sadd.f32 s0, s31;
	s30 =	spop (v2sf)  }
0x122: {  	v15 =	vimm.s32 $0x0;
	v22 =	vmov s14;
	v20 =	vmov s6;
	v31 =	vld [tilespmem:s12+$0xFFFFFFF0];
	s31 =	smul.f32 $-2.000000000e+00, s5;
	s5 =	sadd.f32 s5, s30  }
0x123: {  	v18 =	vmov s25;
	v17 =	vmov s11;
	v13 =	vmov s13;
	v29 =	vld.idx.msk [tilespmem:v1+s17+$0x0], $0xffff;
	s0 =	smul.f32 $-2.000000000e+00, s0  }
0x124: {  	v11 =	vmov s26;
	v10 =	vmov s3;
	v27 =	vmul.f32 $3.000000000e+01, v5;
	s5 =	smul.f32 $-2.000000000e+00, s5  }
0x125: {  	v5 =	vimm.s32 $0x0;
	v1 =	vimm.s32 $0x0;
	v7 =	vmov s4  }
0x126: {  	s29 =	sor.u32 $0x3, s8;
	s11 =	simm.s32 $0x0;
	s13 =	simm.s32 $0x20;
	v6 =	vmov s31;
	v3 =	vmov s0;
	v2 =	vmov s5  }
.LBB2_7:
0x127: {  	p1 =	sne.s32 s13, $0x7E0;
	v26 =	vmul.f32 $3.000000000e+01, v30;
	v27 =	vadd.f32 $-1.500000000e+01, v27;
	s10 =	sadd.s32 $0x20, s10  }
0x128: {  	v32 =	vmul.f32 $6.000000000e+01, v32;
	v29 =	vmul.f32 $6.000000000e+01, v29;
	v30 =	vld [tilespmem:s10+$0x0]  }
0x129: {  	v25 =	vor.u32 s11, v0;
	v28 =	vld.idx.msk [tilespmem:v28+s18+$0x0], $0xffff;
	v33 =	vmul.f32 v27, v22;
	v34 =	vmul.f32 v27, v18  }
0x12a: {  	s0 =	sadd.s32 $0x10, s11;
	s11 =	smov.u32 s13;
	v35 =	vadd.f32 $-1.500000000e+01, v26;
	v36 =	vmul.f32 v27, v14;
	v37 =	vmul.f32 v27, v11  }
0x12b: {  	v26 =	vor.u32 s0, v0;
	v38 =	vmul.f32 v27, v7;
	v39 =	vmul.f32 v27, v3;
	v31 =	vld.idx.msk [tilespmem:v31+s18+$0x0], $0xffff  }
0x12c: {  	v29 =	vadd.f32 $-3.000000000e+01, v29;
	v40 =	vmul.f32 v35, v22;
	v41 =	vmul.f32 v35, v18  }
0x12d: {  	v43 =	vmul.f32 v35, v14;
	v44 =	vmul.f32 v35, v11;
	v42 =	vadd.s32 $0x1, v30  }
0x12e: {  	v32 =	vadd.f32 $-3.000000000e+01, v32;
	v27 =	vmul.f32 v27, v27;
	v45 =	vmul.f32 v29, v29  }
0x12f: {  	v46 =	vmul.f32 v35, v7;
	v47 =	vmul.f32 v35, v3;
	vm0 =	vlt.f32 v28, $5.000000000e-01  }
0x130: {  	v27 =	vadd.f32 v45, v27;
	v28 =	vmul.f32 v35, v35;
	v35 =	vmul.f32 v32, v32  }
0x131: {  	v45 =	vmul.f32 v29, v17;
	vm1 =	vlt.f32 v31, $5.000000000e-01;
	v31 =	vmul.f32 v29, v20  }
0x132: {  	v27 =	vsel vm0, $0x7149F2CA, v27;
	v28 =	vadd.f32 v35, v28;
	v35 =	vmul.f32 v29, v13  }
0x133: {  	v48 =	vmul.f32 v29, v10;
	v33 =	vadd.f32 v27, v33;
	v34 =	vadd.f32 v27, v34  }
0x134: {  	v49 =	vmul.f32 v29, v6;
	v36 =	vadd.f32 v27, v36;
	v37 =	vadd.f32 v27, v37  }
0x135: {  	v38 =	vadd.f32 v27, v38;
	v27 =	vadd.f32 v27, v39;
	v28 =	vsel vm1, $0x7149F2CA, v28  }
0x136: {  	v29 =	vmul.f32 v29, v2;
	v39 =	vadd.f32 v28, v40;
	v40 =	vadd.f32 v28, v41  }
0x137: {  	v50 =	vmul.f32 v32, v20;
	v43 =	vadd.f32 v28, v43;
	v44 =	vadd.f32 v28, v44;
	v41 =	vld [tilespmem:s10+$0xFFFFFFF0]  }
0x138: {  	v51 =	vmul.f32 v32, v17;
	v46 =	vadd.f32 v28, v46;
	v28 =	vadd.f32 v28, v47;
	v30 =	vld.idx.msk [tilespmem:v30+s17+$0x0], $0xffff  }
0x139: {  	v31 =	vadd.f32 v33, v31;
	v33 =	vadd.f32 v34, v45;
	v47 =	vmul.f32 v32, v13  }
0x13a: {  	v34 =	vmul.f32 v32, v10;
	v35 =	vadd.f32 v36, v35;
	v36 =	vadd.f32 v37, v48  }
0x13b: {  	v37 =	vmul.f32 v32, v6;
	v38 =	vadd.f32 v38, v49;
	v45 =	vadd.f32 v27, v29  }
0x13c: {  	v32 =	vmul.f32 v32, v2;
	v29 =	vadd.f32 v39, v50;
	v39 =	vadd.f32 v40, v51  }
0x13d: {  	v43 =	vadd.f32 v43, v47;
	v34 =	vadd.f32 v44, v34;
	v40 =	vadd.s32 $0x1, v41  }
0x13e: {  	v37 =	vadd.f32 v46, v37;
	v32 =	vadd.f32 v28, v32;
	v27 =	vmul.f32 $3.000000000e+01, v30  }
0x13f: {  	vm12 =	vlt.f32 v29, v23;
	vm13 =	vlt.f32 v39, v21;
	vm14 =	vlt.f32 v43, v16  }
0x140: {  	v23 =	vsel vm12, v29, v23;
	v21 =	vsel vm13, v39, v21;
	v16 =	vsel vm14, v43, v16  }
0x141: {  	vm0 =	vlt.f32 v31, v23;
	vm1 =	vlt.f32 v33, v21;
	vm15 =	vlt.f32 v35, v16  }
0x142: {  	s12 =	sadd.s32 $0x20, s12;
	v23 =	vsel vm0, v31, v23;
	v21 =	vsel vm1, v33, v21;
	v16 =	vsel vm15, v35, v16  }
0x143: {  	vm2 =	vlt.f32 v34, v12;
	vm3 =	vlt.f32 v37, v9;
	vm4 =	vlt.f32 v32, v4;
	v28 =	vld [tilespmem:s12+$0x0]  }
0x144: {  	v12 =	vsel vm2, v34, v12;
	v9 =	vsel vm3, v37, v9;
	v4 =	vsel vm4, v32, v4;
	v30 =	vld.idx.msk [tilespmem:v41+s17+$0x0], $0xffff  }
0x145: {  	vm5 =	vlt.f32 v36, v12;
	vm6 =	vlt.f32 v38, v9;
	vm7 =	vlt.f32 v45, v4;
	v29 =	vld.idx.msk [tilespmem:v42+s17+$0x0], $0xffff  }
.Ltmp2:
0x146: {  	v12 =	vsel vm5, v36, v12;
	v9 =	vsel vm6, v38, v9;
	v4 =	vsel vm7, v45, v4;
	v32 =	vld.idx.msk [tilespmem:v40+s17+$0x0], $0xffff;
	(pc) =	sbr.rel @p1 .LBB2_7-.Ltmp2, $4  }
0x147: {  	v8 =	vsel vm2, v25, v8;
	v5 =	vsel vm3, v25, v5;
	v1 =	vsel vm4, v25, v1;
	v31 =	vld [tilespmem:s12+$0xFFFFFFF0]  }
0x148: {  	v8 =	vsel vm5, v26, v8;
	v5 =	vsel vm6, v26, v5;
	v1 =	vsel vm7, v26, v1  }
0x149: {  	v24 =	vsel vm12, v25, v24;
	v19 =	vsel vm13, v25, v19;
	v15 =	vsel vm14, v25, v15  }
0x14a: {  	s13 =	sadd.s32 $0x20, s13;
	v24 =	vsel vm0, v26, v24;
	v19 =	vsel vm1, v26, v19;
	v15 =	vsel vm15, v26, v15  }
0x14b: {  	_ =	sdelay $0x2  }
0x14c: {  	v25 =	vmul.f32 $3.000000000e+01, v30;
	v26 =	vmul.f32 $6.000000000e+01, v32;
	_ =	sdelay $0x1  }
0x14d: {  	v29 =	vmul.f32 $6.000000000e+01, v29;
	v30 =	vld.idx.msk [tilespmem:v31+s18+$0x0], $0xffff;
	v25 =	vadd.f32 $-1.500000000e+01, v25;
	v26 =	vadd.f32 $-3.000000000e+01, v26  }
0x14e: {  	v27 =	vadd.f32 $-1.500000000e+01, v27  }
0x14f: {  	v28 =	vld.idx.msk [tilespmem:v28+s18+$0x0], $0xffff;
	v29 =	vadd.f32 $-3.000000000e+01, v29;
	v31 =	vmul.f32 v25, v25;
	v60 =	vmul.f32 v26, v26;
	_ =	sdelay $0x1  }
0x150: {  	v33 =	vmul.f32 v27, v27;
	v34 =	vmul.f32 v29, v29;
	v31 =	vadd.f32 v60, v31  }
0x151: {  	v61 =	vmul.f32 v25, v22;
	vm0 =	vlt.f32 v30, $5.000000000e-01  }
0x152: {  	v22 =	vmul.f32 v27, v22;
	v30 =	vadd.f32 v34, v33;
	v31 =	vsel vm0, $0x7149F2CA, v31  }
0x153: {  	v62 =	vmul.f32 v26, v20;
	vm13 =	vlt.f32 v28, $5.000000000e-01;
	v28 =	vadd.f32 v31, v61  }
0x154: {  	v30 =	vsel vm13, $0x7149F2CA, v30  }
0x155: {  	v20 =	vmul.f32 v29, v20;
	v22 =	vadd.f32 v30, v22;
	v28 =	vadd.f32 v28, v62;
	_ =	sdelay $0x1  }
0x156: {  	v20 =	vadd.f32 v22, v20;
	vm14 =	vlt.f32 v28, v23  }
0x157: {  	v22 =	vsel vm14, v28, v23  }
0x158: {  	vm1 =	vlt.f32 v20, v22  }
0x159: {  	v20 =	vsel vm1, v20, v22  }
0x15a: {  	(xrf0) =	vmin.scan.msk.f32 $0xffff, v20;
	_ =	sdelay $0x1  }
0x15b: {  	v23 =	vmul.f32 v26, v17;
	v22 =	vmul.f32 v25, v18;
	_ =	sdelay $0x1  }
0x15c: {  	v18 =	vmul.f32 v27, v18;
	v22 =	vadd.f32 v31, v22  }
0x15d: {  	v28 =	vor.u32 s11, v0  }
0x15e: {  	s0 =	sadd.s32 $0x10, s11;
	v17 =	vmul.f32 v29, v17;
	v18 =	vadd.f32 v30, v18;
	v22 =	vadd.f32 v22, v23;
	v23, _, _ =	vpop (xrf0)  }
0x15f: {  	v63 =	vor.u32 s0, v0;
	v24 =	vsel vm14, v28, v24;
	v23 =	vbroadcast v23, $0xF  }
0x160: {  	v17 =	vadd.f32 v18, v17;
	v18 =	vsel vm1, v63, v24;
	vm15 =	vlt.f32 v22, v21  }
0x161: {  	v18 =	vxor.u32 $0x80000000, v18;
	v21 =	vsel vm15, v22, v21;
	vm4 =	veq.f32 v20, v23  }
0x162: {  	vm5 =	vlt.f32 v17, v21;
	v18 =	vnsel vm4, $0xFFFFFFFF, v18  }
0x163: {  	v17 =	vsel vm5, v17, v21;
	(xrf0) =	vmin.scan.msk.u32 $0xffff, v18  }
0x164: {  	(xrf0) =	vmin.scan.msk.f32 $0xffff, v17;
	_ =	sdelay $0x1  }
0x165: {  	v20 =	vmul.f32 v26, v13;
	v18 =	vmul.f32 v25, v14;
	_ =	sdelay $0x1  }
0x166: {  	v14 =	vmul.f32 v27, v14;
	v18 =	vadd.f32 v31, v18  }
0x167: {  	v21, _, _ =	vpop (xrf0)  }
0x168: {  	v13 =	vmul.f32 v29, v13;
	v14 =	vadd.f32 v30, v14;
	v18 =	vadd.f32 v18, v20;
	v20, _, _ =	vpop (xrf0)  }
0x169: {  	v19 =	vsel vm15, v28, v19;
	v20 =	vbroadcast v20, $0xF  }
0x16a: {  	v13 =	vadd.f32 v14, v13;
	v14 =	vsel vm5, v63, v19;
	vm12 =	vlt.f32 v18, v16  }
0x16b: {  	v14 =	vxor.u32 $0x80000000, v14;
	v16 =	vsel vm12, v18, v16;
	vm13 =	veq.f32 v17, v20  }
0x16c: {  	vm14 =	vlt.f32 v13, v16;
	v14 =	vnsel vm13, $0xFFFFFFFF, v14  }
0x16d: {  	v13 =	vsel vm14, v13, v16;
	(xrf0) =	vmin.scan.msk.u32 $0xffff, v14  }
0x16e: {  	(xrf0) =	vmin.scan.msk.f32 $0xffff, v13;
	_ =	sdelay $0x1  }
0x16f: {  	v16 =	vmul.f32 v26, v10;
	v14 =	vmul.f32 v25, v11;
	_ =	sdelay $0x1  }
0x170: {  	v11 =	vmul.f32 v27, v11;
	v14 =	vadd.f32 v31, v14  }
0x171: {  	v17, _, _ =	vpop (xrf0)  }
0x172: {  	v10 =	vmul.f32 v29, v10;
	v11 =	vadd.f32 v30, v11;
	v14 =	vadd.f32 v14, v16;
	v16, _, _ =	vpop (xrf0)  }
0x173: {  	v15 =	vsel vm12, v28, v15;
	v16 =	vbroadcast v16, $0xF  }
0x174: {  	v10 =	vadd.f32 v11, v10;
	v11 =	vsel vm14, v63, v15;
	vm15 =	vlt.f32 v14, v12  }
0x175: {  	v11 =	vxor.u32 $0x80000000, v11;
	v12 =	vsel vm15, v14, v12;
	vm4 =	veq.f32 v13, v16  }
0x176: {  	vm5 =	vlt.f32 v10, v12;
	v11 =	vnsel vm4, $0xFFFFFFFF, v11  }
0x177: {  	v10 =	vsel vm5, v10, v12;
	(xrf0) =	vmin.scan.msk.u32 $0xffff, v11  }
0x178: {  	(xrf0) =	vmin.scan.msk.f32 $0xffff, v10;
	_ =	sdelay $0x1  }
0x179: {  	v12 =	vmul.f32 v26, v6;
	v11 =	vmul.f32 v25, v7;
	_ =	sdelay $0x1  }
0x17a: {  	v7 =	vmul.f32 v27, v7;
	v11 =	vadd.f32 v31, v11  }
0x17b: {  	v13, _, _ =	vpop (xrf0)  }
0x17c: {  	v6 =	vmul.f32 v29, v6;
	v7 =	vadd.f32 v30, v7;
	v11 =	vadd.f32 v11, v12;
	v12, _, _ =	vpop (xrf0)  }
0x17d: {  	v8 =	vsel vm15, v28, v8;
	v12 =	vbroadcast v12, $0xF  }
0x17e: {  	v6 =	vadd.f32 v7, v6;
	v7 =	vsel vm5, v63, v8;
	vm12 =	vlt.f32 v11, v9  }
0x17f: {  	v7 =	vxor.u32 $0x80000000, v7;
	v8 =	vsel vm12, v11, v9;
	vm13 =	veq.f32 v10, v12  }
0x180: {  	vm14 =	vlt.f32 v6, v8;
	v7 =	vnsel vm13, $0xFFFFFFFF, v7  }
0x181: {  	v6 =	vsel vm14, v6, v8;
	(xrf0) =	vmin.scan.msk.u32 $0xffff, v7  }
0x182: {  	(xrf0) =	vmin.scan.msk.f32 $0xffff, v6;
	_ =	sdelay $0x1  }
0x183: {  	v8 =	vmul.f32 v26, v2;
	v7 =	vmul.f32 v25, v3  }
0x184: {  	v3 =	vmul.f32 v27, v3  }
0x185: {  	v7 =	vadd.f32 v31, v7  }
0x186: {  	v2 =	vmul.f32 v29, v2;
	v3 =	vadd.f32 v30, v3;
	v9, _, _ =	vpop (xrf0)  }
0x187: {  	(v2sf) =	vpush v21, $0xF;
	v7 =	vadd.f32 v7, v8;
	v8, _, _ =	vpop (xrf0)  }
0x188: {  	v2 =	vadd.f32 v3, v2;
	v3 =	vsel vm12, v28, v5;
	v5 =	vbroadcast v8, $0xF  }
0x189: {  	v3 =	vsel vm14, v63, v3;
	vm15 =	vlt.f32 v7, v4  }
0x18a: {  	v3 =	vxor.u32 $0x80000000, v3;
	v4 =	vsel vm15, v7, v4;
	vm4 =	veq.f32 v6, v5  }
0x18b: {  	vm5 =	vlt.f32 v2, v4;
	v3 =	vnsel vm4, $0xFFFFFFFF, v3  }
0x18c: {  	v2 =	vsel vm5, v2, v4;
	(xrf0) =	vmin.scan.msk.u32 $0xffff, v3  }
0x18d: {  	(xrf0) =	vmin.scan.msk.f32 $0xffff, v2;
	_ =	sdelay $0x1  }
0x18e: {  	(v2sf) =	vpush v17, $0xF;
	_ =	sdelay $0x2  }
0x18f: {  	v3, _, _ =	vpop (xrf0)  }
0x190: {  	(v2sf) =	vpush v13, $0xF;
	v4, _, _ =	vpop (xrf0)  }
0x191: {  	v1 =	vsel vm15, v28, v1;
	v4 =	vbroadcast v4, $0xF  }
0x192: {  	(v2sf) =	vpush v9, $0xF;
	v1 =	vsel vm5, v63, v1  }
0x193: {  	v1 =	vxor.u32 $0x80000000, v1;
	vm12 =	veq.f32 v2, v4  }
0x194: {  	s4 =	spop (v2sf);
	v1 =	vnsel vm12, $0xFFFFFFFF, v1  }
0x195: {  	s5 =	sxor.u32 $0x80000000, s4;
	(xrf0) =	vmin.scan.msk.u32 $0xffff, v1  }
0x196: {  	s6 =	smulhi.u32 $0x66666667, s5;
	s10 =	sshra.s32 s5, $0x1F  }
0x197: {  	s10 =	smul.u32 $0x66666667, s10;
	_ =	sdelay $0x1  }
0x198: {  	s6 =	sadd.s32 s10, s6;
	(v2sf) =	vpush v3, $0xF  }
0x199: {  	s10 =	sshrl.u32 s6, $0x1F;
	s6 =	sshra.s32 s6, $0x3  }
0x19a: {  	s6 =	sadd.s32 s10, s6;
	s10 =	spop (v2sf);
	v1, _, _ =	vpop (xrf0)  }
0x19b: {  	s6 =	smul.u32 $0x14, s6;
	s13 =	sxor.u32 $0x80000000, s10;
	(v2sf) =	vpush v1, $0xF  }
0x19c: {  	s12 =	smulhi.u32 $0x66666667, s13;
	s30 =	sshra.s32 s13, $0x1F  }
0x19d: {  	s6 =	ssub.s32 s5, s6;
	s14 =	smul.u32 $0x66666667, s30  }
0x19e: {  	p1 =	seq.s32 s6, $0x13;
	s11 =	spop (v2sf)  }
0x19f: {  	s6 =	simm.s32 $0x7FFFFFFF;
	s14 =	sadd.s32 s14, s12;
	s15 =	sxor.u32 $0x80000000, s11  }
0x1a0: {  	s23 =	smulhi.u32 $0x66666667, s15;
	s24 =	sshra.s32 s15, $0x1F;
	s12 =	spop (v2sf)  }
0x1a1: {  	s25 =	sshrl.u32 s14, $0x1F;
	s24 =	smul.u32 $0x66666667, s24;
	s26 =	sxor.u32 $0x80000000, s12  }
0x1a2: {  	s14 =	sshra.s32 s14, $0x3;
	s28 =	smulhi.u32 $0x66666667, s26;
	s30 =	sshra.s32 s26, $0x1F  }
0x1a3: {  	s6 =	simm.s32 @!p1 $0x80000001;
	s14 =	sadd.s32 s25, s14;
	s3 =	smul.u32 $0x66666667, s30  }
0x1a4: {  	s0 =	sadd.s32 s4, s6;
	s4 =	smul.u32 $0x14, s14;
	s24 =	sadd.s32 s24, s23  }
0x1a5: {  	s23 =	sshrl.u32 s24, $0x1F;
	s14 =	sshra.s32 s24, $0x3;
	s30 =	sadd.s32 s3, s28  }
0x1a6: {  	s14 =	sadd.s32 s23, s14;
	s3 =	sshrl.u32 s30, $0x1F;
	s24 =	sshra.s32 s30, $0x3  }
0x1a7: {  	s14 =	smul.u32 $0x14, s14;
	s23 =	sadd.s32 s3, s24;
	s24 =	spop (v2sf)  }
0x1a8: {  	s6 =	ssub.s32 s13, s4;
	s23 =	smul.u32 $0x14, s23;
	s25 =	sxor.u32 $0x80000000, s24  }
0x1a9: {  	p2 =	seq.s32 s6, $0x13;
	s28 =	smulhi.u32 $0x66666667, s25;
	s4 =	sshra.s32 s25, $0x1F  }
0x1aa: {  	vm13 =	vcmask $0x300;
	s14 =	ssub.s32 s15, s14;
	v1 =	vmov s5;
	s6 =	smul.u32 $0x66666667, s4;
	s31 =	spop (v2sf)  }
0x1ab: {  	vm14 =	vcmask $0x704;
	p3 =	seq.s32 s14, $0x13;
	s23 =	ssub.s32 s26, s23;
	v1 =	vnsel vm13, $0x0, v1;
	s30 =	sxor.u32 $0x80000000, s31  }
0x1ac: {  	vm15 =	vcmask $0xB08;
	v1 =	vsel vm14, s13, v1;
	s14 =	sadd.s32 s6, s28;
	s3 =	smulhi.u32 $0x66666667, s30;
	s4 =	sshra.s32 s30, $0x1F  }
0x1ad: {  	v1 =	vsel vm15, s15, v1;
	s15 =	sshrl.u32 s14, $0x1F;
	s5 =	sshra.s32 s14, $0x3;
	s4 =	smul.u32 $0x66666667, s4  }
0x1ae: {  	p1 =	seq.s32 s23, $0x13;
	s6 =	simm.s32 $0x7FFFFFFF;
	s5 =	sadd.s32 s15, s5  }
0x1af: {  	vm4 =	vcmask $0xF0C;
	s6 =	simm.s32 @!p2 $0x80000001;
	s5 =	smul.u32 $0x14, s5;
	s3 =	sadd.s32 s4, s3  }
0x1b0: {  	vm5 =	vcmask $0x1310;
	v1 =	vsel vm4, s26, v1;
	s14 =	simm.s32 $0x7FFFFFFF;
	s23 =	sshrl.u32 s3, $0x1F;
	s3 =	sshra.s32 s3, $0x3  }
0x1b1: {  	vm12 =	vcmask $0x1714;
	v1 =	vsel vm5, s25, v1;
	s14 =	simm.s32 @!p1 $0x80000001;
	s5 =	ssub.s32 s25, s5;
	s3 =	sadd.s32 s23, s3  }
0x1b2: {  	vm13 =	vcmask $0x2320;
	p1 =	seq.s32 s5, $0x13;
	v1 =	vsel vm12, s30, v1;
	s4 =	simm.s32 $0x7FFFFFFF;
	s3 =	smul.u32 $0x14, s3  }
0x1b3: {  	vm14 =	vcmask $0x2724;
	s6 =	sadd.s32 s10, s6;
	v1 =	vsel vm13, s0, v1;
	s0 =	simm.s32 $0x7FFFFFFF;
	s4 =	simm.s32 @!p3 $0x80000001  }
0x1b4: {  	v1 =	vsel vm14, s6, v1;
	s0 =	simm.s32 @!p1 $0x80000001;
	s4 =	sadd.s32 s11, s4;
	s3 =	ssub.s32 s30, s3  }
0x1b5: {  	s28 =	sadd.s32 s12, s14;
	v1 =	vsel vm8, s4, v1;
	p1 =	seq.s32 s3, $0x13;
	s3 =	simm.s32 $0x7FFFFFFF  }
0x1b6: {  	s0 =	sadd.s32 s24, s0;
	v1 =	vsel vm9, s28, v1;
	s3 =	simm.s32 @!p1 $0x80000001  }
0x1b7: {  	v1 =	vsel vm10, s0, v1;
	s3 =	sadd.s32 s31, s3  }
0x1b8: {  	v1 =	vsel vm11, s3, v1;
	_ =	sdelay $0x3  }
0x1b9: {  	s5 =	simm.s32 $0x4200  }
0x1ba: {  	v2 =	vshll.u32 v1, $0x1;
	v1 =	vld.idx.msk [tilespmem:v1+s5+$0x0], $0xffff  }
0x1bb: {  	v3 =	vor.u32 $0x1, v2;
	_ =	sdelay $0x3  }
0x1bc: {  	v2 =	vld.idx.msk [tilespmem:v2+s17+$0x0], $0xffff  }
0x1bd: {  	v3 =	vld.idx.msk [tilespmem:v3+s17+$0x0], $0xffff;
	_ =	sdelay $0x1  }
0x1be: {  	s8 =	sor.u32 $0x2, s8;
	s0 =	rddreg [dreg:$0x5];
	v1 =	vld.idx.msk [tilespmem:v1+s18+$0x0], $0xffff  }
0x1bf: {  	s0 =	sor.u32 @!p0 s0, s8  }
0x1c0: {  	s0 =	sadd.s32 @!p0 $0x3, s0;
	v2 =	vmul.f32 $3.000000000e+01, v2  }
0x1c1: {  	s3 =	sshrl.u32 @!p0 s0, $0x3;
	s0 =	sshll.u32 @!p0 s0, $0x7;
	v3 =	vmul.f32 $6.000000000e+01, v3  }
0x1c2: {  	s6 =	sshll.u32 s9, $0x5;
	s4 =	sshll.u32 @!p0 s3, $0xF;
	s0 =	sand.u32 @!p0 $0x280, s0;
	v2 =	vadd.f32 $-1.500000000e+01, v2  }
0x1c3: {  	s9 =	simm.s32 @!p0 $0x1000;
	s3 =	sshll.u32 @!p0 s3, $0xA;
	s4 =	sor.u32 @!p0 s0, s4;
	vm15 =	vlt.f32 v1, $5.000000000e-01;
	v1 =	vadd.f32 $-3.000000000e+01, v3  }
0x1c4: {  	s0 =	sor.u32 @!p0 s0, s3;
	s3 =	rddreg [dreg:$0x2];
	s4 =	sshrl.u32 @!p0 s4, $0x3;
	v2 =	vsel vm15, $0x49742400, v2  }
0x1c5: {  	s0 =	sshrl.u32 @!p0 s0, $0x3;
	s4 =	sadd.s32 @!p0 s7, s4;
	s5 =	sor.u32 $0x30, s6;
	v1 =	vsel vm15, $0x49742400, v1;
	[tilespmem:s6+$0x5200] =	vst v2  }
0x1c6: {  	s0 =	sadd.s32 @!p0 s3, s0;
	s6 =	simm.s32 @!p0 $0x400;
	[tilespmem:s5+$0x5200] =	vst v1;
	s5 =	simm.s32 @!p0 $0x80  }
0x1c7: {  	[tilespmem:s9], [sflag:$0x2] =	stream.strided.gather @!p0 [hbm4b:s4+s5], $0x1000, s6, s5, $0x38;
	[tilespmem:$0x5400] =	vst v63  }
0x1c8: {  	s3 =	simm.s32 @!p0 $0x0;
	s4 =	simm.s32 @!p0 $0x4080;
	s9 =	simm.s32 $0x3  }
0x1c9: {  	[tilespmem:s4], [sflag:$0x2] =	stream.linear.gather @!p0 [hbm4b:s0+s3], $0x80, $0x38;
	[tilespmem:$0x5400] =	vst v63  }
0x1ca: {  	_ =	swait.ge [sflag:s9], $0x1000  }
0x1cb: {  	[sflag:s9] =	ssyncset.done $0x0  }
0x1cc: {  	[sflag:s9] =	ssyncadd.s32 $0xFFFFF000  }
0x1cd: {  	_ =	swait.ge [sflag:s9], $0x80  }
0x1ce: {  	[sflag:s9] =	ssyncset.done $0x0  }
0x1cf: {  	[sflag:s9] =	ssyncadd.s32 $0xFFFFFF80  }
0x1d0: {  	v1 =	vld [tilespmem:$0x4170];
	_ =	sdelay $0x4  }
0x1d1: {  	(v2sf) =	vpush v1, $0x0  }
0x1d2: {  	(v2sf) =	vpush v1, $0x1  }
0x1d3: {  	(v2sf) =	vpush v1, $0x2  }
0x1d4: {  	(v2sf) =	vpush v1, $0x3  }
0x1d5: {  	(v2sf) =	vpush v1, $0x4  }
0x1d6: {  	(v2sf) =	vpush v1, $0x5;
	_ =	sdelay $0x1  }
0x1d7: {  	(v2sf) =	vpush v1, $0x6  }
0x1d8: {  	(v2sf) =	vpush v1, $0x7;
	_ =	sdelay $0x1  }
0x1d9: {  	(v2sf) =	vpush v1, $0x8  }
0x1da: {  	(v2sf) =	vpush v1, $0x9;
	_ =	sdelay $0x3  }
0x1db: {  	s10 =	spop (v2sf)  }
0x1dc: {  	(v2sf) =	vpush v1, $0xA;
	s11 =	spop (v2sf)  }
0x1dd: {  	(v2sf) =	vpush v1, $0xB;
	s25 =	smul.f32 $0.0e+00, s10;
	s12 =	spop (v2sf)  }
0x1de: {  	s13 =	spop (v2sf)  }
0x1df: {  	s9 =	simm.s32 $0x4A10;
	s0 =	sadd.f32 s25, s10;
	s14 =	spop (v2sf)  }
0x1e0: {  	v4 =	vld [tilespmem:s9+$0xFFFFFFF0];
	s3 =	sadd.f32 s25, s11;
	s23 =	spop (v2sf)  }
0x1e1: {  	v1 =	vld [tilespmem:s9+$0x0];
	s15 =	smul.f32 $-2.000000000e+00, s0;
	s0 =	sadd.f32 s0, s12  }
0x1e2: {  	s4 =	smul.f32 $-2.000000000e+00, s3;
	s24 =	spop (v2sf)  }
0x1e3: {  	s3 =	sadd.f32 s3, s13;
	s26 =	spop (v2sf)  }
0x1e4: {  	s5 =	smul.f32 $-2.000000000e+00, s0;
	s0 =	sadd.f32 s0, s14  }
0x1e5: {  	s6 =	smul.f32 $-2.000000000e+00, s3;
	s28 =	spop (v2sf)  }
0x1e6: {  	v15 =	vadd.s32 $0x1, v4;
	s3 =	sadd.f32 s3, s23;
	s30 =	spop (v2sf)  }
0x1e7: {  	s10 =	smul.f32 $-2.000000000e+00, s0;
	s0 =	sadd.f32 s0, s24  }
0x1e8: {  	s31 =	smov.u32 s7;
	s7 =	smul.f32 $-2.000000000e+00, s3;
	s3 =	sadd.f32 s3, s26  }
0x1e9: {  	v24 =	vimm.f32 $3.000000010e+38;
	v5 =	vld.idx.msk [tilespmem:v1+s19+$0x0], $0xffff;
	v1 =	vadd.s32 $0x1, v1;
	s23 =	smul.f32 $-2.000000000e+00, s0;
	s0 =	sadd.f32 s0, s28  }
0x1ea: {  	v23 =	vimm.s32 $0x0;
	v19 =	vimm.s32 $0x0;
	v21 =	vimm.f32 $3.000000010e+38;
	v30 =	vld.idx.msk [tilespmem:v4+s19+$0x0], $0xffff;
	s25 =	smul.f32 $-2.000000000e+00, s3;
	s3 =	sadd.f32 s3, s30  }
0x1eb: {  	v16 =	vimm.f32 $3.000000010e+38;
	v12 =	vimm.f32 $3.000000010e+38;
	v9 =	vimm.f32 $3.000000010e+38;
	v32 =	vld.idx.msk [tilespmem:v15+s19+$0x0], $0xffff;
	s11 =	simm.s32 $0x4210;
	s26 =	smul.f32 $-2.000000000e+00, s0;
	s24 =	spop (v2sf)  }
0x1ec: {  	v8 =	vimm.s32 $0x0;
	v4 =	vimm.f32 $3.000000010e+38;
	v15 =	vimm.s32 $0x0;
	v28 =	vld [tilespmem:s11+$0x0];
	s0 =	sadd.f32 s0, s24;
	s28 =	spop (v2sf)  }
0x1ed: {  	v31 =	vld [tilespmem:s11+$0xFFFFFFF0];
	v22 =	vmov s15;
	v20 =	vmov s4;
	v18 =	vmov s5;
	s30 =	smul.f32 $-2.000000000e+00, s3;
	s3 =	sadd.f32 s3, s28  }
0x1ee: {  	v17 =	vmov s6;
	v14 =	vmov s10;
	v13 =	vmov s7;
	v29 =	vld.idx.msk [tilespmem:v1+s19+$0x0], $0xffff;
	s0 =	smul.f32 $-2.000000000e+00, s0  }
0x1ef: {  	v11 =	vmov s23;
	v10 =	vmov s25;
	v27 =	vmul.f32 $3.000000000e+01, v5;
	s3 =	smul.f32 $-2.000000000e+00, s3  }
0x1f0: {  	v5 =	vimm.s32 $0x0;
	v1 =	vimm.s32 $0x0;
	v7 =	vmov s26  }
0x1f1: {  	s12 =	simm.s32 $0x20;
	s10 =	simm.s32 $0x0;
	v6 =	vmov s30;
	v3 =	vmov s0;
	v2 =	vmov s3  }
.LBB2_9:
0x1f2: {  	p1 =	sne.s32 s12, $0x7E0;
	v26 =	vmul.f32 $3.000000000e+01, v30;
	v27 =	vadd.f32 $-1.500000000e+01, v27;
	s9 =	sadd.s32 $0x20, s9  }
0x1f3: {  	v32 =	vmul.f32 $6.000000000e+01, v32;
	v29 =	vmul.f32 $6.000000000e+01, v29;
	v30 =	vld [tilespmem:s9+$0x0]  }
0x1f4: {  	v25 =	vor.u32 s10, v0;
	v28 =	vld.idx.msk [tilespmem:v28+s20+$0x0], $0xffff;
	v33 =	vmul.f32 v27, v22;
	v34 =	vmul.f32 v27, v18  }
0x1f5: {  	s0 =	sadd.s32 $0x10, s10;
	s10 =	smov.u32 s12;
	v35 =	vadd.f32 $-1.500000000e+01, v26;
	v36 =	vmul.f32 v27, v14;
	v37 =	vmul.f32 v27, v11  }
0x1f6: {  	v26 =	vor.u32 s0, v0;
	v38 =	vmul.f32 v27, v7;
	v39 =	vmul.f32 v27, v3;
	v31 =	vld.idx.msk [tilespmem:v31+s20+$0x0], $0xffff  }
0x1f7: {  	v29 =	vadd.f32 $-3.000000000e+01, v29;
	v40 =	vmul.f32 v35, v22;
	v41 =	vmul.f32 v35, v18  }
0x1f8: {  	v43 =	vmul.f32 v35, v14;
	v44 =	vmul.f32 v35, v11;
	v42 =	vadd.s32 $0x1, v30  }
0x1f9: {  	v32 =	vadd.f32 $-3.000000000e+01, v32;
	v27 =	vmul.f32 v27, v27;
	v45 =	vmul.f32 v29, v29  }
0x1fa: {  	v46 =	vmul.f32 v35, v7;
	v47 =	vmul.f32 v35, v3;
	vm0 =	vlt.f32 v28, $5.000000000e-01  }
0x1fb: {  	v27 =	vadd.f32 v45, v27;
	v28 =	vmul.f32 v35, v35;
	v35 =	vmul.f32 v32, v32  }
0x1fc: {  	v45 =	vmul.f32 v29, v17;
	vm1 =	vlt.f32 v31, $5.000000000e-01;
	v31 =	vmul.f32 v29, v20  }
0x1fd: {  	v27 =	vsel vm0, $0x7149F2CA, v27;
	v28 =	vadd.f32 v35, v28;
	v35 =	vmul.f32 v29, v13  }
0x1fe: {  	v48 =	vmul.f32 v29, v10;
	v33 =	vadd.f32 v27, v33;
	v34 =	vadd.f32 v27, v34  }
0x1ff: {  	v49 =	vmul.f32 v29, v6;
	v36 =	vadd.f32 v27, v36;
	v37 =	vadd.f32 v27, v37  }
0x200: {  	v38 =	vadd.f32 v27, v38;
	v27 =	vadd.f32 v27, v39;
	v28 =	vsel vm1, $0x7149F2CA, v28  }
0x201: {  	v29 =	vmul.f32 v29, v2;
	v39 =	vadd.f32 v28, v40;
	v40 =	vadd.f32 v28, v41  }
0x202: {  	v50 =	vmul.f32 v32, v20;
	v43 =	vadd.f32 v28, v43;
	v44 =	vadd.f32 v28, v44;
	v41 =	vld [tilespmem:s9+$0xFFFFFFF0]  }
0x203: {  	v51 =	vmul.f32 v32, v17;
	v46 =	vadd.f32 v28, v46;
	v28 =	vadd.f32 v28, v47;
	v30 =	vld.idx.msk [tilespmem:v30+s19+$0x0], $0xffff  }
0x204: {  	v31 =	vadd.f32 v33, v31;
	v33 =	vadd.f32 v34, v45;
	v47 =	vmul.f32 v32, v13  }
0x205: {  	v34 =	vmul.f32 v32, v10;
	v35 =	vadd.f32 v36, v35;
	v36 =	vadd.f32 v37, v48  }
0x206: {  	v37 =	vmul.f32 v32, v6;
	v38 =	vadd.f32 v38, v49;
	v45 =	vadd.f32 v27, v29  }
0x207: {  	v32 =	vmul.f32 v32, v2;
	v29 =	vadd.f32 v39, v50;
	v39 =	vadd.f32 v40, v51  }
0x208: {  	v43 =	vadd.f32 v43, v47;
	v34 =	vadd.f32 v44, v34;
	v40 =	vadd.s32 $0x1, v41  }
0x209: {  	v37 =	vadd.f32 v46, v37;
	v32 =	vadd.f32 v28, v32;
	v27 =	vmul.f32 $3.000000000e+01, v30  }
0x20a: {  	vm12 =	vlt.f32 v29, v24;
	vm13 =	vlt.f32 v39, v21;
	vm14 =	vlt.f32 v43, v16  }
0x20b: {  	v24 =	vsel vm12, v29, v24;
	v21 =	vsel vm13, v39, v21;
	v16 =	vsel vm14, v43, v16  }
0x20c: {  	vm0 =	vlt.f32 v31, v24;
	vm1 =	vlt.f32 v33, v21;
	vm15 =	vlt.f32 v35, v16  }
0x20d: {  	s11 =	sadd.s32 $0x20, s11;
	v24 =	vsel vm0, v31, v24;
	v21 =	vsel vm1, v33, v21;
	v16 =	vsel vm15, v35, v16  }
0x20e: {  	vm2 =	vlt.f32 v34, v12;
	vm3 =	vlt.f32 v37, v9;
	vm4 =	vlt.f32 v32, v4;
	v28 =	vld [tilespmem:s11+$0x0]  }
0x20f: {  	v12 =	vsel vm2, v34, v12;
	v9 =	vsel vm3, v37, v9;
	v4 =	vsel vm4, v32, v4;
	v30 =	vld.idx.msk [tilespmem:v41+s19+$0x0], $0xffff  }
0x210: {  	vm5 =	vlt.f32 v36, v12;
	vm6 =	vlt.f32 v38, v9;
	vm7 =	vlt.f32 v45, v4;
	v29 =	vld.idx.msk [tilespmem:v42+s19+$0x0], $0xffff  }
.Ltmp3:
0x211: {  	v12 =	vsel vm5, v36, v12;
	v9 =	vsel vm6, v38, v9;
	v4 =	vsel vm7, v45, v4;
	v32 =	vld.idx.msk [tilespmem:v40+s19+$0x0], $0xffff;
	(pc) =	sbr.rel @p1 .LBB2_9-.Ltmp3, $4  }
0x212: {  	v8 =	vsel vm2, v25, v8;
	v5 =	vsel vm3, v25, v5;
	v1 =	vsel vm4, v25, v1;
	v31 =	vld [tilespmem:s11+$0xFFFFFFF0]  }
0x213: {  	v8 =	vsel vm5, v26, v8;
	v5 =	vsel vm6, v26, v5;
	v1 =	vsel vm7, v26, v1  }
0x214: {  	v23 =	vsel vm12, v25, v23;
	v19 =	vsel vm13, v25, v19;
	v15 =	vsel vm14, v25, v15  }
0x215: {  	s12 =	sadd.s32 $0x20, s12;
	v23 =	vsel vm0, v26, v23;
	v19 =	vsel vm1, v26, v19;
	v15 =	vsel vm15, v26, v15  }
0x216: {  	_ =	sdelay $0x2  }
0x217: {  	v25 =	vmul.f32 $3.000000000e+01, v30;
	v26 =	vmul.f32 $6.000000000e+01, v32;
	_ =	sdelay $0x1  }
0x218: {  	v29 =	vmul.f32 $6.000000000e+01, v29;
	v30 =	vld.idx.msk [tilespmem:v31+s20+$0x0], $0xffff;
	v25 =	vadd.f32 $-1.500000000e+01, v25;
	v26 =	vadd.f32 $-3.000000000e+01, v26  }
0x219: {  	v27 =	vadd.f32 $-1.500000000e+01, v27  }
0x21a: {  	v28 =	vld.idx.msk [tilespmem:v28+s20+$0x0], $0xffff;
	v29 =	vadd.f32 $-3.000000000e+01, v29;
	v31 =	vmul.f32 v25, v25;
	v60 =	vmul.f32 v26, v26;
	_ =	sdelay $0x1  }
0x21b: {  	v33 =	vmul.f32 v27, v27;
	v34 =	vmul.f32 v29, v29;
	v31 =	vadd.f32 v60, v31  }
0x21c: {  	v61 =	vmul.f32 v25, v22;
	vm0 =	vlt.f32 v30, $5.000000000e-01  }
0x21d: {  	v22 =	vmul.f32 v27, v22;
	v30 =	vadd.f32 v34, v33;
	v31 =	vsel vm0, $0x7149F2CA, v31  }
0x21e: {  	v62 =	vmul.f32 v26, v20;
	vm13 =	vlt.f32 v28, $5.000000000e-01;
	v28 =	vadd.f32 v31, v61  }
0x21f: {  	v30 =	vsel vm13, $0x7149F2CA, v30  }
0x220: {  	v20 =	vmul.f32 v29, v20;
	v22 =	vadd.f32 v30, v22;
	v28 =	vadd.f32 v28, v62;
	_ =	sdelay $0x1  }
0x221: {  	v20 =	vadd.f32 v22, v20;
	vm14 =	vlt.f32 v28, v24  }
0x222: {  	v22 =	vsel vm14, v28, v24  }
0x223: {  	vm1 =	vlt.f32 v20, v22  }
0x224: {  	v20 =	vsel vm1, v20, v22  }
0x225: {  	(xrf0) =	vmin.scan.msk.f32 $0xffff, v20;
	_ =	sdelay $0x1  }
0x226: {  	v24 =	vmul.f32 v26, v17;
	v22 =	vmul.f32 v25, v18;
	_ =	sdelay $0x1  }
0x227: {  	v18 =	vmul.f32 v27, v18;
	v22 =	vadd.f32 v31, v22  }
0x228: {  	v28 =	vor.u32 s10, v0  }
0x229: {  	s0 =	sadd.s32 $0x10, s10;
	v17 =	vmul.f32 v29, v17;
	v18 =	vadd.f32 v30, v18;
	v22 =	vadd.f32 v22, v24;
	v24, _, _ =	vpop (xrf0)  }
0x22a: {  	v63 =	vor.u32 s0, v0;
	v23 =	vsel vm14, v28, v23;
	v24 =	vbroadcast v24, $0xF  }
0x22b: {  	v17 =	vadd.f32 v18, v17;
	v18 =	vsel vm1, v63, v23;
	vm15 =	vlt.f32 v22, v21  }
0x22c: {  	v18 =	vxor.u32 $0x80000000, v18;
	v21 =	vsel vm15, v22, v21;
	vm4 =	veq.f32 v20, v24  }
0x22d: {  	vm5 =	vlt.f32 v17, v21;
	v18 =	vnsel vm4, $0xFFFFFFFF, v18  }
0x22e: {  	v17 =	vsel vm5, v17, v21;
	(xrf0) =	vmin.scan.msk.u32 $0xffff, v18  }
0x22f: {  	(xrf0) =	vmin.scan.msk.f32 $0xffff, v17;
	_ =	sdelay $0x1  }
0x230: {  	v20 =	vmul.f32 v26, v13;
	v18 =	vmul.f32 v25, v14;
	_ =	sdelay $0x1  }
0x231: {  	v14 =	vmul.f32 v27, v14;
	v18 =	vadd.f32 v31, v18  }
0x232: {  	v21, _, _ =	vpop (xrf0)  }
0x233: {  	v13 =	vmul.f32 v29, v13;
	v14 =	vadd.f32 v30, v14;
	v18 =	vadd.f32 v18, v20;
	v20, _, _ =	vpop (xrf0)  }
0x234: {  	v19 =	vsel vm15, v28, v19;
	v20 =	vbroadcast v20, $0xF  }
0x235: {  	v13 =	vadd.f32 v14, v13;
	v14 =	vsel vm5, v63, v19;
	vm12 =	vlt.f32 v18, v16  }
0x236: {  	v14 =	vxor.u32 $0x80000000, v14;
	v16 =	vsel vm12, v18, v16;
	vm13 =	veq.f32 v17, v20  }
0x237: {  	vm14 =	vlt.f32 v13, v16;
	v14 =	vnsel vm13, $0xFFFFFFFF, v14  }
0x238: {  	v13 =	vsel vm14, v13, v16;
	(xrf0) =	vmin.scan.msk.u32 $0xffff, v14  }
0x239: {  	(xrf0) =	vmin.scan.msk.f32 $0xffff, v13;
	_ =	sdelay $0x1  }
0x23a: {  	v16 =	vmul.f32 v26, v10;
	v14 =	vmul.f32 v25, v11;
	_ =	sdelay $0x1  }
0x23b: {  	v11 =	vmul.f32 v27, v11;
	v14 =	vadd.f32 v31, v14  }
0x23c: {  	v17, _, _ =	vpop (xrf0)  }
0x23d: {  	v10 =	vmul.f32 v29, v10;
	v11 =	vadd.f32 v30, v11;
	v14 =	vadd.f32 v14, v16;
	v16, _, _ =	vpop (xrf0)  }
0x23e: {  	v15 =	vsel vm12, v28, v15;
	v16 =	vbroadcast v16, $0xF  }
0x23f: {  	v10 =	vadd.f32 v11, v10;
	v11 =	vsel vm14, v63, v15;
	vm15 =	vlt.f32 v14, v12  }
0x240: {  	v11 =	vxor.u32 $0x80000000, v11;
	v12 =	vsel vm15, v14, v12;
	vm4 =	veq.f32 v13, v16  }
0x241: {  	vm5 =	vlt.f32 v10, v12;
	v11 =	vnsel vm4, $0xFFFFFFFF, v11  }
0x242: {  	v10 =	vsel vm5, v10, v12;
	(xrf0) =	vmin.scan.msk.u32 $0xffff, v11  }
0x243: {  	(xrf0) =	vmin.scan.msk.f32 $0xffff, v10;
	_ =	sdelay $0x1  }
0x244: {  	v12 =	vmul.f32 v26, v6;
	v11 =	vmul.f32 v25, v7;
	_ =	sdelay $0x1  }
0x245: {  	v7 =	vmul.f32 v27, v7;
	v11 =	vadd.f32 v31, v11  }
0x246: {  	v13, _, _ =	vpop (xrf0)  }
0x247: {  	v6 =	vmul.f32 v29, v6;
	v7 =	vadd.f32 v30, v7;
	v11 =	vadd.f32 v11, v12;
	v12, _, _ =	vpop (xrf0)  }
0x248: {  	v8 =	vsel vm15, v28, v8;
	v12 =	vbroadcast v12, $0xF  }
0x249: {  	v6 =	vadd.f32 v7, v6;
	v7 =	vsel vm5, v63, v8;
	vm12 =	vlt.f32 v11, v9  }
0x24a: {  	v7 =	vxor.u32 $0x80000000, v7;
	v8 =	vsel vm12, v11, v9;
	vm13 =	veq.f32 v10, v12  }
0x24b: {  	vm14 =	vlt.f32 v6, v8;
	v7 =	vnsel vm13, $0xFFFFFFFF, v7  }
0x24c: {  	v6 =	vsel vm14, v6, v8;
	(xrf0) =	vmin.scan.msk.u32 $0xffff, v7  }
0x24d: {  	(xrf0) =	vmin.scan.msk.f32 $0xffff, v6;
	_ =	sdelay $0x1  }
0x24e: {  	v8 =	vmul.f32 v26, v2;
	v7 =	vmul.f32 v25, v3  }
0x24f: {  	v3 =	vmul.f32 v27, v3  }
0x250: {  	v7 =	vadd.f32 v31, v7  }
0x251: {  	v2 =	vmul.f32 v29, v2;
	v3 =	vadd.f32 v30, v3;
	v9, _, _ =	vpop (xrf0)  }
0x252: {  	(v2sf) =	vpush v21, $0xF;
	v7 =	vadd.f32 v7, v8;
	v8, _, _ =	vpop (xrf0)  }
0x253: {  	v2 =	vadd.f32 v3, v2;
	v3 =	vsel vm12, v28, v5;
	v5 =	vbroadcast v8, $0xF  }
0x254: {  	v3 =	vsel vm14, v63, v3;
	vm15 =	vlt.f32 v7, v4  }
0x255: {  	v3 =	vxor.u32 $0x80000000, v3;
	v4 =	vsel vm15, v7, v4;
	vm4 =	veq.f32 v6, v5  }
0x256: {  	vm5 =	vlt.f32 v2, v4;
	v3 =	vnsel vm4, $0xFFFFFFFF, v3  }
0x257: {  	v2 =	vsel vm5, v2, v4;
	(xrf0) =	vmin.scan.msk.u32 $0xffff, v3  }
0x258: {  	(xrf0) =	vmin.scan.msk.f32 $0xffff, v2  }
0x259: {  	(v2sf) =	vpush v17, $0xF;
	_ =	sdelay $0x3  }
0x25a: {  	v3, _, _ =	vpop (xrf0)  }
0x25b: {  	(v2sf) =	vpush v13, $0xF;
	v4, _, _ =	vpop (xrf0)  }
0x25c: {  	v1 =	vsel vm15, v28, v1;
	v4 =	vbroadcast v4, $0xF  }
0x25d: {  	(v2sf) =	vpush v9, $0xF;
	v1 =	vsel vm5, v63, v1  }
0x25e: {  	s26 =	spop (v2sf);
	v1 =	vxor.u32 $0x80000000, v1;
	vm12 =	veq.f32 v2, v4  }
0x25f: {  	s3 =	sxor.u32 $0x80000000, s26;
	v1 =	vnsel vm12, $0xFFFFFFFF, v1  }
0x260: {  	s4 =	smulhi.u32 $0x66666667, s3;
	s5 =	sshra.s32 s3, $0x1F;
	(xrf0) =	vmin.scan.msk.u32 $0xffff, v1  }
0x261: {  	s5 =	smul.u32 $0x66666667, s5;
	_ =	sdelay $0x1  }
0x262: {  	s4 =	sadd.s32 s5, s4  }
0x263: {  	s5 =	sshrl.u32 s4, $0x1F;
	s4 =	sshra.s32 s4, $0x3  }
0x264: {  	s4 =	sadd.s32 s5, s4;
	s9 =	spop (v2sf);
	(v2sf) =	vpush v3, $0xF  }
0x265: {  	s4 =	smul.u32 $0x14, s4;
	s5 =	sxor.u32 $0x80000000, s9;
	v1, _, _ =	vpop (xrf0)  }
0x266: {  	s6 =	smulhi.u32 $0x66666667, s5;
	s28 =	sshra.s32 s5, $0x1F;
	(v2sf) =	vpush v1, $0xF  }
0x267: {  	s11 =	smul.u32 $0x66666667, s28  }
0x268: {  	s4 =	ssub.s32 s3, s4  }
0x269: {  	p1 =	seq.s32 s4, $0x13;
	s6 =	sadd.s32 s11, s6;
	s10 =	spop (v2sf)  }
0x26a: {  	s15 =	sshrl.u32 s6, $0x1F;
	s6 =	sshra.s32 s6, $0x3;
	s12 =	sxor.u32 $0x80000000, s10  }
0x26b: {  	s13 =	smulhi.u32 $0x66666667, s12;
	s14 =	sshra.s32 s12, $0x1F;
	s11 =	spop (v2sf)  }
0x26c: {  	s6 =	sadd.s32 s15, s6;
	s14 =	smul.u32 $0x66666667, s14;
	s23 =	sxor.u32 $0x80000000, s11  }
0x26d: {  	s4 =	simm.s32 $0x7FFFFFFF;
	s7 =	smul.u32 $0x14, s6;
	s25 =	sshra.s32 s23, $0x1F  }
0x26e: {  	s4 =	simm.s32 @!p1 $0x80000001;
	s30 =	smul.u32 $0x66666667, s25;
	s25 =	sadd.s32 s14, s13  }
0x26f: {  	s24 =	smulhi.u32 $0x66666667, s23;
	s13 =	sshrl.u32 s25, $0x1F;
	s6 =	sshra.s32 s25, $0x3  }
0x270: {  	s0 =	sadd.s32 s26, s4;
	s6 =	sadd.s32 s13, s6  }
0x271: {  	s4 =	ssub.s32 s5, s7;
	s26 =	sadd.s32 s30, s24;
	s6 =	smul.u32 $0x14, s6  }
0x272: {  	p2 =	seq.s32 s4, $0x13;
	s28 =	sshrl.u32 s26, $0x1F;
	s14 =	sshra.s32 s26, $0x3  }
0x273: {  	s13 =	sadd.s32 s28, s14;
	s6 =	ssub.s32 s12, s6;
	s14 =	spop (v2sf)  }
0x274: {  	s13 =	smul.u32 $0x14, s13;
	p3 =	seq.s32 s6, $0x13;
	s15 =	sxor.u32 $0x80000000, s14  }
0x275: {  	s24 =	smulhi.u32 $0x66666667, s15;
	s30 =	sshra.s32 s15, $0x1F;
	s26 =	spop (v2sf)  }
0x276: {  	vm13 =	vcmask $0x300;
	v1 =	vmov s3;
	s6 =	ssub.s32 s23, s13;
	s4 =	smul.u32 $0x66666667, s30;
	s25 =	sxor.u32 $0x80000000, s26  }
0x277: {  	vm14 =	vcmask $0x704;
	v1 =	vnsel vm13, $0x0, v1;
	p1 =	seq.s32 s6, $0x13;
	s28 =	smulhi.u32 $0x66666667, s25;
	s30 =	sshra.s32 s25, $0x1F  }
0x278: {  	v1 =	vsel vm14, s5, v1;
	s5 =	simm.s32 $0x7FFFFFFF;
	s13 =	sadd.s32 s4, s24;
	s7 =	smul.u32 $0x66666667, s30  }
0x279: {  	vm15 =	vcmask $0xB08;
	s5 =	simm.s32 @!p3 $0x80000001;
	s24 =	sshrl.u32 s13, $0x1F;
	s3 =	sshra.s32 s13, $0x3  }
0x27a: {  	vm4 =	vcmask $0xF0C;
	v1 =	vsel vm15, s12, v1;
	s4 =	simm.s32 $0x7FFFFFFF;
	s3 =	sadd.s32 s24, s3;
	s6 =	sadd.s32 s7, s28  }
0x27b: {  	vm5 =	vcmask $0x1310;
	v1 =	vsel vm4, s23, v1;
	s3 =	smul.u32 $0x14, s3;
	s28 =	sshrl.u32 s6, $0x1F;
	s6 =	sshra.s32 s6, $0x3  }
0x27c: {  	vm12 =	vcmask $0x1714;
	s5 =	sadd.s32 s10, s5;
	v1 =	vsel vm5, s15, v1;
	s4 =	simm.s32 @!p2 $0x80000001;
	s6 =	sadd.s32 s28, s6  }
0x27d: {  	vm13 =	vcmask $0x2320;
	s13 =	simm.s32 $0x7FFFFFFF;
	s3 =	ssub.s32 s15, s3;
	v1 =	vsel vm12, s25, v1;
	s6 =	smul.u32 $0x14, s6  }
0x27e: {  	vm14 =	vcmask $0x2724;
	s4 =	sadd.s32 s9, s4;
	s13 =	simm.s32 @!p1 $0x80000001;
	p1 =	seq.s32 s3, $0x13;
	v1 =	vsel vm13, s0, v1  }
0x27f: {  	s3 =	simm.s32 $0x7FFFFFFF;
	s0 =	simm.s32 $0x7FFFFFFF;
	v1 =	vsel vm14, s4, v1;
	s6 =	ssub.s32 s25, s6  }
0x280: {  	s30 =	sadd.s32 s11, s13;
	s0 =	simm.s32 @!p1 $0x80000001;
	v1 =	vsel vm8, s5, v1;
	p1 =	seq.s32 s6, $0x13  }
0x281: {  	s0 =	sadd.s32 s14, s0;
	v1 =	vsel vm9, s30, v1;
	s3 =	simm.s32 @!p1 $0x80000001  }
0x282: {  	v1 =	vsel vm10, s0, v1;
	s3 =	sadd.s32 s26, s3  }
0x283: {  	v1 =	vsel vm11, s3, v1;
	_ =	sdelay $0x3  }
0x284: {  	s7 =	simm.s32 $0x4200  }
0x285: {  	v2 =	vshll.u32 v1, $0x1;
	v1 =	vld.idx.msk [tilespmem:v1+s7+$0x0], $0xffff  }
0x286: {  	v3 =	vor.u32 $0x1, v2;
	_ =	sdelay $0x3  }
0x287: {  	v2 =	vld.idx.msk [tilespmem:v2+s19+$0x0], $0xffff  }
0x288: {  	v3 =	vld.idx.msk [tilespmem:v3+s19+$0x0], $0xffff;
	_ =	sdelay $0x1  }
0x289: {  	v1 =	vld.idx.msk [tilespmem:v1+s20+$0x0], $0xffff  }
0x28a: {  	s0 =	rddreg [dreg:$0x5]  }
0x28b: {  	s0 =	sor.u32 @!p0 s0, s29;
	v2 =	vmul.f32 $3.000000000e+01, v2  }
0x28c: {  	s8 =	sshll.u32 s8, $0x5;
	s9 =	simm.s32 $0x4;
	s0 =	sadd.s32 @!p0 $0x3, s0;
	v3 =	vmul.f32 $6.000000000e+01, v3  }
0x28d: {  	s5 =	sor.u32 $0x50, s8;
	s3 =	sshrl.u32 @!p0 s0, $0x3;
	s0 =	sshll.u32 @!p0 s0, $0x7;
	v2 =	vadd.f32 $-1.500000000e+01, v2  }
0x28e: {  	s4 =	sshll.u32 @!p0 s3, $0xF;
	s0 =	sand.u32 @!p0 $0x300, s0;
	s3 =	sshll.u32 @!p0 s3, $0xA;
	vm15 =	vlt.f32 v1, $5.000000000e-01;
	v1 =	vadd.f32 $-3.000000000e+01, v3  }
0x28f: {  	s6 =	simm.s32 @!p0 $0x400;
	s4 =	sor.u32 @!p0 s0, s4;
	s0 =	sor.u32 @!p0 s0, s3;
	v2 =	vsel vm15, $0x49742400, v2  }
0x290: {  	s3 =	rddreg [dreg:$0x2];
	s4 =	sshrl.u32 @!p0 s4, $0x3;
	s0 =	sshrl.u32 @!p0 s0, $0x3;
	v1 =	vsel vm15, $0x49742400, v1;
	[tilespmem:s8+$0x5200] =	vst v2  }
0x291: {  	s4 =	sadd.s32 @!p0 s31, s4;
	s8 =	simm.s32 @!p0 $0x2000;
	[tilespmem:s5+$0x5200] =	vst v1;
	s5 =	simm.s32 @!p0 $0x80  }
0x292: {  	[tilespmem:s8], [sflag:$0x3] =	stream.strided.gather @!p0 [hbm4b:s4+s5], $0x1000, s6, s5, $0x38;
	[tilespmem:$0x5400] =	vst v63  }
0x293: {  	s0 =	sadd.s32 @!p0 s3, s0;
	s3 =	simm.s32 @!p0 $0x0;
	s4 =	simm.s32 @!p0 $0x4100  }
0x294: {  	[tilespmem:s4], [sflag:$0x3] =	stream.linear.gather @!p0 [hbm4b:s0+s3], $0x80, $0x38;
	[tilespmem:$0x5400] =	vst v63  }
0x295: {  	_ =	swait.ge [sflag:s9], $0x1000  }
0x296: {  	[sflag:s9] =	ssyncset.done $0x0  }
0x297: {  	[sflag:s9] =	ssyncadd.s32 $0xFFFFF000  }
0x298: {  	_ =	swait.ge [sflag:s9], $0x80  }
0x299: {  	[sflag:s9] =	ssyncset.done $0x0  }
0x29a: {  	[sflag:s9] =	ssyncadd.s32 $0xFFFFFF80  }
0x29b: {  	v1 =	vld [tilespmem:$0x41F0];
	_ =	sdelay $0x4  }
0x29c: {  	(v2sf) =	vpush v1, $0x0  }
0x29d: {  	(v2sf) =	vpush v1, $0x1  }
0x29e: {  	(v2sf) =	vpush v1, $0x2  }
0x29f: {  	(v2sf) =	vpush v1, $0x3  }
0x2a0: {  	(v2sf) =	vpush v1, $0x4  }
0x2a1: {  	(v2sf) =	vpush v1, $0x5;
	_ =	sdelay $0x1  }
0x2a2: {  	(v2sf) =	vpush v1, $0x6  }
0x2a3: {  	(v2sf) =	vpush v1, $0x7;
	_ =	sdelay $0x1  }
0x2a4: {  	(v2sf) =	vpush v1, $0x8  }
0x2a5: {  	(v2sf) =	vpush v1, $0x9;
	_ =	sdelay $0x3  }
0x2a6: {  	s10 =	spop (v2sf)  }
0x2a7: {  	(v2sf) =	vpush v1, $0xA;
	s11 =	spop (v2sf)  }
0x2a8: {  	(v2sf) =	vpush v1, $0xB;
	s25 =	smul.f32 $0.0e+00, s10;
	s12 =	spop (v2sf)  }
0x2a9: {  	s13 =	spop (v2sf)  }
0x2aa: {  	s8 =	simm.s32 $0x4A10;
	s0 =	sadd.f32 s25, s10;
	s15 =	spop (v2sf)  }
0x2ab: {  	v4 =	vld [tilespmem:s8+$0xFFFFFFF0];
	s3 =	sadd.f32 s25, s11;
	s23 =	spop (v2sf)  }
0x2ac: {  	v1 =	vld [tilespmem:s8+$0x0];
	s14 =	smul.f32 $-2.000000000e+00, s0;
	s0 =	sadd.f32 s0, s12  }
0x2ad: {  	s4 =	smul.f32 $-2.000000000e+00, s3;
	s24 =	spop (v2sf)  }
0x2ae: {  	s3 =	sadd.f32 s3, s13;
	s26 =	spop (v2sf)  }
0x2af: {  	s5 =	smul.f32 $-2.000000000e+00, s0;
	s0 =	sadd.f32 s0, s15  }
0x2b0: {  	s6 =	smul.f32 $-2.000000000e+00, s3;
	s28 =	spop (v2sf)  }
0x2b1: {  	v15 =	vadd.s32 $0x1, v4;
	s3 =	sadd.f32 s3, s23;
	s30 =	spop (v2sf)  }
0x2b2: {  	s7 =	smul.f32 $-2.000000000e+00, s0;
	s0 =	sadd.f32 s0, s24  }
0x2b3: {  	s15 =	smul.f32 $-2.000000000e+00, s3;
	s3 =	sadd.f32 s3, s26  }
0x2b4: {  	v23 =	vimm.s32 $0x0;
	v5 =	vld.idx.msk [tilespmem:v1+s21+$0x0], $0xffff;
	v1 =	vadd.s32 $0x1, v1;
	s23 =	smul.f32 $-2.000000000e+00, s0;
	s0 =	sadd.f32 s0, s28  }
0x2b5: {  	v24 =	vimm.f32 $3.000000010e+38;
	v19 =	vimm.s32 $0x0;
	v21 =	vimm.f32 $3.000000010e+38;
	v30 =	vld.idx.msk [tilespmem:v4+s21+$0x0], $0xffff;
	s25 =	smul.f32 $-2.000000000e+00, s3;
	s3 =	sadd.f32 s3, s30  }
0x2b6: {  	v16 =	vimm.f32 $3.000000010e+38;
	v12 =	vimm.f32 $3.000000010e+38;
	v9 =	vimm.f32 $3.000000010e+38;
	v32 =	vld.idx.msk [tilespmem:v15+s21+$0x0], $0xffff;
	s10 =	simm.s32 $0x4210;
	s26 =	smul.f32 $-2.000000000e+00, s0;
	s24 =	spop (v2sf)  }
0x2b7: {  	v8 =	vimm.s32 $0x0;
	v4 =	vimm.s32 $0x0;
	v15 =	vimm.s32 $0x0;
	v28 =	vld [tilespmem:s10+$0x0];
	s0 =	sadd.f32 s0, s24;
	s28 =	spop (v2sf)  }
0x2b8: {  	v31 =	vld [tilespmem:s10+$0xFFFFFFF0];
	v22 =	vmov s14;
	v20 =	vmov s4;
	v18 =	vmov s5;
	s30 =	smul.f32 $-2.000000000e+00, s3;
	s3 =	sadd.f32 s3, s28  }
0x2b9: {  	v17 =	vmov s6;
	v14 =	vmov s7;
	v13 =	vmov s15;
	v29 =	vld.idx.msk [tilespmem:v1+s21+$0x0], $0xffff;
	s0 =	smul.f32 $-2.000000000e+00, s0  }
0x2ba: {  	v11 =	vmov s23;
	v10 =	vmov s25;
	v27 =	vmul.f32 $3.000000000e+01, v5;
	s3 =	smul.f32 $-2.000000000e+00, s3  }
0x2bb: {  	v5 =	vimm.f32 $3.000000010e+38;
	v1 =	vimm.s32 $0x0;
	v7 =	vmov s26  }
0x2bc: {  	s9 =	simm.s32 $0x0;
	s11 =	simm.s32 $0x20;
	v6 =	vmov s30;
	v3 =	vmov s0;
	v2 =	vmov s3  }
.LBB2_11:
0x2bd: {  	p0 =	sne.s32 s11, $0x7E0;
	v26 =	vmul.f32 $3.000000000e+01, v30;
	v27 =	vadd.f32 $-1.500000000e+01, v27;
	s8 =	sadd.s32 $0x20, s8  }
0x2be: {  	v32 =	vmul.f32 $6.000000000e+01, v32;
	v29 =	vmul.f32 $6.000000000e+01, v29;
	v30 =	vld [tilespmem:s8+$0x0]  }
0x2bf: {  	v25 =	vor.u32 s9, v0;
	v28 =	vld.idx.msk [tilespmem:v28+s22+$0x0], $0xffff;
	v33 =	vmul.f32 v27, v22;
	v34 =	vmul.f32 v27, v18  }
0x2c0: {  	s0 =	sadd.s32 $0x10, s9;
	s9 =	smov.u32 s11;
	v35 =	vadd.f32 $-1.500000000e+01, v26;
	v36 =	vmul.f32 v27, v14;
	v37 =	vmul.f32 v27, v11  }
0x2c1: {  	v26 =	vor.u32 s0, v0;
	v38 =	vmul.f32 v27, v7;
	v39 =	vmul.f32 v27, v3;
	v31 =	vld.idx.msk [tilespmem:v31+s22+$0x0], $0xffff  }
0x2c2: {  	v29 =	vadd.f32 $-3.000000000e+01, v29;
	v40 =	vmul.f32 v35, v22;
	v41 =	vmul.f32 v35, v18  }
0x2c3: {  	v43 =	vmul.f32 v35, v14;
	v44 =	vmul.f32 v35, v11;
	v42 =	vadd.s32 $0x1, v30  }
0x2c4: {  	v32 =	vadd.f32 $-3.000000000e+01, v32;
	v27 =	vmul.f32 v27, v27;
	v45 =	vmul.f32 v29, v29  }
0x2c5: {  	v46 =	vmul.f32 v35, v7;
	v47 =	vmul.f32 v35, v3;
	vm0 =	vlt.f32 v28, $5.000000000e-01  }
0x2c6: {  	v27 =	vadd.f32 v45, v27;
	v28 =	vmul.f32 v35, v35;
	v35 =	vmul.f32 v32, v32  }
0x2c7: {  	v45 =	vmul.f32 v29, v17;
	vm1 =	vlt.f32 v31, $5.000000000e-01;
	v31 =	vmul.f32 v29, v20  }
0x2c8: {  	v27 =	vsel vm0, $0x7149F2CA, v27;
	v28 =	vadd.f32 v35, v28;
	v35 =	vmul.f32 v29, v13  }
0x2c9: {  	v48 =	vmul.f32 v29, v10;
	v33 =	vadd.f32 v27, v33;
	v34 =	vadd.f32 v27, v34  }
0x2ca: {  	v49 =	vmul.f32 v29, v6;
	v36 =	vadd.f32 v27, v36;
	v37 =	vadd.f32 v27, v37  }
0x2cb: {  	v38 =	vadd.f32 v27, v38;
	v27 =	vadd.f32 v27, v39;
	v28 =	vsel vm1, $0x7149F2CA, v28  }
0x2cc: {  	v29 =	vmul.f32 v29, v2;
	v39 =	vadd.f32 v28, v40;
	v40 =	vadd.f32 v28, v41  }
0x2cd: {  	v50 =	vmul.f32 v32, v20;
	v43 =	vadd.f32 v28, v43;
	v44 =	vadd.f32 v28, v44;
	v41 =	vld [tilespmem:s8+$0xFFFFFFF0]  }
0x2ce: {  	v51 =	vmul.f32 v32, v17;
	v46 =	vadd.f32 v28, v46;
	v28 =	vadd.f32 v28, v47;
	v30 =	vld.idx.msk [tilespmem:v30+s21+$0x0], $0xffff  }
0x2cf: {  	v31 =	vadd.f32 v33, v31;
	v33 =	vadd.f32 v34, v45;
	v47 =	vmul.f32 v32, v13  }
0x2d0: {  	v34 =	vmul.f32 v32, v10;
	v35 =	vadd.f32 v36, v35;
	v36 =	vadd.f32 v37, v48  }
0x2d1: {  	v37 =	vmul.f32 v32, v6;
	v38 =	vadd.f32 v38, v49;
	v45 =	vadd.f32 v27, v29  }
0x2d2: {  	v32 =	vmul.f32 v32, v2;
	v29 =	vadd.f32 v39, v50;
	v39 =	vadd.f32 v40, v51  }
0x2d3: {  	v43 =	vadd.f32 v43, v47;
	v34 =	vadd.f32 v44, v34;
	v40 =	vadd.s32 $0x1, v41  }
0x2d4: {  	v37 =	vadd.f32 v46, v37;
	v32 =	vadd.f32 v28, v32;
	v27 =	vmul.f32 $3.000000000e+01, v30  }
0x2d5: {  	vm12 =	vlt.f32 v29, v24;
	vm13 =	vlt.f32 v39, v21;
	vm14 =	vlt.f32 v43, v16  }
0x2d6: {  	v24 =	vsel vm12, v29, v24;
	v21 =	vsel vm13, v39, v21;
	v16 =	vsel vm14, v43, v16  }
0x2d7: {  	vm0 =	vlt.f32 v31, v24;
	vm1 =	vlt.f32 v33, v21;
	vm15 =	vlt.f32 v35, v16  }
0x2d8: {  	s10 =	sadd.s32 $0x20, s10;
	v24 =	vsel vm0, v31, v24;
	v21 =	vsel vm1, v33, v21;
	v16 =	vsel vm15, v35, v16  }
0x2d9: {  	vm2 =	vlt.f32 v34, v12;
	vm3 =	vlt.f32 v37, v9;
	vm4 =	vlt.f32 v32, v5;
	v28 =	vld [tilespmem:s10+$0x0]  }
0x2da: {  	v12 =	vsel vm2, v34, v12;
	v9 =	vsel vm3, v37, v9;
	v5 =	vsel vm4, v32, v5;
	v30 =	vld.idx.msk [tilespmem:v41+s21+$0x0], $0xffff  }
0x2db: {  	vm5 =	vlt.f32 v36, v12;
	vm6 =	vlt.f32 v38, v9;
	vm7 =	vlt.f32 v45, v5;
	v29 =	vld.idx.msk [tilespmem:v42+s21+$0x0], $0xffff  }
.Ltmp4:
0x2dc: {  	v12 =	vsel vm5, v36, v12;
	v9 =	vsel vm6, v38, v9;
	v5 =	vsel vm7, v45, v5;
	v32 =	vld.idx.msk [tilespmem:v40+s21+$0x0], $0xffff;
	(pc) =	sbr.rel @p0 .LBB2_11-.Ltmp4, $4  }
0x2dd: {  	v8 =	vsel vm2, v25, v8;
	v4 =	vsel vm3, v25, v4;
	v1 =	vsel vm4, v25, v1;
	v31 =	vld [tilespmem:s10+$0xFFFFFFF0]  }
0x2de: {  	v8 =	vsel vm5, v26, v8;
	v4 =	vsel vm6, v26, v4;
	v1 =	vsel vm7, v26, v1  }
0x2df: {  	v23 =	vsel vm12, v25, v23;
	v19 =	vsel vm13, v25, v19;
	v15 =	vsel vm14, v25, v15  }
0x2e0: {  	s11 =	sadd.s32 $0x20, s11;
	v23 =	vsel vm0, v26, v23;
	v19 =	vsel vm1, v26, v19;
	v15 =	vsel vm15, v26, v15  }
0x2e1: {  	_ =	sdelay $0x2  }
0x2e2: {  	v25 =	vmul.f32 $3.000000000e+01, v30;
	v26 =	vmul.f32 $6.000000000e+01, v32;
	_ =	sdelay $0x1  }
0x2e3: {  	v29 =	vmul.f32 $6.000000000e+01, v29;
	v49 =	vld.idx.msk [tilespmem:v31+s22+$0x0], $0xffff;
	v25 =	vadd.f32 $-1.500000000e+01, v25;
	v26 =	vadd.f32 $-3.000000000e+01, v26  }
0x2e4: {  	v27 =	vadd.f32 $-1.500000000e+01, v27  }
0x2e5: {  	v28 =	vld.idx.msk [tilespmem:v28+s22+$0x0], $0xffff;
	v29 =	vadd.f32 $-3.000000000e+01, v29;
	v50 =	vmul.f32 v25, v25;
	v51 =	vmul.f32 v26, v26;
	_ =	sdelay $0x1  }
0x2e6: {  	v33 =	vmul.f32 v27, v27;
	v34 =	vmul.f32 v29, v29;
	v31 =	vadd.f32 v51, v50  }
0x2e7: {  	v52 =	vmul.f32 v25, v22;
	vm0 =	vlt.f32 v49, $5.000000000e-01  }
0x2e8: {  	v53 =	vmul.f32 v27, v22;
	v54 =	vadd.f32 v34, v33;
	v31 =	vsel vm0, $0x7149F2CA, v31  }
0x2e9: {  	v56 =	vmul.f32 v26, v20;
	vm13 =	vlt.f32 v28, $5.000000000e-01;
	v55 =	vadd.f32 v31, v52  }
0x2ea: {  	v30 =	vsel vm13, $0x7149F2CA, v54  }
0x2eb: {  	v57 =	vmul.f32 v29, v20;
	v22 =	vadd.f32 v30, v53;
	v28 =	vadd.f32 v55, v56;
	_ =	sdelay $0x1  }
0x2ec: {  	v20 =	vadd.f32 v22, v57;
	vm14 =	vlt.f32 v28, v24  }
0x2ed: {  	v58 =	vsel vm14, v28, v24  }
0x2ee: {  	vm1 =	vlt.f32 v20, v58  }
0x2ef: {  	v20 =	vsel vm1, v20, v58  }
0x2f0: {  	(xrf0) =	vmin.scan.msk.f32 $0xffff, v20;
	_ =	sdelay $0x1  }
0x2f1: {  	v59 =	vmul.f32 v25, v18;
	_ =	sdelay $0x1  }
0x2f2: {  	v60 =	vmul.f32 v27, v18;
	v61 =	vmul.f32 v26, v17;
	v22 =	vadd.f32 v31, v59  }
0x2f3: {  	v62 =	vmul.f32 v29, v17  }
0x2f4: {  	s0 =	sadd.s32 $0x10, s9;
	v18 =	vadd.f32 v30, v60;
	v22 =	vadd.f32 v22, v61;
	v28 =	vor.u32 s9, v0;
	v63, _, _ =	vpop (xrf0)  }
0x2f5: {  	v32 =	vor.u32 s0, v0;
	v23 =	vsel vm14, v28, v23;
	v24 =	vbroadcast v63, $0xF  }
0x2f6: {  	v17 =	vadd.f32 v18, v62;
	vm15 =	vlt.f32 v22, v21;
	v36 =	vsel vm1, v32, v23  }
0x2f7: {  	v21 =	vsel vm15, v22, v21;
	v18 =	vxor.u32 $0x80000000, v36;
	vm4 =	veq.f32 v20, v24  }
0x2f8: {  	vm5 =	vlt.f32 v17, v21;
	v18 =	vnsel vm4, $0xFFFFFFFF, v18  }
0x2f9: {  	v17 =	vsel vm5, v17, v21;
	(xrf0) =	vmin.scan.msk.u32 $0xffff, v18  }
0x2fa: {  	(xrf0) =	vmin.scan.msk.f32 $0xffff, v17;
	_ =	sdelay $0x1  }
0x2fb: {  	v37 =	vmul.f32 v25, v14;
	_ =	sdelay $0x1  }
0x2fc: {  	v38 =	vmul.f32 v27, v14;
	v39 =	vmul.f32 v26, v13;
	v18 =	vadd.f32 v31, v37  }
0x2fd: {  	v40, _, _ =	vpop (xrf0)  }
0x2fe: {  	v41 =	vmul.f32 v29, v13;
	v14 =	vadd.f32 v30, v38;
	v18 =	vadd.f32 v18, v39;
	v42, _, _ =	vpop (xrf0)  }
0x2ff: {  	v19 =	vsel vm15, v28, v19;
	v20 =	vbroadcast v42, $0xF  }
0x300: {  	v13 =	vadd.f32 v14, v41;
	v43 =	vsel vm5, v32, v19;
	vm12 =	vlt.f32 v18, v16  }
0x301: {  	v14 =	vxor.u32 $0x80000000, v43;
	v16 =	vsel vm12, v18, v16;
	vm13 =	veq.f32 v17, v20  }
0x302: {  	vm14 =	vlt.f32 v13, v16;
	v14 =	vnsel vm13, $0xFFFFFFFF, v14  }
0x303: {  	v13 =	vsel vm14, v13, v16;
	(xrf0) =	vmin.scan.msk.u32 $0xffff, v14  }
0x304: {  	(xrf0) =	vmin.scan.msk.f32 $0xffff, v13;
	_ =	sdelay $0x1  }
0x305: {  	v44 =	vmul.f32 v25, v11;
	_ =	sdelay $0x1  }
0x306: {  	v45 =	vmul.f32 v27, v11;
	v46 =	vmul.f32 v26, v10;
	v14 =	vadd.f32 v31, v44  }
0x307: {  	v47, _, _ =	vpop (xrf0)  }
0x308: {  	v48 =	vmul.f32 v29, v10;
	v11 =	vadd.f32 v30, v45;
	v14 =	vadd.f32 v14, v46;
	v49, _, _ =	vpop (xrf0)  }
0x309: {  	v15 =	vsel vm12, v28, v15;
	v16 =	vbroadcast v49, $0xF  }
0x30a: {  	v10 =	vadd.f32 v11, v48;
	v50 =	vsel vm14, v32, v15;
	vm15 =	vlt.f32 v14, v12  }
0x30b: {  	v11 =	vxor.u32 $0x80000000, v50;
	v12 =	vsel vm15, v14, v12;
	vm4 =	veq.f32 v13, v16  }
0x30c: {  	vm5 =	vlt.f32 v10, v12;
	v11 =	vnsel vm4, $0xFFFFFFFF, v11  }
0x30d: {  	v10 =	vsel vm5, v10, v12;
	(xrf0) =	vmin.scan.msk.u32 $0xffff, v11  }
0x30e: {  	(xrf0) =	vmin.scan.msk.f32 $0xffff, v10;
	_ =	sdelay $0x1  }
0x30f: {  	v51 =	vmul.f32 v25, v7;
	_ =	sdelay $0x1  }
0x310: {  	v52 =	vmul.f32 v27, v7;
	v53 =	vmul.f32 v26, v6;
	v11 =	vadd.f32 v31, v51  }
0x311: {  	v54, _, _ =	vpop (xrf0)  }
0x312: {  	v55 =	vmul.f32 v29, v6;
	v7 =	vadd.f32 v30, v52;
	v11 =	vadd.f32 v11, v53;
	v56, _, _ =	vpop (xrf0)  }
0x313: {  	v8 =	vsel vm15, v28, v8;
	v12 =	vbroadcast v56, $0xF  }
0x314: {  	v6 =	vadd.f32 v7, v55;
	v57 =	vsel vm5, v32, v8;
	vm12 =	vlt.f32 v11, v9  }
0x315: {  	v7 =	vxor.u32 $0x80000000, v57;
	v58 =	vsel vm12, v11, v9;
	vm13 =	veq.f32 v10, v12  }
0x316: {  	vm14 =	vlt.f32 v6, v58;
	v7 =	vnsel vm13, $0xFFFFFFFF, v7  }
0x317: {  	v6 =	vsel vm14, v6, v58;
	(xrf0) =	vmin.scan.msk.u32 $0xffff, v7  }
0x318: {  	(xrf0) =	vmin.scan.msk.f32 $0xffff, v6;
	_ =	sdelay $0x1  }
0x319: {  	v59 =	vmul.f32 v25, v3  }
0x31a: {  	v3 =	vmul.f32 v27, v3  }
0x31b: {  	v60 =	vmul.f32 v26, v2;
	v7 =	vadd.f32 v31, v59  }
0x31c: {  	v3 =	vadd.f32 v30, v3;
	v61, _, _ =	vpop (xrf0)  }
0x31d: {  	v2 =	vmul.f32 v29, v2;
	(v2sf) =	vpush v40, $0xF;
	v7 =	vadd.f32 v7, v60;
	v62, _, _ =	vpop (xrf0)  }
0x31e: {  	v4 =	vsel vm12, v28, v4;
	v9 =	vbroadcast v62, $0xF  }
0x31f: {  	v2 =	vadd.f32 v3, v2;
	v4 =	vsel vm14, v32, v4;
	vm15 =	vlt.f32 v7, v5  }
0x320: {  	v4 =	vxor.u32 $0x80000000, v4;
	v3 =	vsel vm15, v7, v5;
	vm4 =	veq.f32 v6, v9  }
0x321: {  	vm5 =	vlt.f32 v2, v3;
	v4 =	vnsel vm4, $0xFFFFFFFF, v4  }
0x322: {  	v2 =	vsel vm5, v2, v3;
	(xrf0) =	vmin.scan.msk.u32 $0xffff, v4  }
0x323: {  	(v2sf) =	vpush v47, $0xF;
	(xrf0) =	vmin.scan.msk.f32 $0xffff, v2;
	_ =	sdelay $0x4  }
0x324: {  	v3, _, _ =	vpop (xrf0)  }
0x325: {  	v63, _, _ =	vpop (xrf0)  }
0x326: {  	(v2sf) =	vpush v54, $0xF;
	v1 =	vsel vm15, v28, v1;
	v4 =	vbroadcast v63, $0xF  }
0x327: {  	v1 =	vsel vm5, v32, v1  }
0x328: {  	s30 =	spop (v2sf);
	(v2sf) =	vpush v61, $0xF;
	v1 =	vxor.u32 $0x80000000, v1;
	vm12 =	veq.f32 v2, v4  }
0x329: {  	s3 =	sxor.u32 $0x80000000, s30;
	v1 =	vnsel vm12, $0xFFFFFFFF, v1  }
0x32a: {  	s4 =	smulhi.u32 $0x66666667, s3;
	s5 =	sshra.s32 s3, $0x1F;
	(xrf0) =	vmin.scan.msk.u32 $0xffff, v1  }
0x32b: {  	s5 =	smul.u32 $0x66666667, s5;
	_ =	sdelay $0x1  }
0x32c: {  	s4 =	sadd.s32 s5, s4  }
0x32d: {  	s5 =	sshrl.u32 s4, $0x1F;
	s4 =	sshra.s32 s4, $0x3;
	s9 =	spop (v2sf)  }
0x32e: {  	s4 =	sadd.s32 s5, s4;
	s5 =	sxor.u32 $0x80000000, s9;
	(v2sf) =	vpush v3, $0xF  }
0x32f: {  	s6 =	smulhi.u32 $0x66666667, s5;
	s8 =	sshra.s32 s5, $0x1F;
	v1, _, _ =	vpop (xrf0)  }
0x330: {  	s12 =	smul.u32 $0x66666667, s8;
	(v2sf) =	vpush v1, $0xF  }
0x331: {  	s4 =	smul.u32 $0x14, s4  }
0x332: {  	s25 =	simm.s32 $0x7FFFFFFF;
	s6 =	sadd.s32 s12, s6  }
0x333: {  	s4 =	ssub.s32 s3, s4;
	s14 =	sshrl.u32 s6, $0x1F;
	s6 =	sshra.s32 s6, $0x3  }
0x334: {  	p0 =	seq.s32 s4, $0x13;
	s6 =	sadd.s32 s14, s6;
	s10 =	spop (v2sf)  }
0x335: {  	s25 =	simm.s32 @!p0 $0x80000001;
	s6 =	smul.u32 $0x14, s6;
	s4 =	sxor.u32 $0x80000000, s10  }
0x336: {  	s7 =	smulhi.u32 $0x66666667, s4;
	s13 =	sshra.s32 s4, $0x1F;
	s11 =	spop (v2sf)  }
0x337: {  	s13 =	smul.u32 $0x66666667, s13;
	s15 =	sxor.u32 $0x80000000, s11  }
0x338: {  	s23 =	smulhi.u32 $0x66666667, s15;
	s24 =	sshra.s32 s15, $0x1F  }
0x339: {  	s0 =	sadd.s32 s30, s25;
	s6 =	ssub.s32 s5, s6;
	s26 =	smul.u32 $0x66666667, s24  }
0x33a: {  	p1 =	seq.s32 s6, $0x13;
	s6 =	simm.s32 $0x7FFFFFFF;
	s12 =	sadd.s32 s13, s7  }
0x33b: {  	s13 =	sshrl.u32 s12, $0x1F;
	s12 =	sshra.s32 s12, $0x3;
	s14 =	sadd.s32 s26, s23  }
0x33c: {  	s12 =	sadd.s32 s13, s12;
	s28 =	sshrl.u32 s14, $0x1F;
	s14 =	sshra.s32 s14, $0x3  }
0x33d: {  	s12 =	smul.u32 $0x14, s12;
	s13 =	sadd.s32 s28, s14;
	s8 =	spop (v2sf)  }
0x33e: {  	s6 =	simm.s32 @!p1 $0x80000001;
	s13 =	smul.u32 $0x14, s13;
	s14 =	sxor.u32 $0x80000000, s8  }
0x33f: {  	s23 =	smulhi.u32 $0x66666667, s14;
	s30 =	sshra.s32 s14, $0x1F;
	s25 =	spop (v2sf)  }
0x340: {  	s6 =	sadd.s32 s9, s6;
	s7 =	smul.u32 $0x66666667, s30;
	s24 =	sxor.u32 $0x80000000, s25  }
0x341: {  	vm13 =	vcmask $0x300;
	s12 =	ssub.s32 s4, s12;
	v1 =	vmov s3;
	s26 =	smulhi.u32 $0x66666667, s24;
	s28 =	sshra.s32 s24, $0x1F  }
0x342: {  	vm14 =	vcmask $0x704;
	p2 =	seq.s32 s12, $0x13;
	s12 =	ssub.s32 s15, s13;
	v1 =	vnsel vm13, $0x0, v1;
	s13 =	smul.u32 $0x66666667, s28  }
0x343: {  	vm15 =	vcmask $0xB08;
	p0 =	seq.s32 s12, $0x13;
	v1 =	vsel vm14, s5, v1;
	s5 =	simm.s32 $0x7FFFFFFF;
	s28 =	sadd.s32 s7, s23  }
0x344: {  	vm4 =	vcmask $0xF0C;
	v1 =	vsel vm15, s4, v1;
	s30 =	sshrl.u32 s28, $0x1F;
	s3 =	sshra.s32 s28, $0x3;
	s12 =	sadd.s32 s13, s26  }
0x345: {  	vm5 =	vcmask $0x1310;
	v1 =	vsel vm4, s15, v1;
	s3 =	sadd.s32 s30, s3;
	s7 =	sshrl.u32 s12, $0x1F;
	s12 =	sshra.s32 s12, $0x3  }
0x346: {  	vm12 =	vcmask $0x1714;
	s5 =	simm.s32 @!p2 $0x80000001;
	v1 =	vsel vm5, s14, v1;
	s3 =	smul.u32 $0x14, s3;
	s4 =	sadd.s32 s7, s12  }
0x347: {  	vm13 =	vcmask $0x2320;
	s5 =	sadd.s32 s10, s5;
	v1 =	vsel vm12, s24, v1;
	s13 =	simm.s32 $0x7FFFFFFF;
	s4 =	smul.u32 $0x14, s4  }
0x348: {  	vm14 =	vcmask $0x2724;
	v1 =	vsel vm13, s0, v1;
	s0 =	simm.s32 $0x7FFFFFFF;
	s13 =	simm.s32 @!p0 $0x80000001;
	s3 =	ssub.s32 s14, s3  }
0x349: {  	v1 =	vsel vm14, s6, v1;
	p0 =	seq.s32 s3, $0x13;
	s3 =	simm.s32 $0x7FFFFFFF;
	s26 =	ssub.s32 s24, s4  }
0x34a: {  	v1 =	vsel vm8, s5, v1;
	s23 =	sadd.s32 s11, s13;
	s0 =	simm.s32 @!p0 $0x80000001;
	p0 =	seq.s32 s26, $0x13  }
0x34b: {  	v1 =	vsel vm9, s23, v1;
	s0 =	sadd.s32 s8, s0;
	s3 =	simm.s32 @!p0 $0x80000001  }
0x34c: {  	v1 =	vsel vm10, s0, v1;
	s3 =	sadd.s32 s25, s3  }
0x34d: {  	v1 =	vsel vm11, s3, v1;
	_ =	sdelay $0x3  }
0x34e: {  	s28 =	simm.s32 $0x4200  }
0x34f: {  	v2 =	vshll.u32 v1, $0x1;
	v1 =	vld.idx.msk [tilespmem:v1+s28+$0x0], $0xffff  }
0x350: {  	v3 =	vor.u32 $0x1, v2;
	_ =	sdelay $0x3  }
0x351: {  	v2 =	vld.idx.msk [tilespmem:v2+s21+$0x0], $0xffff  }
0x352: {  	v3 =	vld.idx.msk [tilespmem:v3+s21+$0x0], $0xffff;
	_ =	sdelay $0x1  }
0x353: {  	v1 =	vld.idx.msk [tilespmem:v1+s22+$0x0], $0xffff;
	_ =	sdelay $0x1  }
0x354: {  	s1 =	sadd.s32 $0x1, s1;
	v2 =	vmul.f32 $3.000000000e+01, v2  }
0x355: {  	p0 =	sne.s32 s1, $0x4;
	v3 =	vmul.f32 $6.000000000e+01, v3  }
.Ltmp5:
0x356: {  	v2 =	vadd.f32 $-1.500000000e+01, v2;
	(pc) =	sbr.rel @p0 .LBB2_4-.Ltmp5, $4  }
0x357: {  	vm15 =	vlt.f32 v1, $5.000000000e-01;
	v1 =	vadd.f32 $-3.000000000e+01, v3  }
0x358: {  	s30 =	sshll.u32 s29, $0x5;
	v2 =	vsel vm15, $0x49742400, v2  }
0x359: {  	s0 =	sor.u32 $0x70, s30;
	v1 =	vsel vm15, $0x49742400, v1;
	[tilespmem:s30+$0x5200] =	vst v2  }
0x35a: {  	[tilespmem:s0+$0x5200] =	vst v1  }
0x35b: {  	s0 =	rddreg [dreg:$0xa];
	s1 =	simm.s32 $0x5200;
	s29 =	simm.s32 $0x5  }
0x35c: {  	[hbm4b:s0+s2] =	stream.linear.scatter [tilespmem:s1], [sflag:$0x5], $0x200, $0x38;
	[tilespmem:$0x5400] =	vst v63  }
0x35d: {  	_ =	swait.ge [sflag:s29], $0x200  }
0x35e: {  	s3 =	rddreg [dreg:$0xc]  }
0x35f: {  	s30 =	rddreg [dreg:$0xb];
	s3 =	sadd.s32 $0x1, s3  }
0x360: {  	p0 =	sne.s32 s3, s30  }
.Ltmp6:
0x361: {  	_ = 	snop;
	(pc) =	sbr.rel @p0 .LBB2_1-.Ltmp6, $3  }
0x362: {  	_ =	sdelay $0x1  }
0x363: {  	[sflag:s29] =	ssyncset.done $0x0  }
0x364: {  	[sflag:s29] =	ssyncadd.s32 $0xFFFFFE00  }
0x365: {  	_ =	sfence.sel $0x180000  }
0x366: {  	[bflag:$0x0] =	sbarrier.arrive $0xFFFF  }
0x367: {  	_ =	strace $0x90000047  }
0x368: {  	s0 =	stileid.u32;
	[bflag:$0x2] =	sbarrier.arrive $0xFFFF  }
0x369: {  	p0 =	sne.s32 s0, $0x0;
	s0 =	rddreg [dreg:$0x1]  }
0x36a: {  	s0 =	sadd.s32 @!p0 $0x100000, s0  }
0x36b: {  	[sflag:s0] =	ssyncadd.tile.s32 @!p0 $0x1;
	_ =	shalt  }
.Lfunc_end2:
_tile_overlayer_lowered:
.L_overlay_start_2:
0x36c: {  	(tag) =	ssettag $0x2  }
0x36d: {  	s0 =	rddreg [dreg:$0x0];
	s2 =	stileid.u32  }
0x36e: {  	s1 =	rddreg [dreg:$0x1];
	p0 =	sne.s32 s2, $0x0  }
0x36f: {  	s3 =	rddreg [dreg:$0x2];
	[bflag:$0x3] =	sbarrier.arrive $0xFFFF;
	s2 =	simm.s32 @!p0 $0x1C05  }
0x370: {  	[timem:s3], [sflag:s2] =	dma.local @!p0 [hbm:s0], s1  }
0x371: {  	s0 =	simm.s32 @!p0 $0x5  }
0x372: {  	_ =	swait.ge @!p0 [sflag:s0], s1  }
0x373: {  	s1 =	ssub.s32 @!p0 $0x0, s1;
	[sflag:s0] =	ssyncset.done @!p0 $0x0  }
0x374: {  	[sflag:s0] =	ssyncadd.s32 @!p0 s1  }
0x375: {  	[bflag:$0x3] =	sbarrier.arrive $0xFFFF  }
0x376: {  	_ =	shalt  }

</sc_bundles>
